<compile_context>
chip_gen: v7x
topology: tpu7x:2x2x1
jax: 0.10.2.dev20260603
libtpu: 0.0.44.dev20260713+nightly
codegen_flags: <defaults>
</compile_context>

<pallas_src>
import functools

import jax
import jax.numpy as jnp
from jax import lax
from jax.experimental import pallas as pl
from jax.experimental.pallas import tpu as pltpu
from jax.experimental.pallas import tpu_sc as plsc

NUM_USERS = 6000
NUM_ITEMS = 4000
N = NUM_USERS + NUM_ITEMS
NPAD = 10240
D = 256
B = 4096
E = 160000
EP = 163840
NW = 32
CHUNK = 128
CPW = EP // NW // CHUNK
RPT = NPAD // 16
NB = 10
NBLK = N // NB


def _make_sc_agg(num_cb):
    mesh = plsc.VectorSubcoreMesh(core_axis_name="c", subcore_axis_name="s")
    out_type = [jax.ShapeDtypeStruct((2, NPAD, 128), jnp.float32)
                for _ in range(num_cb)]
    scratch = [
        pltpu.VMEM((CPW, CHUNK), jnp.int32),
        pltpu.VMEM((CPW, CHUNK), jnp.int32),
        pltpu.VMEM((CHUNK, 128), jnp.float32),
        pltpu.VMEM((CHUNK, 128), jnp.float32),
        pltpu.VMEM_SHARED((NPAD, 128), jnp.float32),
        pltpu.SemaphoreType.DMA,
        pltpu.SemaphoreType.DMA,
    ]

    @functools.partial(pl.kernel, out_type=out_type, mesh=mesh,
                       scratch_types=scratch)
    def k(src_hbm, dst_hbm, zeros_hbm, *rest):
        ys = rest[:num_cb]
        outs = rest[num_cb:2 * num_cb]
        srcv, dstv, rows0, rows1, agg_sp, sem0, sem1 = rest[2 * num_cb:]

        cid = lax.axis_index("c")
        sid = lax.axis_index("s")
        wid = sid * 2 + cid

        pltpu.sync_copy(src_hbm.at[pl.ds(wid * CPW, CPW)], srcv)
        pltpu.sync_copy(dst_hbm.at[pl.ds(wid * CPW, CPW)], dstv)

        for cb in range(num_cb):
            pltpu.sync_copy(zeros_hbm, agg_sp.at[pl.ds(sid * RPT, RPT)])
            plsc.subcore_barrier()

            pltpu.async_copy(ys[cb].at[srcv.at[0]], rows0, sem0)

            def body(jj, carry):
                j0 = 2 * jj
                j1 = j0 + 1
                pltpu.async_copy(ys[cb].at[srcv.at[j1]], rows1, sem1)
                pltpu.make_async_copy(ys[cb].at[srcv.at[j0]], rows0,
                                      sem0).wait()
                pltpu.sync_copy(rows0, agg_sp.at[dstv.at[j0]], add=True)

                @pl.when(jj < CPW // 2 - 1)
                def _():
                    pltpu.async_copy(ys[cb].at[srcv.at[j0 + 2]], rows0, sem0)

                pltpu.make_async_copy(ys[cb].at[srcv.at[j1]], rows1,
                                      sem1).wait()
                pltpu.sync_copy(rows1, agg_sp.at[dstv.at[j1]], add=True)
                return carry

            lax.fori_loop(0, CPW // 2, body, 0)
            plsc.subcore_barrier()

            pltpu.sync_copy(agg_sp.at[pl.ds(sid * RPT, RPT)],
                            outs[cb].at[cid].at[pl.ds(sid * RPT, RPT)])

    return k


def _make_sc_count():
    mesh = plsc.VectorSubcoreMesh(core_axis_name="c", subcore_axis_name="s")
    out_type = jax.ShapeDtypeStruct((2, NPAD, 128), jnp.float32)
    scratch = [
        pltpu.VMEM((CPW, CHUNK), jnp.int32),
        pltpu.VMEM((CHUNK, 128), jnp.float32),
        pltpu.VMEM_SHARED((NPAD, 128), jnp.float32),
    ]

    @functools.partial(pl.kernel, out_type=out_type, mesh=mesh,
                       scratch_types=scratch)
    def k(dst_hbm, zeros16_hbm, ones16_hbm, cnt_out, dstv, onesv, cnt_sp):
        cid = lax.axis_index("c")
        sid = lax.axis_index("s")
        wid = sid * 2 + cid

        pltpu.sync_copy(dst_hbm.at[pl.ds(wid * CPW, CPW)], dstv)
        pltpu.sync_copy(ones16_hbm, onesv)
        pltpu.sync_copy(zeros16_hbm, cnt_sp.at[pl.ds(sid * RPT, RPT)])
        plsc.subcore_barrier()

        def body(j, carry):
            pltpu.sync_copy(onesv, cnt_sp.at[dstv.at[j]], add=True)
            return carry

        lax.fori_loop(0, CPW, body, 0)
        plsc.subcore_barrier()
        pltpu.sync_copy(cnt_sp.at[pl.ds(sid * RPT, RPT)],
                        cnt_out.at[cid].at[pl.ds(sid * RPT, RPT)])

    return k


_sc_agg_l0 = _make_sc_agg(4)
_sc_agg_sm = _make_sc_agg(2)
_sc_count = _make_sc_count()


def _sc_pair_gather():
    mesh = plsc.VectorSubcoreMesh(core_axis_name="c", subcore_axis_name="s")
    rpw = B // NW
    out_type = [jax.ShapeDtypeStruct((B, D), jnp.float32),
                jax.ShapeDtypeStruct((B, D), jnp.float32)]
    scratch = [
        pltpu.VMEM((rpw,), jnp.int32),
        pltpu.VMEM((rpw, D), jnp.float32),
        pltpu.SemaphoreType.DMA,
    ]

    @functools.partial(pl.kernel, out_type=out_type, mesh=mesh,
                       scratch_types=scratch)
    def k(h_hbm, uidx_hbm, vidx_hbm, u_out, v_out, idxv, rows, sem):
        cid = lax.axis_index("c")
        sid = lax.axis_index("s")
        wid = sid * 2 + cid
        base = wid * rpw
        pltpu.sync_copy(uidx_hbm.at[pl.ds(base, rpw)], idxv)
        pltpu.async_copy(h_hbm.at[idxv], rows, sem).wait()
        pltpu.sync_copy(rows, u_out.at[pl.ds(base, rpw)])
        pltpu.sync_copy(vidx_hbm.at[pl.ds(base, rpw)], idxv)
        pltpu.async_copy(h_hbm.at[idxv], rows, sem).wait()
        pltpu.sync_copy(rows, v_out.at[pl.ds(base, rpw)])

    return k


_sc_gather_uv = _sc_pair_gather()


def _mm_cols(x, w):
    din, dout = w.shape
    num_cb = dout // 128

    def body(x_ref, w_ref, *out_refs):
        acc = jnp.dot(x_ref[...], w_ref[...],
                      preferred_element_type=jnp.float32)
        for cb in range(num_cb):
            out_refs[cb][...] = acc[:, cb * 128:(cb + 1) * 128]

    return pl.pallas_call(
        body,
        grid=(NB,),
        in_specs=[pl.BlockSpec((NBLK, din), lambda i: (i, 0)),
                  pl.BlockSpec((din, dout), lambda i: (0, 0))],
        out_specs=[pl.BlockSpec((NBLK, 128), lambda i: (i, 0))] * num_cb,
        out_shape=[jax.ShapeDtypeStruct((N, 128), jnp.float32)] * num_cb,
    )(x, w)


def _combine(parts, cnt_part, x_prev, wd, b, res=None):
    din, dout = wd.shape
    num_cb = len(parts)
    with_res = res is not None

    in_specs = ([pl.BlockSpec((2, NBLK, 128), lambda i: (0, i, 0))
                 ] * num_cb +
                [pl.BlockSpec((2, NBLK, 128), lambda i: (0, i, 0)),
                 pl.BlockSpec((NBLK, din), lambda i: (i, 0)),
                 pl.BlockSpec((din, dout), lambda i: (0, 0)),
                 pl.BlockSpec((1, dout), lambda i: (0, 0))])
    args = list(parts) + [cnt_part, x_prev, wd, b.reshape(1, dout)]
    if with_res:
        in_specs.append(pl.BlockSpec((NBLK, dout), lambda i: (i, 0)))
        args.append(res)

    def body2(*refs):
        part_refs = refs[:num_cb]
        rest = refs[num_cb:]
        ps = [r[...] for r in part_refs]
        agg = jnp.concatenate([p[0] + p[1] for p in ps], axis=-1)
        cnt_ref, x_ref, wd_ref, b_ref = rest[:4]
        pos = 4
        if with_res:
            res_ref = rest[pos]
            pos += 1
        out_ref = rest[pos]
        c = cnt_ref[...]
        cnt = c[0, :, 0:1] + c[1, :, 0:1]
        agg = agg / jnp.maximum(cnt, 1.0)
        d = jnp.dot(x_ref[...], wd_ref[...],
                    preferred_element_type=jnp.float32)
        o = agg + d
        nrm = jnp.sqrt(jnp.sum(o * o, axis=-1, keepdims=True))
        o = o / jnp.maximum(nrm, 1e-12) + b_ref[...]
        if with_res:
            o = o + res_ref[...]
        out_ref[...] = o

    return pl.pallas_call(
        body2,
        grid=(NB,),
        in_specs=in_specs,
        out_specs=pl.BlockSpec((NBLK, dout), lambda i: (i, 0)),
        out_shape=jax.ShapeDtypeStruct((N, dout), jnp.float32),
    )(*args)


def _mlp(u, v, w1u, w1v, b1, w2row, b2):
    nb = 1024

    def body(u_ref, v_ref, w1u_ref, w1v_ref, b1_ref, w2_ref, b2_ref, out_ref):
        z = (jnp.dot(u_ref[...], w1u_ref[...],
                     preferred_element_type=jnp.float32) +
             jnp.dot(v_ref[...], w1v_ref[...],
                     preferred_element_type=jnp.float32) + b1_ref[...])
        z = jnp.maximum(z, 0.0)
        out_ref[...] = (jnp.sum(z * w2_ref[...], axis=-1, keepdims=True)
                        + b2_ref[...])

    return pl.pallas_call(
        body,
        grid=(B // nb,),
        in_specs=[pl.BlockSpec((nb, D), lambda i: (i, 0)),
                  pl.BlockSpec((nb, D), lambda i: (i, 0)),
                  pl.BlockSpec((D, D), lambda i: (0, 0)),
                  pl.BlockSpec((D, D), lambda i: (0, 0)),
                  pl.BlockSpec((1, D), lambda i: (0, 0)),
                  pl.BlockSpec((1, D), lambda i: (0, 0)),
                  pl.BlockSpec((1, 1), lambda i: (0, 0))],
        out_specs=pl.BlockSpec((nb, 1), lambda i: (i, 0)),
        out_shape=jax.ShapeDtypeStruct((B, 1), jnp.float32),
    )(u, v, w1u, w1v, b1, w2row, b2)


def kernel(user_indices, item_indices, edge_index, user_table, item_table,
           Wsrc0, Wdst0, b0, Wsrc1, Wdst1, b1, Wsrc2, Wdst2, b2,
           Wr1, br1, Wr2, br2):
    x = jnp.concatenate([user_table, item_table], axis=0)

    src = edge_index[0].astype(jnp.int32)
    dst = edge_index[1].astype(jnp.int32)
    pad = EP - E
    src_p = jnp.concatenate([src, jnp.arange(pad, dtype=jnp.int32) % N]
                            ).reshape(EP // CHUNK, CHUNK)
    dst_p = jnp.concatenate([dst, jnp.full((pad,), N, jnp.int32)]
                            ).reshape(EP // CHUNK, CHUNK)

    zeros128 = jnp.zeros((RPT, 128), jnp.float32)
    ones128 = jnp.ones((CHUNK, 128), jnp.float32)

    cnt_part = _sc_count(dst_p, zeros128, ones128)

    y0 = _mm_cols(x, Wsrc0)
    parts0 = _sc_agg_l0(src_p, dst_p, zeros128, *y0)
    h0 = _combine(parts0, cnt_part, x, Wdst0, b0)

    y1 = _mm_cols(h0, Wsrc1)
    parts1 = _sc_agg_sm(src_p, dst_p, zeros128, *y1)
    h1 = _combine(parts1, cnt_part, h0, Wdst1, b1)

    y2 = _mm_cols(h1, Wsrc2)
    parts2 = _sc_agg_sm(src_p, dst_p, zeros128, *y2)
    h = _combine(parts2, cnt_part, h1, Wdst2, b2, res=h1)

    uidx = user_indices.astype(jnp.int32)
    vidx = item_indices.astype(jnp.int32) + NUM_USERS
    u, v = _sc_gather_uv(h, uidx, vidx)
    r = _mlp(u, v, Wr1[:D], Wr1[D:], br1.reshape(1, D),
             Wr2[:, 0].reshape(1, D), br2.reshape(1, 1))
    return r[:, 0]

# --- scband reference (transcript-rebuilt; emitter-appended) ---
"""Pipeline reference for scband-graph-sagerecommender-33011118637082 (READ-ONLY COPY).

The authoritative reference and input builder live on the scoring server;
editing this copy changes nothing except your own understanding.
"""

import jax, jax.numpy as jnp
import numpy as np

NUM_USERS = 6000
NUM_ITEMS = 4000
D = 256
B = 4096
E = 160000


def setup_inputs(seed: int = 0) -> dict:
    key = jax.random.key(seed)
    ks = [jax.random.fold_in(key, i) for i in range(32)]
    inp = {}
    inp["user_indices"] = jax.random.randint(ks[0], (B,), 0, NUM_USERS)
    inp["item_indices"] = jax.random.randint(ks[1], (B,), 0, NUM_ITEMS)
    inp["edge_index"] = jax.random.randint(ks[2], (2, E), 0, NUM_USERS + NUM_ITEMS)
    inp["user_table"] = jax.random.normal(ks[3], (NUM_USERS, D), dtype=jnp.float32) * 0.1
    inp["item_table"] = jax.random.normal(ks[4], (NUM_ITEMS, D), dtype=jnp.float32) * 0.1
    dims = [(D, 512), (512, 256), (256, D)]
    for i, (fi, fo) in enumerate(dims):
        s = float(np.sqrt(2.0 / (fi + fo)))
        inp[f"Wsrc{i}"] = jax.random.normal(ks[5 + 3 * i], (fi, fo), dtype=jnp.float32) * s
        inp[f"Wdst{i}"] = jax.random.normal(ks[6 + 3 * i], (fi, fo), dtype=jnp.float32) * s
        inp[f"b{i}"] = jnp.zeros((fo,), dtype=jnp.float32)
    inp["Wr1"] = jax.random.normal(ks[20], (2 * D, D), dtype=jnp.float32) * float(np.sqrt(2.0 / (3 * D)))
    inp["br1"] = jnp.zeros((D,), dtype=jnp.float32)
    inp["Wr2"] = jax.random.normal(ks[21], (D, 1), dtype=jnp.float32) * float(np.sqrt(2.0 / (D + 1)))
    inp["br2"] = jnp.zeros((1,), dtype=jnp.float32)
    return inp


def reference(user_indices, item_indices, edge_index, user_table, item_table,
              Wsrc0, Wdst0, b0, Wsrc1, Wdst1, b1, Wsrc2, Wdst2, b2,
              Wr1, br1, Wr2, br2):
    N = NUM_USERS + NUM_ITEMS
    src = edge_index[0]
    dst = edge_index[1]
    x = jnp.concatenate([user_table, item_table], axis=0)

    def sage(x, Ws, Wd, b):
        # message: lin_src(x_j); aggregate: mean over dst; update: + lin_dst(x), L2-normalize; then + bias
        msg = x[src] @ Ws
        agg = jax.ops.segment_sum(msg, dst, num_segments=N)
        cnt = jax.ops.segment_sum(jnp.ones((src.shape[0], 1), x.dtype), dst, num_segments=N)
        agg = agg / jnp.maximum(cnt, 1.0)
        out = agg + x @ Wd
        nrm = jnp.linalg.norm(out, axis=-1, keepdims=True)
        out = out / jnp.maximum(nrm, 1e-12)
        return out + b

    h = sage(x, Wsrc0, Wdst0, b0)      # 256 -> 512
    h = sage(h, Wsrc1, Wdst1, b1)      # 512 -> 256
    h2 = sage(h, Wsrc2, Wdst2, b2)     # 256 -> 256
    h = h2 + h                          # residual (dims match)
    u = h[user_indices]
    v = h[NUM_USERS + item_indices]
    z = jnp.concatenate([u, v], axis=-1)
    r = jax.nn.relu(z @ Wr1 + br1) @ Wr2 + br2
    return r[:, 0]

if __name__ == "__main__":
    import jax
    _d = setup_inputs()
    print(jax.jit(kernel)(*tuple(_d.values())))

</pallas_src>

<mosaic_0001>
#map = affine_map<(d0, d1) -> (0, 0)>
#map1 = affine_map<(d0, d1) -> (0, 0, 0)>
module attributes {stable_mosaic.version = 14 : i64} {
  func.func @k(%arg0: i32, %arg1: i32, %arg2: memref<1280x128xi32, #tpu.memory_space<hbm>>, %arg3: memref<1280x128xi32, #tpu.memory_space<hbm>>, %arg4: memref<640x128xf32, #tpu.memory_space<hbm>>, %arg5: memref<10000x128xf32, #tpu.memory_space<hbm>>, %arg6: memref<10000x128xf32, #tpu.memory_space<hbm>>, %arg7: memref<10000x128xf32, #tpu.memory_space<hbm>>, %arg8: memref<10000x128xf32, #tpu.memory_space<hbm>>, %arg9: memref<2x10240x128xf32, #tpu.memory_space<hbm>>, %arg10: memref<2x10240x128xf32, #tpu.memory_space<hbm>>, %arg11: memref<2x10240x128xf32, #tpu.memory_space<hbm>>, %arg12: memref<2x10240x128xf32, #tpu.memory_space<hbm>>, %arg13: memref<40x128xi32, #tpu.memory_space<vmem>>, %arg14: memref<40x128xi32, #tpu.memory_space<vmem>>, %arg15: memref<128x128xf32, #tpu.memory_space<vmem>>, %arg16: memref<128x128xf32, #tpu.memory_space<vmem>>, %arg17: memref<10240x128xf32, #tpu.memory_space<vmem_shared>>, %arg18: memref<!tpu.dma_semaphore, #tpu.memory_space<semaphore_mem>>, %arg19: memref<!tpu.dma_semaphore, #tpu.memory_space<semaphore_mem>>) attributes {dimension_semantics = [#tpu.dimension_semantics<core_parallel>, #tpu.dimension_semantics<subcore_parallel>], iteration_bounds = array<i64: 2, 16>, scalar_prefetch = 0 : i64, scratch_operands = 7 : i64, tpu.core_type = #tpu.core_type<sc_vector_subcore>, window_params = [{transform_indices = #map}, {transform_indices = #map}, {transform_indices = #map}, {transform_indices = #map}, {transform_indices = #map}, {transform_indices = #map}, {transform_indices = #map}, {transform_indices = #map1}, {transform_indices = #map1}, {transform_indices = #map1}, {transform_indices = #map1}]} {
    %mul3A = arith.constant 2 : i32
    %mul3A_0 = arith.muli %arg1, %mul3A : i32
    %add3A = arith.addi %mul3A_0, %arg0 : i32
    %mul3A_1 = arith.constant 40 : i32
    %mul3A_2 = arith.muli %add3A, %mul3A_1 : i32
    "tpu.region"() ({
      %run_scoped3A = tpu.sem_alloc : memref<!tpu.dma_semaphore, #tpu.memory_space<semaphore_mem>>
      %dma_start3A_86 = arith.constant 0 : i32
      %dma_start3A_87 = tpu.memref_slice %arg2[%mul3A_2, %dma_start3A_86] : memref<1280x128xi32, #tpu.memory_space<hbm>> -> memref<40x128xi32, #tpu.memory_space<hbm>>
      %dma_start3A_88 = arith.constant 0 : i32
      %dma_start3A_89 = tpu.memref_slice %arg2[%mul3A_2, %dma_start3A_88] : memref<1280x128xi32, #tpu.memory_space<hbm>> -> memref<40x128xi32, #tpu.memory_space<hbm>>
      tpu.enqueue_dma source(%dma_start3A_89 : memref<40x128xi32, #tpu.memory_space<hbm>>) target(%arg13 : memref<40x128xi32, #tpu.memory_space<vmem>>) target_semaphore(%run_scoped3A : memref<!tpu.dma_semaphore, #tpu.memory_space<semaphore_mem>>)
      %dma_wait3A = arith.constant 0 : i32
      %dma_wait3A_90 = tpu.memref_slice %arg2[%mul3A_2, %dma_wait3A] : memref<1280x128xi32, #tpu.memory_space<hbm>> -> memref<40x128xi32, #tpu.memory_space<hbm>>
      %dma_wait3A_91 = arith.constant 0 : i32
      %dma_wait3A_92 = tpu.memref_slice %arg2[%mul3A_2, %dma_wait3A_91] : memref<1280x128xi32, #tpu.memory_space<hbm>> -> memref<40x128xi32, #tpu.memory_space<hbm>>
      tpu.wait_dma2 semaphore(%run_scoped3A : memref<!tpu.dma_semaphore, #tpu.memory_space<semaphore_mem>>) src(%dma_wait3A_92 : memref<40x128xi32, #tpu.memory_space<hbm>>) dst(%arg13 : memref<40x128xi32, #tpu.memory_space<vmem>>)
      tpu.yield
    }) : () -> ()
    %mul3A_3 = arith.constant 40 : i32
    %mul3A_4 = arith.muli %add3A, %mul3A_3 : i32
    "tpu.region"() ({
      %run_scoped3A = tpu.sem_alloc : memref<!tpu.dma_semaphore, #tpu.memory_space<semaphore_mem>>
      %dma_start3A_86 = arith.constant 0 : i32
      %dma_start3A_87 = tpu.memref_slice %arg3[%mul3A_4, %dma_start3A_86] : memref<1280x128xi32, #tpu.memory_space<hbm>> -> memref<40x128xi32, #tpu.memory_space<hbm>>
      %dma_start3A_88 = arith.constant 0 : i32
      %dma_start3A_89 = tpu.memref_slice %arg3[%mul3A_4, %dma_start3A_88] : memref<1280x128xi32, #tpu.memory_space<hbm>> -> memref<40x128xi32, #tpu.memory_space<hbm>>
      tpu.enqueue_dma source(%dma_start3A_89 : memref<40x128xi32, #tpu.memory_space<hbm>>) target(%arg14 : memref<40x128xi32, #tpu.memory_space<vmem>>) target_semaphore(%run_scoped3A : memref<!tpu.dma_semaphore, #tpu.memory_space<semaphore_mem>>)
      %dma_wait3A = arith.constant 0 : i32
      %dma_wait3A_90 = tpu.memref_slice %arg3[%mul3A_4, %dma_wait3A] : memref<1280x128xi32, #tpu.memory_space<hbm>> -> memref<40x128xi32, #tpu.memory_space<hbm>>
      %dma_wait3A_91 = arith.constant 0 : i32
      %dma_wait3A_92 = tpu.memref_slice %arg3[%mul3A_4, %dma_wait3A_91] : memref<1280x128xi32, #tpu.memory_space<hbm>> -> memref<40x128xi32, #tpu.memory_space<hbm>>
      tpu.wait_dma2 semaphore(%run_scoped3A : memref<!tpu.dma_semaphore, #tpu.memory_space<semaphore_mem>>) src(%dma_wait3A_92 : memref<40x128xi32, #tpu.memory_space<hbm>>) dst(%arg14 : memref<40x128xi32, #tpu.memory_space<vmem>>)
      tpu.yield
    }) : () -> ()
    %mul3A_5 = arith.constant 640 : i32
    %mul3A_6 = arith.muli %arg1, %mul3A_5 : i32
    "tpu.region"() ({
      %run_scoped3A = tpu.sem_alloc : memref<!tpu.dma_semaphore, #tpu.memory_space<semaphore_mem>>
      %dma_start3A_86 = arith.constant 0 : i32
      %dma_start3A_87 = tpu.memref_slice %arg17[%mul3A_6, %dma_start3A_86] : memref<10240x128xf32, #tpu.memory_space<vmem_shared>> -> memref<640x128xf32, #tpu.memory_space<vmem_shared>>
      tpu.enqueue_dma source(%arg4 : memref<640x128xf32, #tpu.memory_space<hbm>>) target(%dma_start3A_87 : memref<640x128xf32, #tpu.memory_space<vmem_shared>>) target_semaphore(%run_scoped3A : memref<!tpu.dma_semaphore, #tpu.memory_space<semaphore_mem>>)
      %dma_wait3A = arith.constant 0 : i32
      %dma_wait3A_88 = tpu.memref_slice %arg17[%mul3A_6, %dma_wait3A] : memref<10240x128xf32, #tpu.memory_space<vmem_shared>> -> memref<640x128xf32, #tpu.memory_space<vmem_shared>>
      tpu.wait_dma2 semaphore(%run_scoped3A : memref<!tpu.dma_semaphore, #tpu.memory_space<semaphore_mem>>) src(%arg4 : memref<640x128xf32, #tpu.memory_space<hbm>>) dst(%dma_wait3A_88 : memref<640x128xf32, #tpu.memory_space<vmem_shared>>)
      tpu.yield
    }) : () -> ()
    %barrier3A = arith.constant 0 : index
    tpu.barrier barrier_id(%barrier3A)
    %dma_start3A = arith.constant 0 : i32
    %dma_start3A_7 = arith.constant 0 : i32
    %dma_start3A_8 = tpu.memref_slice %arg13[%dma_start3A, %dma_start3A_7] : memref<40x128xi32, #tpu.memory_space<vmem>> -> memref<1x128xi32, #tpu.memory_space<vmem>>
    %dma_start3A_9 = tpu.memref_squeeze %dma_start3A_8 : memref<1x128xi32, #tpu.memory_space<vmem>> -> memref<128xi32, #tpu.memory_space<vmem>>
    %dma_start3A_10 = arith.constant 0 : i32
    %dma_start3A_11 = arith.constant 0 : i32
    %dma_start3A_12 = tpu.memref_slice %arg5[%dma_start3A_10, %dma_start3A_11] : memref<10000x128xf32, #tpu.memory_space<hbm>> -> memref<10000x128xf32, #tpu.memory_space<hbm>>
    tpu.enqueue_indirect_dma source(%dma_start3A_12 : memref<10000x128xf32, #tpu.memory_space<hbm>>) target(%arg15 : memref<128x128xf32, #tpu.memory_space<vmem>>) offsets(%dma_start3A_9 : memref<128xi32, #tpu.memory_space<vmem>>) semaphore(%arg18 : memref<!tpu.dma_semaphore, #tpu.memory_space<semaphore_mem>>)
    %scan3A = arith.constant 0 : i32
    %scan3A_13 = arith.constant 0 : i32
    %scan3A_14 = arith.constant 20 : i32
    %scan3A_15 = arith.addi %scan3A_13, %scan3A_14 : i32
    %scan3A_16 = arith.constant 1 : i32
    scf.for %scan3A_86 = %scan3A_13 to %scan3A_15 step %scan3A_16  : i32 {
      %mul3A_87 = arith.constant 2 : i32
      %mul3A_88 = arith.muli %mul3A_87, %scan3A_86 : i32
      %add3A_89 = arith.constant 1 : i32
      %add3A_90 = arith.addi %mul3A_88, %add3A_89 : i32
      %dma_start3A_91 = arith.constant 0 : i32
      %dma_start3A_92 = tpu.memref_slice %arg13[%add3A_90, %dma_start3A_91] : memref<40x128xi32, #tpu.memory_space<vmem>> -> memref<1x128xi32, #tpu.memory_space<vmem>>
      %dma_start3A_93 = tpu.memref_squeeze %dma_start3A_92 : memref<1x128xi32, #tpu.memory_space<vmem>> -> memref<128xi32, #tpu.memory_space<vmem>>
      %dma_start3A_94 = arith.constant 0 : i32
      %dma_start3A_95 = arith.constant 0 : i32
      %dma_start3A_96 = tpu.memref_slice %arg5[%dma_start3A_94, %dma_start3A_95] : memref<10000x128xf32, #tpu.memory_space<hbm>> -> memref<10000x128xf32, #tpu.memory_space<hbm>>
      tpu.enqueue_indirect_dma source(%dma_start3A_96 : memref<10000x128xf32, #tpu.memory_space<hbm>>) target(%arg16 : memref<128x128xf32, #tpu.memory_space<vmem>>) offsets(%dma_start3A_93 : memref<128xi32, #tpu.memory_space<vmem>>) semaphore(%arg19 : memref<!tpu.dma_semaphore, #tpu.memory_space<semaphore_mem>>)
      %dma_wait3A = arith.constant 0 : i32
      %dma_wait3A_97 = tpu.memref_slice %arg13[%mul3A_88, %dma_wait3A] : memref<40x128xi32, #tpu.memory_space<vmem>> -> memref<1x128xi32, #tpu.memory_space<vmem>>
      %dma_wait3A_98 = tpu.memref_squeeze %dma_wait3A_97 : memref<1x128xi32, #tpu.memory_space<vmem>> -> memref<128xi32, #tpu.memory_space<vmem>>
      %dma_wait3A_99 = arith.constant 0 : i32
      %dma_wait3A_100 = arith.constant 0 : i32
      %dma_wait3A_101 = tpu.memref_slice %arg5[%dma_wait3A_99, %dma_wait3A_100] : memref<10000x128xf32, #tpu.memory_space<hbm>> -> memref<10000x128xf32, #tpu.memory_space<hbm>>
      tpu.wait_indirect_dma semaphore(%arg18 : memref<!tpu.dma_semaphore, #tpu.memory_space<semaphore_mem>>) src(%dma_wait3A_101 : memref<10000x128xf32, #tpu.memory_space<hbm>>) dst(%arg15 : memref<128x128xf32, #tpu.memory_space<vmem>>)
      "tpu.region"() ({
        %run_scoped3A = tpu.sem_alloc : memref<!tpu.dma_semaphore, #tpu.memory_space<semaphore_mem>>
        %dma_start3A_110 = arith.constant 0 : i32
        %dma_start3A_111 = tpu.memref_slice %arg14[%mul3A_88, %dma_start3A_110] : memref<40x128xi32, #tpu.memory_space<vmem>> -> memref<1x128xi32, #tpu.memory_space<vmem>>
        %dma_start3A_112 = tpu.memref_squeeze %dma_start3A_111 : memref<1x128xi32, #tpu.memory_space<vmem>> -> memref<128xi32, #tpu.memory_space<vmem>>
        %dma_start3A_113 = arith.constant 0 : i32
        %dma_start3A_114 = arith.constant 0 : i32
        %dma_start3A_115 = tpu.memref_slice %arg17[%dma_start3A_113, %dma_start3A_114] : memref<10240x128xf32, #tpu.memory_space<vmem_shared>> -> memref<10240x128xf32, #tpu.memory_space<vmem_shared>>
        tpu.enqueue_indirect_dma source(%arg15 : memref<128x128xf32, #tpu.memory_space<vmem>>) target(%dma_start3A_115 : memref<10240x128xf32, #tpu.memory_space<vmem_shared>>) offsets(%dma_start3A_112 : memref<128xi32, #tpu.memory_space<vmem>>) semaphore(%run_scoped3A : memref<!tpu.dma_semaphore, #tpu.memory_space<semaphore_mem>>) {add = true}
        %dma_wait3A_116 = arith.constant 0 : i32
        %dma_wait3A_117 = tpu.memref_slice %arg14[%mul3A_88, %dma_wait3A_116] : memref<40x128xi32, #tpu.memory_space<vmem>> -> memref<1x128xi32, #tpu.memory_space<vmem>>
        %dma_wait3A_118 = tpu.memref_squeeze %dma_wait3A_117 : memref<1x128xi32, #tpu.memory_space<vmem>> -> memref<128xi32, #tpu.memory_space<vmem>>
        %dma_wait3A_119 = arith.constant 0 : i32
        %dma_wait3A_120 = arith.constant 0 : i32
        %dma_wait3A_121 = tpu.memref_slice %arg17[%dma_wait3A_119, %dma_wait3A_120] : memref<10240x128xf32, #tpu.memory_space<vmem_shared>> -> memref<10240x128xf32, #tpu.memory_space<vmem_shared>>
        tpu.wait_indirect_dma semaphore(%run_scoped3A : memref<!tpu.dma_semaphore, #tpu.memory_space<semaphore_mem>>) src(%arg15 : memref<128x128xf32, #tpu.memory_space<vmem>>) dst(%dma_wait3A_121 : memref<10240x128xf32, #tpu.memory_space<vmem_shared>>)
        tpu.yield
      }) : () -> ()
      %lt3A = arith.constant 19 : i32
      %lt3A_102 = arith.cmpi slt, %scan3A_86, %lt3A : i32
      %convert_element_type3A = arith.extui %lt3A_102 : i1 to i32
      %cond3A = arith.constant 0 : i32
      %cond3A_103 = arith.cmpi ne, %convert_element_type3A, %cond3A : i32
      scf.if %cond3A_103 {
        %add3A_110 = arith.constant 2 : i32
        %add3A_111 = arith.addi %mul3A_88, %add3A_110 : i32
        %dma_start3A_112 = arith.constant 0 : i32
        %dma_start3A_113 = tpu.memref_slice %arg13[%add3A_111, %dma_start3A_112] : memref<40x128xi32, #tpu.memory_space<vmem>> -> memref<1x128xi32, #tpu.memory_space<vmem>>
        %dma_start3A_114 = tpu.memref_squeeze %dma_start3A_113 : memref<1x128xi32, #tpu.memory_space<vmem>> -> memref<128xi32, #tpu.memory_space<vmem>>
        %dma_start3A_115 = arith.constant 0 : i32
        %dma_start3A_116 = arith.constant 0 : i32
        %dma_start3A_117 = tpu.memref_slice %arg5[%dma_start3A_115, %dma_start3A_116] : memref<10000x128xf32, #tpu.memory_space<hbm>> -> memref<10000x128xf32, #tpu.memory_space<hbm>>
        tpu.enqueue_indirect_dma source(%dma_start3A_117 : memref<10000x128xf32, #tpu.memory_space<hbm>>) target(%arg15 : memref<128x128xf32, #tpu.memory_space<vmem>>) offsets(%dma_start3A_114 : memref<128xi32, #tpu.memory_space<vmem>>) semaphore(%arg18 : memref<!tpu.dma_semaphore, #tpu.memory_space<semaphore_mem>>)
      } else {
      }
      %dma_wait3A_104 = arith.constant 0 : i32
      %dma_wait3A_105 = tpu.memref_slice %arg13[%add3A_90, %dma_wait3A_104] : memref<40x128xi32, #tpu.memory_space<vmem>> -> memref<1x128xi32, #tpu.memory_space<vmem>>
      %dma_wait3A_106 = tpu.memref_squeeze %dma_wait3A_105 : memref<1x128xi32, #tpu.memory_space<vmem>> -> memref<128xi32, #tpu.memory_space<vmem>>
      %dma_wait3A_107 = arith.constant 0 : i32
      %dma_wait3A_108 = arith.constant 0 : i32
      %dma_wait3A_109 = tpu.memref_slice %arg5[%dma_wait3A_107, %dma_wait3A_108] : memref<10000x128xf32, #tpu.memory_space<hbm>> -> memref<10000x128xf32, #tpu.memory_space<hbm>>
      tpu.wait_indirect_dma semaphore(%arg19 : memref<!tpu.dma_semaphore, #tpu.memory_space<semaphore_mem>>) src(%dma_wait3A_109 : memref<10000x128xf32, #tpu.memory_space<hbm>>) dst(%arg16 : memref<128x128xf32, #tpu.memory_space<vmem>>)
      "tpu.region"() ({
        %run_scoped3A = tpu.sem_alloc : memref<!tpu.dma_semaphore, #tpu.memory_space<semaphore_mem>>
        %dma_start3A_110 = arith.constant 0 : i32
        %dma_start3A_111 = tpu.memref_slice %arg14[%add3A_90, %dma_start3A_110] : memref<40x128xi32, #tpu.memory_space<vmem>> -> memref<1x128xi32, #tpu.memory_space<vmem>>
        %dma_start3A_112 = tpu.memref_squeeze %dma_start3A_111 : memref<1x128xi32, #tpu.memory_space<vmem>> -> memref<128xi32, #tpu.memory_space<vmem>>
        %dma_start3A_113 = arith.constant 0 : i32
        %dma_start3A_114 = arith.constant 0 : i32
        %dma_start3A_115 = tpu.memref_slice %arg17[%dma_start3A_113, %dma_start3A_114] : memref<10240x128xf32, #tpu.memory_space<vmem_shared>> -> memref<10240x128xf32, #tpu.memory_space<vmem_shared>>
        tpu.enqueue_indirect_dma source(%arg16 : memref<128x128xf32, #tpu.memory_space<vmem>>) target(%dma_start3A_115 : memref<10240x128xf32, #tpu.memory_space<vmem_shared>>) offsets(%dma_start3A_112 : memref<128xi32, #tpu.memory_space<vmem>>) semaphore(%run_scoped3A : memref<!tpu.dma_semaphore, #tpu.memory_space<semaphore_mem>>) {add = true}
        %dma_wait3A_116 = arith.constant 0 : i32
        %dma_wait3A_117 = tpu.memref_slice %arg14[%add3A_90, %dma_wait3A_116] : memref<40x128xi32, #tpu.memory_space<vmem>> -> memref<1x128xi32, #tpu.memory_space<vmem>>
        %dma_wait3A_118 = tpu.memref_squeeze %dma_wait3A_117 : memref<1x128xi32, #tpu.memory_space<vmem>> -> memref<128xi32, #tpu.memory_space<vmem>>
        %dma_wait3A_119 = arith.constant 0 : i32
        %dma_wait3A_120 = arith.constant 0 : i32
        %dma_wait3A_121 = tpu.memref_slice %arg17[%dma_wait3A_119, %dma_wait3A_120] : memref<10240x128xf32, #tpu.memory_space<vmem_shared>> -> memref<10240x128xf32, #tpu.memory_space<vmem_shared>>
        tpu.wait_indirect_dma semaphore(%run_scoped3A : memref<!tpu.dma_semaphore, #tpu.memory_space<semaphore_mem>>) src(%arg16 : memref<128x128xf32, #tpu.memory_space<vmem>>) dst(%dma_wait3A_121 : memref<10240x128xf32, #tpu.memory_space<vmem_shared>>)
        tpu.yield
      }) : () -> ()
    }
    %scan3A_17 = arith.constant 20 : i32
    %barrier3A_18 = arith.constant 0 : index
    tpu.barrier barrier_id(%barrier3A_18)
    %mul3A_19 = arith.constant 640 : i32
    %mul3A_20 = arith.muli %arg1, %mul3A_19 : i32
    %mul3A_21 = arith.constant 640 : i32
    %mul3A_22 = arith.muli %arg1, %mul3A_21 : i32
    "tpu.region"() ({
      %run_scoped3A = tpu.sem_alloc : memref<!tpu.dma_semaphore, #tpu.memory_space<semaphore_mem>>
      %dma_start3A_86 = arith.constant 0 : i32
      %dma_start3A_87 = arith.constant 0 : i32
      %dma_start3A_88 = tpu.memref_slice %arg9[%arg0, %dma_start3A_86, %dma_start3A_87] : memref<2x10240x128xf32, #tpu.memory_space<hbm>> -> memref<1x10240x128xf32, #tpu.memory_space<hbm>>
      %dma_start3A_89 = tpu.memref_squeeze %dma_start3A_88 : memref<1x10240x128xf32, #tpu.memory_space<hbm>> -> memref<10240x128xf32, #tpu.memory_space<hbm>>
      %dma_start3A_90 = arith.constant 0 : i32
      %dma_start3A_91 = tpu.memref_slice %dma_start3A_89[%mul3A_22, %dma_start3A_90] : memref<10240x128xf32, #tpu.memory_space<hbm>> -> memref<640x128xf32, #tpu.memory_space<hbm>>
      %dma_start3A_92 = arith.constant 0 : i32
      %dma_start3A_93 = tpu.memref_slice %arg17[%mul3A_20, %dma_start3A_92] : memref<10240x128xf32, #tpu.memory_space<vmem_shared>> -> memref<640x128xf32, #tpu.memory_space<vmem_shared>>
      tpu.enqueue_dma source(%dma_start3A_93 : memref<640x128xf32, #tpu.memory_space<vmem_shared>>) target(%dma_start3A_91 : memref<640x128xf32, #tpu.memory_space<hbm>>) target_semaphore(%run_scoped3A : memref<!tpu.dma_semaphore, #tpu.memory_space<semaphore_mem>>)
      %dma_wait3A = arith.constant 0 : i32
      %dma_wait3A_94 = arith.constant 0 : i32
      %dma_wait3A_95 = tpu.memref_slice %arg9[%arg0, %dma_wait3A, %dma_wait3A_94] : memref<2x10240x128xf32, #tpu.memory_space<hbm>> -> memref<1x10240x128xf32, #tpu.memory_space<hbm>>
      %dma_wait3A_96 = tpu.memref_squeeze %dma_wait3A_95 : memref<1x10240x128xf32, #tpu.memory_space<hbm>> -> memref<10240x128xf32, #tpu.memory_space<hbm>>
      %dma_wait3A_97 = arith.constant 0 : i32
      %dma_wait3A_98 = tpu.memref_slice %dma_wait3A_96[%mul3A_22, %dma_wait3A_97] : memref<10240x128xf32, #tpu.memory_space<hbm>> -> memref<640x128xf32, #tpu.memory_space<hbm>>
      %dma_wait3A_99 = arith.constant 0 : i32
      %dma_wait3A_100 = tpu.memref_slice %arg17[%mul3A_20, %dma_wait3A_99] : memref<10240x128xf32, #tpu.memory_space<vmem_shared>> -> memref<640x128xf32, #tpu.memory_space<vmem_shared>>
      tpu.wait_dma2 semaphore(%run_scoped3A : memref<!tpu.dma_semaphore, #tpu.memory_space<semaphore_mem>>) src(%dma_wait3A_100 : memref<640x128xf32, #tpu.memory_space<vmem_shared>>) dst(%dma_wait3A_98 : memref<640x128xf32, #tpu.memory_space<hbm>>)
      tpu.yield
    }) : () -> ()
    %mul3A_23 = arith.constant 640 : i32
    %mul3A_24 = arith.muli %arg1, %mul3A_23 : i32
    "tpu.region"() ({
      %run_scoped3A = tpu.sem_alloc : memref<!tpu.dma_semaphore, #tpu.memory_space<semaphore_mem>>
      %dma_start3A_86 = arith.constant 0 : i32
      %dma_start3A_87 = tpu.memref_slice %arg17[%mul3A_24, %dma_start3A_86] : memref<10240x128xf32, #tpu.memory_space<vmem_shared>> -> memref<640x128xf32, #tpu.memory_space<vmem_shared>>
      tpu.enqueue_dma source(%arg4 : memref<640x128xf32, #tpu.memory_space<hbm>>) target(%dma_start3A_87 : memref<640x128xf32, #tpu.memory_space<vmem_shared>>) target_semaphore(%run_scoped3A : memref<!tpu.dma_semaphore, #tpu.memory_space<semaphore_mem>>)
      %dma_wait3A = arith.constant 0 : i32
      %dma_wait3A_88 = tpu.memref_slice %arg17[%mul3A_24, %dma_wait3A] : memref<10240x128xf32, #tpu.memory_space<vmem_shared>> -> memref<640x128xf32, #tpu.memory_space<vmem_shared>>
      tpu.wait_dma2 semaphore(%run_scoped3A : memref<!tpu.dma_semaphore, #tpu.memory_space<semaphore_mem>>) src(%arg4 : memref<640x128xf32, #tpu.memory_space<hbm>>) dst(%dma_wait3A_88 : memref<640x128xf32, #tpu.memory_space<vmem_shared>>)
      tpu.yield
    }) : () -> ()
    %barrier3A_25 = arith.constant 0 : index
    tpu.barrier barrier_id(%barrier3A_25)
    %dma_start3A_26 = arith.constant 0 : i32
    %dma_start3A_27 = arith.constant 0 : i32
    %dma_start3A_28 = tpu.memref_slice %arg13[%dma_start3A_26, %dma_start3A_27] : memref<40x128xi32, #tpu.memory_space<vmem>> -> memref<1x128xi32, #tpu.memory_space<vmem>>
    %dma_start3A_29 = tpu.memref_squeeze %dma_start3A_28 : memref<1x128xi32, #tpu.memory_space<vmem>> -> memref<128xi32, #tpu.memory_space<vmem>>
    %dma_start3A_30 = arith.constant 0 : i32
    %dma_start3A_31 = arith.constant 0 : i32
    %dma_start3A_32 = tpu.memref_slice %arg6[%dma_start3A_30, %dma_start3A_31] : memref<10000x128xf32, #tpu.memory_space<hbm>> -> memref<10000x128xf32, #tpu.memory_space<hbm>>
    tpu.enqueue_indirect_dma source(%dma_start3A_32 : memref<10000x128xf32, #tpu.memory_space<hbm>>) target(%arg15 : memref<128x128xf32, #tpu.memory_space<vmem>>) offsets(%dma_start3A_29 : memref<128xi32, #tpu.memory_space<vmem>>) semaphore(%arg18 : memref<!tpu.dma_semaphore, #tpu.memory_space<semaphore_mem>>)
    %scan3A_33 = arith.constant 0 : i32
    %scan3A_34 = arith.constant 0 : i32
    %scan3A_35 = arith.constant 20 : i32
    %scan3A_36 = arith.addi %scan3A_34, %scan3A_35 : i32
    %scan3A_37 = arith.constant 1 : i32
    scf.for %scan3A_86 = %scan3A_34 to %scan3A_36 step %scan3A_37  : i32 {
      %mul3A_87 = arith.constant 2 : i32
      %mul3A_88 = arith.muli %mul3A_87, %scan3A_86 : i32
      %add3A_89 = arith.constant 1 : i32
      %add3A_90 = arith.addi %mul3A_88, %add3A_89 : i32
      %dma_start3A_91 = arith.constant 0 : i32
      %dma_start3A_92 = tpu.memref_slice %arg13[%add3A_90, %dma_start3A_91] : memref<40x128xi32, #tpu.memory_space<vmem>> -> memref<1x128xi32, #tpu.memory_space<vmem>>
      %dma_start3A_93 = tpu.memref_squeeze %dma_start3A_92 : memref<1x128xi32, #tpu.memory_space<vmem>> -> memref<128xi32, #tpu.memory_space<vmem>>
      %dma_start3A_94 = arith.constant 0 : i32
      %dma_start3A_95 = arith.constant 0 : i32
      %dma_start3A_96 = tpu.memref_slice %arg6[%dma_start3A_94, %dma_start3A_95] : memref<10000x128xf32, #tpu.memory_space<hbm>> -> memref<10000x128xf32, #tpu.memory_space<hbm>>
      tpu.enqueue_indirect_dma source(%dma_start3A_96 : memref<10000x128xf32, #tpu.memory_space<hbm>>) target(%arg16 : memref<128x128xf32, #tpu.memory_space<vmem>>) offsets(%dma_start3A_93 : memref<128xi32, #tpu.memory_space<vmem>>) semaphore(%arg19 : memref<!tpu.dma_semaphore, #tpu.memory_space<semaphore_mem>>)
      %dma_wait3A = arith.constant 0 : i32
      %dma_wait3A_97 = tpu.memref_slice %arg13[%mul3A_88, %dma_wait3A] : memref<40x128xi32, #tpu.memory_space<vmem>> -> memref<1x128xi32, #tpu.memory_space<vmem>>
      %dma_wait3A_98 = tpu.memref_squeeze %dma_wait3A_97 : memref<1x128xi32, #tpu.memory_space<vmem>> -> memref<128xi32, #tpu.memory_space<vmem>>
      %dma_wait3A_99 = arith.constant 0 : i32
      %dma_wait3A_100 = arith.constant 0 : i32
      %dma_wait3A_101 = tpu.memref_slice %arg6[%dma_wait3A_99, %dma_wait3A_100] : memref<10000x128xf32, #tpu.memory_space<hbm>> -> memref<10000x128xf32, #tpu.memory_space<hbm>>
      tpu.wait_indirect_dma semaphore(%arg18 : memref<!tpu.dma_semaphore, #tpu.memory_space<semaphore_mem>>) src(%dma_wait3A_101 : memref<10000x128xf32, #tpu.memory_space<hbm>>) dst(%arg15 : memref<128x128xf32, #tpu.memory_space<vmem>>)
      "tpu.region"() ({
        %run_scoped3A = tpu.sem_alloc : memref<!tpu.dma_semaphore, #tpu.memory_space<semaphore_mem>>
        %dma_start3A_110 = arith.constant 0 : i32
        %dma_start3A_111 = tpu.memref_slice %arg14[%mul3A_88, %dma_start3A_110] : memref<40x128xi32, #tpu.memory_space<vmem>> -> memref<1x128xi32, #tpu.memory_space<vmem>>
        %dma_start3A_112 = tpu.memref_squeeze %dma_start3A_111 : memref<1x128xi32, #tpu.memory_space<vmem>> -> memref<128xi32, #tpu.memory_space<vmem>>
        %dma_start3A_113 = arith.constant 0 : i32
        %dma_start3A_114 = arith.constant 0 : i32
        %dma_start3A_115 = tpu.memref_slice %arg17[%dma_start3A_113, %dma_start3A_114] : memref<10240x128xf32, #tpu.memory_space<vmem_shared>> -> memref<10240x128xf32, #tpu.memory_space<vmem_shared>>
        tpu.enqueue_indirect_dma source(%arg15 : memref<128x128xf32, #tpu.memory_space<vmem>>) target(%dma_start3A_115 : memref<10240x128xf32, #tpu.memory_space<vmem_shared>>) offsets(%dma_start3A_112 : memref<128xi32, #tpu.memory_space<vmem>>) semaphore(%run_scoped3A : memref<!tpu.dma_semaphore, #tpu.memory_space<semaphore_mem>>) {add = true}
        %dma_wait3A_116 = arith.constant 0 : i32
        %dma_wait3A_117 = tpu.memref_slice %arg14[%mul3A_88, %dma_wait3A_116] : memref<40x128xi32, #tpu.memory_space<vmem>> -> memref<1x128xi32, #tpu.memory_space<vmem>>
        %dma_wait3A_118 = tpu.memref_squeeze %dma_wait3A_117 : memref<1x128xi32, #tpu.memory_space<vmem>> -> memref<128xi32, #tpu.memory_space<vmem>>
        %dma_wait3A_119 = arith.constant 0 : i32
        %dma_wait3A_120 = arith.constant 0 : i32
        %dma_wait3A_121 = tpu.memref_slice %arg17[%dma_wait3A_119, %dma_wait3A_120] : memref<10240x128xf32, #tpu.memory_space<vmem_shared>> -> memref<10240x128xf32, #tpu.memory_space<vmem_shared>>
        tpu.wait_indirect_dma semaphore(%run_scoped3A : memref<!tpu.dma_semaphore, #tpu.memory_space<semaphore_mem>>) src(%arg15 : memref<128x128xf32, #tpu.memory_space<vmem>>) dst(%dma_wait3A_121 : memref<10240x128xf32, #tpu.memory_space<vmem_shared>>)
        tpu.yield
      }) : () -> ()
      %lt3A = arith.constant 19 : i32
      %lt3A_102 = arith.cmpi slt, %scan3A_86, %lt3A : i32
      %convert_element_type3A = arith.extui %lt3A_102 : i1 to i32
      %cond3A = arith.constant 0 : i32
      %cond3A_103 = arith.cmpi ne, %convert_element_type3A, %cond3A : i32
      scf.if %cond3A_103 {
        %add3A_110 = arith.constant 2 : i32
        %add3A_111 = arith.addi %mul3A_88, %add3A_110 : i32
        %dma_start3A_112 = arith.constant 0 : i32
        %dma_start3A_113 = tpu.memref_slice %arg13[%add3A_111, %dma_start3A_112] : memref<40x128xi32, #tpu.memory_space<vmem>> -> memref<1x128xi32, #tpu.memory_space<vmem>>
        %dma_start3A_114 = tpu.memref_squeeze %dma_start3A_113 : memref<1x128xi32, #tpu.memory_space<vmem>> -> memref<128xi32, #tpu.memory_space<vmem>>
        %dma_start3A_115 = arith.constant 0 : i32
        %dma_start3A_116 = arith.constant 0 : i32
        %dma_start3A_117 = tpu.memref_slice %arg6[%dma_start3A_115, %dma_start3A_116] : memref<10000x128xf32, #tpu.memory_space<hbm>> -> memref<10000x128xf32, #tpu.memory_space<hbm>>
        tpu.enqueue_indirect_dma source(%dma_start3A_117 : memref<10000x128xf32, #tpu.memory_space<hbm>>) target(%arg15 : memref<128x128xf32, #tpu.memory_space<vmem>>) offsets(%dma_start3A_114 : memref<128xi32, #tpu.memory_space<vmem>>) semaphore(%arg18 : memref<!tpu.dma_semaphore, #tpu.memory_space<semaphore_mem>>)
      } else {
      }
      %dma_wait3A_104 = arith.constant 0 : i32
      %dma_wait3A_105 = tpu.memref_slice %arg13[%add3A_90, %dma_wait3A_104] : memref<40x128xi32, #tpu.memory_space<vmem>> -> memref<1x128xi32, #tpu.memory_space<vmem>>
      %dma_wait3A_106 = tpu.memref_squeeze %dma_wait3A_105 : memref<1x128xi32, #tpu.memory_space<vmem>> -> memref<128xi32, #tpu.memory_space<vmem>>
      %dma_wait3A_107 = arith.constant 0 : i32
      %dma_wait3A_108 = arith.constant 0 : i32
      %dma_wait3A_109 = tpu.memref_slice %arg6[%dma_wait3A_107, %dma_wait3A_108] : memref<10000x128xf32, #tpu.memory_space<hbm>> -> memref<10000x128xf32, #tpu.memory_space<hbm>>
      tpu.wait_indirect_dma semaphore(%arg19 : memref<!tpu.dma_semaphore, #tpu.memory_space<semaphore_mem>>) src(%dma_wait3A_109 : memref<10000x128xf32, #tpu.memory_space<hbm>>) dst(%arg16 : memref<128x128xf32, #tpu.memory_space<vmem>>)
      "tpu.region"() ({
        %run_scoped3A = tpu.sem_alloc : memref<!tpu.dma_semaphore, #tpu.memory_space<semaphore_mem>>
        %dma_start3A_110 = arith.constant 0 : i32
        %dma_start3A_111 = tpu.memref_slice %arg14[%add3A_90, %dma_start3A_110] : memref<40x128xi32, #tpu.memory_space<vmem>> -> memref<1x128xi32, #tpu.memory_space<vmem>>
        %dma_start3A_112 = tpu.memref_squeeze %dma_start3A_111 : memref<1x128xi32, #tpu.memory_space<vmem>> -> memref<128xi32, #tpu.memory_space<vmem>>
        %dma_start3A_113 = arith.constant 0 : i32
        %dma_start3A_114 = arith.constant 0 : i32
        %dma_start3A_115 = tpu.memref_slice %arg17[%dma_start3A_113, %dma_start3A_114] : memref<10240x128xf32, #tpu.memory_space<vmem_shared>> -> memref<10240x128xf32, #tpu.memory_space<vmem_shared>>
        tpu.enqueue_indirect_dma source(%arg16 : memref<128x128xf32, #tpu.memory_space<vmem>>) target(%dma_start3A_115 : memref<10240x128xf32, #tpu.memory_space<vmem_shared>>) offsets(%dma_start3A_112 : memref<128xi32, #tpu.memory_space<vmem>>) semaphore(%run_scoped3A : memref<!tpu.dma_semaphore, #tpu.memory_space<semaphore_mem>>) {add = true}
        %dma_wait3A_116 = arith.constant 0 : i32
        %dma_wait3A_117 = tpu.memref_slice %arg14[%add3A_90, %dma_wait3A_116] : memref<40x128xi32, #tpu.memory_space<vmem>> -> memref<1x128xi32, #tpu.memory_space<vmem>>
        %dma_wait3A_118 = tpu.memref_squeeze %dma_wait3A_117 : memref<1x128xi32, #tpu.memory_space<vmem>> -> memref<128xi32, #tpu.memory_space<vmem>>
        %dma_wait3A_119 = arith.constant 0 : i32
        %dma_wait3A_120 = arith.constant 0 : i32
        %dma_wait3A_121 = tpu.memref_slice %arg17[%dma_wait3A_119, %dma_wait3A_120] : memref<10240x128xf32, #tpu.memory_space<vmem_shared>> -> memref<10240x128xf32, #tpu.memory_space<vmem_shared>>
        tpu.wait_indirect_dma semaphore(%run_scoped3A : memref<!tpu.dma_semaphore, #tpu.memory_space<semaphore_mem>>) src(%arg16 : memref<128x128xf32, #tpu.memory_space<vmem>>) dst(%dma_wait3A_121 : memref<10240x128xf32, #tpu.memory_space<vmem_shared>>)
        tpu.yield
      }) : () -> ()
    }
    %scan3A_38 = arith.constant 20 : i32
    %barrier3A_39 = arith.constant 0 : index
    tpu.barrier barrier_id(%barrier3A_39)
    %mul3A_40 = arith.constant 640 : i32
    %mul3A_41 = arith.muli %arg1, %mul3A_40 : i32
    %mul3A_42 = arith.constant 640 : i32
    %mul3A_43 = arith.muli %arg1, %mul3A_42 : i32
    "tpu.region"() ({
      %run_scoped3A = tpu.sem_alloc : memref<!tpu.dma_semaphore, #tpu.memory_space<semaphore_mem>>
      %dma_start3A_86 = arith.constant 0 : i32
      %dma_start3A_87 = arith.constant 0 : i32
      %dma_start3A_88 = tpu.memref_slice %arg10[%arg0, %dma_start3A_86, %dma_start3A_87] : memref<2x10240x128xf32, #tpu.memory_space<hbm>> -> memref<1x10240x128xf32, #tpu.memory_space<hbm>>
      %dma_start3A_89 = tpu.memref_squeeze %dma_start3A_88 : memref<1x10240x128xf32, #tpu.memory_space<hbm>> -> memref<10240x128xf32, #tpu.memory_space<hbm>>
      %dma_start3A_90 = arith.constant 0 : i32
      %dma_start3A_91 = tpu.memref_slice %dma_start3A_89[%mul3A_43, %dma_start3A_90] : memref<10240x128xf32, #tpu.memory_space<hbm>> -> memref<640x128xf32, #tpu.memory_space<hbm>>
      %dma_start3A_92 = arith.constant 0 : i32
      %dma_start3A_93 = tpu.memref_slice %arg17[%mul3A_41, %dma_start3A_92] : memref<10240x128xf32, #tpu.memory_space<vmem_shared>> -> memref<640x128xf32, #tpu.memory_space<vmem_shared>>
      tpu.enqueue_dma source(%dma_start3A_93 : memref<640x128xf32, #tpu.memory_space<vmem_shared>>) target(%dma_start3A_91 : memref<640x128xf32, #tpu.memory_space<hbm>>) target_semaphore(%run_scoped3A : memref<!tpu.dma_semaphore, #tpu.memory_space<semaphore_mem>>)
      %dma_wait3A = arith.constant 0 : i32
      %dma_wait3A_94 = arith.constant 0 : i32
      %dma_wait3A_95 = tpu.memref_slice %arg10[%arg0, %dma_wait3A, %dma_wait3A_94] : memref<2x10240x128xf32, #tpu.memory_space<hbm>> -> memref<1x10240x128xf32, #tpu.memory_space<hbm>>
      %dma_wait3A_96 = tpu.memref_squeeze %dma_wait3A_95 : memref<1x10240x128xf32, #tpu.memory_space<hbm>> -> memref<10240x128xf32, #tpu.memory_space<hbm>>
      %dma_wait3A_97 = arith.constant 0 : i32
      %dma_wait3A_98 = tpu.memref_slice %dma_wait3A_96[%mul3A_43, %dma_wait3A_97] : memref<10240x128xf32, #tpu.memory_space<hbm>> -> memref<640x128xf32, #tpu.memory_space<hbm>>
      %dma_wait3A_99 = arith.constant 0 : i32
      %dma_wait3A_100 = tpu.memref_slice %arg17[%mul3A_41, %dma_wait3A_99] : memref<10240x128xf32, #tpu.memory_space<vmem_shared>> -> memref<640x128xf32, #tpu.memory_space<vmem_shared>>
      tpu.wait_dma2 semaphore(%run_scoped3A : memref<!tpu.dma_semaphore, #tpu.memory_space<semaphore_mem>>) src(%dma_wait3A_100 : memref<640x128xf32, #tpu.memory_space<vmem_shared>>) dst(%dma_wait3A_98 : memref<640x128xf32, #tpu.memory_space<hbm>>)
      tpu.yield
    }) : () -> ()
    %mul3A_44 = arith.constant 640 : i32
    %mul3A_45 = arith.muli %arg1, %mul3A_44 : i32
    "tpu.region"() ({
      %run_scoped3A = tpu.sem_alloc : memref<!tpu.dma_semaphore, #tpu.memory_space<semaphore_mem>>
      %dma_start3A_86 = arith.constant 0 : i32
      %dma_start3A_87 = tpu.memref_slice %arg17[%mul3A_45, %dma_start3A_86] : memref<10240x128xf32, #tpu.memory_space<vmem_shared>> -> memref<640x128xf32, #tpu.memory_space<vmem_shared>>
      tpu.enqueue_dma source(%arg4 : memref<640x128xf32, #tpu.memory_space<hbm>>) target(%dma_start3A_87 : memref<640x128xf32, #tpu.memory_space<vmem_shared>>) target_semaphore(%run_scoped3A : memref<!tpu.dma_semaphore, #tpu.memory_space<semaphore_mem>>)
      %dma_wait3A = arith.constant 0 : i32
      %dma_wait3A_88 = tpu.memref_slice %arg17[%mul3A_45, %dma_wait3A] : memref<10240x128xf32, #tpu.memory_space<vmem_shared>> -> memref<640x128xf32, #tpu.memory_space<vmem_shared>>
      tpu.wait_dma2 semaphore(%run_scoped3A : memref<!tpu.dma_semaphore, #tpu.memory_space<semaphore_mem>>) src(%arg4 : memref<640x128xf32, #tpu.memory_space<hbm>>) dst(%dma_wait3A_88 : memref<640x128xf32, #tpu.memory_space<vmem_shared>>)
      tpu.yield
    }) : () -> ()
    %barrier3A_46 = arith.constant 0 : index
    tpu.barrier barrier_id(%barrier3A_46)
    %dma_start3A_47 = arith.constant 0 : i32
    %dma_start3A_48 = arith.constant 0 : i32
    %dma_start3A_49 = tpu.memref_slice %arg13[%dma_start3A_47, %dma_start3A_48] : memref<40x128xi32, #tpu.memory_space<vmem>> -> memref<1x128xi32, #tpu.memory_space<vmem>>
    %dma_start3A_50 = tpu.memref_squeeze %dma_start3A_49 : memref<1x128xi32, #tpu.memory_space<vmem>> -> memref<128xi32, #tpu.memory_space<vmem>>
    %dma_start3A_51 = arith.constant 0 : i32
    %dma_start3A_52 = arith.constant 0 : i32
    %dma_start3A_53 = tpu.memref_slice %arg7[%dma_start3A_51, %dma_start3A_52] : memref<10000x128xf32, #tpu.memory_space<hbm>> -> memref<10000x128xf32, #tpu.memory_space<hbm>>
    tpu.enqueue_indirect_dma source(%dma_start3A_53 : memref<10000x128xf32, #tpu.memory_space<hbm>>) target(%arg15 : memref<128x128xf32, #tpu.memory_space<vmem>>) offsets(%dma_start3A_50 : memref<128xi32, #tpu.memory_space<vmem>>) semaphore(%arg18 : memref<!tpu.dma_semaphore, #tpu.memory_space<semaphore_mem>>)
    %scan3A_54 = arith.constant 0 : i32
    %scan3A_55 = arith.constant 0 : i32
    %scan3A_56 = arith.constant 20 : i32
    %scan3A_57 = arith.addi %scan3A_55, %scan3A_56 : i32
    %scan3A_58 = arith.constant 1 : i32
    scf.for %scan3A_86 = %scan3A_55 to %scan3A_57 step %scan3A_58  : i32 {
      %mul3A_87 = arith.constant 2 : i32
      %mul3A_88 = arith.muli %mul3A_87, %scan3A_86 : i32
      %add3A_89 = arith.constant 1 : i32
      %add3A_90 = arith.addi %mul3A_88, %add3A_89 : i32
      %dma_start3A_91 = arith.constant 0 : i32
      %dma_start3A_92 = tpu.memref_slice %arg13[%add3A_90, %dma_start3A_91] : memref<40x128xi32, #tpu.memory_space<vmem>> -> memref<1x128xi32, #tpu.memory_space<vmem>>
      %dma_start3A_93 = tpu.memref_squeeze %dma_start3A_92 : memref<1x128xi32, #tpu.memory_space<vmem>> -> memref<128xi32, #tpu.memory_space<vmem>>
      %dma_start3A_94 = arith.constant 0 : i32
      %dma_start3A_95 = arith.constant 0 : i32
      %dma_start3A_96 = tpu.memref_slice %arg7[%dma_start3A_94, %dma_start3A_95] : memref<10000x128xf32, #tpu.memory_space<hbm>> -> memref<10000x128xf32, #tpu.memory_space<hbm>>
      tpu.enqueue_indirect_dma source(%dma_start3A_96 : memref<10000x128xf32, #tpu.memory_space<hbm>>) target(%arg16 : memref<128x128xf32, #tpu.memory_space<vmem>>) offsets(%dma_start3A_93 : memref<128xi32, #tpu.memory_space<vmem>>) semaphore(%arg19 : memref<!tpu.dma_semaphore, #tpu.memory_space<semaphore_mem>>)
      %dma_wait3A = arith.constant 0 : i32
      %dma_wait3A_97 = tpu.memref_slice %arg13[%mul3A_88, %dma_wait3A] : memref<40x128xi32, #tpu.memory_space<vmem>> -> memref<1x128xi32, #tpu.memory_space<vmem>>
      %dma_wait3A_98 = tpu.memref_squeeze %dma_wait3A_97 : memref<1x128xi32, #tpu.memory_space<vmem>> -> memref<128xi32, #tpu.memory_space<vmem>>
      %dma_wait3A_99 = arith.constant 0 : i32
      %dma_wait3A_100 = arith.constant 0 : i32
      %dma_wait3A_101 = tpu.memref_slice %arg7[%dma_wait3A_99, %dma_wait3A_100] : memref<10000x128xf32, #tpu.memory_space<hbm>> -> memref<10000x128xf32, #tpu.memory_space<hbm>>
      tpu.wait_indirect_dma semaphore(%arg18 : memref<!tpu.dma_semaphore, #tpu.memory_space<semaphore_mem>>) src(%dma_wait3A_101 : memref<10000x128xf32, #tpu.memory_space<hbm>>) dst(%arg15 : memref<128x128xf32, #tpu.memory_space<vmem>>)
      "tpu.region"() ({
        %run_scoped3A = tpu.sem_alloc : memref<!tpu.dma_semaphore, #tpu.memory_space<semaphore_mem>>
        %dma_start3A_110 = arith.constant 0 : i32
        %dma_start3A_111 = tpu.memref_slice %arg14[%mul3A_88, %dma_start3A_110] : memref<40x128xi32, #tpu.memory_space<vmem>> -> memref<1x128xi32, #tpu.memory_space<vmem>>
        %dma_start3A_112 = tpu.memref_squeeze %dma_start3A_111 : memref<1x128xi32, #tpu.memory_space<vmem>> -> memref<128xi32, #tpu.memory_space<vmem>>
        %dma_start3A_113 = arith.constant 0 : i32
        %dma_start3A_114 = arith.constant 0 : i32
        %dma_start3A_115 = tpu.memref_slice %arg17[%dma_start3A_113, %dma_start3A_114] : memref<10240x128xf32, #tpu.memory_space<vmem_shared>> -> memref<10240x128xf32, #tpu.memory_space<vmem_shared>>
        tpu.enqueue_indirect_dma source(%arg15 : memref<128x128xf32, #tpu.memory_space<vmem>>) target(%dma_start3A_115 : memref<10240x128xf32, #tpu.memory_space<vmem_shared>>) offsets(%dma_start3A_112 : memref<128xi32, #tpu.memory_space<vmem>>) semaphore(%run_scoped3A : memref<!tpu.dma_semaphore, #tpu.memory_space<semaphore_mem>>) {add = true}
        %dma_wait3A_116 = arith.constant 0 : i32
        %dma_wait3A_117 = tpu.memref_slice %arg14[%mul3A_88, %dma_wait3A_116] : memref<40x128xi32, #tpu.memory_space<vmem>> -> memref<1x128xi32, #tpu.memory_space<vmem>>
        %dma_wait3A_118 = tpu.memref_squeeze %dma_wait3A_117 : memref<1x128xi32, #tpu.memory_space<vmem>> -> memref<128xi32, #tpu.memory_space<vmem>>
        %dma_wait3A_119 = arith.constant 0 : i32
        %dma_wait3A_120 = arith.constant 0 : i32
        %dma_wait3A_121 = tpu.memref_slice %arg17[%dma_wait3A_119, %dma_wait3A_120] : memref<10240x128xf32, #tpu.memory_space<vmem_shared>> -> memref<10240x128xf32, #tpu.memory_space<vmem_shared>>
        tpu.wait_indirect_dma semaphore(%run_scoped3A : memref<!tpu.dma_semaphore, #tpu.memory_space<semaphore_mem>>) src(%arg15 : memref<128x128xf32, #tpu.memory_space<vmem>>) dst(%dma_wait3A_121 : memref<10240x128xf32, #tpu.memory_space<vmem_shared>>)
        tpu.yield
      }) : () -> ()
      %lt3A = arith.constant 19 : i32
      %lt3A_102 = arith.cmpi slt, %scan3A_86, %lt3A : i32
      %convert_element_type3A = arith.extui %lt3A_102 : i1 to i32
      %cond3A = arith.constant 0 : i32
      %cond3A_103 = arith.cmpi ne, %convert_element_type3A, %cond3A : i32
      scf.if %cond3A_103 {
        %add3A_110 = arith.constant 2 : i32
        %add3A_111 = arith.addi %mul3A_88, %add3A_110 : i32
        %dma_start3A_112 = arith.constant 0 : i32
        %dma_start3A_113 = tpu.memref_slice %arg13[%add3A_111, %dma_start3A_112] : memref<40x128xi32, #tpu.memory_space<vmem>> -> memref<1x128xi32, #tpu.memory_space<vmem>>
        %dma_start3A_114 = tpu.memref_squeeze %dma_start3A_113 : memref<1x128xi32, #tpu.memory_space<vmem>> -> memref<128xi32, #tpu.memory_space<vmem>>
        %dma_start3A_115 = arith.constant 0 : i32
        %dma_start3A_116 = arith.constant 0 : i32
        %dma_start3A_117 = tpu.memref_slice %arg7[%dma_start3A_115, %dma_start3A_116] : memref<10000x128xf32, #tpu.memory_space<hbm>> -> memref<10000x128xf32, #tpu.memory_space<hbm>>
        tpu.enqueue_indirect_dma source(%dma_start3A_117 : memref<10000x128xf32, #tpu.memory_space<hbm>>) target(%arg15 : memref<128x128xf32, #tpu.memory_space<vmem>>) offsets(%dma_start3A_114 : memref<128xi32, #tpu.memory_space<vmem>>) semaphore(%arg18 : memref<!tpu.dma_semaphore, #tpu.memory_space<semaphore_mem>>)
      } else {
      }
      %dma_wait3A_104 = arith.constant 0 : i32
      %dma_wait3A_105 = tpu.memref_slice %arg13[%add3A_90, %dma_wait3A_104] : memref<40x128xi32, #tpu.memory_space<vmem>> -> memref<1x128xi32, #tpu.memory_space<vmem>>
      %dma_wait3A_106 = tpu.memref_squeeze %dma_wait3A_105 : memref<1x128xi32, #tpu.memory_space<vmem>> -> memref<128xi32, #tpu.memory_space<vmem>>
      %dma_wait3A_107 = arith.constant 0 : i32
      %dma_wait3A_108 = arith.constant 0 : i32
      %dma_wait3A_109 = tpu.memref_slice %arg7[%dma_wait3A_107, %dma_wait3A_108] : memref<10000x128xf32, #tpu.memory_space<hbm>> -> memref<10000x128xf32, #tpu.memory_space<hbm>>
      tpu.wait_indirect_dma semaphore(%arg19 : memref<!tpu.dma_semaphore, #tpu.memory_space<semaphore_mem>>) src(%dma_wait3A_109 : memref<10000x128xf32, #tpu.memory_space<hbm>>) dst(%arg16 : memref<128x128xf32, #tpu.memory_space<vmem>>)
      "tpu.region"() ({
        %run_scoped3A = tpu.sem_alloc : memref<!tpu.dma_semaphore, #tpu.memory_space<semaphore_mem>>
        %dma_start3A_110 = arith.constant 0 : i32
        %dma_start3A_111 = tpu.memref_slice %arg14[%add3A_90, %dma_start3A_110] : memref<40x128xi32, #tpu.memory_space<vmem>> -> memref<1x128xi32, #tpu.memory_space<vmem>>
        %dma_start3A_112 = tpu.memref_squeeze %dma_start3A_111 : memref<1x128xi32, #tpu.memory_space<vmem>> -> memref<128xi32, #tpu.memory_space<vmem>>
        %dma_start3A_113 = arith.constant 0 : i32
        %dma_start3A_114 = arith.constant 0 : i32
        %dma_start3A_115 = tpu.memref_slice %arg17[%dma_start3A_113, %dma_start3A_114] : memref<10240x128xf32, #tpu.memory_space<vmem_shared>> -> memref<10240x128xf32, #tpu.memory_space<vmem_shared>>
        tpu.enqueue_indirect_dma source(%arg16 : memref<128x128xf32, #tpu.memory_space<vmem>>) target(%dma_start3A_115 : memref<10240x128xf32, #tpu.memory_space<vmem_shared>>) offsets(%dma_start3A_112 : memref<128xi32, #tpu.memory_space<vmem>>) semaphore(%run_scoped3A : memref<!tpu.dma_semaphore, #tpu.memory_space<semaphore_mem>>) {add = true}
        %dma_wait3A_116 = arith.constant 0 : i32
        %dma_wait3A_117 = tpu.memref_slice %arg14[%add3A_90, %dma_wait3A_116] : memref<40x128xi32, #tpu.memory_space<vmem>> -> memref<1x128xi32, #tpu.memory_space<vmem>>
        %dma_wait3A_118 = tpu.memref_squeeze %dma_wait3A_117 : memref<1x128xi32, #tpu.memory_space<vmem>> -> memref<128xi32, #tpu.memory_space<vmem>>
        %dma_wait3A_119 = arith.constant 0 : i32
        %dma_wait3A_120 = arith.constant 0 : i32
        %dma_wait3A_121 = tpu.memref_slice %arg17[%dma_wait3A_119, %dma_wait3A_120] : memref<10240x128xf32, #tpu.memory_space<vmem_shared>> -> memref<10240x128xf32, #tpu.memory_space<vmem_shared>>
        tpu.wait_indirect_dma semaphore(%run_scoped3A : memref<!tpu.dma_semaphore, #tpu.memory_space<semaphore_mem>>) src(%arg16 : memref<128x128xf32, #tpu.memory_space<vmem>>) dst(%dma_wait3A_121 : memref<10240x128xf32, #tpu.memory_space<vmem_shared>>)
        tpu.yield
      }) : () -> ()
    }
    %scan3A_59 = arith.constant 20 : i32
    %barrier3A_60 = arith.constant 0 : index
    tpu.barrier barrier_id(%barrier3A_60)
    %mul3A_61 = arith.constant 640 : i32
    %mul3A_62 = arith.muli %arg1, %mul3A_61 : i32
    %mul3A_63 = arith.constant 640 : i32
    %mul3A_64 = arith.muli %arg1, %mul3A_63 : i32
    "tpu.region"() ({
      %run_scoped3A = tpu.sem_alloc : memref<!tpu.dma_semaphore, #tpu.memory_space<semaphore_mem>>
      %dma_start3A_86 = arith.constant 0 : i32
      %dma_start3A_87 = arith.constant 0 : i32
      %dma_start3A_88 = tpu.memref_slice %arg11[%arg0, %dma_start3A_86, %dma_start3A_87] : memref<2x10240x128xf32, #tpu.memory_space<hbm>> -> memref<1x10240x128xf32, #tpu.memory_space<hbm>>
      %dma_start3A_89 = tpu.memref_squeeze %dma_start3A_88 : memref<1x10240x128xf32, #tpu.memory_space<hbm>> -> memref<10240x128xf32, #tpu.memory_space<hbm>>
      %dma_start3A_90 = arith.constant 0 : i32
      %dma_start3A_91 = tpu.memref_slice %dma_start3A_89[%mul3A_64, %dma_start3A_90] : memref<10240x128xf32, #tpu.memory_space<hbm>> -> memref<640x128xf32, #tpu.memory_space<hbm>>
      %dma_start3A_92 = arith.constant 0 : i32
      %dma_start3A_93 = tpu.memref_slice %arg17[%mul3A_62, %dma_start3A_92] : memref<10240x128xf32, #tpu.memory_space<vmem_shared>> -> memref<640x128xf32, #tpu.memory_space<vmem_shared>>
      tpu.enqueue_dma source(%dma_start3A_93 : memref<640x128xf32, #tpu.memory_space<vmem_shared>>) target(%dma_start3A_91 : memref<640x128xf32, #tpu.memory_space<hbm>>) target_semaphore(%run_scoped3A : memref<!tpu.dma_semaphore, #tpu.memory_space<semaphore_mem>>)
      %dma_wait3A = arith.constant 0 : i32
      %dma_wait3A_94 = arith.constant 0 : i32
      %dma_wait3A_95 = tpu.memref_slice %arg11[%arg0, %dma_wait3A, %dma_wait3A_94] : memref<2x10240x128xf32, #tpu.memory_space<hbm>> -> memref<1x10240x128xf32, #tpu.memory_space<hbm>>
      %dma_wait3A_96 = tpu.memref_squeeze %dma_wait3A_95 : memref<1x10240x128xf32, #tpu.memory_space<hbm>> -> memref<10240x128xf32, #tpu.memory_space<hbm>>
      %dma_wait3A_97 = arith.constant 0 : i32
      %dma_wait3A_98 = tpu.memref_slice %dma_wait3A_96[%mul3A_64, %dma_wait3A_97] : memref<10240x128xf32, #tpu.memory_space<hbm>> -> memref<640x128xf32, #tpu.memory_space<hbm>>
      %dma_wait3A_99 = arith.constant 0 : i32
      %dma_wait3A_100 = tpu.memref_slice %arg17[%mul3A_62, %dma_wait3A_99] : memref<10240x128xf32, #tpu.memory_space<vmem_shared>> -> memref<640x128xf32, #tpu.memory_space<vmem_shared>>
      tpu.wait_dma2 semaphore(%run_scoped3A : memref<!tpu.dma_semaphore, #tpu.memory_space<semaphore_mem>>) src(%dma_wait3A_100 : memref<640x128xf32, #tpu.memory_space<vmem_shared>>) dst(%dma_wait3A_98 : memref<640x128xf32, #tpu.memory_space<hbm>>)
      tpu.yield
    }) : () -> ()
    %mul3A_65 = arith.constant 640 : i32
    %mul3A_66 = arith.muli %arg1, %mul3A_65 : i32
    "tpu.region"() ({
      %run_scoped3A = tpu.sem_alloc : memref<!tpu.dma_semaphore, #tpu.memory_space<semaphore_mem>>
      %dma_start3A_86 = arith.constant 0 : i32
      %dma_start3A_87 = tpu.memref_slice %arg17[%mul3A_66, %dma_start3A_86] : memref<10240x128xf32, #tpu.memory_space<vmem_shared>> -> memref<640x128xf32, #tpu.memory_space<vmem_shared>>
      tpu.enqueue_dma source(%arg4 : memref<640x128xf32, #tpu.memory_space<hbm>>) target(%dma_start3A_87 : memref<640x128xf32, #tpu.memory_space<vmem_shared>>) target_semaphore(%run_scoped3A : memref<!tpu.dma_semaphore, #tpu.memory_space<semaphore_mem>>)
      %dma_wait3A = arith.constant 0 : i32
      %dma_wait3A_88 = tpu.memref_slice %arg17[%mul3A_66, %dma_wait3A] : memref<10240x128xf32, #tpu.memory_space<vmem_shared>> -> memref<640x128xf32, #tpu.memory_space<vmem_shared>>
      tpu.wait_dma2 semaphore(%run_scoped3A : memref<!tpu.dma_semaphore, #tpu.memory_space<semaphore_mem>>) src(%arg4 : memref<640x128xf32, #tpu.memory_space<hbm>>) dst(%dma_wait3A_88 : memref<640x128xf32, #tpu.memory_space<vmem_shared>>)
      tpu.yield
    }) : () -> ()
    %barrier3A_67 = arith.constant 0 : index
    tpu.barrier barrier_id(%barrier3A_67)
    %dma_start3A_68 = arith.constant 0 : i32
    %dma_start3A_69 = arith.constant 0 : i32
    %dma_start3A_70 = tpu.memref_slice %arg13[%dma_start3A_68, %dma_start3A_69] : memref<40x128xi32, #tpu.memory_space<vmem>> -> memref<1x128xi32, #tpu.memory_space<vmem>>
    %dma_start3A_71 = tpu.memref_squeeze %dma_start3A_70 : memref<1x128xi32, #tpu.memory_space<vmem>> -> memref<128xi32, #tpu.memory_space<vmem>>
    %dma_start3A_72 = arith.constant 0 : i32
    %dma_start3A_73 = arith.constant 0 : i32
    %dma_start3A_74 = tpu.memref_slice %arg8[%dma_start3A_72, %dma_start3A_73] : memref<10000x128xf32, #tpu.memory_space<hbm>> -> memref<10000x128xf32, #tpu.memory_space<hbm>>
    tpu.enqueue_indirect_dma source(%dma_start3A_74 : memref<10000x128xf32, #tpu.memory_space<hbm>>) target(%arg15 : memref<128x128xf32, #tpu.memory_space<vmem>>) offsets(%dma_start3A_71 : memref<128xi32, #tpu.memory_space<vmem>>) semaphore(%arg18 : memref<!tpu.dma_semaphore, #tpu.memory_space<semaphore_mem>>)
    %scan3A_75 = arith.constant 0 : i32
    %scan3A_76 = arith.constant 0 : i32
    %scan3A_77 = arith.constant 20 : i32
    %scan3A_78 = arith.addi %scan3A_76, %scan3A_77 : i32
    %scan3A_79 = arith.constant 1 : i32
    scf.for %scan3A_86 = %scan3A_76 to %scan3A_78 step %scan3A_79  : i32 {
      %mul3A_87 = arith.constant 2 : i32
      %mul3A_88 = arith.muli %mul3A_87, %scan3A_86 : i32
      %add3A_89 = arith.constant 1 : i32
      %add3A_90 = arith.addi %mul3A_88, %add3A_89 : i32
      %dma_start3A_91 = arith.constant 0 : i32
      %dma_start3A_92 = tpu.memref_slice %arg13[%add3A_90, %dma_start3A_91] : memref<40x128xi32, #tpu.memory_space<vmem>> -> memref<1x128xi32, #tpu.memory_space<vmem>>
      %dma_start3A_93 = tpu.memref_squeeze %dma_start3A_92 : memref<1x128xi32, #tpu.memory_space<vmem>> -> memref<128xi32, #tpu.memory_space<vmem>>
      %dma_start3A_94 = arith.constant 0 : i32
      %dma_start3A_95 = arith.constant 0 : i32
      %dma_start3A_96 = tpu.memref_slice %arg8[%dma_start3A_94, %dma_start3A_95] : memref<10000x128xf32, #tpu.memory_space<hbm>> -> memref<10000x128xf32, #tpu.memory_space<hbm>>
      tpu.enqueue_indirect_dma source(%dma_start3A_96 : memref<10000x128xf32, #tpu.memory_space<hbm>>) target(%arg16 : memref<128x128xf32, #tpu.memory_space<vmem>>) offsets(%dma_start3A_93 : memref<128xi32, #tpu.memory_space<vmem>>) semaphore(%arg19 : memref<!tpu.dma_semaphore, #tpu.memory_space<semaphore_mem>>)
      %dma_wait3A = arith.constant 0 : i32
      %dma_wait3A_97 = tpu.memref_slice %arg13[%mul3A_88, %dma_wait3A] : memref<40x128xi32, #tpu.memory_space<vmem>> -> memref<1x128xi32, #tpu.memory_space<vmem>>
      %dma_wait3A_98 = tpu.memref_squeeze %dma_wait3A_97 : memref<1x128xi32, #tpu.memory_space<vmem>> -> memref<128xi32, #tpu.memory_space<vmem>>
      %dma_wait3A_99 = arith.constant 0 : i32
      %dma_wait3A_100 = arith.constant 0 : i32
      %dma_wait3A_101 = tpu.memref_slice %arg8[%dma_wait3A_99, %dma_wait3A_100] : memref<10000x128xf32, #tpu.memory_space<hbm>> -> memref<10000x128xf32, #tpu.memory_space<hbm>>
      tpu.wait_indirect_dma semaphore(%arg18 : memref<!tpu.dma_semaphore, #tpu.memory_space<semaphore_mem>>) src(%dma_wait3A_101 : memref<10000x128xf32, #tpu.memory_space<hbm>>) dst(%arg15 : memref<128x128xf32, #tpu.memory_space<vmem>>)
      "tpu.region"() ({
        %run_scoped3A = tpu.sem_alloc : memref<!tpu.dma_semaphore, #tpu.memory_space<semaphore_mem>>
        %dma_start3A_110 = arith.constant 0 : i32
        %dma_start3A_111 = tpu.memref_slice %arg14[%mul3A_88, %dma_start3A_110] : memref<40x128xi32, #tpu.memory_space<vmem>> -> memref<1x128xi32, #tpu.memory_space<vmem>>
        %dma_start3A_112 = tpu.memref_squeeze %dma_start3A_111 : memref<1x128xi32, #tpu.memory_space<vmem>> -> memref<128xi32, #tpu.memory_space<vmem>>
        %dma_start3A_113 = arith.constant 0 : i32
        %dma_start3A_114 = arith.constant 0 : i32
        %dma_start3A_115 = tpu.memref_slice %arg17[%dma_start3A_113, %dma_start3A_114] : memref<10240x128xf32, #tpu.memory_space<vmem_shared>> -> memref<10240x128xf32, #tpu.memory_space<vmem_shared>>
        tpu.enqueue_indirect_dma source(%arg15 : memref<128x128xf32, #tpu.memory_space<vmem>>) target(%dma_start3A_115 : memref<10240x128xf32, #tpu.memory_space<vmem_shared>>) offsets(%dma_start3A_112 : memref<128xi32, #tpu.memory_space<vmem>>) semaphore(%run_scoped3A : memref<!tpu.dma_semaphore, #tpu.memory_space<semaphore_mem>>) {add = true}
        %dma_wait3A_116 = arith.constant 0 : i32
        %dma_wait3A_117 = tpu.memref_slice %arg14[%mul3A_88, %dma_wait3A_116] : memref<40x128xi32, #tpu.memory_space<vmem>> -> memref<1x128xi32, #tpu.memory_space<vmem>>
        %dma_wait3A_118 = tpu.memref_squeeze %dma_wait3A_117 : memref<1x128xi32, #tpu.memory_space<vmem>> -> memref<128xi32, #tpu.memory_space<vmem>>
        %dma_wait3A_119 = arith.constant 0 : i32
        %dma_wait3A_120 = arith.constant 0 : i32
        %dma_wait3A_121 = tpu.memref_slice %arg17[%dma_wait3A_119, %dma_wait3A_120] : memref<10240x128xf32, #tpu.memory_space<vmem_shared>> -> memref<10240x128xf32, #tpu.memory_space<vmem_shared>>
        tpu.wait_indirect_dma semaphore(%run_scoped3A : memref<!tpu.dma_semaphore, #tpu.memory_space<semaphore_mem>>) src(%arg15 : memref<128x128xf32, #tpu.memory_space<vmem>>) dst(%dma_wait3A_121 : memref<10240x128xf32, #tpu.memory_space<vmem_shared>>)
        tpu.yield
      }) : () -> ()
      %lt3A = arith.constant 19 : i32
      %lt3A_102 = arith.cmpi slt, %scan3A_86, %lt3A : i32
      %convert_element_type3A = arith.extui %lt3A_102 : i1 to i32
      %cond3A = arith.constant 0 : i32
      %cond3A_103 = arith.cmpi ne, %convert_element_type3A, %cond3A : i32
      scf.if %cond3A_103 {
        %add3A_110 = arith.constant 2 : i32
        %add3A_111 = arith.addi %mul3A_88, %add3A_110 : i32
        %dma_start3A_112 = arith.constant 0 : i32
        %dma_start3A_113 = tpu.memref_slice %arg13[%add3A_111, %dma_start3A_112] : memref<40x128xi32, #tpu.memory_space<vmem>> -> memref<1x128xi32, #tpu.memory_space<vmem>>
        %dma_start3A_114 = tpu.memref_squeeze %dma_start3A_113 : memref<1x128xi32, #tpu.memory_space<vmem>> -> memref<128xi32, #tpu.memory_space<vmem>>
        %dma_start3A_115 = arith.constant 0 : i32
        %dma_start3A_116 = arith.constant 0 : i32
        %dma_start3A_117 = tpu.memref_slice %arg8[%dma_start3A_115, %dma_start3A_116] : memref<10000x128xf32, #tpu.memory_space<hbm>> -> memref<10000x128xf32, #tpu.memory_space<hbm>>
        tpu.enqueue_indirect_dma source(%dma_start3A_117 : memref<10000x128xf32, #tpu.memory_space<hbm>>) target(%arg15 : memref<128x128xf32, #tpu.memory_space<vmem>>) offsets(%dma_start3A_114 : memref<128xi32, #tpu.memory_space<vmem>>) semaphore(%arg18 : memref<!tpu.dma_semaphore, #tpu.memory_space<semaphore_mem>>)
      } else {
      }
      %dma_wait3A_104 = arith.constant 0 : i32
      %dma_wait3A_105 = tpu.memref_slice %arg13[%add3A_90, %dma_wait3A_104] : memref<40x128xi32, #tpu.memory_space<vmem>> -> memref<1x128xi32, #tpu.memory_space<vmem>>
      %dma_wait3A_106 = tpu.memref_squeeze %dma_wait3A_105 : memref<1x128xi32, #tpu.memory_space<vmem>> -> memref<128xi32, #tpu.memory_space<vmem>>
      %dma_wait3A_107 = arith.constant 0 : i32
      %dma_wait3A_108 = arith.constant 0 : i32
      %dma_wait3A_109 = tpu.memref_slice %arg8[%dma_wait3A_107, %dma_wait3A_108] : memref<10000x128xf32, #tpu.memory_space<hbm>> -> memref<10000x128xf32, #tpu.memory_space<hbm>>
      tpu.wait_indirect_dma semaphore(%arg19 : memref<!tpu.dma_semaphore, #tpu.memory_space<semaphore_mem>>) src(%dma_wait3A_109 : memref<10000x128xf32, #tpu.memory_space<hbm>>) dst(%arg16 : memref<128x128xf32, #tpu.memory_space<vmem>>)
      "tpu.region"() ({
        %run_scoped3A = tpu.sem_alloc : memref<!tpu.dma_semaphore, #tpu.memory_space<semaphore_mem>>
        %dma_start3A_110 = arith.constant 0 : i32
        %dma_start3A_111 = tpu.memref_slice %arg14[%add3A_90, %dma_start3A_110] : memref<40x128xi32, #tpu.memory_space<vmem>> -> memref<1x128xi32, #tpu.memory_space<vmem>>
        %dma_start3A_112 = tpu.memref_squeeze %dma_start3A_111 : memref<1x128xi32, #tpu.memory_space<vmem>> -> memref<128xi32, #tpu.memory_space<vmem>>
        %dma_start3A_113 = arith.constant 0 : i32
        %dma_start3A_114 = arith.constant 0 : i32
        %dma_start3A_115 = tpu.memref_slice %arg17[%dma_start3A_113, %dma_start3A_114] : memref<10240x128xf32, #tpu.memory_space<vmem_shared>> -> memref<10240x128xf32, #tpu.memory_space<vmem_shared>>
        tpu.enqueue_indirect_dma source(%arg16 : memref<128x128xf32, #tpu.memory_space<vmem>>) target(%dma_start3A_115 : memref<10240x128xf32, #tpu.memory_space<vmem_shared>>) offsets(%dma_start3A_112 : memref<128xi32, #tpu.memory_space<vmem>>) semaphore(%run_scoped3A : memref<!tpu.dma_semaphore, #tpu.memory_space<semaphore_mem>>) {add = true}
        %dma_wait3A_116 = arith.constant 0 : i32
        %dma_wait3A_117 = tpu.memref_slice %arg14[%add3A_90, %dma_wait3A_116] : memref<40x128xi32, #tpu.memory_space<vmem>> -> memref<1x128xi32, #tpu.memory_space<vmem>>
        %dma_wait3A_118 = tpu.memref_squeeze %dma_wait3A_117 : memref<1x128xi32, #tpu.memory_space<vmem>> -> memref<128xi32, #tpu.memory_space<vmem>>
        %dma_wait3A_119 = arith.constant 0 : i32
        %dma_wait3A_120 = arith.constant 0 : i32
        %dma_wait3A_121 = tpu.memref_slice %arg17[%dma_wait3A_119, %dma_wait3A_120] : memref<10240x128xf32, #tpu.memory_space<vmem_shared>> -> memref<10240x128xf32, #tpu.memory_space<vmem_shared>>
        tpu.wait_indirect_dma semaphore(%run_scoped3A : memref<!tpu.dma_semaphore, #tpu.memory_space<semaphore_mem>>) src(%arg16 : memref<128x128xf32, #tpu.memory_space<vmem>>) dst(%dma_wait3A_121 : memref<10240x128xf32, #tpu.memory_space<vmem_shared>>)
        tpu.yield
      }) : () -> ()
    }
    %scan3A_80 = arith.constant 20 : i32
    %barrier3A_81 = arith.constant 0 : index
    tpu.barrier barrier_id(%barrier3A_81)
    %mul3A_82 = arith.constant 640 : i32
    %mul3A_83 = arith.muli %arg1, %mul3A_82 : i32
    %mul3A_84 = arith.constant 640 : i32
    %mul3A_85 = arith.muli %arg1, %mul3A_84 : i32
    "tpu.region"() ({
      %run_scoped3A = tpu.sem_alloc : memref<!tpu.dma_semaphore, #tpu.memory_space<semaphore_mem>>
      %dma_start3A_86 = arith.constant 0 : i32
      %dma_start3A_87 = arith.constant 0 : i32
      %dma_start3A_88 = tpu.memref_slice %arg12[%arg0, %dma_start3A_86, %dma_start3A_87] : memref<2x10240x128xf32, #tpu.memory_space<hbm>> -> memref<1x10240x128xf32, #tpu.memory_space<hbm>>
      %dma_start3A_89 = tpu.memref_squeeze %dma_start3A_88 : memref<1x10240x128xf32, #tpu.memory_space<hbm>> -> memref<10240x128xf32, #tpu.memory_space<hbm>>
      %dma_start3A_90 = arith.constant 0 : i32
      %dma_start3A_91 = tpu.memref_slice %dma_start3A_89[%mul3A_85, %dma_start3A_90] : memref<10240x128xf32, #tpu.memory_space<hbm>> -> memref<640x128xf32, #tpu.memory_space<hbm>>
      %dma_start3A_92 = arith.constant 0 : i32
      %dma_start3A_93 = tpu.memref_slice %arg17[%mul3A_83, %dma_start3A_92] : memref<10240x128xf32, #tpu.memory_space<vmem_shared>> -> memref<640x128xf32, #tpu.memory_space<vmem_shared>>
      tpu.enqueue_dma source(%dma_start3A_93 : memref<640x128xf32, #tpu.memory_space<vmem_shared>>) target(%dma_start3A_91 : memref<640x128xf32, #tpu.memory_space<hbm>>) target_semaphore(%run_scoped3A : memref<!tpu.dma_semaphore, #tpu.memory_space<semaphore_mem>>)
      %dma_wait3A = arith.constant 0 : i32
      %dma_wait3A_94 = arith.constant 0 : i32
      %dma_wait3A_95 = tpu.memref_slice %arg12[%arg0, %dma_wait3A, %dma_wait3A_94] : memref<2x10240x128xf32, #tpu.memory_space<hbm>> -> memref<1x10240x128xf32, #tpu.memory_space<hbm>>
      %dma_wait3A_96 = tpu.memref_squeeze %dma_wait3A_95 : memref<1x10240x128xf32, #tpu.memory_space<hbm>> -> memref<10240x128xf32, #tpu.memory_space<hbm>>
      %dma_wait3A_97 = arith.constant 0 : i32
      %dma_wait3A_98 = tpu.memref_slice %dma_wait3A_96[%mul3A_85, %dma_wait3A_97] : memref<10240x128xf32, #tpu.memory_space<hbm>> -> memref<640x128xf32, #tpu.memory_space<hbm>>
      %dma_wait3A_99 = arith.constant 0 : i32
      %dma_wait3A_100 = tpu.memref_slice %arg17[%mul3A_83, %dma_wait3A_99] : memref<10240x128xf32, #tpu.memory_space<vmem_shared>> -> memref<640x128xf32, #tpu.memory_space<vmem_shared>>
      tpu.wait_dma2 semaphore(%run_scoped3A : memref<!tpu.dma_semaphore, #tpu.memory_space<semaphore_mem>>) src(%dma_wait3A_100 : memref<640x128xf32, #tpu.memory_space<vmem_shared>>) dst(%dma_wait3A_98 : memref<640x128xf32, #tpu.memory_space<hbm>>)
      tpu.yield
    }) : () -> ()
    return
  }
}

#map = affine_map<(d0, d1) -> (0, 0)>
#map1 = affine_map<(d0, d1) -> (0, 0, 0)>
module attributes {stable_mosaic.version = 14 : i64} {
  func.func @k(%arg0: i32, %arg1: i32, %arg2: memref<1280x128xi32, #tpu.memory_space<hbm>>, %arg3: memref<1280x128xi32, #tpu.memory_space<hbm>>, %arg4: memref<640x128xf32, #tpu.memory_space<hbm>>, %arg5: memref<10000x128xf32, #tpu.memory_space<hbm>>, %arg6: memref<10000x128xf32, #tpu.memory_space<hbm>>, %arg7: memref<2x10240x128xf32, #tpu.memory_space<hbm>>, %arg8: memref<2x10240x128xf32, #tpu.memory_space<hbm>>, %arg9: memref<40x128xi32, #tpu.memory_space<vmem>>, %arg10: memref<40x128xi32, #tpu.memory_space<vmem>>, %arg11: memref<128x128xf32, #tpu.memory_space<vmem>>, %arg12: memref<128x128xf32, #tpu.memory_space<vmem>>, %arg13: memref<10240x128xf32, #tpu.memory_space<vmem_shared>>, %arg14: memref<!tpu.dma_semaphore, #tpu.memory_space<semaphore_mem>>, %arg15: memref<!tpu.dma_semaphore, #tpu.memory_space<semaphore_mem>>) attributes {dimension_semantics = [#tpu.dimension_semantics<core_parallel>, #tpu.dimension_semantics<subcore_parallel>], iteration_bounds = array<i64: 2, 16>, scalar_prefetch = 0 : i64, scratch_operands = 7 : i64, tpu.core_type = #tpu.core_type<sc_vector_subcore>, window_params = [{transform_indices = #map}, {transform_indices = #map}, {transform_indices = #map}, {transform_indices = #map}, {transform_indices = #map}, {transform_indices = #map1}, {transform_indices = #map1}]} {
    %mul3A = arith.constant 2 : i32
    %mul3A_0 = arith.muli %arg1, %mul3A : i32
    %add3A = arith.addi %mul3A_0, %arg0 : i32
    %mul3A_1 = arith.constant 40 : i32
    %mul3A_2 = arith.muli %add3A, %mul3A_1 : i32
    "tpu.region"() ({
      %run_scoped3A = tpu.sem_alloc : memref<!tpu.dma_semaphore, #tpu.memory_space<semaphore_mem>>
      %dma_start3A_44 = arith.constant 0 : i32
      %dma_start3A_45 = tpu.memref_slice %arg2[%mul3A_2, %dma_start3A_44] : memref<1280x128xi32, #tpu.memory_space<hbm>> -> memref<40x128xi32, #tpu.memory_space<hbm>>
      %dma_start3A_46 = arith.constant 0 : i32
      %dma_start3A_47 = tpu.memref_slice %arg2[%mul3A_2, %dma_start3A_46] : memref<1280x128xi32, #tpu.memory_space<hbm>> -> memref<40x128xi32, #tpu.memory_space<hbm>>
      tpu.enqueue_dma source(%dma_start3A_47 : memref<40x128xi32, #tpu.memory_space<hbm>>) target(%arg9 : memref<40x128xi32, #tpu.memory_space<vmem>>) target_semaphore(%run_scoped3A : memref<!tpu.dma_semaphore, #tpu.memory_space<semaphore_mem>>)
      %dma_wait3A = arith.constant 0 : i32
      %dma_wait3A_48 = tpu.memref_slice %arg2[%mul3A_2, %dma_wait3A] : memref<1280x128xi32, #tpu.memory_space<hbm>> -> memref<40x128xi32, #tpu.memory_space<hbm>>
      %dma_wait3A_49 = arith.constant 0 : i32
      %dma_wait3A_50 = tpu.memref_slice %arg2[%mul3A_2, %dma_wait3A_49] : memref<1280x128xi32, #tpu.memory_space<hbm>> -> memref<40x128xi32, #tpu.memory_space<hbm>>
      tpu.wait_dma2 semaphore(%run_scoped3A : memref<!tpu.dma_semaphore, #tpu.memory_space<semaphore_mem>>) src(%dma_wait3A_50 : memref<40x128xi32, #tpu.memory_space<hbm>>) dst(%arg9 : memref<40x128xi32, #tpu.memory_space<vmem>>)
      tpu.yield
    }) : () -> ()
    %mul3A_3 = arith.constant 40 : i32
    %mul3A_4 = arith.muli %add3A, %mul3A_3 : i32
    "tpu.region"() ({
      %run_scoped3A = tpu.sem_alloc : memref<!tpu.dma_semaphore, #tpu.memory_space<semaphore_mem>>
      %dma_start3A_44 = arith.constant 0 : i32
      %dma_start3A_45 = tpu.memref_slice %arg3[%mul3A_4, %dma_start3A_44] : memref<1280x128xi32, #tpu.memory_space<hbm>> -> memref<40x128xi32, #tpu.memory_space<hbm>>
      %dma_start3A_46 = arith.constant 0 : i32
      %dma_start3A_47 = tpu.memref_slice %arg3[%mul3A_4, %dma_start3A_46] : memref<1280x128xi32, #tpu.memory_space<hbm>> -> memref<40x128xi32, #tpu.memory_space<hbm>>
      tpu.enqueue_dma source(%dma_start3A_47 : memref<40x128xi32, #tpu.memory_space<hbm>>) target(%arg10 : memref<40x128xi32, #tpu.memory_space<vmem>>) target_semaphore(%run_scoped3A : memref<!tpu.dma_semaphore, #tpu.memory_space<semaphore_mem>>)
      %dma_wait3A = arith.constant 0 : i32
      %dma_wait3A_48 = tpu.memref_slice %arg3[%mul3A_4, %dma_wait3A] : memref<1280x128xi32, #tpu.memory_space<hbm>> -> memref<40x128xi32, #tpu.memory_space<hbm>>
      %dma_wait3A_49 = arith.constant 0 : i32
      %dma_wait3A_50 = tpu.memref_slice %arg3[%mul3A_4, %dma_wait3A_49] : memref<1280x128xi32, #tpu.memory_space<hbm>> -> memref<40x128xi32, #tpu.memory_space<hbm>>
      tpu.wait_dma2 semaphore(%run_scoped3A : memref<!tpu.dma_semaphore, #tpu.memory_space<semaphore_mem>>) src(%dma_wait3A_50 : memref<40x128xi32, #tpu.memory_space<hbm>>) dst(%arg10 : memref<40x128xi32, #tpu.memory_space<vmem>>)
      tpu.yield
    }) : () -> ()
    %mul3A_5 = arith.constant 640 : i32
    %mul3A_6 = arith.muli %arg1, %mul3A_5 : i32
    "tpu.region"() ({
      %run_scoped3A = tpu.sem_alloc : memref<!tpu.dma_semaphore, #tpu.memory_space<semaphore_mem>>
      %dma_start3A_44 = arith.constant 0 : i32
      %dma_start3A_45 = tpu.memref_slice %arg13[%mul3A_6, %dma_start3A_44] : memref<10240x128xf32, #tpu.memory_space<vmem_shared>> -> memref<640x128xf32, #tpu.memory_space<vmem_shared>>
      tpu.enqueue_dma source(%arg4 : memref<640x128xf32, #tpu.memory_space<hbm>>) target(%dma_start3A_45 : memref<640x128xf32, #tpu.memory_space<vmem_shared>>) target_semaphore(%run_scoped3A : memref<!tpu.dma_semaphore, #tpu.memory_space<semaphore_mem>>)
      %dma_wait3A = arith.constant 0 : i32
      %dma_wait3A_46 = tpu.memref_slice %arg13[%mul3A_6, %dma_wait3A] : memref<10240x128xf32, #tpu.memory_space<vmem_shared>> -> memref<640x128xf32, #tpu.memory_space<vmem_shared>>
      tpu.wait_dma2 semaphore(%run_scoped3A : memref<!tpu.dma_semaphore, #tpu.memory_space<semaphore_mem>>) src(%arg4 : memref<640x128xf32, #tpu.memory_space<hbm>>) dst(%dma_wait3A_46 : memref<640x128xf32, #tpu.memory_space<vmem_shared>>)
      tpu.yield
    }) : () -> ()
    %barrier3A = arith.constant 0 : index
    tpu.barrier barrier_id(%barrier3A)
    %dma_start3A = arith.constant 0 : i32
    %dma_start3A_7 = arith.constant 0 : i32
    %dma_start3A_8 = tpu.memref_slice %arg9[%dma_start3A, %dma_start3A_7] : memref<40x128xi32, #tpu.memory_space<vmem>> -> memref<1x128xi32, #tpu.memory_space<vmem>>
    %dma_start3A_9 = tpu.memref_squeeze %dma_start3A_8 : memref<1x128xi32, #tpu.memory_space<vmem>> -> memref<128xi32, #tpu.memory_space<vmem>>
    %dma_start3A_10 = arith.constant 0 : i32
    %dma_start3A_11 = arith.constant 0 : i32
    %dma_start3A_12 = tpu.memref_slice %arg5[%dma_start3A_10, %dma_start3A_11] : memref<10000x128xf32, #tpu.memory_space<hbm>> -> memref<10000x128xf32, #tpu.memory_space<hbm>>
    tpu.enqueue_indirect_dma source(%dma_start3A_12 : memref<10000x128xf32, #tpu.memory_space<hbm>>) target(%arg11 : memref<128x128xf32, #tpu.memory_space<vmem>>) offsets(%dma_start3A_9 : memref<128xi32, #tpu.memory_space<vmem>>) semaphore(%arg14 : memref<!tpu.dma_semaphore, #tpu.memory_space<semaphore_mem>>)
    %scan3A = arith.constant 0 : i32
    %scan3A_13 = arith.constant 0 : i32
    %scan3A_14 = arith.constant 20 : i32
    %scan3A_15 = arith.addi %scan3A_13, %scan3A_14 : i32
    %scan3A_16 = arith.constant 1 : i32
    scf.for %scan3A_44 = %scan3A_13 to %scan3A_15 step %scan3A_16  : i32 {
      %mul3A_45 = arith.constant 2 : i32
      %mul3A_46 = arith.muli %mul3A_45, %scan3A_44 : i32
      %add3A_47 = arith.constant 1 : i32
      %add3A_48 = arith.addi %mul3A_46, %add3A_47 : i32
      %dma_start3A_49 = arith.constant 0 : i32
      %dma_start3A_50 = tpu.memref_slice %arg9[%add3A_48, %dma_start3A_49] : memref<40x128xi32, #tpu.memory_space<vmem>> -> memref<1x128xi32, #tpu.memory_space<vmem>>
      %dma_start3A_51 = tpu.memref_squeeze %dma_start3A_50 : memref<1x128xi32, #tpu.memory_space<vmem>> -> memref<128xi32, #tpu.memory_space<vmem>>
      %dma_start3A_52 = arith.constant 0 : i32
      %dma_start3A_53 = arith.constant 0 : i32
      %dma_start3A_54 = tpu.memref_slice %arg5[%dma_start3A_52, %dma_start3A_53] : memref<10000x128xf32, #tpu.memory_space<hbm>> -> memref<10000x128xf32, #tpu.memory_space<hbm>>
      tpu.enqueue_indirect_dma source(%dma_start3A_54 : memref<10000x128xf32, #tpu.memory_space<hbm>>) target(%arg12 : memref<128x128xf32, #tpu.memory_space<vmem>>) offsets(%dma_start3A_51 : memref<128xi32, #tpu.memory_space<vmem>>) semaphore(%arg15 : memref<!tpu.dma_semaphore, #tpu.memory_space<semaphore_mem>>)
      %dma_wait3A = arith.constant 0 : i32
      %dma_wait3A_55 = tpu.memref_slice %arg9[%mul3A_46, %dma_wait3A] : memref<40x128xi32, #tpu.memory_space<vmem>> -> memref<1x128xi32, #tpu.memory_space<vmem>>
      %dma_wait3A_56 = tpu.memref_squeeze %dma_wait3A_55 : memref<1x128xi32, #tpu.memory_space<vmem>> -> memref<128xi32, #tpu.memory_space<vmem>>
      %dma_wait3A_57 = arith.constant 0 : i32
      %dma_wait3A_58 = arith.constant 0 : i32
      %dma_wait3A_59 = tpu.memref_slice %arg5[%dma_wait3A_57, %dma_wait3A_58] : memref<10000x128xf32, #tpu.memory_space<hbm>> -> memref<10000x128xf32, #tpu.memory_space<hbm>>
      tpu.wait_indirect_dma semaphore(%arg14 : memref<!tpu.dma_semaphore, #tpu.memory_space<semaphore_mem>>) src(%dma_wait3A_59 : memref<10000x128xf32, #tpu.memory_space<hbm>>) dst(%arg11 : memref<128x128xf32, #tpu.memory_space<vmem>>)
      "tpu.region"() ({
        %run_scoped3A = tpu.sem_alloc : memref<!tpu.dma_semaphore, #tpu.memory_space<semaphore_mem>>
        %dma_start3A_68 = arith.constant 0 : i32
        %dma_start3A_69 = tpu.memref_slice %arg10[%mul3A_46, %dma_start3A_68] : memref<40x128xi32, #tpu.memory_space<vmem>> -> memref<1x128xi32, #tpu.memory_space<vmem>>
        %dma_start3A_70 = tpu.memref_squeeze %dma_start3A_69 : memref<1x128xi32, #tpu.memory_space<vmem>> -> memref<128xi32, #tpu.memory_space<vmem>>
        %dma_start3A_71 = arith.constant 0 : i32
        %dma_start3A_72 = arith.constant 0 : i32
        %dma_start3A_73 = tpu.memref_slice %arg13[%dma_start3A_71, %dma_start3A_72] : memref<10240x128xf32, #tpu.memory_space<vmem_shared>> -> memref<10240x128xf32, #tpu.memory_space<vmem_shared>>
        tpu.enqueue_indirect_dma source(%arg11 : memref<128x128xf32, #tpu.memory_space<vmem>>) target(%dma_start3A_73 : memref<10240x128xf32, #tpu.memory_space<vmem_shared>>) offsets(%dma_start3A_70 : memref<128xi32, #tpu.memory_space<vmem>>) semaphore(%run_scoped3A : memref<!tpu.dma_semaphore, #tpu.memory_space<semaphore_mem>>) {add = true}
        %dma_wait3A_74 = arith.constant 0 : i32
        %dma_wait3A_75 = tpu.memref_slice %arg10[%mul3A_46, %dma_wait3A_74] : memref<40x128xi32, #tpu.memory_space<vmem>> -> memref<1x128xi32, #tpu.memory_space<vmem>>
        %dma_wait3A_76 = tpu.memref_squeeze %dma_wait3A_75 : memref<1x128xi32, #tpu.memory_space<vmem>> -> memref<128xi32, #tpu.memory_space<vmem>>
        %dma_wait3A_77 = arith.constant 0 : i32
        %dma_wait3A_78 = arith.constant 0 : i32
        %dma_wait3A_79 = tpu.memref_slice %arg13[%dma_wait3A_77, %dma_wait3A_78] : memref<10240x128xf32, #tpu.memory_space<vmem_shared>> -> memref<10240x128xf32, #tpu.memory_space<vmem_shared>>
        tpu.wait_indirect_dma semaphore(%run_scoped3A : memref<!tpu.dma_semaphore, #tpu.memory_space<semaphore_mem>>) src(%arg11 : memref<128x128xf32, #tpu.memory_space<vmem>>) dst(%dma_wait3A_79 : memref<10240x128xf32, #tpu.memory_space<vmem_shared>>)
        tpu.yield
      }) : () -> ()
      %lt3A = arith.constant 19 : i32
      %lt3A_60 = arith.cmpi slt, %scan3A_44, %lt3A : i32
      %convert_element_type3A = arith.extui %lt3A_60 : i1 to i32
      %cond3A = arith.constant 0 : i32
      %cond3A_61 = arith.cmpi ne, %convert_element_type3A, %cond3A : i32
      scf.if %cond3A_61 {
        %add3A_68 = arith.constant 2 : i32
        %add3A_69 = arith.addi %mul3A_46, %add3A_68 : i32
        %dma_start3A_70 = arith.constant 0 : i32
        %dma_start3A_71 = tpu.memref_slice %arg9[%add3A_69, %dma_start3A_70] : memref<40x128xi32, #tpu.memory_space<vmem>> -> memref<1x128xi32, #tpu.memory_space<vmem>>
        %dma_start3A_72 = tpu.memref_squeeze %dma_start3A_71 : memref<1x128xi32, #tpu.memory_space<vmem>> -> memref<128xi32, #tpu.memory_space<vmem>>
        %dma_start3A_73 = arith.constant 0 : i32
        %dma_start3A_74 = arith.constant 0 : i32
        %dma_start3A_75 = tpu.memref_slice %arg5[%dma_start3A_73, %dma_start3A_74] : memref<10000x128xf32, #tpu.memory_space<hbm>> -> memref<10000x128xf32, #tpu.memory_space<hbm>>
        tpu.enqueue_indirect_dma source(%dma_start3A_75 : memref<10000x128xf32, #tpu.memory_space<hbm>>) target(%arg11 : memref<128x128xf32, #tpu.memory_space<vmem>>) offsets(%dma_start3A_72 : memref<128xi32, #tpu.memory_space<vmem>>) semaphore(%arg14 : memref<!tpu.dma_semaphore, #tpu.memory_space<semaphore_mem>>)
      } else {
      }
      %dma_wait3A_62 = arith.constant 0 : i32
      %dma_wait3A_63 = tpu.memref_slice %arg9[%add3A_48, %dma_wait3A_62] : memref<40x128xi32, #tpu.memory_space<vmem>> -> memref<1x128xi32, #tpu.memory_space<vmem>>
      %dma_wait3A_64 = tpu.memref_squeeze %dma_wait3A_63 : memref<1x128xi32, #tpu.memory_space<vmem>> -> memref<128xi32, #tpu.memory_space<vmem>>
      %dma_wait3A_65 = arith.constant 0 : i32
      %dma_wait3A_66 = arith.constant 0 : i32
      %dma_wait3A_67 = tpu.memref_slice %arg5[%dma_wait3A_65, %dma_wait3A_66] : memref<10000x128xf32, #tpu.memory_space<hbm>> -> memref<10000x128xf32, #tpu.memory_space<hbm>>
      tpu.wait_indirect_dma semaphore(%arg15 : memref<!tpu.dma_semaphore, #tpu.memory_space<semaphore_mem>>) src(%dma_wait3A_67 : memref<10000x128xf32, #tpu.memory_space<hbm>>) dst(%arg12 : memref<128x128xf32, #tpu.memory_space<vmem>>)
      "tpu.region"() ({
        %run_scoped3A = tpu.sem_alloc : memref<!tpu.dma_semaphore, #tpu.memory_space<semaphore_mem>>
        %dma_start3A_68 = arith.constant 0 : i32
        %dma_start3A_69 = tpu.memref_slice %arg10[%add3A_48, %dma_start3A_68] : memref<40x128xi32, #tpu.memory_space<vmem>> -> memref<1x128xi32, #tpu.memory_space<vmem>>
        %dma_start3A_70 = tpu.memref_squeeze %dma_start3A_69 : memref<1x128xi32, #tpu.memory_space<vmem>> -> memref<128xi32, #tpu.memory_space<vmem>>
        %dma_start3A_71 = arith.constant 0 : i32
        %dma_start3A_72 = arith.constant 0 : i32
        %dma_start3A_73 = tpu.memref_slice %arg13[%dma_start3A_71, %dma_start3A_72] : memref<10240x128xf32, #tpu.memory_space<vmem_shared>> -> memref<10240x128xf32, #tpu.memory_space<vmem_shared>>
        tpu.enqueue_indirect_dma source(%arg12 : memref<128x128xf32, #tpu.memory_space<vmem>>) target(%dma_start3A_73 : memref<10240x128xf32, #tpu.memory_space<vmem_shared>>) offsets(%dma_start3A_70 : memref<128xi32, #tpu.memory_space<vmem>>) semaphore(%run_scoped3A : memref<!tpu.dma_semaphore, #tpu.memory_space<semaphore_mem>>) {add = true}
        %dma_wait3A_74 = arith.constant 0 : i32
        %dma_wait3A_75 = tpu.memref_slice %arg10[%add3A_48, %dma_wait3A_74] : memref<40x128xi32, #tpu.memory_space<vmem>> -> memref<1x128xi32, #tpu.memory_space<vmem>>
        %dma_wait3A_76 = tpu.memref_squeeze %dma_wait3A_75 : memref<1x128xi32, #tpu.memory_space<vmem>> -> memref<128xi32, #tpu.memory_space<vmem>>
        %dma_wait3A_77 = arith.constant 0 : i32
        %dma_wait3A_78 = arith.constant 0 : i32
        %dma_wait3A_79 = tpu.memref_slice %arg13[%dma_wait3A_77, %dma_wait3A_78] : memref<10240x128xf32, #tpu.memory_space<vmem_shared>> -> memref<10240x128xf32, #tpu.memory_space<vmem_shared>>
        tpu.wait_indirect_dma semaphore(%run_scoped3A : memref<!tpu.dma_semaphore, #tpu.memory_space<semaphore_mem>>) src(%arg12 : memref<128x128xf32, #tpu.memory_space<vmem>>) dst(%dma_wait3A_79 : memref<10240x128xf32, #tpu.memory_space<vmem_shared>>)
        tpu.yield
      }) : () -> ()
    }
    %scan3A_17 = arith.constant 20 : i32
    %barrier3A_18 = arith.constant 0 : index
    tpu.barrier barrier_id(%barrier3A_18)
    %mul3A_19 = arith.constant 640 : i32
    %mul3A_20 = arith.muli %arg1, %mul3A_19 : i32
    %mul3A_21 = arith.constant 640 : i32
    %mul3A_22 = arith.muli %arg1, %mul3A_21 : i32
    "tpu.region"() ({
      %run_scoped3A = tpu.sem_alloc : memref<!tpu.dma_semaphore, #tpu.memory_space<semaphore_mem>>
      %dma_start3A_44 = arith.constant 0 : i32
      %dma_start3A_45 = arith.constant 0 : i32
      %dma_start3A_46 = tpu.memref_slice %arg7[%arg0, %dma_start3A_44, %dma_start3A_45] : memref<2x10240x128xf32, #tpu.memory_space<hbm>> -> memref<1x10240x128xf32, #tpu.memory_space<hbm>>
      %dma_start3A_47 = tpu.memref_squeeze %dma_start3A_46 : memref<1x10240x128xf32, #tpu.memory_space<hbm>> -> memref<10240x128xf32, #tpu.memory_space<hbm>>
      %dma_start3A_48 = arith.constant 0 : i32
      %dma_start3A_49 = tpu.memref_slice %dma_start3A_47[%mul3A_22, %dma_start3A_48] : memref<10240x128xf32, #tpu.memory_space<hbm>> -> memref<640x128xf32, #tpu.memory_space<hbm>>
      %dma_start3A_50 = arith.constant 0 : i32
      %dma_start3A_51 = tpu.memref_slice %arg13[%mul3A_20, %dma_start3A_50] : memref<10240x128xf32, #tpu.memory_space<vmem_shared>> -> memref<640x128xf32, #tpu.memory_space<vmem_shared>>
      tpu.enqueue_dma source(%dma_start3A_51 : memref<640x128xf32, #tpu.memory_space<vmem_shared>>) target(%dma_start3A_49 : memref<640x128xf32, #tpu.memory_space<hbm>>) target_semaphore(%run_scoped3A : memref<!tpu.dma_semaphore, #tpu.memory_space<semaphore_mem>>)
      %dma_wait3A = arith.constant 0 : i32
      %dma_wait3A_52 = arith.constant 0 : i32
      %dma_wait3A_53 = tpu.memref_slice %arg7[%arg0, %dma_wait3A, %dma_wait3A_52] : memref<2x10240x128xf32, #tpu.memory_space<hbm>> -> memref<1x10240x128xf32, #tpu.memory_space<hbm>>
      %dma_wait3A_54 = tpu.memref_squeeze %dma_wait3A_53 : memref<1x10240x128xf32, #tpu.memory_space<hbm>> -> memref<10240x128xf32, #tpu.memory_space<hbm>>
      %dma_wait3A_55 = arith.constant 0 : i32
      %dma_wait3A_56 = tpu.memref_slice %dma_wait3A_54[%mul3A_22, %dma_wait3A_55] : memref<10240x128xf32, #tpu.memory_space<hbm>> -> memref<640x128xf32, #tpu.memory_space<hbm>>
      %dma_wait3A_57 = arith.constant 0 : i32
      %dma_wait3A_58 = tpu.memref_slice %arg13[%mul3A_20, %dma_wait3A_57] : memref<10240x128xf32, #tpu.memory_space<vmem_shared>> -> memref<640x128xf32, #tpu.memory_space<vmem_shared>>
      tpu.wait_dma2 semaphore(%run_scoped3A : memref<!tpu.dma_semaphore, #tpu.memory_space<semaphore_mem>>) src(%dma_wait3A_58 : memref<640x128xf32, #tpu.memory_space<vmem_shared>>) dst(%dma_wait3A_56 : memref<640x128xf32, #tpu.memory_space<hbm>>)
      tpu.yield
    }) : () -> ()
    %mul3A_23 = arith.constant 640 : i32
    %mul3A_24 = arith.muli %arg1, %mul3A_23 : i32
    "tpu.region"() ({
      %run_scoped3A = tpu.sem_alloc : memref<!tpu.dma_semaphore, #tpu.memory_space<semaphore_mem>>
      %dma_start3A_44 = arith.constant 0 : i32
      %dma_start3A_45 = tpu.memref_slice %arg13[%mul3A_24, %dma_start3A_44] : memref<10240x128xf32, #tpu.memory_space<vmem_shared>> -> memref<640x128xf32, #tpu.memory_space<vmem_shared>>
      tpu.enqueue_dma source(%arg4 : memref<640x128xf32, #tpu.memory_space<hbm>>) target(%dma_start3A_45 : memref<640x128xf32, #tpu.memory_space<vmem_shared>>) target_semaphore(%run_scoped3A : memref<!tpu.dma_semaphore, #tpu.memory_space<semaphore_mem>>)
      %dma_wait3A = arith.constant 0 : i32
      %dma_wait3A_46 = tpu.memref_slice %arg13[%mul3A_24, %dma_wait3A] : memref<10240x128xf32, #tpu.memory_space<vmem_shared>> -> memref<640x128xf32, #tpu.memory_space<vmem_shared>>
      tpu.wait_dma2 semaphore(%run_scoped3A : memref<!tpu.dma_semaphore, #tpu.memory_space<semaphore_mem>>) src(%arg4 : memref<640x128xf32, #tpu.memory_space<hbm>>) dst(%dma_wait3A_46 : memref<640x128xf32, #tpu.memory_space<vmem_shared>>)
      tpu.yield
    }) : () -> ()
    %barrier3A_25 = arith.constant 0 : index
    tpu.barrier barrier_id(%barrier3A_25)
    %dma_start3A_26 = arith.constant 0 : i32
    %dma_start3A_27 = arith.constant 0 : i32
    %dma_start3A_28 = tpu.memref_slice %arg9[%dma_start3A_26, %dma_start3A_27] : memref<40x128xi32, #tpu.memory_space<vmem>> -> memref<1x128xi32, #tpu.memory_space<vmem>>
    %dma_start3A_29 = tpu.memref_squeeze %dma_start3A_28 : memref<1x128xi32, #tpu.memory_space<vmem>> -> memref<128xi32, #tpu.memory_space<vmem>>
    %dma_start3A_30 = arith.constant 0 : i32
    %dma_start3A_31 = arith.constant 0 : i32
    %dma_start3A_32 = tpu.memref_slice %arg6[%dma_start3A_30, %dma_start3A_31] : memref<10000x128xf32, #tpu.memory_space<hbm>> -> memref<10000x128xf32, #tpu.memory_space<hbm>>
    tpu.enqueue_indirect_dma source(%dma_start3A_32 : memref<10000x128xf32, #tpu.memory_space<hbm>>) target(%arg11 : memref<128x128xf32, #tpu.memory_space<vmem>>) offsets(%dma_start3A_29 : memref<128xi32, #tpu.memory_space<vmem>>) semaphore(%arg14 : memref<!tpu.dma_semaphore, #tpu.memory_space<semaphore_mem>>)
    %scan3A_33 = arith.constant 0 : i32
    %scan3A_34 = arith.constant 0 : i32
    %scan3A_35 = arith.constant 20 : i32
    %scan3A_36 = arith.addi %scan3A_34, %scan3A_35 : i32
    %scan3A_37 = arith.constant 1 : i32
    scf.for %scan3A_44 = %scan3A_34 to %scan3A_36 step %scan3A_37  : i32 {
      %mul3A_45 = arith.constant 2 : i32
      %mul3A_46 = arith.muli %mul3A_45, %scan3A_44 : i32
      %add3A_47 = arith.constant 1 : i32
      %add3A_48 = arith.addi %mul3A_46, %add3A_47 : i32
      %dma_start3A_49 = arith.constant 0 : i32
      %dma_start3A_50 = tpu.memref_slice %arg9[%add3A_48, %dma_start3A_49] : memref<40x128xi32, #tpu.memory_space<vmem>> -> memref<1x128xi32, #tpu.memory_space<vmem>>
      %dma_start3A_51 = tpu.memref_squeeze %dma_start3A_50 : memref<1x128xi32, #tpu.memory_space<vmem>> -> memref<128xi32, #tpu.memory_space<vmem>>
      %dma_start3A_52 = arith.constant 0 : i32
      %dma_start3A_53 = arith.constant 0 : i32
      %dma_start3A_54 = tpu.memref_slice %arg6[%dma_start3A_52, %dma_start3A_53] : memref<10000x128xf32, #tpu.memory_space<hbm>> -> memref<10000x128xf32, #tpu.memory_space<hbm>>
      tpu.enqueue_indirect_dma source(%dma_start3A_54 : memref<10000x128xf32, #tpu.memory_space<hbm>>) target(%arg12 : memref<128x128xf32, #tpu.memory_space<vmem>>) offsets(%dma_start3A_51 : memref<128xi32, #tpu.memory_space<vmem>>) semaphore(%arg15 : memref<!tpu.dma_semaphore, #tpu.memory_space<semaphore_mem>>)
      %dma_wait3A = arith.constant 0 : i32
      %dma_wait3A_55 = tpu.memref_slice %arg9[%mul3A_46, %dma_wait3A] : memref<40x128xi32, #tpu.memory_space<vmem>> -> memref<1x128xi32, #tpu.memory_space<vmem>>
      %dma_wait3A_56 = tpu.memref_squeeze %dma_wait3A_55 : memref<1x128xi32, #tpu.memory_space<vmem>> -> memref<128xi32, #tpu.memory_space<vmem>>
      %dma_wait3A_57 = arith.constant 0 : i32
      %dma_wait3A_58 = arith.constant 0 : i32
      %dma_wait3A_59 = tpu.memref_slice %arg6[%dma_wait3A_57, %dma_wait3A_58] : memref<10000x128xf32, #tpu.memory_space<hbm>> -> memref<10000x128xf32, #tpu.memory_space<hbm>>
      tpu.wait_indirect_dma semaphore(%arg14 : memref<!tpu.dma_semaphore, #tpu.memory_space<semaphore_mem>>) src(%dma_wait3A_59 : memref<10000x128xf32, #tpu.memory_space<hbm>>) dst(%arg11 : memref<128x128xf32, #tpu.memory_space<vmem>>)
      "tpu.region"() ({
        %run_scoped3A = tpu.sem_alloc : memref<!tpu.dma_semaphore, #tpu.memory_space<semaphore_mem>>
        %dma_start3A_68 = arith.constant 0 : i32
        %dma_start3A_69 = tpu.memref_slice %arg10[%mul3A_46, %dma_start3A_68] : memref<40x128xi32, #tpu.memory_space<vmem>> -> memref<1x128xi32, #tpu.memory_space<vmem>>
        %dma_start3A_70 = tpu.memref_squeeze %dma_start3A_69 : memref<1x128xi32, #tpu.memory_space<vmem>> -> memref<128xi32, #tpu.memory_space<vmem>>
        %dma_start3A_71 = arith.constant 0 : i32
        %dma_start3A_72 = arith.constant 0 : i32
        %dma_start3A_73 = tpu.memref_slice %arg13[%dma_start3A_71, %dma_start3A_72] : memref<10240x128xf32, #tpu.memory_space<vmem_shared>> -> memref<10240x128xf32, #tpu.memory_space<vmem_shared>>
        tpu.enqueue_indirect_dma source(%arg11 : memref<128x128xf32, #tpu.memory_space<vmem>>) target(%dma_start3A_73 : memref<10240x128xf32, #tpu.memory_space<vmem_shared>>) offsets(%dma_start3A_70 : memref<128xi32, #tpu.memory_space<vmem>>) semaphore(%run_scoped3A : memref<!tpu.dma_semaphore, #tpu.memory_space<semaphore_mem>>) {add = true}
        %dma_wait3A_74 = arith.constant 0 : i32
        %dma_wait3A_75 = tpu.memref_slice %arg10[%mul3A_46, %dma_wait3A_74] : memref<40x128xi32, #tpu.memory_space<vmem>> -> memref<1x128xi32, #tpu.memory_space<vmem>>
        %dma_wait3A_76 = tpu.memref_squeeze %dma_wait3A_75 : memref<1x128xi32, #tpu.memory_space<vmem>> -> memref<128xi32, #tpu.memory_space<vmem>>
        %dma_wait3A_77 = arith.constant 0 : i32
        %dma_wait3A_78 = arith.constant 0 : i32
        %dma_wait3A_79 = tpu.memref_slice %arg13[%dma_wait3A_77, %dma_wait3A_78] : memref<10240x128xf32, #tpu.memory_space<vmem_shared>> -> memref<10240x128xf32, #tpu.memory_space<vmem_shared>>
        tpu.wait_indirect_dma semaphore(%run_scoped3A : memref<!tpu.dma_semaphore, #tpu.memory_space<semaphore_mem>>) src(%arg11 : memref<128x128xf32, #tpu.memory_space<vmem>>) dst(%dma_wait3A_79 : memref<10240x128xf32, #tpu.memory_space<vmem_shared>>)
        tpu.yield
      }) : () -> ()
      %lt3A = arith.constant 19 : i32
      %lt3A_60 = arith.cmpi slt, %scan3A_44, %lt3A : i32
      %convert_element_type3A = arith.extui %lt3A_60 : i1 to i32
      %cond3A = arith.constant 0 : i32
      %cond3A_61 = arith.cmpi ne, %convert_element_type3A, %cond3A : i32
      scf.if %cond3A_61 {
        %add3A_68 = arith.constant 2 : i32
        %add3A_69 = arith.addi %mul3A_46, %add3A_68 : i32
        %dma_start3A_70 = arith.constant 0 : i32
        %dma_start3A_71 = tpu.memref_slice %arg9[%add3A_69, %dma_start3A_70] : memref<40x128xi32, #tpu.memory_space<vmem>> -> memref<1x128xi32, #tpu.memory_space<vmem>>
        %dma_start3A_72 = tpu.memref_squeeze %dma_start3A_71 : memref<1x128xi32, #tpu.memory_space<vmem>> -> memref<128xi32, #tpu.memory_space<vmem>>
        %dma_start3A_73 = arith.constant 0 : i32
        %dma_start3A_74 = arith.constant 0 : i32
        %dma_start3A_75 = tpu.memref_slice %arg6[%dma_start3A_73, %dma_start3A_74] : memref<10000x128xf32, #tpu.memory_space<hbm>> -> memref<10000x128xf32, #tpu.memory_space<hbm>>
        tpu.enqueue_indirect_dma source(%dma_start3A_75 : memref<10000x128xf32, #tpu.memory_space<hbm>>) target(%arg11 : memref<128x128xf32, #tpu.memory_space<vmem>>) offsets(%dma_start3A_72 : memref<128xi32, #tpu.memory_space<vmem>>) semaphore(%arg14 : memref<!tpu.dma_semaphore, #tpu.memory_space<semaphore_mem>>)
      } else {
      }
      %dma_wait3A_62 = arith.constant 0 : i32
      %dma_wait3A_63 = tpu.memref_slice %arg9[%add3A_48, %dma_wait3A_62] : memref<40x128xi32, #tpu.memory_space<vmem>> -> memref<1x128xi32, #tpu.memory_space<vmem>>
      %dma_wait3A_64 = tpu.memref_squeeze %dma_wait3A_63 : memref<1x128xi32, #tpu.memory_space<vmem>> -> memref<128xi32, #tpu.memory_space<vmem>>
      %dma_wait3A_65 = arith.constant 0 : i32
      %dma_wait3A_66 = arith.constant 0 : i32
      %dma_wait3A_67 = tpu.memref_slice %arg6[%dma_wait3A_65, %dma_wait3A_66] : memref<10000x128xf32, #tpu.memory_space<hbm>> -> memref<10000x128xf32, #tpu.memory_space<hbm>>
      tpu.wait_indirect_dma semaphore(%arg15 : memref<!tpu.dma_semaphore, #tpu.memory_space<semaphore_mem>>) src(%dma_wait3A_67 : memref<10000x128xf32, #tpu.memory_space<hbm>>) dst(%arg12 : memref<128x128xf32, #tpu.memory_space<vmem>>)
      "tpu.region"() ({
        %run_scoped3A = tpu.sem_alloc : memref<!tpu.dma_semaphore, #tpu.memory_space<semaphore_mem>>
        %dma_start3A_68 = arith.constant 0 : i32
        %dma_start3A_69 = tpu.memref_slice %arg10[%add3A_48, %dma_start3A_68] : memref<40x128xi32, #tpu.memory_space<vmem>> -> memref<1x128xi32, #tpu.memory_space<vmem>>
        %dma_start3A_70 = tpu.memref_squeeze %dma_start3A_69 : memref<1x128xi32, #tpu.memory_space<vmem>> -> memref<128xi32, #tpu.memory_space<vmem>>
        %dma_start3A_71 = arith.constant 0 : i32
        %dma_start3A_72 = arith.constant 0 : i32
        %dma_start3A_73 = tpu.memref_slice %arg13[%dma_start3A_71, %dma_start3A_72] : memref<10240x128xf32, #tpu.memory_space<vmem_shared>> -> memref<10240x128xf32, #tpu.memory_space<vmem_shared>>
        tpu.enqueue_indirect_dma source(%arg12 : memref<128x128xf32, #tpu.memory_space<vmem>>) target(%dma_start3A_73 : memref<10240x128xf32, #tpu.memory_space<vmem_shared>>) offsets(%dma_start3A_70 : memref<128xi32, #tpu.memory_space<vmem>>) semaphore(%run_scoped3A : memref<!tpu.dma_semaphore, #tpu.memory_space<semaphore_mem>>) {add = true}
        %dma_wait3A_74 = arith.constant 0 : i32
        %dma_wait3A_75 = tpu.memref_slice %arg10[%add3A_48, %dma_wait3A_74] : memref<40x128xi32, #tpu.memory_space<vmem>> -> memref<1x128xi32, #tpu.memory_space<vmem>>
        %dma_wait3A_76 = tpu.memref_squeeze %dma_wait3A_75 : memref<1x128xi32, #tpu.memory_space<vmem>> -> memref<128xi32, #tpu.memory_space<vmem>>
        %dma_wait3A_77 = arith.constant 0 : i32
        %dma_wait3A_78 = arith.constant 0 : i32
        %dma_wait3A_79 = tpu.memref_slice %arg13[%dma_wait3A_77, %dma_wait3A_78] : memref<10240x128xf32, #tpu.memory_space<vmem_shared>> -> memref<10240x128xf32, #tpu.memory_space<vmem_shared>>
        tpu.wait_indirect_dma semaphore(%run_scoped3A : memref<!tpu.dma_semaphore, #tpu.memory_space<semaphore_mem>>) src(%arg12 : memref<128x128xf32, #tpu.memory_space<vmem>>) dst(%dma_wait3A_79 : memref<10240x128xf32, #tpu.memory_space<vmem_shared>>)
        tpu.yield
      }) : () -> ()
    }
    %scan3A_38 = arith.constant 20 : i32
    %barrier3A_39 = arith.constant 0 : index
    tpu.barrier barrier_id(%barrier3A_39)
    %mul3A_40 = arith.constant 640 : i32
    %mul3A_41 = arith.muli %arg1, %mul3A_40 : i32
    %mul3A_42 = arith.constant 640 : i32
    %mul3A_43 = arith.muli %arg1, %mul3A_42 : i32
    "tpu.region"() ({
      %run_scoped3A = tpu.sem_alloc : memref<!tpu.dma_semaphore, #tpu.memory_space<semaphore_mem>>
      %dma_start3A_44 = arith.constant 0 : i32
      %dma_start3A_45 = arith.constant 0 : i32
      %dma_start3A_46 = tpu.memref_slice %arg8[%arg0, %dma_start3A_44, %dma_start3A_45] : memref<2x10240x128xf32, #tpu.memory_space<hbm>> -> memref<1x10240x128xf32, #tpu.memory_space<hbm>>
      %dma_start3A_47 = tpu.memref_squeeze %dma_start3A_46 : memref<1x10240x128xf32, #tpu.memory_space<hbm>> -> memref<10240x128xf32, #tpu.memory_space<hbm>>
      %dma_start3A_48 = arith.constant 0 : i32
      %dma_start3A_49 = tpu.memref_slice %dma_start3A_47[%mul3A_43, %dma_start3A_48] : memref<10240x128xf32, #tpu.memory_space<hbm>> -> memref<640x128xf32, #tpu.memory_space<hbm>>
      %dma_start3A_50 = arith.constant 0 : i32
      %dma_start3A_51 = tpu.memref_slice %arg13[%mul3A_41, %dma_start3A_50] : memref<10240x128xf32, #tpu.memory_space<vmem_shared>> -> memref<640x128xf32, #tpu.memory_space<vmem_shared>>
      tpu.enqueue_dma source(%dma_start3A_51 : memref<640x128xf32, #tpu.memory_space<vmem_shared>>) target(%dma_start3A_49 : memref<640x128xf32, #tpu.memory_space<hbm>>) target_semaphore(%run_scoped3A : memref<!tpu.dma_semaphore, #tpu.memory_space<semaphore_mem>>)
      %dma_wait3A = arith.constant 0 : i32
      %dma_wait3A_52 = arith.constant 0 : i32
      %dma_wait3A_53 = tpu.memref_slice %arg8[%arg0, %dma_wait3A, %dma_wait3A_52] : memref<2x10240x128xf32, #tpu.memory_space<hbm>> -> memref<1x10240x128xf32, #tpu.memory_space<hbm>>
      %dma_wait3A_54 = tpu.memref_squeeze %dma_wait3A_53 : memref<1x10240x128xf32, #tpu.memory_space<hbm>> -> memref<10240x128xf32, #tpu.memory_space<hbm>>
      %dma_wait3A_55 = arith.constant 0 : i32
      %dma_wait3A_56 = tpu.memref_slice %dma_wait3A_54[%mul3A_43, %dma_wait3A_55] : memref<10240x128xf32, #tpu.memory_space<hbm>> -> memref<640x128xf32, #tpu.memory_space<hbm>>
      %dma_wait3A_57 = arith.constant 0 : i32
      %dma_wait3A_58 = tpu.memref_slice %arg13[%mul3A_41, %dma_wait3A_57] : memref<10240x128xf32, #tpu.memory_space<vmem_shared>> -> memref<640x128xf32, #tpu.memory_space<vmem_shared>>
      tpu.wait_dma2 semaphore(%run_scoped3A : memref<!tpu.dma_semaphore, #tpu.memory_space<semaphore_mem>>) src(%dma_wait3A_58 : memref<640x128xf32, #tpu.memory_space<vmem_shared>>) dst(%dma_wait3A_56 : memref<640x128xf32, #tpu.memory_space<hbm>>)
      tpu.yield
    }) : () -> ()
    return
  }
}

#map = affine_map<(d0, d1) -> (0, 0)>
#map1 = affine_map<(d0, d1) -> (0, 0, 0)>
module attributes {stable_mosaic.version = 14 : i64} {
  func.func @k(%arg0: i32, %arg1: i32, %arg2: memref<1280x128xi32, #tpu.memory_space<hbm>>, %arg3: memref<640x128xf32, #tpu.memory_space<hbm>>, %arg4: memref<128x128xf32, #tpu.memory_space<hbm>>, %arg5: memref<2x10240x128xf32, #tpu.memory_space<hbm>>, %arg6: memref<40x128xi32, #tpu.memory_space<vmem>>, %arg7: memref<128x128xf32, #tpu.memory_space<vmem>>, %arg8: memref<10240x128xf32, #tpu.memory_space<vmem_shared>>) attributes {dimension_semantics = [#tpu.dimension_semantics<core_parallel>, #tpu.dimension_semantics<subcore_parallel>], iteration_bounds = array<i64: 2, 16>, scalar_prefetch = 0 : i64, scratch_operands = 3 : i64, tpu.core_type = #tpu.core_type<sc_vector_subcore>, window_params = [{transform_indices = #map}, {transform_indices = #map}, {transform_indices = #map}, {transform_indices = #map1}]} {
    %mul3A = arith.constant 2 : i32
    %mul3A_0 = arith.muli %arg1, %mul3A : i32
    %add3A = arith.addi %mul3A_0, %arg0 : i32
    %mul3A_1 = arith.constant 40 : i32
    %mul3A_2 = arith.muli %add3A, %mul3A_1 : i32
    "tpu.region"() ({
      %run_scoped3A = tpu.sem_alloc : memref<!tpu.dma_semaphore, #tpu.memory_space<semaphore_mem>>
      %dma_start3A = arith.constant 0 : i32
      %dma_start3A_15 = tpu.memref_slice %arg2[%mul3A_2, %dma_start3A] : memref<1280x128xi32, #tpu.memory_space<hbm>> -> memref<40x128xi32, #tpu.memory_space<hbm>>
      %dma_start3A_16 = arith.constant 0 : i32
      %dma_start3A_17 = tpu.memref_slice %arg2[%mul3A_2, %dma_start3A_16] : memref<1280x128xi32, #tpu.memory_space<hbm>> -> memref<40x128xi32, #tpu.memory_space<hbm>>
      tpu.enqueue_dma source(%dma_start3A_17 : memref<40x128xi32, #tpu.memory_space<hbm>>) target(%arg6 : memref<40x128xi32, #tpu.memory_space<vmem>>) target_semaphore(%run_scoped3A : memref<!tpu.dma_semaphore, #tpu.memory_space<semaphore_mem>>)
      %dma_wait3A = arith.constant 0 : i32
      %dma_wait3A_18 = tpu.memref_slice %arg2[%mul3A_2, %dma_wait3A] : memref<1280x128xi32, #tpu.memory_space<hbm>> -> memref<40x128xi32, #tpu.memory_space<hbm>>
      %dma_wait3A_19 = arith.constant 0 : i32
      %dma_wait3A_20 = tpu.memref_slice %arg2[%mul3A_2, %dma_wait3A_19] : memref<1280x128xi32, #tpu.memory_space<hbm>> -> memref<40x128xi32, #tpu.memory_space<hbm>>
      tpu.wait_dma2 semaphore(%run_scoped3A : memref<!tpu.dma_semaphore, #tpu.memory_space<semaphore_mem>>) src(%dma_wait3A_20 : memref<40x128xi32, #tpu.memory_space<hbm>>) dst(%arg6 : memref<40x128xi32, #tpu.memory_space<vmem>>)
      tpu.yield
    }) : () -> ()
    "tpu.region"() ({
      %run_scoped3A = tpu.sem_alloc : memref<!tpu.dma_semaphore, #tpu.memory_space<semaphore_mem>>
      tpu.enqueue_dma source(%arg4 : memref<128x128xf32, #tpu.memory_space<hbm>>) target(%arg7 : memref<128x128xf32, #tpu.memory_space<vmem>>) target_semaphore(%run_scoped3A : memref<!tpu.dma_semaphore, #tpu.memory_space<semaphore_mem>>)
      tpu.wait_dma2 semaphore(%run_scoped3A : memref<!tpu.dma_semaphore, #tpu.memory_space<semaphore_mem>>) src(%arg4 : memref<128x128xf32, #tpu.memory_space<hbm>>) dst(%arg7 : memref<128x128xf32, #tpu.memory_space<vmem>>)
      tpu.yield
    }) : () -> ()
    %mul3A_3 = arith.constant 640 : i32
    %mul3A_4 = arith.muli %arg1, %mul3A_3 : i32
    "tpu.region"() ({
      %run_scoped3A = tpu.sem_alloc : memref<!tpu.dma_semaphore, #tpu.memory_space<semaphore_mem>>
      %dma_start3A = arith.constant 0 : i32
      %dma_start3A_15 = tpu.memref_slice %arg8[%mul3A_4, %dma_start3A] : memref<10240x128xf32, #tpu.memory_space<vmem_shared>> -> memref<640x128xf32, #tpu.memory_space<vmem_shared>>
      tpu.enqueue_dma source(%arg3 : memref<640x128xf32, #tpu.memory_space<hbm>>) target(%dma_start3A_15 : memref<640x128xf32, #tpu.memory_space<vmem_shared>>) target_semaphore(%run_scoped3A : memref<!tpu.dma_semaphore, #tpu.memory_space<semaphore_mem>>)
      %dma_wait3A = arith.constant 0 : i32
      %dma_wait3A_16 = tpu.memref_slice %arg8[%mul3A_4, %dma_wait3A] : memref<10240x128xf32, #tpu.memory_space<vmem_shared>> -> memref<640x128xf32, #tpu.memory_space<vmem_shared>>
      tpu.wait_dma2 semaphore(%run_scoped3A : memref<!tpu.dma_semaphore, #tpu.memory_space<semaphore_mem>>) src(%arg3 : memref<640x128xf32, #tpu.memory_space<hbm>>) dst(%dma_wait3A_16 : memref<640x128xf32, #tpu.memory_space<vmem_shared>>)
      tpu.yield
    }) : () -> ()
    %barrier3A = arith.constant 0 : index
    tpu.barrier barrier_id(%barrier3A)
    %scan3A = arith.constant 0 : i32
    %scan3A_5 = arith.constant 0 : i32
    %scan3A_6 = arith.constant 40 : i32
    %scan3A_7 = arith.addi %scan3A_5, %scan3A_6 : i32
    %scan3A_8 = arith.constant 1 : i32
    scf.for %scan3A_15 = %scan3A_5 to %scan3A_7 step %scan3A_8  : i32 {
      "tpu.region"() ({
        %run_scoped3A = tpu.sem_alloc : memref<!tpu.dma_semaphore, #tpu.memory_space<semaphore_mem>>
        %dma_start3A = arith.constant 0 : i32
        %dma_start3A_16 = tpu.memref_slice %arg6[%scan3A_15, %dma_start3A] : memref<40x128xi32, #tpu.memory_space<vmem>> -> memref<1x128xi32, #tpu.memory_space<vmem>>
        %dma_start3A_17 = tpu.memref_squeeze %dma_start3A_16 : memref<1x128xi32, #tpu.memory_space<vmem>> -> memref<128xi32, #tpu.memory_space<vmem>>
        %dma_start3A_18 = arith.constant 0 : i32
        %dma_start3A_19 = arith.constant 0 : i32
        %dma_start3A_20 = tpu.memref_slice %arg8[%dma_start3A_18, %dma_start3A_19] : memref<10240x128xf32, #tpu.memory_space<vmem_shared>> -> memref<10240x128xf32, #tpu.memory_space<vmem_shared>>
        tpu.enqueue_indirect_dma source(%arg7 : memref<128x128xf32, #tpu.memory_space<vmem>>) target(%dma_start3A_20 : memref<10240x128xf32, #tpu.memory_space<vmem_shared>>) offsets(%dma_start3A_17 : memref<128xi32, #tpu.memory_space<vmem>>) semaphore(%run_scoped3A : memref<!tpu.dma_semaphore, #tpu.memory_space<semaphore_mem>>) {add = true}
        %dma_wait3A = arith.constant 0 : i32
        %dma_wait3A_21 = tpu.memref_slice %arg6[%scan3A_15, %dma_wait3A] : memref<40x128xi32, #tpu.memory_space<vmem>> -> memref<1x128xi32, #tpu.memory_space<vmem>>
        %dma_wait3A_22 = tpu.memref_squeeze %dma_wait3A_21 : memref<1x128xi32, #tpu.memory_space<vmem>> -> memref<128xi32, #tpu.memory_space<vmem>>
        %dma_wait3A_23 = arith.constant 0 : i32
        %dma_wait3A_24 = arith.constant 0 : i32
        %dma_wait3A_25 = tpu.memref_slice %arg8[%dma_wait3A_23, %dma_wait3A_24] : memref<10240x128xf32, #tpu.memory_space<vmem_shared>> -> memref<10240x128xf32, #tpu.memory_space<vmem_shared>>
        tpu.wait_indirect_dma semaphore(%run_scoped3A : memref<!tpu.dma_semaphore, #tpu.memory_space<semaphore_mem>>) src(%arg7 : memref<128x128xf32, #tpu.memory_space<vmem>>) dst(%dma_wait3A_25 : memref<10240x128xf32, #tpu.memory_space<vmem_shared>>)
        tpu.yield
      }) : () -> ()
    }
    %scan3A_9 = arith.constant 40 : i32
    %barrier3A_10 = arith.constant 0 : index
    tpu.barrier barrier_id(%barrier3A_10)
    %mul3A_11 = arith.constant 640 : i32
    %mul3A_12 = arith.muli %arg1, %mul3A_11 : i32
    %mul3A_13 = arith.constant 640 : i32
    %mul3A_14 = arith.muli %arg1, %mul3A_13 : i32
    "tpu.region"() ({
      %run_scoped3A = tpu.sem_alloc : memref<!tpu.dma_semaphore, #tpu.memory_space<semaphore_mem>>
      %dma_start3A = arith.constant 0 : i32
      %dma_start3A_15 = arith.constant 0 : i32
      %dma_start3A_16 = tpu.memref_slice %arg5[%arg0, %dma_start3A, %dma_start3A_15] : memref<2x10240x128xf32, #tpu.memory_space<hbm>> -> memref<1x10240x128xf32, #tpu.memory_space<hbm>>
      %dma_start3A_17 = tpu.memref_squeeze %dma_start3A_16 : memref<1x10240x128xf32, #tpu.memory_space<hbm>> -> memref<10240x128xf32, #tpu.memory_space<hbm>>
      %dma_start3A_18 = arith.constant 0 : i32
      %dma_start3A_19 = tpu.memref_slice %dma_start3A_17[%mul3A_14, %dma_start3A_18] : memref<10240x128xf32, #tpu.memory_space<hbm>> -> memref<640x128xf32, #tpu.memory_space<hbm>>
      %dma_start3A_20 = arith.constant 0 : i32
      %dma_start3A_21 = tpu.memref_slice %arg8[%mul3A_12, %dma_start3A_20] : memref<10240x128xf32, #tpu.memory_space<vmem_shared>> -> memref<640x128xf32, #tpu.memory_space<vmem_shared>>
      tpu.enqueue_dma source(%dma_start3A_21 : memref<640x128xf32, #tpu.memory_space<vmem_shared>>) target(%dma_start3A_19 : memref<640x128xf32, #tpu.memory_space<hbm>>) target_semaphore(%run_scoped3A : memref<!tpu.dma_semaphore, #tpu.memory_space<semaphore_mem>>)
      %dma_wait3A = arith.constant 0 : i32
      %dma_wait3A_22 = arith.constant 0 : i32
      %dma_wait3A_23 = tpu.memref_slice %arg5[%arg0, %dma_wait3A, %dma_wait3A_22] : memref<2x10240x128xf32, #tpu.memory_space<hbm>> -> memref<1x10240x128xf32, #tpu.memory_space<hbm>>
      %dma_wait3A_24 = tpu.memref_squeeze %dma_wait3A_23 : memref<1x10240x128xf32, #tpu.memory_space<hbm>> -> memref<10240x128xf32, #tpu.memory_space<hbm>>
      %dma_wait3A_25 = arith.constant 0 : i32
      %dma_wait3A_26 = tpu.memref_slice %dma_wait3A_24[%mul3A_14, %dma_wait3A_25] : memref<10240x128xf32, #tpu.memory_space<hbm>> -> memref<640x128xf32, #tpu.memory_space<hbm>>
      %dma_wait3A_27 = arith.constant 0 : i32
      %dma_wait3A_28 = tpu.memref_slice %arg8[%mul3A_12, %dma_wait3A_27] : memref<10240x128xf32, #tpu.memory_space<vmem_shared>> -> memref<640x128xf32, #tpu.memory_space<vmem_shared>>
      tpu.wait_dma2 semaphore(%run_scoped3A : memref<!tpu.dma_semaphore, #tpu.memory_space<semaphore_mem>>) src(%dma_wait3A_28 : memref<640x128xf32, #tpu.memory_space<vmem_shared>>) dst(%dma_wait3A_26 : memref<640x128xf32, #tpu.memory_space<hbm>>)
      tpu.yield
    }) : () -> ()
    return
  }
}

#map = affine_map<(d0, d1) -> (0, 0)>
#map1 = affine_map<(d0, d1) -> (0, 0, 0)>
module attributes {stable_mosaic.version = 14 : i64} {
  func.func @k(%arg0: i32, %arg1: i32, %arg2: memref<1280x128xi32, #tpu.memory_space<hbm>>, %arg3: memref<1280x128xi32, #tpu.memory_space<hbm>>, %arg4: memref<640x128xf32, #tpu.memory_space<hbm>>, %arg5: memref<10000x128xf32, #tpu.memory_space<hbm>>, %arg6: memref<10000x128xf32, #tpu.memory_space<hbm>>, %arg7: memref<2x10240x128xf32, #tpu.memory_space<hbm>>, %arg8: memref<2x10240x128xf32, #tpu.memory_space<hbm>>, %arg9: memref<40x128xi32, #tpu.memory_space<vmem>>, %arg10: memref<40x128xi32, #tpu.memory_space<vmem>>, %arg11: memref<128x128xf32, #tpu.memory_space<vmem>>, %arg12: memref<128x128xf32, #tpu.memory_space<vmem>>, %arg13: memref<10240x128xf32, #tpu.memory_space<vmem_shared>>, %arg14: memref<!tpu.dma_semaphore, #tpu.memory_space<semaphore_mem>>, %arg15: memref<!tpu.dma_semaphore, #tpu.memory_space<semaphore_mem>>) attributes {dimension_semantics = [#tpu.dimension_semantics<core_parallel>, #tpu.dimension_semantics<subcore_parallel>], iteration_bounds = array<i64: 2, 16>, scalar_prefetch = 0 : i64, scratch_operands = 7 : i64, tpu.core_type = #tpu.core_type<sc_vector_subcore>, window_params = [{transform_indices = #map}, {transform_indices = #map}, {transform_indices = #map}, {transform_indices = #map}, {transform_indices = #map}, {transform_indices = #map1}, {transform_indices = #map1}]} {
    %mul3A = arith.constant 2 : i32
    %mul3A_0 = arith.muli %arg1, %mul3A : i32
    %add3A = arith.addi %mul3A_0, %arg0 : i32
    %mul3A_1 = arith.constant 40 : i32
    %mul3A_2 = arith.muli %add3A, %mul3A_1 : i32
    "tpu.region"() ({
      %run_scoped3A = tpu.sem_alloc : memref<!tpu.dma_semaphore, #tpu.memory_space<semaphore_mem>>
      %dma_start3A_44 = arith.constant 0 : i32
      %dma_start3A_45 = tpu.memref_slice %arg2[%mul3A_2, %dma_start3A_44] : memref<1280x128xi32, #tpu.memory_space<hbm>> -> memref<40x128xi32, #tpu.memory_space<hbm>>
      %dma_start3A_46 = arith.constant 0 : i32
      %dma_start3A_47 = tpu.memref_slice %arg2[%mul3A_2, %dma_start3A_46] : memref<1280x128xi32, #tpu.memory_space<hbm>> -> memref<40x128xi32, #tpu.memory_space<hbm>>
      tpu.enqueue_dma source(%dma_start3A_47 : memref<40x128xi32, #tpu.memory_space<hbm>>) target(%arg9 : memref<40x128xi32, #tpu.memory_space<vmem>>) target_semaphore(%run_scoped3A : memref<!tpu.dma_semaphore, #tpu.memory_space<semaphore_mem>>)
      %dma_wait3A = arith.constant 0 : i32
      %dma_wait3A_48 = tpu.memref_slice %arg2[%mul3A_2, %dma_wait3A] : memref<1280x128xi32, #tpu.memory_space<hbm>> -> memref<40x128xi32, #tpu.memory_space<hbm>>
      %dma_wait3A_49 = arith.constant 0 : i32
      %dma_wait3A_50 = tpu.memref_slice %arg2[%mul3A_2, %dma_wait3A_49] : memref<1280x128xi32, #tpu.memory_space<hbm>> -> memref<40x128xi32, #tpu.memory_space<hbm>>
      tpu.wait_dma2 semaphore(%run_scoped3A : memref<!tpu.dma_semaphore, #tpu.memory_space<semaphore_mem>>) src(%dma_wait3A_50 : memref<40x128xi32, #tpu.memory_space<hbm>>) dst(%arg9 : memref<40x128xi32, #tpu.memory_space<vmem>>)
      tpu.yield
    }) : () -> ()
    %mul3A_3 = arith.constant 40 : i32
    %mul3A_4 = arith.muli %add3A, %mul3A_3 : i32
    "tpu.region"() ({
      %run_scoped3A = tpu.sem_alloc : memref<!tpu.dma_semaphore, #tpu.memory_space<semaphore_mem>>
      %dma_start3A_44 = arith.constant 0 : i32
      %dma_start3A_45 = tpu.memref_slice %arg3[%mul3A_4, %dma_start3A_44] : memref<1280x128xi32, #tpu.memory_space<hbm>> -> memref<40x128xi32, #tpu.memory_space<hbm>>
      %dma_start3A_46 = arith.constant 0 : i32
      %dma_start3A_47 = tpu.memref_slice %arg3[%mul3A_4, %dma_start3A_46] : memref<1280x128xi32, #tpu.memory_space<hbm>> -> memref<40x128xi32, #tpu.memory_space<hbm>>
      tpu.enqueue_dma source(%dma_start3A_47 : memref<40x128xi32, #tpu.memory_space<hbm>>) target(%arg10 : memref<40x128xi32, #tpu.memory_space<vmem>>) target_semaphore(%run_scoped3A : memref<!tpu.dma_semaphore, #tpu.memory_space<semaphore_mem>>)
      %dma_wait3A = arith.constant 0 : i32
      %dma_wait3A_48 = tpu.memref_slice %arg3[%mul3A_4, %dma_wait3A] : memref<1280x128xi32, #tpu.memory_space<hbm>> -> memref<40x128xi32, #tpu.memory_space<hbm>>
      %dma_wait3A_49 = arith.constant 0 : i32
      %dma_wait3A_50 = tpu.memref_slice %arg3[%mul3A_4, %dma_wait3A_49] : memref<1280x128xi32, #tpu.memory_space<hbm>> -> memref<40x128xi32, #tpu.memory_space<hbm>>
      tpu.wait_dma2 semaphore(%run_scoped3A : memref<!tpu.dma_semaphore, #tpu.memory_space<semaphore_mem>>) src(%dma_wait3A_50 : memref<40x128xi32, #tpu.memory_space<hbm>>) dst(%arg10 : memref<40x128xi32, #tpu.memory_space<vmem>>)
      tpu.yield
    }) : () -> ()
    %mul3A_5 = arith.constant 640 : i32
    %mul3A_6 = arith.muli %arg1, %mul3A_5 : i32
    "tpu.region"() ({
      %run_scoped3A = tpu.sem_alloc : memref<!tpu.dma_semaphore, #tpu.memory_space<semaphore_mem>>
      %dma_start3A_44 = arith.constant 0 : i32
      %dma_start3A_45 = tpu.memref_slice %arg13[%mul3A_6, %dma_start3A_44] : memref<10240x128xf32, #tpu.memory_space<vmem_shared>> -> memref<640x128xf32, #tpu.memory_space<vmem_shared>>
      tpu.enqueue_dma source(%arg4 : memref<640x128xf32, #tpu.memory_space<hbm>>) target(%dma_start3A_45 : memref<640x128xf32, #tpu.memory_space<vmem_shared>>) target_semaphore(%run_scoped3A : memref<!tpu.dma_semaphore, #tpu.memory_space<semaphore_mem>>)
      %dma_wait3A = arith.constant 0 : i32
      %dma_wait3A_46 = tpu.memref_slice %arg13[%mul3A_6, %dma_wait3A] : memref<10240x128xf32, #tpu.memory_space<vmem_shared>> -> memref<640x128xf32, #tpu.memory_space<vmem_shared>>
      tpu.wait_dma2 semaphore(%run_scoped3A : memref<!tpu.dma_semaphore, #tpu.memory_space<semaphore_mem>>) src(%arg4 : memref<640x128xf32, #tpu.memory_space<hbm>>) dst(%dma_wait3A_46 : memref<640x128xf32, #tpu.memory_space<vmem_shared>>)
      tpu.yield
    }) : () -> ()
    %barrier3A = arith.constant 0 : index
    tpu.barrier barrier_id(%barrier3A)
    %dma_start3A = arith.constant 0 : i32
    %dma_start3A_7 = arith.constant 0 : i32
    %dma_start3A_8 = tpu.memref_slice %arg9[%dma_start3A, %dma_start3A_7] : memref<40x128xi32, #tpu.memory_space<vmem>> -> memref<1x128xi32, #tpu.memory_space<vmem>>
    %dma_start3A_9 = tpu.memref_squeeze %dma_start3A_8 : memref<1x128xi32, #tpu.memory_space<vmem>> -> memref<128xi32, #tpu.memory_space<vmem>>
    %dma_start3A_10 = arith.constant 0 : i32
    %dma_start3A_11 = arith.constant 0 : i32
    %dma_start3A_12 = tpu.memref_slice %arg5[%dma_start3A_10, %dma_start3A_11] : memref<10000x128xf32, #tpu.memory_space<hbm>> -> memref<10000x128xf32, #tpu.memory_space<hbm>>
    tpu.enqueue_indirect_dma source(%dma_start3A_12 : memref<10000x128xf32, #tpu.memory_space<hbm>>) target(%arg11 : memref<128x128xf32, #tpu.memory_space<vmem>>) offsets(%dma_start3A_9 : memref<128xi32, #tpu.memory_space<vmem>>) semaphore(%arg14 : memref<!tpu.dma_semaphore, #tpu.memory_space<semaphore_mem>>)
    %scan3A = arith.constant 0 : i32
    %scan3A_13 = arith.constant 0 : i32
    %scan3A_14 = arith.constant 20 : i32
    %scan3A_15 = arith.addi %scan3A_13, %scan3A_14 : i32
    %scan3A_16 = arith.constant 1 : i32
    scf.for %scan3A_44 = %scan3A_13 to %scan3A_15 step %scan3A_16  : i32 {
      %mul3A_45 = arith.constant 2 : i32
      %mul3A_46 = arith.muli %mul3A_45, %scan3A_44 : i32
      %add3A_47 = arith.constant 1 : i32
      %add3A_48 = arith.addi %mul3A_46, %add3A_47 : i32
      %dma_start3A_49 = arith.constant 0 : i32
      %dma_start3A_50 = tpu.memref_slice %arg9[%add3A_48, %dma_start3A_49] : memref<40x128xi32, #tpu.memory_space<vmem>> -> memref<1x128xi32, #tpu.memory_space<vmem>>
      %dma_start3A_51 = tpu.memref_squeeze %dma_start3A_50 : memref<1x128xi32, #tpu.memory_space<vmem>> -> memref<128xi32, #tpu.memory_space<vmem>>
      %dma_start3A_52 = arith.constant 0 : i32
      %dma_start3A_53 = arith.constant 0 : i32
      %dma_start3A_54 = tpu.memref_slice %arg5[%dma_start3A_52, %dma_start3A_53] : memref<10000x128xf32, #tpu.memory_space<hbm>> -> memref<10000x128xf32, #tpu.memory_space<hbm>>
      tpu.enqueue_indirect_dma source(%dma_start3A_54 : memref<10000x128xf32, #tpu.memory_space<hbm>>) target(%arg12 : memref<128x128xf32, #tpu.memory_space<vmem>>) offsets(%dma_start3A_51 : memref<128xi32, #tpu.memory_space<vmem>>) semaphore(%arg15 : memref<!tpu.dma_semaphore, #tpu.memory_space<semaphore_mem>>)
      %dma_wait3A = arith.constant 0 : i32
      %dma_wait3A_55 = tpu.memref_slice %arg9[%mul3A_46, %dma_wait3A] : memref<40x128xi32, #tpu.memory_space<vmem>> -> memref<1x128xi32, #tpu.memory_space<vmem>>
      %dma_wait3A_56 = tpu.memref_squeeze %dma_wait3A_55 : memref<1x128xi32, #tpu.memory_space<vmem>> -> memref<128xi32, #tpu.memory_space<vmem>>
      %dma_wait3A_57 = arith.constant 0 : i32
      %dma_wait3A_58 = arith.constant 0 : i32
      %dma_wait3A_59 = tpu.memref_slice %arg5[%dma_wait3A_57, %dma_wait3A_58] : memref<10000x128xf32, #tpu.memory_space<hbm>> -> memref<10000x128xf32, #tpu.memory_space<hbm>>
      tpu.wait_indirect_dma semaphore(%arg14 : memref<!tpu.dma_semaphore, #tpu.memory_space<semaphore_mem>>) src(%dma_wait3A_59 : memref<10000x128xf32, #tpu.memory_space<hbm>>) dst(%arg11 : memref<128x128xf32, #tpu.memory_space<vmem>>)
      "tpu.region"() ({
        %run_scoped3A = tpu.sem_alloc : memref<!tpu.dma_semaphore, #tpu.memory_space<semaphore_mem>>
        %dma_start3A_68 = arith.constant 0 : i32
        %dma_start3A_69 = tpu.memref_slice %arg10[%mul3A_46, %dma_start3A_68] : memref<40x128xi32, #tpu.memory_space<vmem>> -> memref<1x128xi32, #tpu.memory_space<vmem>>
        %dma_start3A_70 = tpu.memref_squeeze %dma_start3A_69 : memref<1x128xi32, #tpu.memory_space<vmem>> -> memref<128xi32, #tpu.memory_space<vmem>>
        %dma_start3A_71 = arith.constant 0 : i32
        %dma_start3A_72 = arith.constant 0 : i32
        %dma_start3A_73 = tpu.memref_slice %arg13[%dma_start3A_71, %dma_start3A_72] : memref<10240x128xf32, #tpu.memory_space<vmem_shared>> -> memref<10240x128xf32, #tpu.memory_space<vmem_shared>>
        tpu.enqueue_indirect_dma source(%arg11 : memref<128x128xf32, #tpu.memory_space<vmem>>) target(%dma_start3A_73 : memref<10240x128xf32, #tpu.memory_space<vmem_shared>>) offsets(%dma_start3A_70 : memref<128xi32, #tpu.memory_space<vmem>>) semaphore(%run_scoped3A : memref<!tpu.dma_semaphore, #tpu.memory_space<semaphore_mem>>) {add = true}
        %dma_wait3A_74 = arith.constant 0 : i32
        %dma_wait3A_75 = tpu.memref_slice %arg10[%mul3A_46, %dma_wait3A_74] : memref<40x128xi32, #tpu.memory_space<vmem>> -> memref<1x128xi32, #tpu.memory_space<vmem>>
        %dma_wait3A_76 = tpu.memref_squeeze %dma_wait3A_75 : memref<1x128xi32, #tpu.memory_space<vmem>> -> memref<128xi32, #tpu.memory_space<vmem>>
        %dma_wait3A_77 = arith.constant 0 : i32
        %dma_wait3A_78 = arith.constant 0 : i32
        %dma_wait3A_79 = tpu.memref_slice %arg13[%dma_wait3A_77, %dma_wait3A_78] : memref<10240x128xf32, #tpu.memory_space<vmem_shared>> -> memref<10240x128xf32, #tpu.memory_space<vmem_shared>>
        tpu.wait_indirect_dma semaphore(%run_scoped3A : memref<!tpu.dma_semaphore, #tpu.memory_space<semaphore_mem>>) src(%arg11 : memref<128x128xf32, #tpu.memory_space<vmem>>) dst(%dma_wait3A_79 : memref<10240x128xf32, #tpu.memory_space<vmem_shared>>)
        tpu.yield
      }) : () -> ()
      %lt3A = arith.constant 19 : i32
      %lt3A_60 = arith.cmpi slt, %scan3A_44, %lt3A : i32
      %convert_element_type3A = arith.extui %lt3A_60 : i1 to i32
      %cond3A = arith.constant 0 : i32
      %cond3A_61 = arith.cmpi ne, %convert_element_type3A, %cond3A : i32
      scf.if %cond3A_61 {
        %add3A_68 = arith.constant 2 : i32
        %add3A_69 = arith.addi %mul3A_46, %add3A_68 : i32
        %dma_start3A_70 = arith.constant 0 : i32
        %dma_start3A_71 = tpu.memref_slice %arg9[%add3A_69, %dma_start3A_70] : memref<40x128xi32, #tpu.memory_space<vmem>> -> memref<1x128xi32, #tpu.memory_space<vmem>>
        %dma_start3A_72 = tpu.memref_squeeze %dma_start3A_71 : memref<1x128xi32, #tpu.memory_space<vmem>> -> memref<128xi32, #tpu.memory_space<vmem>>
        %dma_start3A_73 = arith.constant 0 : i32
        %dma_start3A_74 = arith.constant 0 : i32
        %dma_start3A_75 = tpu.memref_slice %arg5[%dma_start3A_73, %dma_start3A_74] : memref<10000x128xf32, #tpu.memory_space<hbm>> -> memref<10000x128xf32, #tpu.memory_space<hbm>>
        tpu.enqueue_indirect_dma source(%dma_start3A_75 : memref<10000x128xf32, #tpu.memory_space<hbm>>) target(%arg11 : memref<128x128xf32, #tpu.memory_space<vmem>>) offsets(%dma_start3A_72 : memref<128xi32, #tpu.memory_space<vmem>>) semaphore(%arg14 : memref<!tpu.dma_semaphore, #tpu.memory_space<semaphore_mem>>)
      } else {
      }
      %dma_wait3A_62 = arith.constant 0 : i32
      %dma_wait3A_63 = tpu.memref_slice %arg9[%add3A_48, %dma_wait3A_62] : memref<40x128xi32, #tpu.memory_space<vmem>> -> memref<1x128xi32, #tpu.memory_space<vmem>>
      %dma_wait3A_64 = tpu.memref_squeeze %dma_wait3A_63 : memref<1x128xi32, #tpu.memory_space<vmem>> -> memref<128xi32, #tpu.memory_space<vmem>>
      %dma_wait3A_65 = arith.constant 0 : i32
      %dma_wait3A_66 = arith.constant 0 : i32
      %dma_wait3A_67 = tpu.memref_slice %arg5[%dma_wait3A_65, %dma_wait3A_66] : memref<10000x128xf32, #tpu.memory_space<hbm>> -> memref<10000x128xf32, #tpu.memory_space<hbm>>
      tpu.wait_indirect_dma semaphore(%arg15 : memref<!tpu.dma_semaphore, #tpu.memory_space<semaphore_mem>>) src(%dma_wait3A_67 : memref<10000x128xf32, #tpu.memory_space<hbm>>) dst(%arg12 : memref<128x128xf32, #tpu.memory_space<vmem>>)
      "tpu.region"() ({
        %run_scoped3A = tpu.sem_alloc : memref<!tpu.dma_semaphore, #tpu.memory_space<semaphore_mem>>
        %dma_start3A_68 = arith.constant 0 : i32
        %dma_start3A_69 = tpu.memref_slice %arg10[%add3A_48, %dma_start3A_68] : memref<40x128xi32, #tpu.memory_space<vmem>> -> memref<1x128xi32, #tpu.memory_space<vmem>>
        %dma_start3A_70 = tpu.memref_squeeze %dma_start3A_69 : memref<1x128xi32, #tpu.memory_space<vmem>> -> memref<128xi32, #tpu.memory_space<vmem>>
        %dma_start3A_71 = arith.constant 0 : i32
        %dma_start3A_72 = arith.constant 0 : i32
        %dma_start3A_73 = tpu.memref_slice %arg13[%dma_start3A_71, %dma_start3A_72] : memref<10240x128xf32, #tpu.memory_space<vmem_shared>> -> memref<10240x128xf32, #tpu.memory_space<vmem_shared>>
        tpu.enqueue_indirect_dma source(%arg12 : memref<128x128xf32, #tpu.memory_space<vmem>>) target(%dma_start3A_73 : memref<10240x128xf32, #tpu.memory_space<vmem_shared>>) offsets(%dma_start3A_70 : memref<128xi32, #tpu.memory_space<vmem>>) semaphore(%run_scoped3A : memref<!tpu.dma_semaphore, #tpu.memory_space<semaphore_mem>>) {add = true}
        %dma_wait3A_74 = arith.constant 0 : i32
        %dma_wait3A_75 = tpu.memref_slice %arg10[%add3A_48, %dma_wait3A_74] : memref<40x128xi32, #tpu.memory_space<vmem>> -> memref<1x128xi32, #tpu.memory_space<vmem>>
        %dma_wait3A_76 = tpu.memref_squeeze %dma_wait3A_75 : memref<1x128xi32, #tpu.memory_space<vmem>> -> memref<128xi32, #tpu.memory_space<vmem>>
        %dma_wait3A_77 = arith.constant 0 : i32
        %dma_wait3A_78 = arith.constant 0 : i32
        %dma_wait3A_79 = tpu.memref_slice %arg13[%dma_wait3A_77, %dma_wait3A_78] : memref<10240x128xf32, #tpu.memory_space<vmem_shared>> -> memref<10240x128xf32, #tpu.memory_space<vmem_shared>>
        tpu.wait_indirect_dma semaphore(%run_scoped3A : memref<!tpu.dma_semaphore, #tpu.memory_space<semaphore_mem>>) src(%arg12 : memref<128x128xf32, #tpu.memory_space<vmem>>) dst(%dma_wait3A_79 : memref<10240x128xf32, #tpu.memory_space<vmem_shared>>)
        tpu.yield
      }) : () -> ()
    }
    %scan3A_17 = arith.constant 20 : i32
    %barrier3A_18 = arith.constant 0 : index
    tpu.barrier barrier_id(%barrier3A_18)
    %mul3A_19 = arith.constant 640 : i32
    %mul3A_20 = arith.muli %arg1, %mul3A_19 : i32
    %mul3A_21 = arith.constant 640 : i32
    %mul3A_22 = arith.muli %arg1, %mul3A_21 : i32
    "tpu.region"() ({
      %run_scoped3A = tpu.sem_alloc : memref<!tpu.dma_semaphore, #tpu.memory_space<semaphore_mem>>
      %dma_start3A_44 = arith.constant 0 : i32
      %dma_start3A_45 = arith.constant 0 : i32
      %dma_start3A_46 = tpu.memref_slice %arg7[%arg0, %dma_start3A_44, %dma_start3A_45] : memref<2x10240x128xf32, #tpu.memory_space<hbm>> -> memref<1x10240x128xf32, #tpu.memory_space<hbm>>
      %dma_start3A_47 = tpu.memref_squeeze %dma_start3A_46 : memref<1x10240x128xf32, #tpu.memory_space<hbm>> -> memref<10240x128xf32, #tpu.memory_space<hbm>>
      %dma_start3A_48 = arith.constant 0 : i32
      %dma_start3A_49 = tpu.memref_slice %dma_start3A_47[%mul3A_22, %dma_start3A_48] : memref<10240x128xf32, #tpu.memory_space<hbm>> -> memref<640x128xf32, #tpu.memory_space<hbm>>
      %dma_start3A_50 = arith.constant 0 : i32
      %dma_start3A_51 = tpu.memref_slice %arg13[%mul3A_20, %dma_start3A_50] : memref<10240x128xf32, #tpu.memory_space<vmem_shared>> -> memref<640x128xf32, #tpu.memory_space<vmem_shared>>
      tpu.enqueue_dma source(%dma_start3A_51 : memref<640x128xf32, #tpu.memory_space<vmem_shared>>) target(%dma_start3A_49 : memref<640x128xf32, #tpu.memory_space<hbm>>) target_semaphore(%run_scoped3A : memref<!tpu.dma_semaphore, #tpu.memory_space<semaphore_mem>>)
      %dma_wait3A = arith.constant 0 : i32
      %dma_wait3A_52 = arith.constant 0 : i32
      %dma_wait3A_53 = tpu.memref_slice %arg7[%arg0, %dma_wait3A, %dma_wait3A_52] : memref<2x10240x128xf32, #tpu.memory_space<hbm>> -> memref<1x10240x128xf32, #tpu.memory_space<hbm>>
      %dma_wait3A_54 = tpu.memref_squeeze %dma_wait3A_53 : memref<1x10240x128xf32, #tpu.memory_space<hbm>> -> memref<10240x128xf32, #tpu.memory_space<hbm>>
      %dma_wait3A_55 = arith.constant 0 : i32
      %dma_wait3A_56 = tpu.memref_slice %dma_wait3A_54[%mul3A_22, %dma_wait3A_55] : memref<10240x128xf32, #tpu.memory_space<hbm>> -> memref<640x128xf32, #tpu.memory_space<hbm>>
      %dma_wait3A_57 = arith.constant 0 : i32
      %dma_wait3A_58 = tpu.memref_slice %arg13[%mul3A_20, %dma_wait3A_57] : memref<10240x128xf32, #tpu.memory_space<vmem_shared>> -> memref<640x128xf32, #tpu.memory_space<vmem_shared>>
      tpu.wait_dma2 semaphore(%run_scoped3A : memref<!tpu.dma_semaphore, #tpu.memory_space<semaphore_mem>>) src(%dma_wait3A_58 : memref<640x128xf32, #tpu.memory_space<vmem_shared>>) dst(%dma_wait3A_56 : memref<640x128xf32, #tpu.memory_space<hbm>>)
      tpu.yield
    }) : () -> ()
    %mul3A_23 = arith.constant 640 : i32
    %mul3A_24 = arith.muli %arg1, %mul3A_23 : i32
    "tpu.region"() ({
      %run_scoped3A = tpu.sem_alloc : memref<!tpu.dma_semaphore, #tpu.memory_space<semaphore_mem>>
      %dma_start3A_44 = arith.constant 0 : i32
      %dma_start3A_45 = tpu.memref_slice %arg13[%mul3A_24, %dma_start3A_44] : memref<10240x128xf32, #tpu.memory_space<vmem_shared>> -> memref<640x128xf32, #tpu.memory_space<vmem_shared>>
      tpu.enqueue_dma source(%arg4 : memref<640x128xf32, #tpu.memory_space<hbm>>) target(%dma_start3A_45 : memref<640x128xf32, #tpu.memory_space<vmem_shared>>) target_semaphore(%run_scoped3A : memref<!tpu.dma_semaphore, #tpu.memory_space<semaphore_mem>>)
      %dma_wait3A = arith.constant 0 : i32
      %dma_wait3A_46 = tpu.memref_slice %arg13[%mul3A_24, %dma_wait3A] : memref<10240x128xf32, #tpu.memory_space<vmem_shared>> -> memref<640x128xf32, #tpu.memory_space<vmem_shared>>
      tpu.wait_dma2 semaphore(%run_scoped3A : memref<!tpu.dma_semaphore, #tpu.memory_space<semaphore_mem>>) src(%arg4 : memref<640x128xf32, #tpu.memory_space<hbm>>) dst(%dma_wait3A_46 : memref<640x128xf32, #tpu.memory_space<vmem_shared>>)
      tpu.yield
    }) : () -> ()
    %barrier3A_25 = arith.constant 0 : index
    tpu.barrier barrier_id(%barrier3A_25)
    %dma_start3A_26 = arith.constant 0 : i32
    %dma_start3A_27 = arith.constant 0 : i32
    %dma_start3A_28 = tpu.memref_slice %arg9[%dma_start3A_26, %dma_start3A_27] : memref<40x128xi32, #tpu.memory_space<vmem>> -> memref<1x128xi32, #tpu.memory_space<vmem>>
    %dma_start3A_29 = tpu.memref_squeeze %dma_start3A_28 : memref<1x128xi32, #tpu.memory_space<vmem>> -> memref<128xi32, #tpu.memory_space<vmem>>
    %dma_start3A_30 = arith.constant 0 : i32
    %dma_start3A_31 = arith.constant 0 : i32
    %dma_start3A_32 = tpu.memref_slice %arg6[%dma_start3A_30, %dma_start3A_31] : memref<10000x128xf32, #tpu.memory_space<hbm>> -> memref<10000x128xf32, #tpu.memory_space<hbm>>
    tpu.enqueue_indirect_dma source(%dma_start3A_32 : memref<10000x128xf32, #tpu.memory_space<hbm>>) target(%arg11 : memref<128x128xf32, #tpu.memory_space<vmem>>) offsets(%dma_start3A_29 : memref<128xi32, #tpu.memory_space<vmem>>) semaphore(%arg14 : memref<!tpu.dma_semaphore, #tpu.memory_space<semaphore_mem>>)
    %scan3A_33 = arith.constant 0 : i32
    %scan3A_34 = arith.constant 0 : i32
    %scan3A_35 = arith.constant 20 : i32
    %scan3A_36 = arith.addi %scan3A_34, %scan3A_35 : i32
    %scan3A_37 = arith.constant 1 : i32
    scf.for %scan3A_44 = %scan3A_34 to %scan3A_36 step %scan3A_37  : i32 {
      %mul3A_45 = arith.constant 2 : i32
      %mul3A_46 = arith.muli %mul3A_45, %scan3A_44 : i32
      %add3A_47 = arith.constant 1 : i32
      %add3A_48 = arith.addi %mul3A_46, %add3A_47 : i32
      %dma_start3A_49 = arith.constant 0 : i32
      %dma_start3A_50 = tpu.memref_slice %arg9[%add3A_48, %dma_start3A_49] : memref<40x128xi32, #tpu.memory_space<vmem>> -> memref<1x128xi32, #tpu.memory_space<vmem>>
      %dma_start3A_51 = tpu.memref_squeeze %dma_start3A_50 : memref<1x128xi32, #tpu.memory_space<vmem>> -> memref<128xi32, #tpu.memory_space<vmem>>
      %dma_start3A_52 = arith.constant 0 : i32
      %dma_start3A_53 = arith.constant 0 : i32
      %dma_start3A_54 = tpu.memref_slice %arg6[%dma_start3A_52, %dma_start3A_53] : memref<10000x128xf32, #tpu.memory_space<hbm>> -> memref<10000x128xf32, #tpu.memory_space<hbm>>
      tpu.enqueue_indirect_dma source(%dma_start3A_54 : memref<10000x128xf32, #tpu.memory_space<hbm>>) target(%arg12 : memref<128x128xf32, #tpu.memory_space<vmem>>) offsets(%dma_start3A_51 : memref<128xi32, #tpu.memory_space<vmem>>) semaphore(%arg15 : memref<!tpu.dma_semaphore, #tpu.memory_space<semaphore_mem>>)
      %dma_wait3A = arith.constant 0 : i32
      %dma_wait3A_55 = tpu.memref_slice %arg9[%mul3A_46, %dma_wait3A] : memref<40x128xi32, #tpu.memory_space<vmem>> -> memref<1x128xi32, #tpu.memory_space<vmem>>
      %dma_wait3A_56 = tpu.memref_squeeze %dma_wait3A_55 : memref<1x128xi32, #tpu.memory_space<vmem>> -> memref<128xi32, #tpu.memory_space<vmem>>
      %dma_wait3A_57 = arith.constant 0 : i32
      %dma_wait3A_58 = arith.constant 0 : i32
      %dma_wait3A_59 = tpu.memref_slice %arg6[%dma_wait3A_57, %dma_wait3A_58] : memref<10000x128xf32, #tpu.memory_space<hbm>> -> memref<10000x128xf32, #tpu.memory_space<hbm>>
      tpu.wait_indirect_dma semaphore(%arg14 : memref<!tpu.dma_semaphore, #tpu.memory_space<semaphore_mem>>) src(%dma_wait3A_59 : memref<10000x128xf32, #tpu.memory_space<hbm>>) dst(%arg11 : memref<128x128xf32, #tpu.memory_space<vmem>>)
      "tpu.region"() ({
        %run_scoped3A = tpu.sem_alloc : memref<!tpu.dma_semaphore, #tpu.memory_space<semaphore_mem>>
        %dma_start3A_68 = arith.constant 0 : i32
        %dma_start3A_69 = tpu.memref_slice %arg10[%mul3A_46, %dma_start3A_68] : memref<40x128xi32, #tpu.memory_space<vmem>> -> memref<1x128xi32, #tpu.memory_space<vmem>>
        %dma_start3A_70 = tpu.memref_squeeze %dma_start3A_69 : memref<1x128xi32, #tpu.memory_space<vmem>> -> memref<128xi32, #tpu.memory_space<vmem>>
        %dma_start3A_71 = arith.constant 0 : i32
        %dma_start3A_72 = arith.constant 0 : i32
        %dma_start3A_73 = tpu.memref_slice %arg13[%dma_start3A_71, %dma_start3A_72] : memref<10240x128xf32, #tpu.memory_space<vmem_shared>> -> memref<10240x128xf32, #tpu.memory_space<vmem_shared>>
        tpu.enqueue_indirect_dma source(%arg11 : memref<128x128xf32, #tpu.memory_space<vmem>>) target(%dma_start3A_73 : memref<10240x128xf32, #tpu.memory_space<vmem_shared>>) offsets(%dma_start3A_70 : memref<128xi32, #tpu.memory_space<vmem>>) semaphore(%run_scoped3A : memref<!tpu.dma_semaphore, #tpu.memory_space<semaphore_mem>>) {add = true}
        %dma_wait3A_74 = arith.constant 0 : i32
        %dma_wait3A_75 = tpu.memref_slice %arg10[%mul3A_46, %dma_wait3A_74] : memref<40x128xi32, #tpu.memory_space<vmem>> -> memref<1x128xi32, #tpu.memory_space<vmem>>
        %dma_wait3A_76 = tpu.memref_squeeze %dma_wait3A_75 : memref<1x128xi32, #tpu.memory_space<vmem>> -> memref<128xi32, #tpu.memory_space<vmem>>
        %dma_wait3A_77 = arith.constant 0 : i32
        %dma_wait3A_78 = arith.constant 0 : i32
        %dma_wait3A_79 = tpu.memref_slice %arg13[%dma_wait3A_77, %dma_wait3A_78] : memref<10240x128xf32, #tpu.memory_space<vmem_shared>> -> memref<10240x128xf32, #tpu.memory_space<vmem_shared>>
        tpu.wait_indirect_dma semaphore(%run_scoped3A : memref<!tpu.dma_semaphore, #tpu.memory_space<semaphore_mem>>) src(%arg11 : memref<128x128xf32, #tpu.memory_space<vmem>>) dst(%dma_wait3A_79 : memref<10240x128xf32, #tpu.memory_space<vmem_shared>>)
        tpu.yield
      }) : () -> ()
      %lt3A = arith.constant 19 : i32
      %lt3A_60 = arith.cmpi slt, %scan3A_44, %lt3A : i32
      %convert_element_type3A = arith.extui %lt3A_60 : i1 to i32
      %cond3A = arith.constant 0 : i32
      %cond3A_61 = arith.cmpi ne, %convert_element_type3A, %cond3A : i32
      scf.if %cond3A_61 {
        %add3A_68 = arith.constant 2 : i32
        %add3A_69 = arith.addi %mul3A_46, %add3A_68 : i32
        %dma_start3A_70 = arith.constant 0 : i32
        %dma_start3A_71 = tpu.memref_slice %arg9[%add3A_69, %dma_start3A_70] : memref<40x128xi32, #tpu.memory_space<vmem>> -> memref<1x128xi32, #tpu.memory_space<vmem>>
        %dma_start3A_72 = tpu.memref_squeeze %dma_start3A_71 : memref<1x128xi32, #tpu.memory_space<vmem>> -> memref<128xi32, #tpu.memory_space<vmem>>
        %dma_start3A_73 = arith.constant 0 : i32
        %dma_start3A_74 = arith.constant 0 : i32
        %dma_start3A_75 = tpu.memref_slice %arg6[%dma_start3A_73, %dma_start3A_74] : memref<10000x128xf32, #tpu.memory_space<hbm>> -> memref<10000x128xf32, #tpu.memory_space<hbm>>
        tpu.enqueue_indirect_dma source(%dma_start3A_75 : memref<10000x128xf32, #tpu.memory_space<hbm>>) target(%arg11 : memref<128x128xf32, #tpu.memory_space<vmem>>) offsets(%dma_start3A_72 : memref<128xi32, #tpu.memory_space<vmem>>) semaphore(%arg14 : memref<!tpu.dma_semaphore, #tpu.memory_space<semaphore_mem>>)
      } else {
      }
      %dma_wait3A_62 = arith.constant 0 : i32
      %dma_wait3A_63 = tpu.memref_slice %arg9[%add3A_48, %dma_wait3A_62] : memref<40x128xi32, #tpu.memory_space<vmem>> -> memref<1x128xi32, #tpu.memory_space<vmem>>
      %dma_wait3A_64 = tpu.memref_squeeze %dma_wait3A_63 : memref<1x128xi32, #tpu.memory_space<vmem>> -> memref<128xi32, #tpu.memory_space<vmem>>
      %dma_wait3A_65 = arith.constant 0 : i32
      %dma_wait3A_66 = arith.constant 0 : i32
      %dma_wait3A_67 = tpu.memref_slice %arg6[%dma_wait3A_65, %dma_wait3A_66] : memref<10000x128xf32, #tpu.memory_space<hbm>> -> memref<10000x128xf32, #tpu.memory_space<hbm>>
      tpu.wait_indirect_dma semaphore(%arg15 : memref<!tpu.dma_semaphore, #tpu.memory_space<semaphore_mem>>) src(%dma_wait3A_67 : memref<10000x128xf32, #tpu.memory_space<hbm>>) dst(%arg12 : memref<128x128xf32, #tpu.memory_space<vmem>>)
      "tpu.region"() ({
        %run_scoped3A = tpu.sem_alloc : memref<!tpu.dma_semaphore, #tpu.memory_space<semaphore_mem>>
        %dma_start3A_68 = arith.constant 0 : i32
        %dma_start3A_69 = tpu.memref_slice %arg10[%add3A_48, %dma_start3A_68] : memref<40x128xi32, #tpu.memory_space<vmem>> -> memref<1x128xi32, #tpu.memory_space<vmem>>
        %dma_start3A_70 = tpu.memref_squeeze %dma_start3A_69 : memref<1x128xi32, #tpu.memory_space<vmem>> -> memref<128xi32, #tpu.memory_space<vmem>>
        %dma_start3A_71 = arith.constant 0 : i32
        %dma_start3A_72 = arith.constant 0 : i32
        %dma_start3A_73 = tpu.memref_slice %arg13[%dma_start3A_71, %dma_start3A_72] : memref<10240x128xf32, #tpu.memory_space<vmem_shared>> -> memref<10240x128xf32, #tpu.memory_space<vmem_shared>>
        tpu.enqueue_indirect_dma source(%arg12 : memref<128x128xf32, #tpu.memory_space<vmem>>) target(%dma_start3A_73 : memref<10240x128xf32, #tpu.memory_space<vmem_shared>>) offsets(%dma_start3A_70 : memref<128xi32, #tpu.memory_space<vmem>>) semaphore(%run_scoped3A : memref<!tpu.dma_semaphore, #tpu.memory_space<semaphore_mem>>) {add = true}
        %dma_wait3A_74 = arith.constant 0 : i32
        %dma_wait3A_75 = tpu.memref_slice %arg10[%add3A_48, %dma_wait3A_74] : memref<40x128xi32, #tpu.memory_space<vmem>> -> memref<1x128xi32, #tpu.memory_space<vmem>>
        %dma_wait3A_76 = tpu.memref_squeeze %dma_wait3A_75 : memref<1x128xi32, #tpu.memory_space<vmem>> -> memref<128xi32, #tpu.memory_space<vmem>>
        %dma_wait3A_77 = arith.constant 0 : i32
        %dma_wait3A_78 = arith.constant 0 : i32
        %dma_wait3A_79 = tpu.memref_slice %arg13[%dma_wait3A_77, %dma_wait3A_78] : memref<10240x128xf32, #tpu.memory_space<vmem_shared>> -> memref<10240x128xf32, #tpu.memory_space<vmem_shared>>
        tpu.wait_indirect_dma semaphore(%run_scoped3A : memref<!tpu.dma_semaphore, #tpu.memory_space<semaphore_mem>>) src(%arg12 : memref<128x128xf32, #tpu.memory_space<vmem>>) dst(%dma_wait3A_79 : memref<10240x128xf32, #tpu.memory_space<vmem_shared>>)
        tpu.yield
      }) : () -> ()
    }
    %scan3A_38 = arith.constant 20 : i32
    %barrier3A_39 = arith.constant 0 : index
    tpu.barrier barrier_id(%barrier3A_39)
    %mul3A_40 = arith.constant 640 : i32
    %mul3A_41 = arith.muli %arg1, %mul3A_40 : i32
    %mul3A_42 = arith.constant 640 : i32
    %mul3A_43 = arith.muli %arg1, %mul3A_42 : i32
    "tpu.region"() ({
      %run_scoped3A = tpu.sem_alloc : memref<!tpu.dma_semaphore, #tpu.memory_space<semaphore_mem>>
      %dma_start3A_44 = arith.constant 0 : i32
      %dma_start3A_45 = arith.constant 0 : i32
      %dma_start3A_46 = tpu.memref_slice %arg8[%arg0, %dma_start3A_44, %dma_start3A_45] : memref<2x10240x128xf32, #tpu.memory_space<hbm>> -> memref<1x10240x128xf32, #tpu.memory_space<hbm>>
      %dma_start3A_47 = tpu.memref_squeeze %dma_start3A_46 : memref<1x10240x128xf32, #tpu.memory_space<hbm>> -> memref<10240x128xf32, #tpu.memory_space<hbm>>
      %dma_start3A_48 = arith.constant 0 : i32
      %dma_start3A_49 = tpu.memref_slice %dma_start3A_47[%mul3A_43, %dma_start3A_48] : memref<10240x128xf32, #tpu.memory_space<hbm>> -> memref<640x128xf32, #tpu.memory_space<hbm>>
      %dma_start3A_50 = arith.constant 0 : i32
      %dma_start3A_51 = tpu.memref_slice %arg13[%mul3A_41, %dma_start3A_50] : memref<10240x128xf32, #tpu.memory_space<vmem_shared>> -> memref<640x128xf32, #tpu.memory_space<vmem_shared>>
      tpu.enqueue_dma source(%dma_start3A_51 : memref<640x128xf32, #tpu.memory_space<vmem_shared>>) target(%dma_start3A_49 : memref<640x128xf32, #tpu.memory_space<hbm>>) target_semaphore(%run_scoped3A : memref<!tpu.dma_semaphore, #tpu.memory_space<semaphore_mem>>)
      %dma_wait3A = arith.constant 0 : i32
      %dma_wait3A_52 = arith.constant 0 : i32
      %dma_wait3A_53 = tpu.memref_slice %arg8[%arg0, %dma_wait3A, %dma_wait3A_52] : memref<2x10240x128xf32, #tpu.memory_space<hbm>> -> memref<1x10240x128xf32, #tpu.memory_space<hbm>>
      %dma_wait3A_54 = tpu.memref_squeeze %dma_wait3A_53 : memref<1x10240x128xf32, #tpu.memory_space<hbm>> -> memref<10240x128xf32, #tpu.memory_space<hbm>>
      %dma_wait3A_55 = arith.constant 0 : i32
      %dma_wait3A_56 = tpu.memref_slice %dma_wait3A_54[%mul3A_43, %dma_wait3A_55] : memref<10240x128xf32, #tpu.memory_space<hbm>> -> memref<640x128xf32, #tpu.memory_space<hbm>>
      %dma_wait3A_57 = arith.constant 0 : i32
      %dma_wait3A_58 = tpu.memref_slice %arg13[%mul3A_41, %dma_wait3A_57] : memref<10240x128xf32, #tpu.memory_space<vmem_shared>> -> memref<640x128xf32, #tpu.memory_space<vmem_shared>>
      tpu.wait_dma2 semaphore(%run_scoped3A : memref<!tpu.dma_semaphore, #tpu.memory_space<semaphore_mem>>) src(%dma_wait3A_58 : memref<640x128xf32, #tpu.memory_space<vmem_shared>>) dst(%dma_wait3A_56 : memref<640x128xf32, #tpu.memory_space<hbm>>)
      tpu.yield
    }) : () -> ()
    return
  }
}

#map = affine_map<(d0, d1) -> (0, 0)>
#map1 = affine_map<(d0, d1) -> (0)>
module attributes {stable_mosaic.version = 14 : i64} {
  func.func @k(%arg0: i32, %arg1: i32, %arg2: memref<10000x256xf32, #tpu.memory_space<hbm>>, %arg3: memref<4096xi32, #tpu.memory_space<hbm>>, %arg4: memref<4096xi32, #tpu.memory_space<hbm>>, %arg5: memref<4096x256xf32, #tpu.memory_space<hbm>>, %arg6: memref<4096x256xf32, #tpu.memory_space<hbm>>, %arg7: memref<128xi32, #tpu.memory_space<vmem>>, %arg8: memref<128x256xf32, #tpu.memory_space<vmem>>, %arg9: memref<!tpu.dma_semaphore, #tpu.memory_space<semaphore_mem>>) attributes {dimension_semantics = [#tpu.dimension_semantics<core_parallel>, #tpu.dimension_semantics<subcore_parallel>], iteration_bounds = array<i64: 2, 16>, scalar_prefetch = 0 : i64, scratch_operands = 3 : i64, tpu.core_type = #tpu.core_type<sc_vector_subcore>, window_params = [{transform_indices = #map}, {transform_indices = #map1}, {transform_indices = #map1}, {transform_indices = #map}, {transform_indices = #map}]} {
    %mul3A = arith.constant 2 : i32
    %mul3A_0 = arith.muli %arg1, %mul3A : i32
    %add3A = arith.addi %mul3A_0, %arg0 : i32
    %mul3A_1 = arith.constant 128 : i32
    %mul3A_2 = arith.muli %add3A, %mul3A_1 : i32
    "tpu.region"() ({
      %run_scoped3A = tpu.sem_alloc : memref<!tpu.dma_semaphore, #tpu.memory_space<semaphore_mem>>
      %dma_start3A_13 = tpu.memref_slice %arg3[%mul3A_2] : memref<4096xi32, #tpu.memory_space<hbm>> -> memref<128xi32, #tpu.memory_space<hbm>>
      %dma_start3A_14 = tpu.memref_slice %arg3[%mul3A_2] : memref<4096xi32, #tpu.memory_space<hbm>> -> memref<128xi32, #tpu.memory_space<hbm>>
      tpu.enqueue_dma source(%dma_start3A_14 : memref<128xi32, #tpu.memory_space<hbm>>) target(%arg7 : memref<128xi32, #tpu.memory_space<vmem>>) target_semaphore(%run_scoped3A : memref<!tpu.dma_semaphore, #tpu.memory_space<semaphore_mem>>)
      %dma_wait3A_15 = tpu.memref_slice %arg3[%mul3A_2] : memref<4096xi32, #tpu.memory_space<hbm>> -> memref<128xi32, #tpu.memory_space<hbm>>
      %dma_wait3A_16 = tpu.memref_slice %arg3[%mul3A_2] : memref<4096xi32, #tpu.memory_space<hbm>> -> memref<128xi32, #tpu.memory_space<hbm>>
      tpu.wait_dma2 semaphore(%run_scoped3A : memref<!tpu.dma_semaphore, #tpu.memory_space<semaphore_mem>>) src(%dma_wait3A_16 : memref<128xi32, #tpu.memory_space<hbm>>) dst(%arg7 : memref<128xi32, #tpu.memory_space<vmem>>)
      tpu.yield
    }) : () -> ()
    %dma_start3A = arith.constant 0 : i32
    %dma_start3A_3 = arith.constant 0 : i32
    %dma_start3A_4 = tpu.memref_slice %arg2[%dma_start3A, %dma_start3A_3] : memref<10000x256xf32, #tpu.memory_space<hbm>> -> memref<10000x256xf32, #tpu.memory_space<hbm>>
    tpu.enqueue_indirect_dma source(%dma_start3A_4 : memref<10000x256xf32, #tpu.memory_space<hbm>>) target(%arg8 : memref<128x256xf32, #tpu.memory_space<vmem>>) offsets(%arg7 : memref<128xi32, #tpu.memory_space<vmem>>) semaphore(%arg9 : memref<!tpu.dma_semaphore, #tpu.memory_space<semaphore_mem>>)
    %dma_wait3A = arith.constant 0 : i32
    %dma_wait3A_5 = arith.constant 0 : i32
    %dma_wait3A_6 = tpu.memref_slice %arg2[%dma_wait3A, %dma_wait3A_5] : memref<10000x256xf32, #tpu.memory_space<hbm>> -> memref<10000x256xf32, #tpu.memory_space<hbm>>
    tpu.wait_indirect_dma semaphore(%arg9 : memref<!tpu.dma_semaphore, #tpu.memory_space<semaphore_mem>>) src(%dma_wait3A_6 : memref<10000x256xf32, #tpu.memory_space<hbm>>) dst(%arg8 : memref<128x256xf32, #tpu.memory_space<vmem>>)
    "tpu.region"() ({
      %run_scoped3A = tpu.sem_alloc : memref<!tpu.dma_semaphore, #tpu.memory_space<semaphore_mem>>
      %dma_start3A_13 = arith.constant 0 : i32
      %dma_start3A_14 = tpu.memref_slice %arg5[%mul3A_2, %dma_start3A_13] : memref<4096x256xf32, #tpu.memory_space<hbm>> -> memref<128x256xf32, #tpu.memory_space<hbm>>
      %dma_start3A_15 = arith.constant 0 : i32
      %dma_start3A_16 = tpu.memref_slice %arg5[%mul3A_2, %dma_start3A_15] : memref<4096x256xf32, #tpu.memory_space<hbm>> -> memref<128x256xf32, #tpu.memory_space<hbm>>
      tpu.enqueue_dma source(%arg8 : memref<128x256xf32, #tpu.memory_space<vmem>>) target(%dma_start3A_16 : memref<128x256xf32, #tpu.memory_space<hbm>>) target_semaphore(%run_scoped3A : memref<!tpu.dma_semaphore, #tpu.memory_space<semaphore_mem>>)
      %dma_wait3A_17 = arith.constant 0 : i32
      %dma_wait3A_18 = tpu.memref_slice %arg5[%mul3A_2, %dma_wait3A_17] : memref<4096x256xf32, #tpu.memory_space<hbm>> -> memref<128x256xf32, #tpu.memory_space<hbm>>
      %dma_wait3A_19 = arith.constant 0 : i32
      %dma_wait3A_20 = tpu.memref_slice %arg5[%mul3A_2, %dma_wait3A_19] : memref<4096x256xf32, #tpu.memory_space<hbm>> -> memref<128x256xf32, #tpu.memory_space<hbm>>
      tpu.wait_dma2 semaphore(%run_scoped3A : memref<!tpu.dma_semaphore, #tpu.memory_space<semaphore_mem>>) src(%arg8 : memref<128x256xf32, #tpu.memory_space<vmem>>) dst(%dma_wait3A_20 : memref<128x256xf32, #tpu.memory_space<hbm>>)
      tpu.yield
    }) : () -> ()
    "tpu.region"() ({
      %run_scoped3A = tpu.sem_alloc : memref<!tpu.dma_semaphore, #tpu.memory_space<semaphore_mem>>
      %dma_start3A_13 = tpu.memref_slice %arg4[%mul3A_2] : memref<4096xi32, #tpu.memory_space<hbm>> -> memref<128xi32, #tpu.memory_space<hbm>>
      %dma_start3A_14 = tpu.memref_slice %arg4[%mul3A_2] : memref<4096xi32, #tpu.memory_space<hbm>> -> memref<128xi32, #tpu.memory_space<hbm>>
      tpu.enqueue_dma source(%dma_start3A_14 : memref<128xi32, #tpu.memory_space<hbm>>) target(%arg7 : memref<128xi32, #tpu.memory_space<vmem>>) target_semaphore(%run_scoped3A : memref<!tpu.dma_semaphore, #tpu.memory_space<semaphore_mem>>)
      %dma_wait3A_15 = tpu.memref_slice %arg4[%mul3A_2] : memref<4096xi32, #tpu.memory_space<hbm>> -> memref<128xi32, #tpu.memory_space<hbm>>
      %dma_wait3A_16 = tpu.memref_slice %arg4[%mul3A_2] : memref<4096xi32, #tpu.memory_space<hbm>> -> memref<128xi32, #tpu.memory_space<hbm>>
      tpu.wait_dma2 semaphore(%run_scoped3A : memref<!tpu.dma_semaphore, #tpu.memory_space<semaphore_mem>>) src(%dma_wait3A_16 : memref<128xi32, #tpu.memory_space<hbm>>) dst(%arg7 : memref<128xi32, #tpu.memory_space<vmem>>)
      tpu.yield
    }) : () -> ()
    %dma_start3A_7 = arith.constant 0 : i32
    %dma_start3A_8 = arith.constant 0 : i32
    %dma_start3A_9 = tpu.memref_slice %arg2[%dma_start3A_7, %dma_start3A_8] : memref<10000x256xf32, #tpu.memory_space<hbm>> -> memref<10000x256xf32, #tpu.memory_space<hbm>>
    tpu.enqueue_indirect_dma source(%dma_start3A_9 : memref<10000x256xf32, #tpu.memory_space<hbm>>) target(%arg8 : memref<128x256xf32, #tpu.memory_space<vmem>>) offsets(%arg7 : memref<128xi32, #tpu.memory_space<vmem>>) semaphore(%arg9 : memref<!tpu.dma_semaphore, #tpu.memory_space<semaphore_mem>>)
    %dma_wait3A_10 = arith.constant 0 : i32
    %dma_wait3A_11 = arith.constant 0 : i32
    %dma_wait3A_12 = tpu.memref_slice %arg2[%dma_wait3A_10, %dma_wait3A_11] : memref<10000x256xf32, #tpu.memory_space<hbm>> -> memref<10000x256xf32, #tpu.memory_space<hbm>>
    tpu.wait_indirect_dma semaphore(%arg9 : memref<!tpu.dma_semaphore, #tpu.memory_space<semaphore_mem>>) src(%dma_wait3A_12 : memref<10000x256xf32, #tpu.memory_space<hbm>>) dst(%arg8 : memref<128x256xf32, #tpu.memory_space<vmem>>)
    "tpu.region"() ({
      %run_scoped3A = tpu.sem_alloc : memref<!tpu.dma_semaphore, #tpu.memory_space<semaphore_mem>>
      %dma_start3A_13 = arith.constant 0 : i32
      %dma_start3A_14 = tpu.memref_slice %arg6[%mul3A_2, %dma_start3A_13] : memref<4096x256xf32, #tpu.memory_space<hbm>> -> memref<128x256xf32, #tpu.memory_space<hbm>>
      %dma_start3A_15 = arith.constant 0 : i32
      %dma_start3A_16 = tpu.memref_slice %arg6[%mul3A_2, %dma_start3A_15] : memref<4096x256xf32, #tpu.memory_space<hbm>> -> memref<128x256xf32, #tpu.memory_space<hbm>>
      tpu.enqueue_dma source(%arg8 : memref<128x256xf32, #tpu.memory_space<vmem>>) target(%dma_start3A_16 : memref<128x256xf32, #tpu.memory_space<hbm>>) target_semaphore(%run_scoped3A : memref<!tpu.dma_semaphore, #tpu.memory_space<semaphore_mem>>)
      %dma_wait3A_17 = arith.constant 0 : i32
      %dma_wait3A_18 = tpu.memref_slice %arg6[%mul3A_2, %dma_wait3A_17] : memref<4096x256xf32, #tpu.memory_space<hbm>> -> memref<128x256xf32, #tpu.memory_space<hbm>>
      %dma_wait3A_19 = arith.constant 0 : i32
      %dma_wait3A_20 = tpu.memref_slice %arg6[%mul3A_2, %dma_wait3A_19] : memref<4096x256xf32, #tpu.memory_space<hbm>> -> memref<128x256xf32, #tpu.memory_space<hbm>>
      tpu.wait_dma2 semaphore(%run_scoped3A : memref<!tpu.dma_semaphore, #tpu.memory_space<semaphore_mem>>) src(%arg8 : memref<128x256xf32, #tpu.memory_space<vmem>>) dst(%dma_wait3A_20 : memref<128x256xf32, #tpu.memory_space<hbm>>)
      tpu.yield
    }) : () -> ()
    return
  }
}

module attributes {stable_mosaic.version = 14 : i64} {
  func.func @body(%arg0: i32, %arg1: memref<1000x256xf32, #tpu.memory_space<vmem>>, %arg2: memref<256x512xf32, #tpu.memory_space<vmem>>, %arg3: memref<1000x128xf32, #tpu.memory_space<vmem>>, %arg4: memref<1000x128xf32, #tpu.memory_space<vmem>>, %arg5: memref<1000x128xf32, #tpu.memory_space<vmem>>, %arg6: memref<1000x128xf32, #tpu.memory_space<vmem>>) attributes {dimension_semantics = [#tpu.dimension_semantics<arbitrary>], iteration_bounds = array<i64: 10>, scalar_prefetch = 0 : i64, scratch_operands = 0 : i64, tpu.core_type = #tpu.core_type<tc>, window_params = [{transform_indices = @transform_0, window_bounds = array<i64: 1000, 256>}, {pipeline_mode = #tpu.pipeline_mode<synchronous>, transform_indices = @transform_1, window_bounds = array<i64: 256, 512>}, {transform_indices = @transform_2, window_bounds = array<i64: 1000, 128>}, {transform_indices = @transform_3, window_bounds = array<i64: 1000, 128>}, {transform_indices = @transform_4, window_bounds = array<i64: 1000, 128>}, {transform_indices = @transform_5, window_bounds = array<i64: 1000, 128>}]} {
    %get3A = arith.constant 0 : index
    %get3A_0 = arith.constant 0 : index
    %get3A_1 = vector.load %arg1[%get3A, %get3A_0] : memref<1000x256xf32, #tpu.memory_space<vmem>>, vector<1000x256xf32>
    %get3A_2 = arith.constant 0 : index
    %get3A_3 = arith.constant 0 : index
    %get3A_4 = vector.load %arg2[%get3A_2, %get3A_3] : memref<256x512xf32, #tpu.memory_space<vmem>>, vector<256x512xf32>
    %dot_general3A = arith.constant dense<0.000000e+00> : vector<1000x512xf32>
    %dot_general3A_5 = tpu.matmul %get3A_1, %get3A_4, %dot_general3A {dimension_numbers = #tpu.dot_dimension_numbers<[1], [0], [0], [1], [0, 0, 1, 1], [], []>, transpose_lhs_hint = false} : vector<1000x256xf32>, vector<256x512xf32>, vector<1000x512xf32> -> vector<1000x512xf32>
    %slice3A = vector.extract_strided_slice %dot_general3A_5 {offsets = [0, 0], sizes = [1000, 128], strides = [1, 1]} : vector<1000x512xf32> to vector<1000x128xf32>
    %swap3A = arith.constant 0 : index
    %swap3A_6 = arith.constant 0 : index
    %swap3A_7 = vector.load %arg3[%swap3A, %swap3A_6] : memref<1000x128xf32, #tpu.memory_space<vmem>>, vector<1000x128xf32>
    tpu.vector_store %arg3[%swap3A, %swap3A_6], %slice3A {strides = array<i32>} : memref<1000x128xf32, #tpu.memory_space<vmem>>, vector<1000x128xf32>,
    %slice3A_8 = vector.extract_strided_slice %dot_general3A_5 {offsets = [0, 128], sizes = [1000, 128], strides = [1, 1]} : vector<1000x512xf32> to vector<1000x128xf32>
    %swap3A_9 = arith.constant 0 : index
    %swap3A_10 = arith.constant 0 : index
    %swap3A_11 = vector.load %arg4[%swap3A_9, %swap3A_10] : memref<1000x128xf32, #tpu.memory_space<vmem>>, vector<1000x128xf32>
    tpu.vector_store %arg4[%swap3A_9, %swap3A_10], %slice3A_8 {strides = array<i32>} : memref<1000x128xf32, #tpu.memory_space<vmem>>, vector<1000x128xf32>,
    %slice3A_12 = vector.extract_strided_slice %dot_general3A_5 {offsets = [0, 256], sizes = [1000, 128], strides = [1, 1]} : vector<1000x512xf32> to vector<1000x128xf32>
    %swap3A_13 = arith.constant 0 : index
    %swap3A_14 = arith.constant 0 : index
    %swap3A_15 = vector.load %arg5[%swap3A_13, %swap3A_14] : memref<1000x128xf32, #tpu.memory_space<vmem>>, vector<1000x128xf32>
    tpu.vector_store %arg5[%swap3A_13, %swap3A_14], %slice3A_12 {strides = array<i32>} : memref<1000x128xf32, #tpu.memory_space<vmem>>, vector<1000x128xf32>,
    %slice3A_16 = vector.extract_strided_slice %dot_general3A_5 {offsets = [0, 384], sizes = [1000, 128], strides = [1, 1]} : vector<1000x512xf32> to vector<1000x128xf32>
    %swap3A_17 = arith.constant 0 : index
    %swap3A_18 = arith.constant 0 : index
    %swap3A_19 = vector.load %arg6[%swap3A_17, %swap3A_18] : memref<1000x128xf32, #tpu.memory_space<vmem>>, vector<1000x128xf32>
    tpu.vector_store %arg6[%swap3A_17, %swap3A_18], %slice3A_16 {strides = array<i32>} : memref<1000x128xf32, #tpu.memory_space<vmem>>, vector<1000x128xf32>,
    return
  }
  func.func @transform_0(%arg0: i32) -> (i32, i32) {
    %c0_i32 = arith.constant 0 : i32
    %c0_i32_0 = arith.constant 0 : i32
    return %arg0, %c0_i32 : i32, i32
  }
  func.func @transform_1(%arg0: i32) -> (i32, i32) {
    %c0_i32 = arith.constant 0 : i32
    %c0_i32_0 = arith.constant 0 : i32
    %c0_i32_1 = arith.constant 0 : i32
    return %c0_i32, %c0_i32_0 : i32, i32
  }
  func.func @transform_2(%arg0: i32) -> (i32, i32) {
    %c0_i32 = arith.constant 0 : i32
    %c0_i32_0 = arith.constant 0 : i32
    return %arg0, %c0_i32 : i32, i32
  }
  func.func @transform_3(%arg0: i32) -> (i32, i32) {
    %c0_i32 = arith.constant 0 : i32
    %c0_i32_0 = arith.constant 0 : i32
    return %arg0, %c0_i32 : i32, i32
  }
  func.func @transform_4(%arg0: i32) -> (i32, i32) {
    %c0_i32 = arith.constant 0 : i32
    %c0_i32_0 = arith.constant 0 : i32
    return %arg0, %c0_i32 : i32, i32
  }
  func.func @transform_5(%arg0: i32) -> (i32, i32) {
    %c0_i32 = arith.constant 0 : i32
    %c0_i32_0 = arith.constant 0 : i32
    return %arg0, %c0_i32 : i32, i32
  }
}

module attributes {stable_mosaic.version = 14 : i64} {
  func.func @body2(%arg0: i32, %arg1: memref<2x1000x128xf32, #tpu.memory_space<vmem>>, %arg2: memref<2x1000x128xf32, #tpu.memory_space<vmem>>, %arg3: memref<2x1000x128xf32, #tpu.memory_space<vmem>>, %arg4: memref<2x1000x128xf32, #tpu.memory_space<vmem>>, %arg5: memref<2x1000x128xf32, #tpu.memory_space<vmem>>, %arg6: memref<1000x256xf32, #tpu.memory_space<vmem>>, %arg7: memref<256x512xf32, #tpu.memory_space<vmem>>, %arg8: memref<1x512xf32, #tpu.memory_space<vmem>>, %arg9: memref<1000x512xf32, #tpu.memory_space<vmem>>) attributes {dimension_semantics = [#tpu.dimension_semantics<arbitrary>], iteration_bounds = array<i64: 10>, scalar_prefetch = 0 : i64, scratch_operands = 0 : i64, tpu.core_type = #tpu.core_type<tc>, window_params = [{transform_indices = @transform_0, window_bounds = array<i64: 2, 1000, 128>}, {transform_indices = @transform_1, window_bounds = array<i64: 2, 1000, 128>}, {transform_indices = @transform_2, window_bounds = array<i64: 2, 1000, 128>}, {transform_indices = @transform_3, window_bounds = array<i64: 2, 1000, 128>}, {transform_indices = @transform_4, window_bounds = array<i64: 2, 1000, 128>}, {transform_indices = @transform_5, window_bounds = array<i64: 1000, 256>}, {pipeline_mode = #tpu.pipeline_mode<synchronous>, transform_indices = @transform_6, window_bounds = array<i64: 256, 512>}, {pipeline_mode = #tpu.pipeline_mode<synchronous>, transform_indices = @transform_7, window_bounds = array<i64: 1, 512>}, {transform_indices = @transform_8, window_bounds = array<i64: 1000, 512>}]} {
    %get3A = arith.constant 0 : index
    %get3A_0 = arith.constant 0 : index
    %get3A_1 = arith.constant 0 : index
    %get3A_2 = vector.load %arg1[%get3A, %get3A_0, %get3A_1] : memref<2x1000x128xf32, #tpu.memory_space<vmem>>, vector<2x1000x128xf32>
    %get3A_3 = arith.constant 0 : index
    %get3A_4 = arith.constant 0 : index
    %get3A_5 = arith.constant 0 : index
    %get3A_6 = vector.load %arg2[%get3A_3, %get3A_4, %get3A_5] : memref<2x1000x128xf32, #tpu.memory_space<vmem>>, vector<2x1000x128xf32>
    %get3A_7 = arith.constant 0 : index
    %get3A_8 = arith.constant 0 : index
    %get3A_9 = arith.constant 0 : index
    %get3A_10 = vector.load %arg3[%get3A_7, %get3A_8, %get3A_9] : memref<2x1000x128xf32, #tpu.memory_space<vmem>>, vector<2x1000x128xf32>
    %get3A_11 = arith.constant 0 : index
    %get3A_12 = arith.constant 0 : index
    %get3A_13 = arith.constant 0 : index
    %get3A_14 = vector.load %arg4[%get3A_11, %get3A_12, %get3A_13] : memref<2x1000x128xf32, #tpu.memory_space<vmem>>, vector<2x1000x128xf32>
    %slice3A = vector.extract_strided_slice %get3A_2 {offsets = [0, 0, 0], sizes = [1, 1000, 128], strides = [1, 1, 1]} : vector<2x1000x128xf32> to vector<1x1000x128xf32>
    %squeeze3A = vector.shape_cast %slice3A : vector<1x1000x128xf32> to vector<1000x128xf32>
    %slice3A_15 = vector.extract_strided_slice %get3A_2 {offsets = [1, 0, 0], sizes = [1, 1000, 128], strides = [1, 1, 1]} : vector<2x1000x128xf32> to vector<1x1000x128xf32>
    %squeeze3A_16 = vector.shape_cast %slice3A_15 : vector<1x1000x128xf32> to vector<1000x128xf32>
    %add3A = arith.addf %squeeze3A, %squeeze3A_16 : vector<1000x128xf32>
    %slice3A_17 = vector.extract_strided_slice %get3A_6 {offsets = [0, 0, 0], sizes = [1, 1000, 128], strides = [1, 1, 1]} : vector<2x1000x128xf32> to vector<1x1000x128xf32>
    %squeeze3A_18 = vector.shape_cast %slice3A_17 : vector<1x1000x128xf32> to vector<1000x128xf32>
    %slice3A_19 = vector.extract_strided_slice %get3A_6 {offsets = [1, 0, 0], sizes = [1, 1000, 128], strides = [1, 1, 1]} : vector<2x1000x128xf32> to vector<1x1000x128xf32>
    %squeeze3A_20 = vector.shape_cast %slice3A_19 : vector<1x1000x128xf32> to vector<1000x128xf32>
    %add3A_21 = arith.addf %squeeze3A_18, %squeeze3A_20 : vector<1000x128xf32>
    %slice3A_22 = vector.extract_strided_slice %get3A_10 {offsets = [0, 0, 0], sizes = [1, 1000, 128], strides = [1, 1, 1]} : vector<2x1000x128xf32> to vector<1x1000x128xf32>
    %squeeze3A_23 = vector.shape_cast %slice3A_22 : vector<1x1000x128xf32> to vector<1000x128xf32>
    %slice3A_24 = vector.extract_strided_slice %get3A_10 {offsets = [1, 0, 0], sizes = [1, 1000, 128], strides = [1, 1, 1]} : vector<2x1000x128xf32> to vector<1x1000x128xf32>
    %squeeze3A_25 = vector.shape_cast %slice3A_24 : vector<1x1000x128xf32> to vector<1000x128xf32>
    %add3A_26 = arith.addf %squeeze3A_23, %squeeze3A_25 : vector<1000x128xf32>
    %slice3A_27 = vector.extract_strided_slice %get3A_14 {offsets = [0, 0, 0], sizes = [1, 1000, 128], strides = [1, 1, 1]} : vector<2x1000x128xf32> to vector<1x1000x128xf32>
    %squeeze3A_28 = vector.shape_cast %slice3A_27 : vector<1x1000x128xf32> to vector<1000x128xf32>
    %slice3A_29 = vector.extract_strided_slice %get3A_14 {offsets = [1, 0, 0], sizes = [1, 1000, 128], strides = [1, 1, 1]} : vector<2x1000x128xf32> to vector<1x1000x128xf32>
    %squeeze3A_30 = vector.shape_cast %slice3A_29 : vector<1x1000x128xf32> to vector<1000x128xf32>
    %add3A_31 = arith.addf %squeeze3A_28, %squeeze3A_30 : vector<1000x128xf32>
    %concatenate3A = tpu.concatenate %add3A, %add3A_21, %add3A_26, %add3A_31 in 1 : vector<1000x128xf32>, vector<1000x128xf32>, vector<1000x128xf32>, vector<1000x128xf32> -> vector<1000x512xf32>
    %get3A_32 = arith.constant 0 : index
    %get3A_33 = arith.constant 0 : index
    %get3A_34 = arith.constant 0 : index
    %get3A_35 = vector.load %arg5[%get3A_32, %get3A_33, %get3A_34] : memref<2x1000x128xf32, #tpu.memory_space<vmem>>, vector<2x1000x128xf32>
    %slice3A_36 = vector.extract_strided_slice %get3A_35 {offsets = [0, 0, 0], sizes = [1, 1000, 1], strides = [1, 1, 1]} : vector<2x1000x128xf32> to vector<1x1000x1xf32>
    %squeeze3A_37 = vector.shape_cast %slice3A_36 : vector<1x1000x1xf32> to vector<1000x1xf32>
    %slice3A_38 = vector.extract_strided_slice %get3A_35 {offsets = [1, 0, 0], sizes = [1, 1000, 1], strides = [1, 1, 1]} : vector<2x1000x128xf32> to vector<1x1000x1xf32>
    %squeeze3A_39 = vector.shape_cast %slice3A_38 : vector<1x1000x1xf32> to vector<1000x1xf32>
    %add3A_40 = arith.addf %squeeze3A_37, %squeeze3A_39 : vector<1000x1xf32>
    %max3A = arith.constant 1.000000e+00 : f32
    %max3A_41 = vector.broadcast %max3A : f32 to vector<1000x1xf32>
    %max3A_42 = arith.maximumf %add3A_40, %max3A_41 : vector<1000x1xf32>
    %div3A = vector.broadcast %max3A_42 : vector<1000x1xf32> to vector<1000x512xf32>
    %div3A_43 = arith.divf %concatenate3A, %div3A : vector<1000x512xf32>
    %get3A_44 = arith.constant 0 : index
    %get3A_45 = arith.constant 0 : index
    %get3A_46 = vector.load %arg6[%get3A_44, %get3A_45] : memref<1000x256xf32, #tpu.memory_space<vmem>>, vector<1000x256xf32>
    %get3A_47 = arith.constant 0 : index
    %get3A_48 = arith.constant 0 : index
    %get3A_49 = vector.load %arg7[%get3A_47, %get3A_48] : memref<256x512xf32, #tpu.memory_space<vmem>>, vector<256x512xf32>
    %dot_general3A = arith.constant dense<0.000000e+00> : vector<1000x512xf32>
    %dot_general3A_50 = tpu.matmul %get3A_46, %get3A_49, %dot_general3A {dimension_numbers = #tpu.dot_dimension_numbers<[1], [0], [0], [1], [0, 0, 1, 1], [], []>, transpose_lhs_hint = false} : vector<1000x256xf32>, vector<256x512xf32>, vector<1000x512xf32> -> vector<1000x512xf32>
    %add3A_51 = arith.addf %div3A_43, %dot_general3A_50 : vector<1000x512xf32>
    %mul3A = arith.mulf %add3A_51, %add3A_51 : vector<1000x512xf32>
    %reduce_sum3A = arith.constant dense<0.000000e+00> : vector<1000xf32>
    %reduce_sum3A_52 = vector.multi_reduction <add>, %mul3A, %reduce_sum3A [1] : vector<1000x512xf32> to vector<1000xf32>
    %broadcast_in_dim3A = vector.shape_cast %reduce_sum3A_52 : vector<1000xf32> to vector<1000x1xf32>
    %sqrt3A = math.sqrt %broadcast_in_dim3A : vector<1000x1xf32>
    %max3A_53 = arith.constant 9.99999996E-13 : f32
    %max3A_54 = vector.broadcast %max3A_53 : f32 to vector<1000x1xf32>
    %max3A_55 = arith.maximumf %sqrt3A, %max3A_54 : vector<1000x1xf32>
    %div3A_56 = vector.broadcast %max3A_55 : vector<1000x1xf32> to vector<1000x512xf32>
    %div3A_57 = arith.divf %add3A_51, %div3A_56 : vector<1000x512xf32>
    %get3A_58 = arith.constant 0 : index
    %get3A_59 = arith.constant 0 : index
    %get3A_60 = vector.load %arg8[%get3A_58, %get3A_59] : memref<1x512xf32, #tpu.memory_space<vmem>>, vector<1x512xf32>
    %add3A_61 = vector.broadcast %get3A_60 : vector<1x512xf32> to vector<1000x512xf32>
    %add3A_62 = arith.addf %div3A_57, %add3A_61 : vector<1000x512xf32>
    %swap3A = arith.constant 0 : index
    %swap3A_63 = arith.constant 0 : index
    %swap3A_64 = vector.load %arg9[%swap3A, %swap3A_63] : memref<1000x512xf32, #tpu.memory_space<vmem>>, vector<1000x512xf32>
    tpu.vector_store %arg9[%swap3A, %swap3A_63], %add3A_62 {strides = array<i32>} : memref<1000x512xf32, #tpu.memory_space<vmem>>, vector<1000x512xf32>,
    return
  }
  func.func @transform_0(%arg0: i32) -> (i32, i32, i32) {
    %c0_i32 = arith.constant 0 : i32
    %c0_i32_0 = arith.constant 0 : i32
    %c0_i32_1 = arith.constant 0 : i32
    return %c0_i32, %arg0, %c0_i32_0 : i32, i32, i32
  }
  func.func @transform_1(%arg0: i32) -> (i32, i32, i32) {
    %c0_i32 = arith.constant 0 : i32
    %c0_i32_0 = arith.constant 0 : i32
    %c0_i32_1 = arith.constant 0 : i32
    return %c0_i32, %arg0, %c0_i32_0 : i32, i32, i32
  }
  func.func @transform_2(%arg0: i32) -> (i32, i32, i32) {
    %c0_i32 = arith.constant 0 : i32
    %c0_i32_0 = arith.constant 0 : i32
    %c0_i32_1 = arith.constant 0 : i32
    return %c0_i32, %arg0, %c0_i32_0 : i32, i32, i32
  }
  func.func @transform_3(%arg0: i32) -> (i32, i32, i32) {
    %c0_i32 = arith.constant 0 : i32
    %c0_i32_0 = arith.constant 0 : i32
    %c0_i32_1 = arith.constant 0 : i32
    return %c0_i32, %arg0, %c0_i32_0 : i32, i32, i32
  }
  func.func @transform_4(%arg0: i32) -> (i32, i32, i32) {
    %c0_i32 = arith.constant 0 : i32
    %c0_i32_0 = arith.constant 0 : i32
    %c0_i32_1 = arith.constant 0 : i32
    return %c0_i32, %arg0, %c0_i32_0 : i32, i32, i32
  }
  func.func @transform_5(%arg0: i32) -> (i32, i32) {
    %c0_i32 = arith.constant 0 : i32
    %c0_i32_0 = arith.constant 0 : i32
    return %arg0, %c0_i32 : i32, i32
  }
  func.func @transform_6(%arg0: i32) -> (i32, i32) {
    %c0_i32 = arith.constant 0 : i32
    %c0_i32_0 = arith.constant 0 : i32
    %c0_i32_1 = arith.constant 0 : i32
    return %c0_i32, %c0_i32_0 : i32, i32
  }
  func.func @transform_7(%arg0: i32) -> (i32, i32) {
    %c0_i32 = arith.constant 0 : i32
    %c0_i32_0 = arith.constant 0 : i32
    %c0_i32_1 = arith.constant 0 : i32
    return %c0_i32, %c0_i32_0 : i32, i32
  }
  func.func @transform_8(%arg0: i32) -> (i32, i32) {
    %c0_i32 = arith.constant 0 : i32
    %c0_i32_0 = arith.constant 0 : i32
    return %arg0, %c0_i32 : i32, i32
  }
}

module attributes {stable_mosaic.version = 14 : i64} {
  func.func @body(%arg0: i32, %arg1: memref<1000x512xf32, #tpu.memory_space<vmem>>, %arg2: memref<512x256xf32, #tpu.memory_space<vmem>>, %arg3: memref<1000x128xf32, #tpu.memory_space<vmem>>, %arg4: memref<1000x128xf32, #tpu.memory_space<vmem>>) attributes {dimension_semantics = [#tpu.dimension_semantics<arbitrary>], iteration_bounds = array<i64: 10>, scalar_prefetch = 0 : i64, scratch_operands = 0 : i64, tpu.core_type = #tpu.core_type<tc>, window_params = [{transform_indices = @transform_0, window_bounds = array<i64: 1000, 512>}, {pipeline_mode = #tpu.pipeline_mode<synchronous>, transform_indices = @transform_1, window_bounds = array<i64: 512, 256>}, {transform_indices = @transform_2, window_bounds = array<i64: 1000, 128>}, {transform_indices = @transform_3, window_bounds = array<i64: 1000, 128>}]} {
    %get3A = arith.constant 0 : index
    %get3A_0 = arith.constant 0 : index
    %get3A_1 = vector.load %arg1[%get3A, %get3A_0] : memref<1000x512xf32, #tpu.memory_space<vmem>>, vector<1000x512xf32>
    %get3A_2 = arith.constant 0 : index
    %get3A_3 = arith.constant 0 : index
    %get3A_4 = vector.load %arg2[%get3A_2, %get3A_3] : memref<512x256xf32, #tpu.memory_space<vmem>>, vector<512x256xf32>
    %dot_general3A = arith.constant dense<0.000000e+00> : vector<1000x256xf32>
    %dot_general3A_5 = tpu.matmul %get3A_1, %get3A_4, %dot_general3A {dimension_numbers = #tpu.dot_dimension_numbers<[1], [0], [0], [1], [0, 0, 1, 1], [], []>, transpose_lhs_hint = false} : vector<1000x512xf32>, vector<512x256xf32>, vector<1000x256xf32> -> vector<1000x256xf32>
    %slice3A = vector.extract_strided_slice %dot_general3A_5 {offsets = [0, 0], sizes = [1000, 128], strides = [1, 1]} : vector<1000x256xf32> to vector<1000x128xf32>
    %swap3A = arith.constant 0 : index
    %swap3A_6 = arith.constant 0 : index
    %swap3A_7 = vector.load %arg3[%swap3A, %swap3A_6] : memref<1000x128xf32, #tpu.memory_space<vmem>>, vector<1000x128xf32>
    tpu.vector_store %arg3[%swap3A, %swap3A_6], %slice3A {strides = array<i32>} : memref<1000x128xf32, #tpu.memory_space<vmem>>, vector<1000x128xf32>,
    %slice3A_8 = vector.extract_strided_slice %dot_general3A_5 {offsets = [0, 128], sizes = [1000, 128], strides = [1, 1]} : vector<1000x256xf32> to vector<1000x128xf32>
    %swap3A_9 = arith.constant 0 : index
    %swap3A_10 = arith.constant 0 : index
    %swap3A_11 = vector.load %arg4[%swap3A_9, %swap3A_10] : memref<1000x128xf32, #tpu.memory_space<vmem>>, vector<1000x128xf32>
    tpu.vector_store %arg4[%swap3A_9, %swap3A_10], %slice3A_8 {strides = array<i32>} : memref<1000x128xf32, #tpu.memory_space<vmem>>, vector<1000x128xf32>,
    return
  }
  func.func @transform_0(%arg0: i32) -> (i32, i32) {
    %c0_i32 = arith.constant 0 : i32
    %c0_i32_0 = arith.constant 0 : i32
    return %arg0, %c0_i32 : i32, i32
  }
  func.func @transform_1(%arg0: i32) -> (i32, i32) {
    %c0_i32 = arith.constant 0 : i32
    %c0_i32_0 = arith.constant 0 : i32
    %c0_i32_1 = arith.constant 0 : i32
    return %c0_i32, %c0_i32_0 : i32, i32
  }
  func.func @transform_2(%arg0: i32) -> (i32, i32) {
    %c0_i32 = arith.constant 0 : i32
    %c0_i32_0 = arith.constant 0 : i32
    return %arg0, %c0_i32 : i32, i32
  }
  func.func @transform_3(%arg0: i32) -> (i32, i32) {
    %c0_i32 = arith.constant 0 : i32
    %c0_i32_0 = arith.constant 0 : i32
    return %arg0, %c0_i32 : i32, i32
  }
}

module attributes {stable_mosaic.version = 14 : i64} {
  func.func @body2(%arg0: i32, %arg1: memref<2x1000x128xf32, #tpu.memory_space<vmem>>, %arg2: memref<2x1000x128xf32, #tpu.memory_space<vmem>>, %arg3: memref<2x1000x128xf32, #tpu.memory_space<vmem>>, %arg4: memref<1000x512xf32, #tpu.memory_space<vmem>>, %arg5: memref<512x256xf32, #tpu.memory_space<vmem>>, %arg6: memref<1x256xf32, #tpu.memory_space<vmem>>, %arg7: memref<1000x256xf32, #tpu.memory_space<vmem>>) attributes {dimension_semantics = [#tpu.dimension_semantics<arbitrary>], iteration_bounds = array<i64: 10>, scalar_prefetch = 0 : i64, scratch_operands = 0 : i64, tpu.core_type = #tpu.core_type<tc>, window_params = [{transform_indices = @transform_0, window_bounds = array<i64: 2, 1000, 128>}, {transform_indices = @transform_1, window_bounds = array<i64: 2, 1000, 128>}, {transform_indices = @transform_2, window_bounds = array<i64: 2, 1000, 128>}, {transform_indices = @transform_3, window_bounds = array<i64: 1000, 512>}, {pipeline_mode = #tpu.pipeline_mode<synchronous>, transform_indices = @transform_4, window_bounds = array<i64: 512, 256>}, {pipeline_mode = #tpu.pipeline_mode<synchronous>, transform_indices = @transform_5, window_bounds = array<i64: 1, 256>}, {transform_indices = @transform_6, window_bounds = array<i64: 1000, 256>}]} {
    %get3A = arith.constant 0 : index
    %get3A_0 = arith.constant 0 : index
    %get3A_1 = arith.constant 0 : index
    %get3A_2 = vector.load %arg1[%get3A, %get3A_0, %get3A_1] : memref<2x1000x128xf32, #tpu.memory_space<vmem>>, vector<2x1000x128xf32>
    %get3A_3 = arith.constant 0 : index
    %get3A_4 = arith.constant 0 : index
    %get3A_5 = arith.constant 0 : index
    %get3A_6 = vector.load %arg2[%get3A_3, %get3A_4, %get3A_5] : memref<2x1000x128xf32, #tpu.memory_space<vmem>>, vector<2x1000x128xf32>
    %slice3A = vector.extract_strided_slice %get3A_2 {offsets = [0, 0, 0], sizes = [1, 1000, 128], strides = [1, 1, 1]} : vector<2x1000x128xf32> to vector<1x1000x128xf32>
    %squeeze3A = vector.shape_cast %slice3A : vector<1x1000x128xf32> to vector<1000x128xf32>
    %slice3A_7 = vector.extract_strided_slice %get3A_2 {offsets = [1, 0, 0], sizes = [1, 1000, 128], strides = [1, 1, 1]} : vector<2x1000x128xf32> to vector<1x1000x128xf32>
    %squeeze3A_8 = vector.shape_cast %slice3A_7 : vector<1x1000x128xf32> to vector<1000x128xf32>
    %add3A = arith.addf %squeeze3A, %squeeze3A_8 : vector<1000x128xf32>
    %slice3A_9 = vector.extract_strided_slice %get3A_6 {offsets = [0, 0, 0], sizes = [1, 1000, 128], strides = [1, 1, 1]} : vector<2x1000x128xf32> to vector<1x1000x128xf32>
    %squeeze3A_10 = vector.shape_cast %slice3A_9 : vector<1x1000x128xf32> to vector<1000x128xf32>
    %slice3A_11 = vector.extract_strided_slice %get3A_6 {offsets = [1, 0, 0], sizes = [1, 1000, 128], strides = [1, 1, 1]} : vector<2x1000x128xf32> to vector<1x1000x128xf32>
    %squeeze3A_12 = vector.shape_cast %slice3A_11 : vector<1x1000x128xf32> to vector<1000x128xf32>
    %add3A_13 = arith.addf %squeeze3A_10, %squeeze3A_12 : vector<1000x128xf32>
    %concatenate3A = tpu.concatenate %add3A, %add3A_13 in 1 : vector<1000x128xf32>, vector<1000x128xf32> -> vector<1000x256xf32>
    %get3A_14 = arith.constant 0 : index
    %get3A_15 = arith.constant 0 : index
    %get3A_16 = arith.constant 0 : index
    %get3A_17 = vector.load %arg3[%get3A_14, %get3A_15, %get3A_16] : memref<2x1000x128xf32, #tpu.memory_space<vmem>>, vector<2x1000x128xf32>
    %slice3A_18 = vector.extract_strided_slice %get3A_17 {offsets = [0, 0, 0], sizes = [1, 1000, 1], strides = [1, 1, 1]} : vector<2x1000x128xf32> to vector<1x1000x1xf32>
    %squeeze3A_19 = vector.shape_cast %slice3A_18 : vector<1x1000x1xf32> to vector<1000x1xf32>
    %slice3A_20 = vector.extract_strided_slice %get3A_17 {offsets = [1, 0, 0], sizes = [1, 1000, 1], strides = [1, 1, 1]} : vector<2x1000x128xf32> to vector<1x1000x1xf32>
    %squeeze3A_21 = vector.shape_cast %slice3A_20 : vector<1x1000x1xf32> to vector<1000x1xf32>
    %add3A_22 = arith.addf %squeeze3A_19, %squeeze3A_21 : vector<1000x1xf32>
    %max3A = arith.constant 1.000000e+00 : f32
    %max3A_23 = vector.broadcast %max3A : f32 to vector<1000x1xf32>
    %max3A_24 = arith.maximumf %add3A_22, %max3A_23 : vector<1000x1xf32>
    %div3A = vector.broadcast %max3A_24 : vector<1000x1xf32> to vector<1000x256xf32>
    %div3A_25 = arith.divf %concatenate3A, %div3A : vector<1000x256xf32>
    %get3A_26 = arith.constant 0 : index
    %get3A_27 = arith.constant 0 : index
    %get3A_28 = vector.load %arg4[%get3A_26, %get3A_27] : memref<1000x512xf32, #tpu.memory_space<vmem>>, vector<1000x512xf32>
    %get3A_29 = arith.constant 0 : index
    %get3A_30 = arith.constant 0 : index
    %get3A_31 = vector.load %arg5[%get3A_29, %get3A_30] : memref<512x256xf32, #tpu.memory_space<vmem>>, vector<512x256xf32>
    %dot_general3A = arith.constant dense<0.000000e+00> : vector<1000x256xf32>
    %dot_general3A_32 = tpu.matmul %get3A_28, %get3A_31, %dot_general3A {dimension_numbers = #tpu.dot_dimension_numbers<[1], [0], [0], [1], [0, 0, 1, 1], [], []>, transpose_lhs_hint = false} : vector<1000x512xf32>, vector<512x256xf32>, vector<1000x256xf32> -> vector<1000x256xf32>
    %add3A_33 = arith.addf %div3A_25, %dot_general3A_32 : vector<1000x256xf32>
    %mul3A = arith.mulf %add3A_33, %add3A_33 : vector<1000x256xf32>
    %reduce_sum3A = arith.constant dense<0.000000e+00> : vector<1000xf32>
    %reduce_sum3A_34 = vector.multi_reduction <add>, %mul3A, %reduce_sum3A [1] : vector<1000x256xf32> to vector<1000xf32>
    %broadcast_in_dim3A = vector.shape_cast %reduce_sum3A_34 : vector<1000xf32> to vector<1000x1xf32>
    %sqrt3A = math.sqrt %broadcast_in_dim3A : vector<1000x1xf32>
    %max3A_35 = arith.constant 9.99999996E-13 : f32
    %max3A_36 = vector.broadcast %max3A_35 : f32 to vector<1000x1xf32>
    %max3A_37 = arith.maximumf %sqrt3A, %max3A_36 : vector<1000x1xf32>
    %div3A_38 = vector.broadcast %max3A_37 : vector<1000x1xf32> to vector<1000x256xf32>
    %div3A_39 = arith.divf %add3A_33, %div3A_38 : vector<1000x256xf32>
    %get3A_40 = arith.constant 0 : index
    %get3A_41 = arith.constant 0 : index
    %get3A_42 = vector.load %arg6[%get3A_40, %get3A_41] : memref<1x256xf32, #tpu.memory_space<vmem>>, vector<1x256xf32>
    %add3A_43 = vector.broadcast %get3A_42 : vector<1x256xf32> to vector<1000x256xf32>
    %add3A_44 = arith.addf %div3A_39, %add3A_43 : vector<1000x256xf32>
    %swap3A = arith.constant 0 : index
    %swap3A_45 = arith.constant 0 : index
    %swap3A_46 = vector.load %arg7[%swap3A, %swap3A_45] : memref<1000x256xf32, #tpu.memory_space<vmem>>, vector<1000x256xf32>
    tpu.vector_store %arg7[%swap3A, %swap3A_45], %add3A_44 {strides = array<i32>} : memref<1000x256xf32, #tpu.memory_space<vmem>>, vector<1000x256xf32>,
    return
  }
  func.func @transform_0(%arg0: i32) -> (i32, i32, i32) {
    %c0_i32 = arith.constant 0 : i32
    %c0_i32_0 = arith.constant 0 : i32
    %c0_i32_1 = arith.constant 0 : i32
    return %c0_i32, %arg0, %c0_i32_0 : i32, i32, i32
  }
  func.func @transform_1(%arg0: i32) -> (i32, i32, i32) {
    %c0_i32 = arith.constant 0 : i32
    %c0_i32_0 = arith.constant 0 : i32
    %c0_i32_1 = arith.constant 0 : i32
    return %c0_i32, %arg0, %c0_i32_0 : i32, i32, i32
  }
  func.func @transform_2(%arg0: i32) -> (i32, i32, i32) {
    %c0_i32 = arith.constant 0 : i32
    %c0_i32_0 = arith.constant 0 : i32
    %c0_i32_1 = arith.constant 0 : i32
    return %c0_i32, %arg0, %c0_i32_0 : i32, i32, i32
  }
  func.func @transform_3(%arg0: i32) -> (i32, i32) {
    %c0_i32 = arith.constant 0 : i32
    %c0_i32_0 = arith.constant 0 : i32
    return %arg0, %c0_i32 : i32, i32
  }
  func.func @transform_4(%arg0: i32) -> (i32, i32) {
    %c0_i32 = arith.constant 0 : i32
    %c0_i32_0 = arith.constant 0 : i32
    %c0_i32_1 = arith.constant 0 : i32
    return %c0_i32, %c0_i32_0 : i32, i32
  }
  func.func @transform_5(%arg0: i32) -> (i32, i32) {
    %c0_i32 = arith.constant 0 : i32
    %c0_i32_0 = arith.constant 0 : i32
    %c0_i32_1 = arith.constant 0 : i32
    return %c0_i32, %c0_i32_0 : i32, i32
  }
  func.func @transform_6(%arg0: i32) -> (i32, i32) {
    %c0_i32 = arith.constant 0 : i32
    %c0_i32_0 = arith.constant 0 : i32
    return %arg0, %c0_i32 : i32, i32
  }
}

module attributes {stable_mosaic.version = 14 : i64} {
  func.func @body(%arg0: i32, %arg1: memref<1000x256xf32, #tpu.memory_space<vmem>>, %arg2: memref<256x256xf32, #tpu.memory_space<vmem>>, %arg3: memref<1000x128xf32, #tpu.memory_space<vmem>>, %arg4: memref<1000x128xf32, #tpu.memory_space<vmem>>) attributes {dimension_semantics = [#tpu.dimension_semantics<arbitrary>], iteration_bounds = array<i64: 10>, scalar_prefetch = 0 : i64, scratch_operands = 0 : i64, tpu.core_type = #tpu.core_type<tc>, window_params = [{transform_indices = @transform_0, window_bounds = array<i64: 1000, 256>}, {pipeline_mode = #tpu.pipeline_mode<synchronous>, transform_indices = @transform_1, window_bounds = array<i64: 256, 256>}, {transform_indices = @transform_2, window_bounds = array<i64: 1000, 128>}, {transform_indices = @transform_3, window_bounds = array<i64: 1000, 128>}]} {
    %get3A = arith.constant 0 : index
    %get3A_0 = arith.constant 0 : index
    %get3A_1 = vector.load %arg1[%get3A, %get3A_0] : memref<1000x256xf32, #tpu.memory_space<vmem>>, vector<1000x256xf32>
    %get3A_2 = arith.constant 0 : index
    %get3A_3 = arith.constant 0 : index
    %get3A_4 = vector.load %arg2[%get3A_2, %get3A_3] : memref<256x256xf32, #tpu.memory_space<vmem>>, vector<256x256xf32>
    %dot_general3A = arith.constant dense<0.000000e+00> : vector<1000x256xf32>
    %dot_general3A_5 = tpu.matmul %get3A_1, %get3A_4, %dot_general3A {dimension_numbers = #tpu.dot_dimension_numbers<[1], [0], [0], [1], [0, 0, 1, 1], [], []>, transpose_lhs_hint = false} : vector<1000x256xf32>, vector<256x256xf32>, vector<1000x256xf32> -> vector<1000x256xf32>
    %slice3A = vector.extract_strided_slice %dot_general3A_5 {offsets = [0, 0], sizes = [1000, 128], strides = [1, 1]} : vector<1000x256xf32> to vector<1000x128xf32>
    %swap3A = arith.constant 0 : index
    %swap3A_6 = arith.constant 0 : index
    %swap3A_7 = vector.load %arg3[%swap3A, %swap3A_6] : memref<1000x128xf32, #tpu.memory_space<vmem>>, vector<1000x128xf32>
    tpu.vector_store %arg3[%swap3A, %swap3A_6], %slice3A {strides = array<i32>} : memref<1000x128xf32, #tpu.memory_space<vmem>>, vector<1000x128xf32>,
    %slice3A_8 = vector.extract_strided_slice %dot_general3A_5 {offsets = [0, 128], sizes = [1000, 128], strides = [1, 1]} : vector<1000x256xf32> to vector<1000x128xf32>
    %swap3A_9 = arith.constant 0 : index
    %swap3A_10 = arith.constant 0 : index
    %swap3A_11 = vector.load %arg4[%swap3A_9, %swap3A_10] : memref<1000x128xf32, #tpu.memory_space<vmem>>, vector<1000x128xf32>
    tpu.vector_store %arg4[%swap3A_9, %swap3A_10], %slice3A_8 {strides = array<i32>} : memref<1000x128xf32, #tpu.memory_space<vmem>>, vector<1000x128xf32>,
    return
  }
  func.func @transform_0(%arg0: i32) -> (i32, i32) {
    %c0_i32 = arith.constant 0 : i32
    %c0_i32_0 = arith.constant 0 : i32
    return %arg0, %c0_i32 : i32, i32
  }
  func.func @transform_1(%arg0: i32) -> (i32, i32) {
    %c0_i32 = arith.constant 0 : i32
    %c0_i32_0 = arith.constant 0 : i32
    %c0_i32_1 = arith.constant 0 : i32
    return %c0_i32, %c0_i32_0 : i32, i32
  }
  func.func @transform_2(%arg0: i32) -> (i32, i32) {
    %c0_i32 = arith.constant 0 : i32
    %c0_i32_0 = arith.constant 0 : i32
    return %arg0, %c0_i32 : i32, i32
  }
  func.func @transform_3(%arg0: i32) -> (i32, i32) {
    %c0_i32 = arith.constant 0 : i32
    %c0_i32_0 = arith.constant 0 : i32
    return %arg0, %c0_i32 : i32, i32
  }
}

module attributes {stable_mosaic.version = 14 : i64} {
  func.func @body2(%arg0: i32, %arg1: memref<2x1000x128xf32, #tpu.memory_space<vmem>>, %arg2: memref<2x1000x128xf32, #tpu.memory_space<vmem>>, %arg3: memref<2x1000x128xf32, #tpu.memory_space<vmem>>, %arg4: memref<1000x256xf32, #tpu.memory_space<vmem>>, %arg5: memref<256x256xf32, #tpu.memory_space<vmem>>, %arg6: memref<1x256xf32, #tpu.memory_space<vmem>>, %arg7: memref<1000x256xf32, #tpu.memory_space<vmem>>, %arg8: memref<1000x256xf32, #tpu.memory_space<vmem>>) attributes {dimension_semantics = [#tpu.dimension_semantics<arbitrary>], iteration_bounds = array<i64: 10>, scalar_prefetch = 0 : i64, scratch_operands = 0 : i64, tpu.core_type = #tpu.core_type<tc>, window_params = [{transform_indices = @transform_0, window_bounds = array<i64: 2, 1000, 128>}, {transform_indices = @transform_1, window_bounds = array<i64: 2, 1000, 128>}, {transform_indices = @transform_2, window_bounds = array<i64: 2, 1000, 128>}, {transform_indices = @transform_3, window_bounds = array<i64: 1000, 256>}, {pipeline_mode = #tpu.pipeline_mode<synchronous>, transform_indices = @transform_4, window_bounds = array<i64: 256, 256>}, {pipeline_mode = #tpu.pipeline_mode<synchronous>, transform_indices = @transform_5, window_bounds = array<i64: 1, 256>}, {transform_indices = @transform_6, window_bounds = array<i64: 1000, 256>}, {transform_indices = @transform_7, window_bounds = array<i64: 1000, 256>}]} {
    %get3A = arith.constant 0 : index
    %get3A_0 = arith.constant 0 : index
    %get3A_1 = arith.constant 0 : index
    %get3A_2 = vector.load %arg1[%get3A, %get3A_0, %get3A_1] : memref<2x1000x128xf32, #tpu.memory_space<vmem>>, vector<2x1000x128xf32>
    %get3A_3 = arith.constant 0 : index
    %get3A_4 = arith.constant 0 : index
    %get3A_5 = arith.constant 0 : index
    %get3A_6 = vector.load %arg2[%get3A_3, %get3A_4, %get3A_5] : memref<2x1000x128xf32, #tpu.memory_space<vmem>>, vector<2x1000x128xf32>
    %slice3A = vector.extract_strided_slice %get3A_2 {offsets = [0, 0, 0], sizes = [1, 1000, 128], strides = [1, 1, 1]} : vector<2x1000x128xf32> to vector<1x1000x128xf32>
    %squeeze3A = vector.shape_cast %slice3A : vector<1x1000x128xf32> to vector<1000x128xf32>
    %slice3A_7 = vector.extract_strided_slice %get3A_2 {offsets = [1, 0, 0], sizes = [1, 1000, 128], strides = [1, 1, 1]} : vector<2x1000x128xf32> to vector<1x1000x128xf32>
    %squeeze3A_8 = vector.shape_cast %slice3A_7 : vector<1x1000x128xf32> to vector<1000x128xf32>
    %add3A = arith.addf %squeeze3A, %squeeze3A_8 : vector<1000x128xf32>
    %slice3A_9 = vector.extract_strided_slice %get3A_6 {offsets = [0, 0, 0], sizes = [1, 1000, 128], strides = [1, 1, 1]} : vector<2x1000x128xf32> to vector<1x1000x128xf32>
    %squeeze3A_10 = vector.shape_cast %slice3A_9 : vector<1x1000x128xf32> to vector<1000x128xf32>
    %slice3A_11 = vector.extract_strided_slice %get3A_6 {offsets = [1, 0, 0], sizes = [1, 1000, 128], strides = [1, 1, 1]} : vector<2x1000x128xf32> to vector<1x1000x128xf32>
    %squeeze3A_12 = vector.shape_cast %slice3A_11 : vector<1x1000x128xf32> to vector<1000x128xf32>
    %add3A_13 = arith.addf %squeeze3A_10, %squeeze3A_12 : vector<1000x128xf32>
    %concatenate3A = tpu.concatenate %add3A, %add3A_13 in 1 : vector<1000x128xf32>, vector<1000x128xf32> -> vector<1000x256xf32>
    %get3A_14 = arith.constant 0 : index
    %get3A_15 = arith.constant 0 : index
    %get3A_16 = arith.constant 0 : index
    %get3A_17 = vector.load %arg3[%get3A_14, %get3A_15, %get3A_16] : memref<2x1000x128xf32, #tpu.memory_space<vmem>>, vector<2x1000x128xf32>
    %slice3A_18 = vector.extract_strided_slice %get3A_17 {offsets = [0, 0, 0], sizes = [1, 1000, 1], strides = [1, 1, 1]} : vector<2x1000x128xf32> to vector<1x1000x1xf32>
    %squeeze3A_19 = vector.shape_cast %slice3A_18 : vector<1x1000x1xf32> to vector<1000x1xf32>
    %slice3A_20 = vector.extract_strided_slice %get3A_17 {offsets = [1, 0, 0], sizes = [1, 1000, 1], strides = [1, 1, 1]} : vector<2x1000x128xf32> to vector<1x1000x1xf32>
    %squeeze3A_21 = vector.shape_cast %slice3A_20 : vector<1x1000x1xf32> to vector<1000x1xf32>
    %add3A_22 = arith.addf %squeeze3A_19, %squeeze3A_21 : vector<1000x1xf32>
    %max3A = arith.constant 1.000000e+00 : f32
    %max3A_23 = vector.broadcast %max3A : f32 to vector<1000x1xf32>
    %max3A_24 = arith.maximumf %add3A_22, %max3A_23 : vector<1000x1xf32>
    %div3A = vector.broadcast %max3A_24 : vector<1000x1xf32> to vector<1000x256xf32>
    %div3A_25 = arith.divf %concatenate3A, %div3A : vector<1000x256xf32>
    %get3A_26 = arith.constant 0 : index
    %get3A_27 = arith.constant 0 : index
    %get3A_28 = vector.load %arg4[%get3A_26, %get3A_27] : memref<1000x256xf32, #tpu.memory_space<vmem>>, vector<1000x256xf32>
    %get3A_29 = arith.constant 0 : index
    %get3A_30 = arith.constant 0 : index
    %get3A_31 = vector.load %arg5[%get3A_29, %get3A_30] : memref<256x256xf32, #tpu.memory_space<vmem>>, vector<256x256xf32>
    %dot_general3A = arith.constant dense<0.000000e+00> : vector<1000x256xf32>
    %dot_general3A_32 = tpu.matmul %get3A_28, %get3A_31, %dot_general3A {dimension_numbers = #tpu.dot_dimension_numbers<[1], [0], [0], [1], [0, 0, 1, 1], [], []>, transpose_lhs_hint = false} : vector<1000x256xf32>, vector<256x256xf32>, vector<1000x256xf32> -> vector<1000x256xf32>
    %add3A_33 = arith.addf %div3A_25, %dot_general3A_32 : vector<1000x256xf32>
    %mul3A = arith.mulf %add3A_33, %add3A_33 : vector<1000x256xf32>
    %reduce_sum3A = arith.constant dense<0.000000e+00> : vector<1000xf32>
    %reduce_sum3A_34 = vector.multi_reduction <add>, %mul3A, %reduce_sum3A [1] : vector<1000x256xf32> to vector<1000xf32>
    %broadcast_in_dim3A = vector.shape_cast %reduce_sum3A_34 : vector<1000xf32> to vector<1000x1xf32>
    %sqrt3A = math.sqrt %broadcast_in_dim3A : vector<1000x1xf32>
    %max3A_35 = arith.constant 9.99999996E-13 : f32
    %max3A_36 = vector.broadcast %max3A_35 : f32 to vector<1000x1xf32>
    %max3A_37 = arith.maximumf %sqrt3A, %max3A_36 : vector<1000x1xf32>
    %div3A_38 = vector.broadcast %max3A_37 : vector<1000x1xf32> to vector<1000x256xf32>
    %div3A_39 = arith.divf %add3A_33, %div3A_38 : vector<1000x256xf32>
    %get3A_40 = arith.constant 0 : index
    %get3A_41 = arith.constant 0 : index
    %get3A_42 = vector.load %arg6[%get3A_40, %get3A_41] : memref<1x256xf32, #tpu.memory_space<vmem>>, vector<1x256xf32>
    %add3A_43 = vector.broadcast %get3A_42 : vector<1x256xf32> to vector<1000x256xf32>
    %add3A_44 = arith.addf %div3A_39, %add3A_43 : vector<1000x256xf32>
    %get3A_45 = arith.constant 0 : index
    %get3A_46 = arith.constant 0 : index
    %get3A_47 = vector.load %arg7[%get3A_45, %get3A_46] : memref<1000x256xf32, #tpu.memory_space<vmem>>, vector<1000x256xf32>
    %add3A_48 = arith.addf %add3A_44, %get3A_47 : vector<1000x256xf32>
    %swap3A = arith.constant 0 : index
    %swap3A_49 = arith.constant 0 : index
    %swap3A_50 = vector.load %arg8[%swap3A, %swap3A_49] : memref<1000x256xf32, #tpu.memory_space<vmem>>, vector<1000x256xf32>
    tpu.vector_store %arg8[%swap3A, %swap3A_49], %add3A_48 {strides = array<i32>} : memref<1000x256xf32, #tpu.memory_space<vmem>>, vector<1000x256xf32>,
    return
  }
  func.func @transform_0(%arg0: i32) -> (i32, i32, i32) {
    %c0_i32 = arith.constant 0 : i32
    %c0_i32_0 = arith.constant 0 : i32
    %c0_i32_1 = arith.constant 0 : i32
    return %c0_i32, %arg0, %c0_i32_0 : i32, i32, i32
  }
  func.func @transform_1(%arg0: i32) -> (i32, i32, i32) {
    %c0_i32 = arith.constant 0 : i32
    %c0_i32_0 = arith.constant 0 : i32
    %c0_i32_1 = arith.constant 0 : i32
    return %c0_i32, %arg0, %c0_i32_0 : i32, i32, i32
  }
  func.func @transform_2(%arg0: i32) -> (i32, i32, i32) {
    %c0_i32 = arith.constant 0 : i32
    %c0_i32_0 = arith.constant 0 : i32
    %c0_i32_1 = arith.constant 0 : i32
    return %c0_i32, %arg0, %c0_i32_0 : i32, i32, i32
  }
  func.func @transform_3(%arg0: i32) -> (i32, i32) {
    %c0_i32 = arith.constant 0 : i32
    %c0_i32_0 = arith.constant 0 : i32
    return %arg0, %c0_i32 : i32, i32
  }
  func.func @transform_4(%arg0: i32) -> (i32, i32) {
    %c0_i32 = arith.constant 0 : i32
    %c0_i32_0 = arith.constant 0 : i32
    %c0_i32_1 = arith.constant 0 : i32
    return %c0_i32, %c0_i32_0 : i32, i32
  }
  func.func @transform_5(%arg0: i32) -> (i32, i32) {
    %c0_i32 = arith.constant 0 : i32
    %c0_i32_0 = arith.constant 0 : i32
    %c0_i32_1 = arith.constant 0 : i32
    return %c0_i32, %c0_i32_0 : i32, i32
  }
  func.func @transform_6(%arg0: i32) -> (i32, i32) {
    %c0_i32 = arith.constant 0 : i32
    %c0_i32_0 = arith.constant 0 : i32
    return %arg0, %c0_i32 : i32, i32
  }
  func.func @transform_7(%arg0: i32) -> (i32, i32) {
    %c0_i32 = arith.constant 0 : i32
    %c0_i32_0 = arith.constant 0 : i32
    return %arg0, %c0_i32 : i32, i32
  }
}

module attributes {stable_mosaic.version = 14 : i64} {
  func.func @body(%arg0: i32, %arg1: memref<1024x256xf32, #tpu.memory_space<vmem>>, %arg2: memref<1024x256xf32, #tpu.memory_space<vmem>>, %arg3: memref<256x256xf32, #tpu.memory_space<vmem>>, %arg4: memref<256x256xf32, #tpu.memory_space<vmem>>, %arg5: memref<1x256xf32, #tpu.memory_space<vmem>>, %arg6: memref<1x256xf32, #tpu.memory_space<vmem>>, %arg7: memref<1x1xf32, #tpu.memory_space<vmem>>, %arg8: memref<1024x1xf32, #tpu.memory_space<vmem>>) attributes {dimension_semantics = [#tpu.dimension_semantics<arbitrary>], iteration_bounds = array<i64: 4>, scalar_prefetch = 0 : i64, scratch_operands = 0 : i64, tpu.core_type = #tpu.core_type<tc>, window_params = [{transform_indices = @transform_0, window_bounds = array<i64: 1024, 256>}, {transform_indices = @transform_1, window_bounds = array<i64: 1024, 256>}, {pipeline_mode = #tpu.pipeline_mode<synchronous>, transform_indices = @transform_2, window_bounds = array<i64: 256, 256>}, {pipeline_mode = #tpu.pipeline_mode<synchronous>, transform_indices = @transform_3, window_bounds = array<i64: 256, 256>}, {pipeline_mode = #tpu.pipeline_mode<synchronous>, transform_indices = @transform_4, window_bounds = array<i64: 1, 256>}, {pipeline_mode = #tpu.pipeline_mode<synchronous>, transform_indices = @transform_5, window_bounds = array<i64: 1, 256>}, {pipeline_mode = #tpu.pipeline_mode<synchronous>, transform_indices = @transform_6, window_bounds = array<i64: 1, 1>}, {transform_indices = @transform_7, window_bounds = array<i64: 1024, 1>}]} {
    %get3A = arith.constant 0 : index
    %get3A_0 = arith.constant 0 : index
    %get3A_1 = vector.load %arg1[%get3A, %get3A_0] : memref<1024x256xf32, #tpu.memory_space<vmem>>, vector<1024x256xf32>
    %get3A_2 = arith.constant 0 : index
    %get3A_3 = arith.constant 0 : index
    %get3A_4 = vector.load %arg3[%get3A_2, %get3A_3] : memref<256x256xf32, #tpu.memory_space<vmem>>, vector<256x256xf32>
    %dot_general3A = arith.constant dense<0.000000e+00> : vector<1024x256xf32>
    %dot_general3A_5 = tpu.matmul %get3A_1, %get3A_4, %dot_general3A {dimension_numbers = #tpu.dot_dimension_numbers<[1], [0], [0], [1], [0, 0, 1, 1], [], []>, transpose_lhs_hint = false} : vector<1024x256xf32>, vector<256x256xf32>, vector<1024x256xf32> -> vector<1024x256xf32>
    %get3A_6 = arith.constant 0 : index
    %get3A_7 = arith.constant 0 : index
    %get3A_8 = vector.load %arg2[%get3A_6, %get3A_7] : memref<1024x256xf32, #tpu.memory_space<vmem>>, vector<1024x256xf32>
    %get3A_9 = arith.constant 0 : index
    %get3A_10 = arith.constant 0 : index
    %get3A_11 = vector.load %arg4[%get3A_9, %get3A_10] : memref<256x256xf32, #tpu.memory_space<vmem>>, vector<256x256xf32>
    %dot_general3A_12 = arith.constant dense<0.000000e+00> : vector<1024x256xf32>
    %dot_general3A_13 = tpu.matmul %get3A_8, %get3A_11, %dot_general3A_12 {dimension_numbers = #tpu.dot_dimension_numbers<[1], [0], [0], [1], [0, 0, 1, 1], [], []>, transpose_lhs_hint = false} : vector<1024x256xf32>, vector<256x256xf32>, vector<1024x256xf32> -> vector<1024x256xf32>
    %add3A = arith.addf %dot_general3A_5, %dot_general3A_13 : vector<1024x256xf32>
    %get3A_14 = arith.constant 0 : index
    %get3A_15 = arith.constant 0 : index
    %get3A_16 = vector.load %arg5[%get3A_14, %get3A_15] : memref<1x256xf32, #tpu.memory_space<vmem>>, vector<1x256xf32>
    %add3A_17 = vector.broadcast %get3A_16 : vector<1x256xf32> to vector<1024x256xf32>
    %add3A_18 = arith.addf %add3A, %add3A_17 : vector<1024x256xf32>
    %max3A = arith.constant 0.000000e+00 : f32
    %max3A_19 = vector.broadcast %max3A : f32 to vector<1024x256xf32>
    %max3A_20 = arith.maximumf %add3A_18, %max3A_19 : vector<1024x256xf32>
    %get3A_21 = arith.constant 0 : index
    %get3A_22 = arith.constant 0 : index
    %get3A_23 = vector.load %arg6[%get3A_21, %get3A_22] : memref<1x256xf32, #tpu.memory_space<vmem>>, vector<1x256xf32>
    %mul3A = vector.broadcast %get3A_23 : vector<1x256xf32> to vector<1024x256xf32>
    %mul3A_24 = arith.mulf %max3A_20, %mul3A : vector<1024x256xf32>
    %reduce_sum3A = arith.constant dense<0.000000e+00> : vector<1024xf32>
    %reduce_sum3A_25 = vector.multi_reduction <add>, %mul3A_24, %reduce_sum3A [1] : vector<1024x256xf32> to vector<1024xf32>
    %broadcast_in_dim3A = vector.shape_cast %reduce_sum3A_25 : vector<1024xf32> to vector<1024x1xf32>
    %get3A_26 = arith.constant 0 : index
    %get3A_27 = arith.constant 0 : index
    %get3A_28 = vector.load %arg7[%get3A_26, %get3A_27] : memref<1x1xf32, #tpu.memory_space<vmem>>, vector<1x1xf32>
    %add3A_29 = vector.broadcast %get3A_28 : vector<1x1xf32> to vector<1024x1xf32>
    %add3A_30 = arith.addf %broadcast_in_dim3A, %add3A_29 : vector<1024x1xf32>
    %swap3A = arith.constant 0 : index
    %swap3A_31 = arith.constant 0 : index
    %swap3A_32 = vector.load %arg8[%swap3A, %swap3A_31] : memref<1024x1xf32, #tpu.memory_space<vmem>>, vector<1024x1xf32>
    tpu.vector_store %arg8[%swap3A, %swap3A_31], %add3A_30 {strides = array<i32>} : memref<1024x1xf32, #tpu.memory_space<vmem>>, vector<1024x1xf32>,
    return
  }
  func.func @transform_0(%arg0: i32) -> (i32, i32) {
    %c0_i32 = arith.constant 0 : i32
    %c0_i32_0 = arith.constant 0 : i32
    return %arg0, %c0_i32 : i32, i32
  }
  func.func @transform_1(%arg0: i32) -> (i32, i32) {
    %c0_i32 = arith.constant 0 : i32
    %c0_i32_0 = arith.constant 0 : i32
    return %arg0, %c0_i32 : i32, i32
  }
  func.func @transform_2(%arg0: i32) -> (i32, i32) {
    %c0_i32 = arith.constant 0 : i32
    %c0_i32_0 = arith.constant 0 : i32
    %c0_i32_1 = arith.constant 0 : i32
    return %c0_i32, %c0_i32_0 : i32, i32
  }
  func.func @transform_3(%arg0: i32) -> (i32, i32) {
    %c0_i32 = arith.constant 0 : i32
    %c0_i32_0 = arith.constant 0 : i32
    %c0_i32_1 = arith.constant 0 : i32
    return %c0_i32, %c0_i32_0 : i32, i32
  }
  func.func @transform_4(%arg0: i32) -> (i32, i32) {
    %c0_i32 = arith.constant 0 : i32
    %c0_i32_0 = arith.constant 0 : i32
    %c0_i32_1 = arith.constant 0 : i32
    return %c0_i32, %c0_i32_0 : i32, i32
  }
  func.func @transform_5(%arg0: i32) -> (i32, i32) {
    %c0_i32 = arith.constant 0 : i32
    %c0_i32_0 = arith.constant 0 : i32
    %c0_i32_1 = arith.constant 0 : i32
    return %c0_i32, %c0_i32_0 : i32, i32
  }
  func.func @transform_6(%arg0: i32) -> (i32, i32) {
    %c0_i32 = arith.constant 0 : i32
    %c0_i32_0 = arith.constant 0 : i32
    %c0_i32_1 = arith.constant 0 : i32
    return %c0_i32, %c0_i32_0 : i32, i32
  }
  func.func @transform_7(%arg0: i32) -> (i32, i32) {
    %c0_i32 = arith.constant 0 : i32
    %c0_i32_0 = arith.constant 0 : i32
    return %arg0, %c0_i32 : i32, i32
  }
}

</mosaic_0001>

<sc_bundles>
// kernel: kernel.14.cloned.1.call-start
scs
__scs_entry_jumppad:
0x0: {  	(pc) =	sbr.rel $0x88, $3  }
0x1: {  	(tag) =	ssettag $0x0;
	lr =	simm.s32 $0x1  }
0x2: {  	[smem:$0x3F8F] =	sst lr;
	_ =	strace $0xD0000000  }
0x3: {  	_ = 	snop  }
0x4: {  	_ = 	snop  }
0x5: {  	_ = 	snop  }
0x6: {  	_ = 	snop  }
0x7: {  	_ = 	snop  }
__scs_overlays_trampoline_lowered:
0x8: {  	[smem:$0x3F9E] =	sst s0  }
0x9: {  	[smem:$0x3F9F] =	sst s1  }
0xa: {  	[smem:$0x3FA0] =	sst s2  }
0xb: {  	[smem:$0x3FA1] =	sst s3  }
0xc: {  	[smem:$0x3FA2] =	sst s4  }
0xd: {  	[smem:$0x3FA3] =	sst s5  }
0xe: {  	[smem:$0x3FA4] =	sst s6  }
0xf: {  	[smem:$0x3FA5] =	sst s7  }
0x10: {  	[smem:$0x3FA6] =	sst s8  }
0x11: {  	[smem:$0x3FA7] =	sst s9;
	s0 =	simm.s32 @!p0 $0x0  }
0x12: {  	s1 =	sld [smem:$0x3F8D];
	s0 =	simm.s32 @p0 $0x1  }
0x13: {  	[smem:$0x3FA8] =	sst s0;
	s0 =	simm.s32 @!p1 $0x0  }
0x14: {  	s2 =	sld [smem:$0x3F8C];
	s0 =	simm.s32 @p1 $0x1  }
0x15: {  	[smem:$0x3FA9] =	sst s0;
	s0 =	simm.s32 @!p2 $0x0  }
0x16: {  	s3 =	sld [smem:$0x3FDB];
	s0 =	simm.s32 @p2 $0x1  }
0x17: {  	s4 =	simm.s32 $0x1BF5;
	[smem:$0x3FAB] =	sst s0  }
0x18: {  	s0 =	sld [smem:$0x3F8E];
	_ =	swait.ge [sflag:s4], $0x0  }
0x19: {  	s7 =	sld [smem:$0x3F8F]  }
0x1a: {  	s8 =	sadd.s32 $0xFFFFE003, lr  }
0x1b: {  	s9 =	sadd.s32 $0xFFFFFEF7, lr;
	s5 =	simm.s32 $0xFFFFFFFF;
	p2 =	slt.u32 s8, $0xFFFFF086  }
0x1c: {  	p1 =	slt.u32 s9, $0xF7A;
	s5 =	simm.s32 @!p2 $0x0  }
0x1d: {  	s5 =	simm.s32 @p1 $0x1;
	p0 =	seq.s32 s7, s2  }
0x1e: {  	s7 =	smul.u32 @!p0 $0xF7A, s2;
	p2 =	seq.s32 @!p0 s5, $0x0  }
0x1f: {  	s9 =	smul.u32 $0xF7A, s1;
	s8 =	simm.s32 @!p0 $0x1BF5;
	p2 =	por !p2, p0  }
0x20: {  	[sflag:s8] =	ssyncset.s32 @!p0 $0xFFFFF086;
	s6 =	sadd.s32 @!p0 s3, s7;
	s7 =	simm.s32 @!p0 $0x108  }
0x21: {  	s3 =	sadd.s32 s3, s9;
	s6 =	sadd.s32 @!p0 $0x88, s6;
	s7 =	simm.s32 @p2 $0x1082  }
0x22: {  	[simem:s7], [sflag:s8] =	dma.local @!p0 [hbm:s6], $0xF7A  }
0x23: {  	s9 =	sor.u32 $0xD0000000, s2;
	s6 =	simm.s32 $0x108;
	_ =	swait.ge @!p0 [sflag:s8], $0x0  }
0x24: {  	s3 =	sadd.s32 $0x88, s3;
	s6 =	simm.s32 @!p1 $0x1082;
	[sflag:s4] =	ssyncset.s32 $0xFFFFF086  }
0x25: {  	[simem:s6], [sflag:s4] =	dma.local [hbm:s3], $0xF7A  }
0x26: {  	[smem:$0x3F8F] =	sst s1;
	(tag) =	ssettag s2;
	_ =	strace s9  }
0x27: {  	s1 =	sld [smem:$0x3F9F]  }
0x28: {  	s2 =	sld [smem:$0x3FA0]  }
0x29: {  	s4 =	sld [smem:$0x3FA2]  }
0x2a: {  	p0 =	seq.s32 s5, $0x0;
	s5 =	sld [smem:$0x3FA3]  }
0x2b: {  	s6 =	sld [smem:$0x3FA4]  }
0x2c: {  	s7 =	sld [smem:$0x3FA5]  }
0x2d: {  	s3 =	simm.s32 $0x108;
	s8 =	sld [smem:$0x3FA6]  }
0x2e: {  	s3 =	simm.s32 @!p0 $0x1082;
	s9 =	sld [smem:$0x3FA7]  }
0x2f: {  	lr =	sadd.s32 s0, s3;
	s0 =	sld [smem:$0x3F9E]  }
0x30: {  	s3 =	sld [smem:$0x3FA1]  }
0x31: {  	[smem:$0x3FAA] =	sst s10  }
0x32: {  	s10 =	sld [smem:$0x3FA8];
	_ =	sdelay $0x3  }
0x33: {  	p0 =	seq.s32 s10, $0x1;
	s10 =	sld [smem:$0x3FAA];
	_ =	sdelay $0x3  }
0x34: {  	[smem:$0x3FAA] =	sst s10  }
0x35: {  	s10 =	sld [smem:$0x3FA9];
	_ =	sdelay $0x3  }
0x36: {  	p1 =	seq.s32 s10, $0x1;
	s10 =	sld [smem:$0x3FAA];
	_ =	sdelay $0x3  }
0x37: {  	[smem:$0x3FAA] =	sst s10  }
0x38: {  	s10 =	sld [smem:$0x3FAB]  }
0x39: {  	_ = 	snop;
	(pc) =	sbr.ind lr, $3  }
0x3a: {  	_ = 	snop  }
0x3b: {  	_ = 	snop  }
0x3c: {  	p2 =	seq.s32 s10, $0x1;
	s10 =	sld [smem:$0x3FAA]  }
0x3d: {  	_ =	shalt  }
0x3e: {  	_ =	shalt  }
0x3f: {  	_ =	shalt  }
0x40: {  	_ =	shalt  }
0x41: {  	_ =	shalt  }
0x42: {  	_ =	shalt  }
0x43: {  	_ =	shalt  }
0x44: {  	_ =	shalt  }
0x45: {  	_ =	shalt  }
0x46: {  	_ =	shalt  }
0x47: {  	_ =	shalt  }
0x48: {  	_ =	shalt  }
0x49: {  	_ =	shalt  }
0x4a: {  	_ =	shalt  }
0x4b: {  	_ =	shalt  }
0x4c: {  	_ =	shalt  }
0x4d: {  	_ =	shalt  }
0x4e: {  	_ =	shalt  }
0x4f: {  	_ =	shalt  }
0x50: {  	_ =	shalt  }
0x51: {  	_ =	shalt  }
0x52: {  	_ =	shalt  }
0x53: {  	_ =	shalt  }
0x54: {  	_ =	shalt  }
0x55: {  	_ =	shalt  }
0x56: {  	_ =	shalt  }
0x57: {  	_ =	shalt  }
0x58: {  	_ =	shalt  }
0x59: {  	_ =	shalt  }
0x5a: {  	_ =	shalt  }
0x5b: {  	_ =	shalt  }
0x5c: {  	_ =	shalt  }
0x5d: {  	_ =	shalt  }
0x5e: {  	_ =	shalt  }
0x5f: {  	_ =	shalt  }
0x60: {  	_ =	shalt  }
0x61: {  	_ =	shalt  }
0x62: {  	_ =	shalt  }
0x63: {  	_ =	shalt  }
0x64: {  	_ =	shalt  }
0x65: {  	_ =	shalt  }
0x66: {  	_ =	shalt  }
0x67: {  	_ =	shalt  }
0x68: {  	_ =	shalt  }
0x69: {  	_ =	shalt  }
0x6a: {  	_ =	shalt  }
0x6b: {  	_ =	shalt  }
0x6c: {  	_ =	shalt  }
0x6d: {  	_ =	shalt  }
0x6e: {  	_ =	shalt  }
0x6f: {  	_ =	shalt  }
0x70: {  	_ =	shalt  }
0x71: {  	_ =	shalt  }
0x72: {  	_ =	shalt  }
0x73: {  	_ =	shalt  }
0x74: {  	_ =	shalt  }
0x75: {  	_ =	shalt  }
0x76: {  	_ =	shalt  }
0x77: {  	_ =	shalt  }
0x78: {  	_ =	shalt  }
0x79: {  	_ =	shalt  }
0x7a: {  	_ =	shalt  }
0x7b: {  	_ =	shalt  }
0x7c: {  	_ =	shalt  }
0x7d: {  	_ =	shalt  }
0x7e: {  	_ =	shalt  }
0x7f: {  	_ =	shalt  }
0x80: {  	_ =	shalt  }
0x81: {  	_ =	shalt  }
0x82: {  	_ =	shalt  }
0x83: {  	_ =	shalt  }
0x84: {  	_ =	shalt  }
0x85: {  	_ =	shalt  }
0x86: {  	_ =	shalt  }
0x87: {  	_ =	shalt  }
.Lfunc_end0:
.L_simem_size_0:
called_computation_lowered:
.L_overlay_start_0:
0x88: {  	s2 =	sld [smem:$0x3FD9]  }
0x89: {  	s3 =	sld [smem:$0x3FFE];
	_ =	sdelay $0x1  }
0x8a: {  	s1 =	srdreg.scid  }
0x8b: {  	s0 =	sand.u32 $0x1, s1  }
0x8c: {  	s17 =	sshll.u32 s0, $0xA;
	s2 =	sadd.s32 s3, s2  }
0x8d: {  	s2 =	sadd.s32 s2, s17  }
0x8e: {  	[smem:$0x3FB6] =	sst s2  }
0x8f: {  	_ = 	snop  }
0x90: {  	(tm) =	ssettm $0x1  }
0x91: {  	s18 =	sld [smem:$0x3FFB];
	_ =	sdelay $0x3  }
0x92: {  	_ =	strace s18  }
0x93: {  	s2 =	sld [smem:$0x3FFC];
	_ =	sdelay $0x3  }
0x94: {  	_ =	strace s2  }
0x95: {  	s2 =	sld [smem:$0x3FFD];
	_ =	sdelay $0x3  }
0x96: {  	_ =	strace s2  }
0x97: {  	_ =	strace $0x8FFFFFFF  }
0x98: {  	s19 =	sld [smem:$0x3FDB];
	_ =	sdelay $0x1  }
0x99: {  	s20 =	simm.s32 $_scs_section_size  }
0x9a: {  	s4 =	simm.s32 $_size__tile_overlayer_lowered;
	s5 =	simm.s32 $_tile_overlayer_lowered  }
0x9b: {  	s6 =	simm.s32 $0x1BFF;
	s21 =	sshll.u32 s5, $0x1;
	s3 =	sadd.s32 s20, s19  }
0x9c: {  	s22 =	simm.s32 $0x0;
	s4 =	sshll.u32 s4, $0x1;
	s5 =	sadd.s32 s21, s3  }
0x9d: {  	[timem:s22], [sflag:s6] =	dma.local [hbm:s5], s4  }
0x9e: {  	_ =	swait.ge [sflag:s6], s4  }
0x9f: {  	s4 =	ssub.s32 $0x0, s4;
	[sflag:s6] =	ssyncset.done $0x0  }
0xa0: {  	[sflag:s6] =	ssyncadd.s32 s4;
	_ =	sdelay $0x1  }
0xa1: {  	s23 =	simm.s32 $0x1B8B  }
0xa2: {  	_ =	swait.ge [sflag:s23], $0x1  }
0xa3: {  	[sflag:s23] =	ssyncset.done $0x0  }
0xa4: {  	[sflag:s23] =	ssyncadd.s32 $0xFFFFFFFF  }
0xa5: {  	s4 =	sld [smem:$0x0]  }
0xa6: {  	s5 =	sand.u32 $0xFFFFFFFE, s1  }
0xa7: {  	p0 =	sne.s32 s1, s5  }
0xa8: {  	s5 =	sshll.u32 @p0 s5, $0xE  }
0xa9: {  	s5 =	sadd.s32 @p0 $0x11B8D, s5;
	s6 =	sshll.u32 @p0 s4, $0x11  }
0xaa: {  	s5 =	sor.u32 @p0 s6, s5  }
0xab: {  	[sflag:s5] =	ssyncadd.remote.s32 @p0 $0x1;
	_ =	sdelay $0x1  }
0xac: {  	s5 =	simm.s32 @p0 $0x1B8D  }
0xad: {  	_ =	swait.eq @p0 [sflag:s5], $0x1  }
0xae: {  	[sflag:s5] =	ssyncadd.s32 @p0 $0xFFFFFFFF  }
0xaf: {  	s6 =	sshll.u32 @!p0 s1, $0xE  }
0xb0: {  	s6 =	sor.u32 @!p0 $0x4000, s6;
	s5 =	simm.s32 @!p0 $0x1B8D  }
0xb1: {  	s4 =	sshll.u32 @!p0 s4, $0x11;
	s6 =	sadd.s32 @!p0 $0x11B8D, s6;
	_ =	swait.eq @!p0 [sflag:s5], $0x1  }
0xb2: {  	s4 =	sor.u32 @!p0 s4, s6;
	[sflag:s5] =	ssyncadd.s32 @!p0 $0xFFFFFFFF  }
0xb3: {  	s25 =	simm.s32 $0x1B8E;
	s24 =	sld [smem:$0x3FFE];
	[sflag:s4] =	ssyncadd.remote.s32 @!p0 $0x1  }
0xb4: {  	s26 =	simm.s32 $execute0_lowered;
	[smem:$0x3FD2] =	sst s25  }
0xb5: {  	s5 =	sshll.u32 s26, $0x1;
	_ =	strace $0x80000049;
	[dreg:$0x1] =	wrdreg $0xFFFFFFFF  }
0xb6: {  	s28 =	simm.s32 $_size_execute0_lowered;
	s3 =	sadd.s32 s3, s5;
	[dreg:$0x0] =	wrdreg $0x0  }
0xb7: {  	s5 =	sshll.u32 s28, $0x1;
	[dreg:$0x2] =	wrdreg s3  }
0xb8: {  	[dreg:$0x3] =	wrdreg s5  }
0xb9: {  	[dreg:$0x4] =	wrdreg $0xC0  }
0xba: {  	_ =	task [dreg:s22], $0x5FFFF  }
0xbb: {  	[dreg:$0x1] =	wrdreg $0xFFFFFFFF  }
0xbc: {  	[dreg:$0x0] =	wrdreg $0x60  }
0xbd: {  	[dreg:$0x2] =	wrdreg s24  }
0xbe: {  	[dreg:$0x3] =	wrdreg $0x54000  }
0xbf: {  	[dreg:$0x4] =	wrdreg $0x9  }
0xc0: {  	_ =	task.clear_ibuf [dreg:s22], $0x5FFFF;
	_ =	strace $0x90000049  }
0xc1: {  	s29 =	simm.s32 $0x9;
	_ =	strace $0x8000004B  }
0xc2: {  	_ =	swait.ge [sflag:s29], $0x1  }
0xc3: {  	[sflag:s29] =	ssyncadd.s32 $0xFFFFFFFF  }
0xc4: {  	_ =	strace $0x9000004B  }
0xc5: {  	_ =	sfence  }
0xc6: {  	s30 =	sld [smem:$0x0];
	_ =	sdelay $0x2  }
0xc7: {  	s31 =	sshll.u32 s1, $0xD;
	s1 =	sshrl.u32 s1, $0x2  }
0xc8: {  	s4 =	sand.u32 $0x4000, s31;
	s1 =	sadd.s32 s1, s30  }
0xc9: {  	s0 =	sor.u32 s4, s0;
	s1 =	sshll.u32 s1, $0x11  }
0xca: {  	s0 =	sor.u32 s1, s0  }
0xcb: {  	s0 =	sadd.s32 $0x8F2B, s0  }
0xcc: {  	[sflag:s0] =	ssyncadd.remote.s32 $0x1  }
0xcd: {  	_ =	sfence.sel $0xFFFF  }
0xce: {  	[dreg:$0x0] =	wrdreg $0xFFFFFFFF;
	(pc) =	sbr.abs _section_cstart, $3  }
0xcf: {  	[dreg:$0x1] =	wrdreg $0xFFFFFFFF  }
0xd0: {  	_ =	task.clear_ibuf [dreg:s22], $0x2FFFF;
	_ =	strace $0x9FFFFFFF  }
0xd1: {  	(tm) =	ssettm $0x7FFFFFFF  }
tec
execute0_lowered:
.L_overlay_start_1:
0x0: {  	(tag) =	ssettag $0x1  }
0x1: {  	s1 =	srdreg.scid;
	s6 =	rddreg [dreg:$0x0]  }
0x2: {  	s0 =	stileid.u32;
	s2 =	rddreg [dreg:$0x1];
	s3 =	simm.s32 $0x0  }
0x3: {  	s12 =	simm.s32 $0x80;
	s5 =	sand.u32 $0x1, s1;
	s1 =	rddreg [dreg:$0x2]  }
0x4: {  	s28 =	sshll.u32 s0, $0x1;
	[smem:$0x7FF] =	sst s3;
	s10 =	smul.u32 $0x50000, s0  }
0x5: {  	s14 =	smul.u32 $0x2800, s0;
	s31 =	sshll.u32 s0, $0x6;
	s4 =	sor.u32 s5, s28  }
0x6: {  	_ =	strace $0x8000004A;
	s8 =	smul.u32 $0x28000, s5;
	s9 =	ssub.s32 $0x2, s5  }
0x7: {  	s5 =	sadd.s32 $0x23D600, s6;
	s4 =	smul.u32 $0x280, s4;
	s29 =	sshrl.u32 s9, $0x1  }
0x8: {  	s30 =	sshrl.u32 s10, $0x2;
	s10 =	sor.u32 $0x1C01, s31;
	s8 =	sadd.s32 s8, s6  }
0x9: {  	s9 =	ssub.s32 s9, s29;
	s11 =	sadd.s32 s30, s2;
	s7 =	sadd.s32 s4, s6  }
0xa: {  	s4 =	sadd.s32 $0xFAE00, s6;
	s13 =	sadd.s32 $0x23DE00, s8;
	s8 =	simm.s32 $0x1  }
0xb: {  	s11 =	sshrl.u32 s11, $0x3;
	s6 =	sadd.s32 $0xF5E00, s7;
	s7 =	smax.u32 s9, $0x1  }
0xc: {  	s9 =	simm.s32 $0x1400;
	s13 =	sadd.s32 s14, s13;
	s14 =	simm.s32 $0x0  }
.LBB2_1:
0xd: {  	[tilespmem:s3], [sflag:$0x1] =	stream.linear.gather [hbm4b:s6+s3], $0x1400, $0x38;
	[tilespmem:$0x19400] =	vst v63  }
0xe: {  	_ =	swait.ge [sflag:s8], $0x1400  }
0xf: {  	[sflag:s8] =	ssyncset.done $0x0  }
0x10: {  	[sflag:s8] =	ssyncadd.s32 $0xFFFFEC00  }
0x11: {  	[tilespmem:s9], [sflag:$0x1] =	stream.linear.gather [hbm4b:s5+s3], $0x4000, $0x38;
	[tilespmem:$0x19400] =	vst v63  }
0x12: {  	_ =	swait.ge [sflag:s8], $0x4000  }
0x13: {  	[sflag:s8] =	ssyncset.done $0x0  }
0x14: {  	[sflag:s8] =	ssyncadd.s32 $0xFFFFC000  }
0x15: {  	[spmem:s11], [sflag:s10] =	dma.local [hbm:s4], $0x2800  }
0x16: {  	_ =	swait.ge [sflag:s8], $0x2800  }
0x17: {  	[sflag:s8] =	ssyncset.done $0x0  }
0x18: {  	[sflag:s8] =	ssyncadd.s32 $0xFFFFD800  }
0x19: {  	s15 =	simm.s32 $0x0;
	[bflag:$0x0] =	sbarrier.arrive $0xFFFF  }
0x1a: {  	[spmem:s2] =	stream.indirect.scatter.add.f32 [tilespmem:s9], [sflag:$0x1], $0x80, s15, s12, $0xb8;
	[tilespmem:$0x19400] =	vst v63  }
0x1b: {  	_ =	swait.ge [sflag:s8], $0x4000  }
0x1c: {  	s15 =	simm.s32 $0x200;
	[sflag:s8] =	ssyncset.done $0x0  }
.LBB2_2:
0x1d: {  	s16 =	sshra.s32 s15, $0x2;
	[sflag:s8] =	ssyncadd.s32 $0xFFFFC000;
	p0 =	sne.s32 s15, $0x4E00  }
0x1e: {  	[spmem:s2] =	stream.indirect.scatter.add.f32 [tilespmem:s9], [sflag:$0x1], $0x80, s16, s12, $0xb8;
	[tilespmem:$0x19400] =	vst v63  }
.Ltmp0:
0x1f: {  	_ = 	snop;
	(pc) =	sbr.rel @p0 .LBB2_2-.Ltmp0, $4  }
0x20: {  	_ = 	snop  }
0x21: {  	s15 =	sadd.s32 $0x200, s15  }
0x22: {  	_ =	swait.ge [sflag:s8], $0x4000  }
0x23: {  	[sflag:s8] =	ssyncset.done $0x0  }
0x24: {  	s14 =	sadd.s32 $0x1, s14  }
0x25: {  	[sflag:s8] =	ssyncadd.s32 $0xFFFFC000;
	p0 =	sne.s32 s14, s7  }
.Ltmp1:
0x26: {  	[bflag:$0x0] =	sbarrier.arrive $0xFFFF;
	(pc) =	sbr.rel @p0 .LBB2_1-.Ltmp1, $4  }
0x27: {  	[hbm:s13], [sflag:s10] =	dma.local [spmem:s11], $0x2800  }
0x28: {  	_ =	swait.ge [sflag:s8], $0x2800  }
0x29: {  	[sflag:s8] =	ssyncset.done $0x0  }
0x2a: {  	[sflag:s8] =	ssyncadd.s32 $0xFFFFD800  }
0x2b: {  	_ =	sfence.sel $0x180000  }
0x2c: {  	[bflag:$0x0] =	sbarrier.arrive $0xFFFF  }
0x2d: {  	p0 =	sne.s32 s0, $0x0;
	_ =	strace $0x9000004A  }
0x2e: {  	s0 =	sadd.s32 @!p0 $0x100000, s1;
	[bflag:$0x2] =	sbarrier.arrive $0xFFFF  }
0x2f: {  	[sflag:s0] =	ssyncadd.tile.s32 @!p0 $0x1;
	_ =	shalt  }
.Lfunc_end2:
_tile_overlayer_lowered:
.L_overlay_start_2:
0x30: {  	(tag) =	ssettag $0x2  }
0x31: {  	s0 =	rddreg [dreg:$0x0];
	s2 =	stileid.u32  }
0x32: {  	s1 =	rddreg [dreg:$0x1];
	p0 =	sne.s32 s2, $0x0  }
0x33: {  	s3 =	rddreg [dreg:$0x2];
	[bflag:$0x3] =	sbarrier.arrive $0xFFFF;
	s2 =	simm.s32 @!p0 $0x1C01  }
0x34: {  	[timem:s3], [sflag:s2] =	dma.local @!p0 [hbm:s0], s1  }
0x35: {  	s0 =	simm.s32 @!p0 $0x1  }
0x36: {  	_ =	swait.ge @!p0 [sflag:s0], s1  }
0x37: {  	s1 =	ssub.s32 @!p0 $0x0, s1;
	[sflag:s0] =	ssyncset.done @!p0 $0x0  }
0x38: {  	[sflag:s0] =	ssyncadd.s32 @!p0 s1  }
0x39: {  	[bflag:$0x3] =	sbarrier.arrive $0xFFFF  }
0x3a: {  	_ =	shalt  }

// kernel: kernel.17.cloned.1.call-start
scs
__scs_entry_jumppad:
0x0: {  	(pc) =	sbr.rel $0x88, $3  }
0x1: {  	(tag) =	ssettag $0x0;
	lr =	simm.s32 $0x1  }
0x2: {  	[smem:$0x3F8F] =	sst lr;
	_ =	strace $0xD0000000  }
0x3: {  	_ = 	snop  }
0x4: {  	_ = 	snop  }
0x5: {  	_ = 	snop  }
0x6: {  	_ = 	snop  }
0x7: {  	_ = 	snop  }
__scs_overlays_trampoline_lowered:
0x8: {  	[smem:$0x3F9E] =	sst s0  }
0x9: {  	[smem:$0x3F9F] =	sst s1  }
0xa: {  	[smem:$0x3FA0] =	sst s2  }
0xb: {  	[smem:$0x3FA1] =	sst s3  }
0xc: {  	[smem:$0x3FA2] =	sst s4  }
0xd: {  	[smem:$0x3FA3] =	sst s5  }
0xe: {  	[smem:$0x3FA4] =	sst s6  }
0xf: {  	[smem:$0x3FA5] =	sst s7  }
0x10: {  	[smem:$0x3FA6] =	sst s8  }
0x11: {  	[smem:$0x3FA7] =	sst s9;
	s0 =	simm.s32 @!p0 $0x0  }
0x12: {  	s1 =	sld [smem:$0x3F8D];
	s0 =	simm.s32 @p0 $0x1  }
0x13: {  	[smem:$0x3FA8] =	sst s0;
	s0 =	simm.s32 @!p1 $0x0  }
0x14: {  	s2 =	sld [smem:$0x3F8C];
	s0 =	simm.s32 @p1 $0x1  }
0x15: {  	[smem:$0x3FA9] =	sst s0;
	s0 =	simm.s32 @!p2 $0x0  }
0x16: {  	s3 =	sld [smem:$0x3FDB];
	s0 =	simm.s32 @p2 $0x1  }
0x17: {  	s4 =	simm.s32 $0x1BF5;
	[smem:$0x3FAB] =	sst s0  }
0x18: {  	s0 =	sld [smem:$0x3F8E];
	_ =	swait.ge [sflag:s4], $0x0  }
0x19: {  	s7 =	sld [smem:$0x3F8F]  }
0x1a: {  	s8 =	sadd.s32 $0xFFFFE003, lr  }
0x1b: {  	s9 =	sadd.s32 $0xFFFFFEF7, lr;
	s5 =	simm.s32 $0xFFFFFFFF;
	p2 =	slt.u32 s8, $0xFFFFF086  }
0x1c: {  	p1 =	slt.u32 s9, $0xF7A;
	s5 =	simm.s32 @!p2 $0x0  }
0x1d: {  	s5 =	simm.s32 @p1 $0x1;
	p0 =	seq.s32 s7, s2  }
0x1e: {  	s7 =	smul.u32 @!p0 $0xF7A, s2;
	p2 =	seq.s32 @!p0 s5, $0x0  }
0x1f: {  	s9 =	smul.u32 $0xF7A, s1;
	s8 =	simm.s32 @!p0 $0x1BF5;
	p2 =	por !p2, p0  }
0x20: {  	[sflag:s8] =	ssyncset.s32 @!p0 $0xFFFFF086;
	s6 =	sadd.s32 @!p0 s3, s7;
	s7 =	simm.s32 @!p0 $0x108  }
0x21: {  	s3 =	sadd.s32 s3, s9;
	s6 =	sadd.s32 @!p0 $0x88, s6;
	s7 =	simm.s32 @p2 $0x1082  }
0x22: {  	[simem:s7], [sflag:s8] =	dma.local @!p0 [hbm:s6], $0xF7A  }
0x23: {  	s9 =	sor.u32 $0xD0000000, s2;
	s6 =	simm.s32 $0x108;
	_ =	swait.ge @!p0 [sflag:s8], $0x0  }
0x24: {  	s3 =	sadd.s32 $0x88, s3;
	s6 =	simm.s32 @!p1 $0x1082;
	[sflag:s4] =	ssyncset.s32 $0xFFFFF086  }
0x25: {  	[simem:s6], [sflag:s4] =	dma.local [hbm:s3], $0xF7A  }
0x26: {  	[smem:$0x3F8F] =	sst s1;
	(tag) =	ssettag s2;
	_ =	strace s9  }
0x27: {  	s1 =	sld [smem:$0x3F9F]  }
0x28: {  	s2 =	sld [smem:$0x3FA0]  }
0x29: {  	s4 =	sld [smem:$0x3FA2]  }
0x2a: {  	p0 =	seq.s32 s5, $0x0;
	s5 =	sld [smem:$0x3FA3]  }
0x2b: {  	s6 =	sld [smem:$0x3FA4]  }
0x2c: {  	s7 =	sld [smem:$0x3FA5]  }
0x2d: {  	s3 =	simm.s32 $0x108;
	s8 =	sld [smem:$0x3FA6]  }
0x2e: {  	s3 =	simm.s32 @!p0 $0x1082;
	s9 =	sld [smem:$0x3FA7]  }
0x2f: {  	lr =	sadd.s32 s0, s3;
	s0 =	sld [smem:$0x3F9E]  }
0x30: {  	s3 =	sld [smem:$0x3FA1]  }
0x31: {  	[smem:$0x3FAA] =	sst s10  }
0x32: {  	s10 =	sld [smem:$0x3FA8];
	_ =	sdelay $0x3  }
0x33: {  	p0 =	seq.s32 s10, $0x1;
	s10 =	sld [smem:$0x3FAA];
	_ =	sdelay $0x3  }
0x34: {  	[smem:$0x3FAA] =	sst s10  }
0x35: {  	s10 =	sld [smem:$0x3FA9];
	_ =	sdelay $0x3  }
0x36: {  	p1 =	seq.s32 s10, $0x1;
	s10 =	sld [smem:$0x3FAA];
	_ =	sdelay $0x3  }
0x37: {  	[smem:$0x3FAA] =	sst s10  }
0x38: {  	s10 =	sld [smem:$0x3FAB]  }
0x39: {  	_ = 	snop;
	(pc) =	sbr.ind lr, $3  }
0x3a: {  	_ = 	snop  }
0x3b: {  	_ = 	snop  }
0x3c: {  	p2 =	seq.s32 s10, $0x1;
	s10 =	sld [smem:$0x3FAA]  }
0x3d: {  	_ =	shalt  }
0x3e: {  	_ =	shalt  }
0x3f: {  	_ =	shalt  }
0x40: {  	_ =	shalt  }
0x41: {  	_ =	shalt  }
0x42: {  	_ =	shalt  }
0x43: {  	_ =	shalt  }
0x44: {  	_ =	shalt  }
0x45: {  	_ =	shalt  }
0x46: {  	_ =	shalt  }
0x47: {  	_ =	shalt  }
0x48: {  	_ =	shalt  }
0x49: {  	_ =	shalt  }
0x4a: {  	_ =	shalt  }
0x4b: {  	_ =	shalt  }
0x4c: {  	_ =	shalt  }
0x4d: {  	_ =	shalt  }
0x4e: {  	_ =	shalt  }
0x4f: {  	_ =	shalt  }
0x50: {  	_ =	shalt  }
0x51: {  	_ =	shalt  }
0x52: {  	_ =	shalt  }
0x53: {  	_ =	shalt  }
0x54: {  	_ =	shalt  }
0x55: {  	_ =	shalt  }
0x56: {  	_ =	shalt  }
0x57: {  	_ =	shalt  }
0x58: {  	_ =	shalt  }
0x59: {  	_ =	shalt  }
0x5a: {  	_ =	shalt  }
0x5b: {  	_ =	shalt  }
0x5c: {  	_ =	shalt  }
0x5d: {  	_ =	shalt  }
0x5e: {  	_ =	shalt  }
0x5f: {  	_ =	shalt  }
0x60: {  	_ =	shalt  }
0x61: {  	_ =	shalt  }
0x62: {  	_ =	shalt  }
0x63: {  	_ =	shalt  }
0x64: {  	_ =	shalt  }
0x65: {  	_ =	shalt  }
0x66: {  	_ =	shalt  }
0x67: {  	_ =	shalt  }
0x68: {  	_ =	shalt  }
0x69: {  	_ =	shalt  }
0x6a: {  	_ =	shalt  }
0x6b: {  	_ =	shalt  }
0x6c: {  	_ =	shalt  }
0x6d: {  	_ =	shalt  }
0x6e: {  	_ =	shalt  }
0x6f: {  	_ =	shalt  }
0x70: {  	_ =	shalt  }
0x71: {  	_ =	shalt  }
0x72: {  	_ =	shalt  }
0x73: {  	_ =	shalt  }
0x74: {  	_ =	shalt  }
0x75: {  	_ =	shalt  }
0x76: {  	_ =	shalt  }
0x77: {  	_ =	shalt  }
0x78: {  	_ =	shalt  }
0x79: {  	_ =	shalt  }
0x7a: {  	_ =	shalt  }
0x7b: {  	_ =	shalt  }
0x7c: {  	_ =	shalt  }
0x7d: {  	_ =	shalt  }
0x7e: {  	_ =	shalt  }
0x7f: {  	_ =	shalt  }
0x80: {  	_ =	shalt  }
0x81: {  	_ =	shalt  }
0x82: {  	_ =	shalt  }
0x83: {  	_ =	shalt  }
0x84: {  	_ =	shalt  }
0x85: {  	_ =	shalt  }
0x86: {  	_ =	shalt  }
0x87: {  	_ =	shalt  }
.Lfunc_end0:
.L_simem_size_0:
called_computation.1_lowered:
.L_overlay_start_0:
0x88: {  	s2 =	sld [smem:$0x3FD9]  }
0x89: {  	s3 =	sld [smem:$0x3FFE];
	_ =	sdelay $0x1  }
0x8a: {  	s1 =	srdreg.scid  }
0x8b: {  	s0 =	sand.u32 $0x1, s1  }
0x8c: {  	s16 =	sshll.u32 s0, $0xA;
	s2 =	sadd.s32 s3, s2  }
0x8d: {  	s2 =	sadd.s32 s2, s16  }
0x8e: {  	[smem:$0x3FB6] =	sst s2  }
0x8f: {  	_ = 	snop  }
0x90: {  	(tm) =	ssettm $0x1  }
0x91: {  	s17 =	sld [smem:$0x3FFB];
	_ =	sdelay $0x3  }
0x92: {  	_ =	strace s17  }
0x93: {  	s2 =	sld [smem:$0x3FFC];
	_ =	sdelay $0x3  }
0x94: {  	_ =	strace s2  }
0x95: {  	s2 =	sld [smem:$0x3FFD];
	_ =	sdelay $0x3  }
0x96: {  	_ =	strace s2  }
0x97: {  	_ =	strace $0x8FFFFFFF  }
0x98: {  	s18 =	sld [smem:$0x3FDB];
	_ =	sdelay $0x1  }
0x99: {  	s19 =	simm.s32 $_scs_section_size  }
0x9a: {  	s4 =	simm.s32 $_size__tile_overlayer_lowered;
	s5 =	simm.s32 $_tile_overlayer_lowered  }
0x9b: {  	s22 =	simm.s32 $0x1BFF;
	s21 =	sshll.u32 s5, $0x1;
	s2 =	sadd.s32 s19, s18  }
0x9c: {  	s6 =	simm.s32 $0x0;
	s20 =	sshll.u32 s4, $0x1;
	s4 =	sadd.s32 s21, s2  }
0x9d: {  	[timem:s6], [sflag:s22] =	dma.local [hbm:s4], s20  }
0x9e: {  	_ =	swait.ge [sflag:s22], s20  }
0x9f: {  	s3 =	ssub.s32 $0x0, s20;
	[sflag:s22] =	ssyncset.done $0x0  }
0xa0: {  	[sflag:s22] =	ssyncadd.s32 s3;
	_ =	sdelay $0x1  }
0xa1: {  	s23 =	simm.s32 $0x1B8B  }
0xa2: {  	_ =	swait.ge [sflag:s23], $0x1  }
0xa3: {  	[sflag:s23] =	ssyncset.done $0x0  }
0xa4: {  	s25 =	simm.s32 $0x1B8E;
	s24 =	sld [smem:$0x3FFE];
	[sflag:s23] =	ssyncadd.s32 $0xFFFFFFFF  }
0xa5: {  	s26 =	simm.s32 $execute0_lowered;
	[smem:$0x3FD2] =	sst s25  }
0xa6: {  	s4 =	sshll.u32 s26, $0x1;
	_ =	strace $0x80000046;
	[dreg:$0x1] =	wrdreg $0xFFFFFFFF  }
0xa7: {  	s28 =	simm.s32 $_size_execute0_lowered;
	s2 =	sadd.s32 s2, s4;
	[dreg:$0x0] =	wrdreg $0x0  }
0xa8: {  	s4 =	sshll.u32 s28, $0x1;
	[dreg:$0x2] =	wrdreg s2  }
0xa9: {  	[dreg:$0x3] =	wrdreg s4  }
0xaa: {  	[dreg:$0x4] =	wrdreg $0xC0  }
0xab: {  	_ =	task [dreg:s6], $0x5FFFF  }
0xac: {  	[dreg:$0x1] =	wrdreg $0xFFFFFFFF  }
0xad: {  	[dreg:$0x0] =	wrdreg $0x60  }
0xae: {  	[dreg:$0x2] =	wrdreg s24  }
0xaf: {  	[dreg:$0x3] =	wrdreg $0xA8000  }
0xb0: {  	[dreg:$0x4] =	wrdreg $0xA  }
0xb1: {  	_ =	task.clear_ibuf [dreg:s6], $0x5FFFF;
	_ =	strace $0x90000046  }
0xb2: {  	s29 =	simm.s32 $0xA;
	_ =	strace $0x80000048  }
0xb3: {  	_ =	swait.ge [sflag:s29], $0x1  }
0xb4: {  	[sflag:s29] =	ssyncadd.s32 $0xFFFFFFFF  }
0xb5: {  	_ =	strace $0x90000048  }
0xb6: {  	_ =	sfence  }
0xb7: {  	s30 =	sld [smem:$0x0];
	_ =	sdelay $0x2  }
0xb8: {  	s31 =	sshll.u32 s1, $0xD;
	s1 =	sshrl.u32 s1, $0x2  }
0xb9: {  	s3 =	sand.u32 $0x4000, s31;
	s1 =	sadd.s32 s1, s30  }
0xba: {  	s0 =	sor.u32 s3, s0;
	s1 =	sshll.u32 s1, $0x11  }
0xbb: {  	s0 =	sor.u32 s1, s0  }
0xbc: {  	s0 =	sadd.s32 $0x8F2B, s0  }
0xbd: {  	[sflag:s0] =	ssyncadd.remote.s32 $0x1  }
0xbe: {  	_ =	sfence.sel $0xFFFF  }
0xbf: {  	[dreg:$0x0] =	wrdreg $0xFFFFFFFF;
	(pc) =	sbr.abs _section_cstart, $3  }
0xc0: {  	[dreg:$0x1] =	wrdreg $0xFFFFFFFF  }
0xc1: {  	_ =	task.clear_ibuf [dreg:s6], $0x2FFFF;
	_ =	strace $0x9FFFFFFF  }
0xc2: {  	(tm) =	ssettm $0x7FFFFFFF  }
0xc3: {  	_ =	shalt  }
tec
execute0_lowered:
.L_overlay_start_1:
0x0: {  	(tag) =	ssettag $0x1  }
0x1: {  	s1 =	srdreg.scid;
	s9 =	rddreg [dreg:$0x0]  }
0x2: {  	s0 =	stileid.u32;
	s2 =	rddreg [dreg:$0x1];
	s3 =	simm.s32 $0x0  }
0x3: {  	s16 =	simm.s32 $0x80;
	s17 =	simm.s32 $0x2800;
	s18 =	simm.s32 $0x6800  }
0x4: {  	s19 =	simm.s32 $0x1;
	s20 =	simm.s32 $0x2;
	s26 =	simm.s32 $0x2700  }
0x5: {  	s28 =	simm.s32 $0x2780;
	s29 =	simm.s32 $0x0;
	s7 =	sand.u32 $0x1, s1  }
0x6: {  	s30 =	sshll.u32 s0, $0x1;
	[smem:$0x7FF] =	sst s3;
	s5 =	sadd.s32 $0x54600, s9  }
0x7: {  	s6 =	sadd.s32 $0x7B800, s9;
	s13 =	smul.u32 $0x50000, s0;
	s8 =	sadd.s32 $0xC9C00, s9  }
0x8: {  	s24 =	smul.u32 $0x2800, s0;
	s31 =	sshll.u32 s0, $0x6;
	s4 =	sor.u32 s7, s30  }
0x9: {  	_ =	strace $0x80000047;
	s11 =	smul.u32 $0x28000, s7;
	s12 =	ssub.s32 $0x2, s7  }
0xa: {  	s7 =	sadd.s32 $0xA2A00, s9;
	s4 =	smul.u32 $0x280, s4;
	s14 =	sshrl.u32 s12, $0x1  }
0xb: {  	s13 =	sshrl.u32 s13, $0x2;
	s11 =	sadd.s32 s11, s9;
	s12 =	ssub.s32 s12, s14  }
0xc: {  	s15 =	sadd.s32 s13, s2;
	s14 =	sor.u32 $0x1C03, s31;
	s10 =	sadd.s32 s4, s9  }
0xd: {  	s4 =	sadd.s32 $0xFAE00, s9;
	s21 =	sadd.s32 $0xFD600, s11;
	s22 =	sadd.s32 $0x14D600, s11  }
0xe: {  	s23 =	sadd.s32 $0x19D600, s11;
	s25 =	sadd.s32 $0x1ED600, s11;
	s11 =	smax.u32 s12, $0x1  }
0xf: {  	s12 =	simm.s32 $0x3;
	s15 =	sshrl.u32 s15, $0x3;
	s9 =	sadd.s32 $0xF0E00, s10  }
0x10: {  	s10 =	sadd.s32 $0xF5E00, s10;
	s21 =	sadd.s32 s24, s21;
	s22 =	sadd.s32 s24, s22  }
0x11: {  	s23 =	sadd.s32 s24, s23;
	s24 =	sadd.s32 s24, s25;
	s25 =	simm.s32 $0x1380  }
.LBB2_1:
0x12: {  	[tilespmem:s3], [sflag:$0x3] =	stream.linear.gather [hbm4b:s9+s3], $0x1400, $0x38;
	[tilespmem:$0x1E800] =	vst v63  }
0x13: {  	_ =	swait.ge [sflag:s12], $0x1400  }
0x14: {  	[sflag:s12] =	ssyncset.done $0x0  }
0x15: {  	s0 =	simm.s32 $0x1400;
	[sflag:s12] =	ssyncadd.s32 $0xFFFFEC00  }
0x16: {  	[tilespmem:s0], [sflag:$0x3] =	stream.linear.gather [hbm4b:s10+s3], $0x1400, $0x38;
	[tilespmem:$0x1E800] =	vst v63  }
0x17: {  	_ =	swait.ge [sflag:s12], $0x1400  }
0x18: {  	[sflag:s12] =	ssyncset.done $0x0  }
0x19: {  	[sflag:s12] =	ssyncadd.s32 $0xFFFFEC00  }
0x1a: {  	[spmem:s15], [sflag:s14] =	dma.local [hbm:s4], $0x2800  }
0x1b: {  	_ =	swait.ge [sflag:s12], $0x2800  }
0x1c: {  	[sflag:s12] =	ssyncset.done $0x0  }
0x1d: {  	[sflag:s12] =	ssyncadd.s32 $0xFFFFD800  }
0x1e: {  	[bflag:$0x0] =	sbarrier.arrive $0xFFFF  }
0x1f: {  	[tilespmem:s17], [sflag:$0x1] =	stream.indirect.gather [hbm4b:s5+s16], $0x80, s3, s16, $0xb8;
	[tilespmem:$0x1E800] =	vst v63  }
0x20: {  	s30 =	simm.s32 $0x80  }
0x21: {  	[tilespmem:s18], [sflag:$0x2] =	stream.indirect.gather [hbm4b:s5+s16], $0x80, s30, s16, $0xb8;
	[tilespmem:$0x1E800] =	vst v63  }
0x22: {  	_ =	swait.ge [sflag:s19], $0x4000  }
0x23: {  	[sflag:s19] =	ssyncset.done $0x0  }
0x24: {  	s30 =	simm.s32 $0x1400;
	[sflag:s19] =	ssyncadd.s32 $0xFFFFC000  }
0x25: {  	[spmem:s2] =	stream.indirect.scatter.add.f32 [tilespmem:s17], [sflag:$0x3], $0x80, s30, s16, $0xb8;
	[tilespmem:$0x1E800] =	vst v63  }
0x26: {  	_ =	swait.ge [sflag:s12], $0x4000  }
0x27: {  	[sflag:s12] =	ssyncset.done $0x0  }
0x28: {  	s30 =	simm.s32 $0x100;
	[sflag:s12] =	ssyncadd.s32 $0xFFFFC000  }
0x29: {  	[tilespmem:s17], [sflag:$0x1] =	stream.indirect.gather [hbm4b:s5+s16], $0x80, s30, s16, $0xb8;
	[tilespmem:$0x1E800] =	vst v63  }
0x2a: {  	_ =	swait.ge [sflag:s20], $0x4000  }
0x2b: {  	[sflag:s20] =	ssyncset.done $0x0  }
0x2c: {  	s30 =	simm.s32 $0x1480;
	[sflag:s20] =	ssyncadd.s32 $0xFFFFC000  }
0x2d: {  	[spmem:s2] =	stream.indirect.scatter.add.f32 [tilespmem:s18], [sflag:$0x3], $0x80, s30, s16, $0xb8;
	[tilespmem:$0x1E800] =	vst v63  }
0x2e: {  	_ =	swait.ge [sflag:s12], $0x4000  }
0x2f: {  	s31 =	simm.s32 $0x800;
	s30 =	simm.s32 $0x100;
	[sflag:s12] =	ssyncset.done $0x0  }
.LBB2_2:
0x30: {  	s1 =	sadd.s32 $0x80, s30  }
0x31: {  	[sflag:s12] =	ssyncadd.s32 $0xFFFFC000;
	s0 =	smov.u32 s31;
	s13 =	sadd.s32 $0x400, s31  }
0x32: {  	[tilespmem:s18], [sflag:$0x2] =	stream.indirect.gather [hbm4b:s5+s16], $0x80, s1, s16, $0xb8;
	[tilespmem:$0x1E800] =	vst v63  }
0x33: {  	p0 =	sne.s32 s31, $0x4800;
	_ =	swait.ge [sflag:s19], $0x4000  }
0x34: {  	[sflag:s19] =	ssyncset.done $0x0  }
0x35: {  	s1 =	sadd.s32 $0x1400, s30;
	[sflag:s19] =	ssyncadd.s32 $0xFFFFC000  }
0x36: {  	[spmem:s2] =	stream.indirect.scatter.add.f32 [tilespmem:s17], [sflag:$0x3], $0x80, s1, s16, $0xb8;
	[tilespmem:$0x1E800] =	vst v63  }
0x37: {  	_ =	swait.ge [sflag:s12], $0x4000  }
0x38: {  	[sflag:s12] =	ssyncset.done $0x0  }
0x39: {  	s1 =	sadd.s32 $0x100, s30;
	[sflag:s12] =	ssyncadd.s32 $0xFFFFC000  }
0x3a: {  	[tilespmem:s17], [sflag:$0x1] =	stream.indirect.gather [hbm4b:s5+s16], $0x80, s1, s16, $0xb8;
	[tilespmem:$0x1E800] =	vst v63  }
0x3b: {  	_ =	swait.ge [sflag:s20], $0x4000  }
.Ltmp0:
0x3c: {  	[sflag:s20] =	ssyncset.done $0x0;
	(pc) =	sbr.rel @p0 .LBB2_2-.Ltmp0, $4  }
0x3d: {  	s1 =	sadd.s32 $0x1480, s30;
	[sflag:s20] =	ssyncadd.s32 $0xFFFFC000  }
0x3e: {  	[spmem:s2] =	stream.indirect.scatter.add.f32 [tilespmem:s18], [sflag:$0x3], $0x80, s1, s16, $0xb8;
	[tilespmem:$0x1E800] =	vst v63  }
0x3f: {  	_ =	swait.ge [sflag:s12], $0x4000  }
0x40: {  	s31 =	smov.u32 s13;
	s30 =	sshra.s32 s0, $0x2;
	[sflag:s12] =	ssyncset.done $0x0  }
0x41: {  	s0 =	sadd.s32 $0x80, s30;
	[sflag:s12] =	ssyncadd.s32 $0xFFFFC000  }
0x42: {  	[tilespmem:s18], [sflag:$0x2] =	stream.indirect.gather [hbm4b:s5+s16], $0x80, s0, s16, $0xb8;
	[tilespmem:$0x1E800] =	vst v63  }
0x43: {  	_ =	swait.ge [sflag:s19], $0x4000  }
0x44: {  	[sflag:s19] =	ssyncset.done $0x0  }
0x45: {  	s1 =	sadd.s32 $0x1400, s30;
	[sflag:s19] =	ssyncadd.s32 $0xFFFFC000  }
0x46: {  	[spmem:s2] =	stream.indirect.scatter.add.f32 [tilespmem:s17], [sflag:$0x3], $0x80, s1, s16, $0xb8;
	[tilespmem:$0x1E800] =	vst v63  }
0x47: {  	_ =	swait.ge [sflag:s12], $0x4000  }
0x48: {  	[sflag:s12] =	ssyncset.done $0x0  }
0x49: {  	s13 =	sadd.s32 $0x100, s30;
	[sflag:s12] =	ssyncadd.s32 $0xFFFFC000  }
0x4a: {  	[tilespmem:s17], [sflag:$0x1] =	stream.indirect.gather [hbm4b:s5+s16], $0x80, s13, s16, $0xb8;
	[tilespmem:$0x1E800] =	vst v63  }
0x4b: {  	_ =	swait.ge [sflag:s20], $0x4000  }
0x4c: {  	[sflag:s20] =	ssyncset.done $0x0  }
0x4d: {  	s1 =	sadd.s32 $0x1480, s30;
	[sflag:s20] =	ssyncadd.s32 $0xFFFFC000  }
0x4e: {  	[spmem:s2] =	stream.indirect.scatter.add.f32 [tilespmem:s18], [sflag:$0x3], $0x80, s1, s16, $0xb8;
	[tilespmem:$0x1E800] =	vst v63  }
0x4f: {  	_ =	swait.ge [sflag:s12], $0x4000  }
0x50: {  	[sflag:s12] =	ssyncset.done $0x0  }
0x51: {  	[sflag:s12] =	ssyncadd.s32 $0xFFFFC000  }
0x52: {  	[tilespmem:s18], [sflag:$0x2] =	stream.indirect.gather [hbm4b:s5+s16], $0x80, s25, s16, $0xb8;
	[tilespmem:$0x1E800] =	vst v63  }
0x53: {  	_ =	swait.ge [sflag:s19], $0x4000  }
0x54: {  	[sflag:s19] =	ssyncset.done $0x0  }
0x55: {  	[sflag:s19] =	ssyncadd.s32 $0xFFFFC000  }
0x56: {  	[spmem:s2] =	stream.indirect.scatter.add.f32 [tilespmem:s17], [sflag:$0x3], $0x80, s26, s16, $0xb8;
	[tilespmem:$0x1E800] =	vst v63  }
0x57: {  	_ =	swait.ge [sflag:s12], $0x4000  }
0x58: {  	[sflag:s12] =	ssyncset.done $0x0  }
0x59: {  	[sflag:s12] =	ssyncadd.s32 $0xFFFFC000  }
0x5a: {  	_ =	swait.ge [sflag:s20], $0x4000  }
0x5b: {  	[sflag:s20] =	ssyncset.done $0x0  }
0x5c: {  	[sflag:s20] =	ssyncadd.s32 $0xFFFFC000  }
0x5d: {  	[spmem:s2] =	stream.indirect.scatter.add.f32 [tilespmem:s18], [sflag:$0x3], $0x80, s28, s16, $0xb8;
	[tilespmem:$0x1E800] =	vst v63  }
0x5e: {  	_ =	swait.ge [sflag:s12], $0x4000  }
0x5f: {  	[sflag:s12] =	ssyncset.done $0x0  }
0x60: {  	[sflag:s12] =	ssyncadd.s32 $0xFFFFC000  }
0x61: {  	[bflag:$0x0] =	sbarrier.arrive $0xFFFF  }
0x62: {  	[hbm:s21], [sflag:s14] =	dma.local [spmem:s15], $0x2800  }
0x63: {  	_ =	swait.ge [sflag:s12], $0x2800  }
0x64: {  	[sflag:s12] =	ssyncset.done $0x0  }
0x65: {  	[sflag:s12] =	ssyncadd.s32 $0xFFFFD800  }
0x66: {  	[spmem:s15], [sflag:s14] =	dma.local [hbm:s4], $0x2800  }
0x67: {  	_ =	swait.ge [sflag:s12], $0x2800  }
0x68: {  	[sflag:s12] =	ssyncset.done $0x0  }
0x69: {  	[sflag:s12] =	ssyncadd.s32 $0xFFFFD800  }
0x6a: {  	s13 =	simm.s32 $0x0;
	[bflag:$0x0] =	sbarrier.arrive $0xFFFF  }
0x6b: {  	[tilespmem:s17], [sflag:$0x1] =	stream.indirect.gather [hbm4b:s6+s16], $0x80, s13, s16, $0xb8;
	[tilespmem:$0x1E800] =	vst v63  }
0x6c: {  	s1 =	simm.s32 $0x80  }
0x6d: {  	[tilespmem:s18], [sflag:$0x2] =	stream.indirect.gather [hbm4b:s6+s16], $0x80, s1, s16, $0xb8;
	[tilespmem:$0x1E800] =	vst v63  }
0x6e: {  	_ =	swait.ge [sflag:s19], $0x4000  }
0x6f: {  	[sflag:s19] =	ssyncset.done $0x0  }
0x70: {  	s13 =	simm.s32 $0x1400;
	[sflag:s19] =	ssyncadd.s32 $0xFFFFC000  }
0x71: {  	[spmem:s2] =	stream.indirect.scatter.add.f32 [tilespmem:s17], [sflag:$0x3], $0x80, s13, s16, $0xb8;
	[tilespmem:$0x1E800] =	vst v63  }
0x72: {  	_ =	swait.ge [sflag:s12], $0x4000  }
0x73: {  	[sflag:s12] =	ssyncset.done $0x0  }
0x74: {  	s1 =	simm.s32 $0x100;
	[sflag:s12] =	ssyncadd.s32 $0xFFFFC000  }
0x75: {  	[tilespmem:s17], [sflag:$0x1] =	stream.indirect.gather [hbm4b:s6+s16], $0x80, s1, s16, $0xb8;
	[tilespmem:$0x1E800] =	vst v63  }
0x76: {  	_ =	swait.ge [sflag:s20], $0x4000  }
0x77: {  	[sflag:s20] =	ssyncset.done $0x0  }
0x78: {  	s13 =	simm.s32 $0x1480;
	[sflag:s20] =	ssyncadd.s32 $0xFFFFC000  }
0x79: {  	[spmem:s2] =	stream.indirect.scatter.add.f32 [tilespmem:s18], [sflag:$0x3], $0x80, s13, s16, $0xb8;
	[tilespmem:$0x1E800] =	vst v63  }
0x7a: {  	_ =	swait.ge [sflag:s12], $0x4000  }
0x7b: {  	s31 =	simm.s32 $0x800;
	s30 =	simm.s32 $0x100;
	[sflag:s12] =	ssyncset.done $0x0  }
.LBB2_4:
0x7c: {  	s0 =	sadd.s32 $0x80, s30  }
0x7d: {  	[sflag:s12] =	ssyncadd.s32 $0xFFFFC000;
	s1 =	smov.u32 s31;
	s13 =	sadd.s32 $0x400, s31  }
0x7e: {  	[tilespmem:s18], [sflag:$0x2] =	stream.indirect.gather [hbm4b:s6+s16], $0x80, s0, s16, $0xb8;
	[tilespmem:$0x1E800] =	vst v63  }
0x7f: {  	p0 =	sne.s32 s31, $0x4800;
	_ =	swait.ge [sflag:s19], $0x4000  }
0x80: {  	[sflag:s19] =	ssyncset.done $0x0  }
0x81: {  	s0 =	sadd.s32 $0x1400, s30;
	[sflag:s19] =	ssyncadd.s32 $0xFFFFC000  }
0x82: {  	[spmem:s2] =	stream.indirect.scatter.add.f32 [tilespmem:s17], [sflag:$0x3], $0x80, s0, s16, $0xb8;
	[tilespmem:$0x1E800] =	vst v63  }
0x83: {  	_ =	swait.ge [sflag:s12], $0x4000  }
0x84: {  	[sflag:s12] =	ssyncset.done $0x0  }
0x85: {  	s0 =	sadd.s32 $0x100, s30;
	[sflag:s12] =	ssyncadd.s32 $0xFFFFC000  }
0x86: {  	[tilespmem:s17], [sflag:$0x1] =	stream.indirect.gather [hbm4b:s6+s16], $0x80, s0, s16, $0xb8;
	[tilespmem:$0x1E800] =	vst v63  }
0x87: {  	_ =	swait.ge [sflag:s20], $0x4000  }
.Ltmp1:
0x88: {  	[sflag:s20] =	ssyncset.done $0x0;
	(pc) =	sbr.rel @p0 .LBB2_4-.Ltmp1, $4  }
0x89: {  	s0 =	sadd.s32 $0x1480, s30;
	[sflag:s20] =	ssyncadd.s32 $0xFFFFC000  }
0x8a: {  	[spmem:s2] =	stream.indirect.scatter.add.f32 [tilespmem:s18], [sflag:$0x3], $0x80, s0, s16, $0xb8;
	[tilespmem:$0x1E800] =	vst v63  }
0x8b: {  	_ =	swait.ge [sflag:s12], $0x4000  }
0x8c: {  	s31 =	smov.u32 s13;
	s30 =	sshra.s32 s1, $0x2;
	[sflag:s12] =	ssyncset.done $0x0  }
0x8d: {  	s0 =	sadd.s32 $0x80, s30;
	[sflag:s12] =	ssyncadd.s32 $0xFFFFC000  }
0x8e: {  	[tilespmem:s18], [sflag:$0x2] =	stream.indirect.gather [hbm4b:s6+s16], $0x80, s0, s16, $0xb8;
	[tilespmem:$0x1E800] =	vst v63  }
0x8f: {  	_ =	swait.ge [sflag:s19], $0x4000  }
0x90: {  	[sflag:s19] =	ssyncset.done $0x0  }
0x91: {  	s1 =	sadd.s32 $0x1400, s30;
	[sflag:s19] =	ssyncadd.s32 $0xFFFFC000  }
0x92: {  	[spmem:s2] =	stream.indirect.scatter.add.f32 [tilespmem:s17], [sflag:$0x3], $0x80, s1, s16, $0xb8;
	[tilespmem:$0x1E800] =	vst v63  }
0x93: {  	_ =	swait.ge [sflag:s12], $0x4000  }
0x94: {  	[sflag:s12] =	ssyncset.done $0x0  }
0x95: {  	s13 =	sadd.s32 $0x100, s30;
	[sflag:s12] =	ssyncadd.s32 $0xFFFFC000  }
0x96: {  	[tilespmem:s17], [sflag:$0x1] =	stream.indirect.gather [hbm4b:s6+s16], $0x80, s13, s16, $0xb8;
	[tilespmem:$0x1E800] =	vst v63  }
0x97: {  	_ =	swait.ge [sflag:s20], $0x4000  }
0x98: {  	[sflag:s20] =	ssyncset.done $0x0  }
0x99: {  	s1 =	sadd.s32 $0x1480, s30;
	[sflag:s20] =	ssyncadd.s32 $0xFFFFC000  }
0x9a: {  	[spmem:s2] =	stream.indirect.scatter.add.f32 [tilespmem:s18], [sflag:$0x3], $0x80, s1, s16, $0xb8;
	[tilespmem:$0x1E800] =	vst v63  }
0x9b: {  	_ =	swait.ge [sflag:s12], $0x4000  }
0x9c: {  	[sflag:s12] =	ssyncset.done $0x0  }
0x9d: {  	[sflag:s12] =	ssyncadd.s32 $0xFFFFC000  }
0x9e: {  	[tilespmem:s18], [sflag:$0x2] =	stream.indirect.gather [hbm4b:s6+s16], $0x80, s25, s16, $0xb8;
	[tilespmem:$0x1E800] =	vst v63  }
0x9f: {  	_ =	swait.ge [sflag:s19], $0x4000  }
0xa0: {  	[sflag:s19] =	ssyncset.done $0x0  }
0xa1: {  	[sflag:s19] =	ssyncadd.s32 $0xFFFFC000  }
0xa2: {  	[spmem:s2] =	stream.indirect.scatter.add.f32 [tilespmem:s17], [sflag:$0x3], $0x80, s26, s16, $0xb8;
	[tilespmem:$0x1E800] =	vst v63  }
0xa3: {  	_ =	swait.ge [sflag:s12], $0x4000  }
0xa4: {  	[sflag:s12] =	ssyncset.done $0x0  }
0xa5: {  	[sflag:s12] =	ssyncadd.s32 $0xFFFFC000  }
0xa6: {  	_ =	swait.ge [sflag:s20], $0x4000  }
0xa7: {  	[sflag:s20] =	ssyncset.done $0x0  }
0xa8: {  	[sflag:s20] =	ssyncadd.s32 $0xFFFFC000  }
0xa9: {  	[spmem:s2] =	stream.indirect.scatter.add.f32 [tilespmem:s18], [sflag:$0x3], $0x80, s28, s16, $0xb8;
	[tilespmem:$0x1E800] =	vst v63  }
0xaa: {  	_ =	swait.ge [sflag:s12], $0x4000  }
0xab: {  	[sflag:s12] =	ssyncset.done $0x0  }
0xac: {  	[sflag:s12] =	ssyncadd.s32 $0xFFFFC000  }
0xad: {  	[bflag:$0x0] =	sbarrier.arrive $0xFFFF  }
0xae: {  	[hbm:s22], [sflag:s14] =	dma.local [spmem:s15], $0x2800  }
0xaf: {  	_ =	swait.ge [sflag:s12], $0x2800  }
0xb0: {  	[sflag:s12] =	ssyncset.done $0x0  }
0xb1: {  	[sflag:s12] =	ssyncadd.s32 $0xFFFFD800  }
0xb2: {  	[spmem:s15], [sflag:s14] =	dma.local [hbm:s4], $0x2800  }
0xb3: {  	_ =	swait.ge [sflag:s12], $0x2800  }
0xb4: {  	[sflag:s12] =	ssyncset.done $0x0  }
0xb5: {  	[sflag:s12] =	ssyncadd.s32 $0xFFFFD800  }
0xb6: {  	s13 =	simm.s32 $0x0;
	[bflag:$0x0] =	sbarrier.arrive $0xFFFF  }
0xb7: {  	[tilespmem:s17], [sflag:$0x1] =	stream.indirect.gather [hbm4b:s7+s16], $0x80, s13, s16, $0xb8;
	[tilespmem:$0x1E800] =	vst v63  }
0xb8: {  	s1 =	simm.s32 $0x80  }
0xb9: {  	[tilespmem:s18], [sflag:$0x2] =	stream.indirect.gather [hbm4b:s7+s16], $0x80, s1, s16, $0xb8;
	[tilespmem:$0x1E800] =	vst v63  }
0xba: {  	_ =	swait.ge [sflag:s19], $0x4000  }
0xbb: {  	[sflag:s19] =	ssyncset.done $0x0  }
0xbc: {  	s13 =	simm.s32 $0x1400;
	[sflag:s19] =	ssyncadd.s32 $0xFFFFC000  }
0xbd: {  	[spmem:s2] =	stream.indirect.scatter.add.f32 [tilespmem:s17], [sflag:$0x3], $0x80, s13, s16, $0xb8;
	[tilespmem:$0x1E800] =	vst v63  }
0xbe: {  	_ =	swait.ge [sflag:s12], $0x4000  }
0xbf: {  	[sflag:s12] =	ssyncset.done $0x0  }
0xc0: {  	s1 =	simm.s32 $0x100;
	[sflag:s12] =	ssyncadd.s32 $0xFFFFC000  }
0xc1: {  	[tilespmem:s17], [sflag:$0x1] =	stream.indirect.gather [hbm4b:s7+s16], $0x80, s1, s16, $0xb8;
	[tilespmem:$0x1E800] =	vst v63  }
0xc2: {  	_ =	swait.ge [sflag:s20], $0x4000  }
0xc3: {  	[sflag:s20] =	ssyncset.done $0x0  }
0xc4: {  	s13 =	simm.s32 $0x1480;
	[sflag:s20] =	ssyncadd.s32 $0xFFFFC000  }
0xc5: {  	[spmem:s2] =	stream.indirect.scatter.add.f32 [tilespmem:s18], [sflag:$0x3], $0x80, s13, s16, $0xb8;
	[tilespmem:$0x1E800] =	vst v63  }
0xc6: {  	_ =	swait.ge [sflag:s12], $0x4000  }
0xc7: {  	s31 =	simm.s32 $0x800;
	s30 =	simm.s32 $0x100;
	[sflag:s12] =	ssyncset.done $0x0  }
.LBB2_6:
0xc8: {  	s0 =	sadd.s32 $0x80, s30  }
0xc9: {  	[sflag:s12] =	ssyncadd.s32 $0xFFFFC000;
	s1 =	smov.u32 s31;
	s13 =	sadd.s32 $0x400, s31  }
0xca: {  	[tilespmem:s18], [sflag:$0x2] =	stream.indirect.gather [hbm4b:s7+s16], $0x80, s0, s16, $0xb8;
	[tilespmem:$0x1E800] =	vst v63  }
0xcb: {  	p0 =	sne.s32 s31, $0x4800;
	_ =	swait.ge [sflag:s19], $0x4000  }
0xcc: {  	[sflag:s19] =	ssyncset.done $0x0  }
0xcd: {  	s0 =	sadd.s32 $0x1400, s30;
	[sflag:s19] =	ssyncadd.s32 $0xFFFFC000  }
0xce: {  	[spmem:s2] =	stream.indirect.scatter.add.f32 [tilespmem:s17], [sflag:$0x3], $0x80, s0, s16, $0xb8;
	[tilespmem:$0x1E800] =	vst v63  }
0xcf: {  	_ =	swait.ge [sflag:s12], $0x4000  }
0xd0: {  	[sflag:s12] =	ssyncset.done $0x0  }
0xd1: {  	s0 =	sadd.s32 $0x100, s30;
	[sflag:s12] =	ssyncadd.s32 $0xFFFFC000  }
0xd2: {  	[tilespmem:s17], [sflag:$0x1] =	stream.indirect.gather [hbm4b:s7+s16], $0x80, s0, s16, $0xb8;
	[tilespmem:$0x1E800] =	vst v63  }
0xd3: {  	_ =	swait.ge [sflag:s20], $0x4000  }
.Ltmp2:
0xd4: {  	[sflag:s20] =	ssyncset.done $0x0;
	(pc) =	sbr.rel @p0 .LBB2_6-.Ltmp2, $4  }
0xd5: {  	s0 =	sadd.s32 $0x1480, s30;
	[sflag:s20] =	ssyncadd.s32 $0xFFFFC000  }
0xd6: {  	[spmem:s2] =	stream.indirect.scatter.add.f32 [tilespmem:s18], [sflag:$0x3], $0x80, s0, s16, $0xb8;
	[tilespmem:$0x1E800] =	vst v63  }
0xd7: {  	_ =	swait.ge [sflag:s12], $0x4000  }
0xd8: {  	s31 =	smov.u32 s13;
	s30 =	sshra.s32 s1, $0x2;
	[sflag:s12] =	ssyncset.done $0x0  }
0xd9: {  	s0 =	sadd.s32 $0x80, s30;
	[sflag:s12] =	ssyncadd.s32 $0xFFFFC000  }
0xda: {  	[tilespmem:s18], [sflag:$0x2] =	stream.indirect.gather [hbm4b:s7+s16], $0x80, s0, s16, $0xb8;
	[tilespmem:$0x1E800] =	vst v63  }
0xdb: {  	_ =	swait.ge [sflag:s19], $0x4000  }
0xdc: {  	[sflag:s19] =	ssyncset.done $0x0  }
0xdd: {  	s1 =	sadd.s32 $0x1400, s30;
	[sflag:s19] =	ssyncadd.s32 $0xFFFFC000  }
0xde: {  	[spmem:s2] =	stream.indirect.scatter.add.f32 [tilespmem:s17], [sflag:$0x3], $0x80, s1, s16, $0xb8;
	[tilespmem:$0x1E800] =	vst v63  }
0xdf: {  	_ =	swait.ge [sflag:s12], $0x4000  }
0xe0: {  	[sflag:s12] =	ssyncset.done $0x0  }
0xe1: {  	s13 =	sadd.s32 $0x100, s30;
	[sflag:s12] =	ssyncadd.s32 $0xFFFFC000  }
0xe2: {  	[tilespmem:s17], [sflag:$0x1] =	stream.indirect.gather [hbm4b:s7+s16], $0x80, s13, s16, $0xb8;
	[tilespmem:$0x1E800] =	vst v63  }
0xe3: {  	_ =	swait.ge [sflag:s20], $0x4000  }
0xe4: {  	[sflag:s20] =	ssyncset.done $0x0  }
0xe5: {  	s1 =	sadd.s32 $0x1480, s30;
	[sflag:s20] =	ssyncadd.s32 $0xFFFFC000  }
0xe6: {  	[spmem:s2] =	stream.indirect.scatter.add.f32 [tilespmem:s18], [sflag:$0x3], $0x80, s1, s16, $0xb8;
	[tilespmem:$0x1E800] =	vst v63  }
0xe7: {  	_ =	swait.ge [sflag:s12], $0x4000  }
0xe8: {  	[sflag:s12] =	ssyncset.done $0x0  }
0xe9: {  	[sflag:s12] =	ssyncadd.s32 $0xFFFFC000  }
0xea: {  	[tilespmem:s18], [sflag:$0x2] =	stream.indirect.gather [hbm4b:s7+s16], $0x80, s25, s16, $0xb8;
	[tilespmem:$0x1E800] =	vst v63  }
0xeb: {  	_ =	swait.ge [sflag:s19], $0x4000  }
0xec: {  	[sflag:s19] =	ssyncset.done $0x0  }
0xed: {  	[sflag:s19] =	ssyncadd.s32 $0xFFFFC000  }
0xee: {  	[spmem:s2] =	stream.indirect.scatter.add.f32 [tilespmem:s17], [sflag:$0x3], $0x80, s26, s16, $0xb8;
	[tilespmem:$0x1E800] =	vst v63  }
0xef: {  	_ =	swait.ge [sflag:s12], $0x4000  }
0xf0: {  	[sflag:s12] =	ssyncset.done $0x0  }
0xf1: {  	[sflag:s12] =	ssyncadd.s32 $0xFFFFC000  }
0xf2: {  	_ =	swait.ge [sflag:s20], $0x4000  }
0xf3: {  	[sflag:s20] =	ssyncset.done $0x0  }
0xf4: {  	[sflag:s20] =	ssyncadd.s32 $0xFFFFC000  }
0xf5: {  	[spmem:s2] =	stream.indirect.scatter.add.f32 [tilespmem:s18], [sflag:$0x3], $0x80, s28, s16, $0xb8;
	[tilespmem:$0x1E800] =	vst v63  }
0xf6: {  	_ =	swait.ge [sflag:s12], $0x4000  }
0xf7: {  	[sflag:s12] =	ssyncset.done $0x0  }
0xf8: {  	[sflag:s12] =	ssyncadd.s32 $0xFFFFC000  }
0xf9: {  	[bflag:$0x0] =	sbarrier.arrive $0xFFFF  }
0xfa: {  	[hbm:s23], [sflag:s14] =	dma.local [spmem:s15], $0x2800  }
0xfb: {  	_ =	swait.ge [sflag:s12], $0x2800  }
0xfc: {  	[sflag:s12] =	ssyncset.done $0x0  }
0xfd: {  	[sflag:s12] =	ssyncadd.s32 $0xFFFFD800  }
0xfe: {  	[spmem:s15], [sflag:s14] =	dma.local [hbm:s4], $0x2800  }
0xff: {  	_ =	swait.ge [sflag:s12], $0x2800  }
0x100: {  	[sflag:s12] =	ssyncset.done $0x0  }
0x101: {  	[sflag:s12] =	ssyncadd.s32 $0xFFFFD800  }
0x102: {  	s13 =	simm.s32 $0x0;
	[bflag:$0x0] =	sbarrier.arrive $0xFFFF  }
0x103: {  	[tilespmem:s17], [sflag:$0x1] =	stream.indirect.gather [hbm4b:s8+s16], $0x80, s13, s16, $0xb8;
	[tilespmem:$0x1E800] =	vst v63  }
0x104: {  	s1 =	simm.s32 $0x80  }
0x105: {  	[tilespmem:s18], [sflag:$0x2] =	stream.indirect.gather [hbm4b:s8+s16], $0x80, s1, s16, $0xb8;
	[tilespmem:$0x1E800] =	vst v63  }
0x106: {  	_ =	swait.ge [sflag:s19], $0x4000  }
0x107: {  	[sflag:s19] =	ssyncset.done $0x0  }
0x108: {  	s13 =	simm.s32 $0x1400;
	[sflag:s19] =	ssyncadd.s32 $0xFFFFC000  }
0x109: {  	[spmem:s2] =	stream.indirect.scatter.add.f32 [tilespmem:s17], [sflag:$0x3], $0x80, s13, s16, $0xb8;
	[tilespmem:$0x1E800] =	vst v63  }
0x10a: {  	_ =	swait.ge [sflag:s12], $0x4000  }
0x10b: {  	[sflag:s12] =	ssyncset.done $0x0  }
0x10c: {  	s1 =	simm.s32 $0x100;
	[sflag:s12] =	ssyncadd.s32 $0xFFFFC000  }
0x10d: {  	[tilespmem:s17], [sflag:$0x1] =	stream.indirect.gather [hbm4b:s8+s16], $0x80, s1, s16, $0xb8;
	[tilespmem:$0x1E800] =	vst v63  }
0x10e: {  	_ =	swait.ge [sflag:s20], $0x4000  }
0x10f: {  	[sflag:s20] =	ssyncset.done $0x0  }
0x110: {  	s13 =	simm.s32 $0x1480;
	[sflag:s20] =	ssyncadd.s32 $0xFFFFC000  }
0x111: {  	[spmem:s2] =	stream.indirect.scatter.add.f32 [tilespmem:s18], [sflag:$0x3], $0x80, s13, s16, $0xb8;
	[tilespmem:$0x1E800] =	vst v63  }
0x112: {  	_ =	swait.ge [sflag:s12], $0x4000  }
0x113: {  	s31 =	simm.s32 $0x800;
	s30 =	simm.s32 $0x100;
	[sflag:s12] =	ssyncset.done $0x0  }
.LBB2_8:
0x114: {  	s0 =	sadd.s32 $0x80, s30  }
0x115: {  	[sflag:s12] =	ssyncadd.s32 $0xFFFFC000;
	s1 =	smov.u32 s31;
	s13 =	sadd.s32 $0x400, s31  }
0x116: {  	[tilespmem:s18], [sflag:$0x2] =	stream.indirect.gather [hbm4b:s8+s16], $0x80, s0, s16, $0xb8;
	[tilespmem:$0x1E800] =	vst v63  }
0x117: {  	p0 =	sne.s32 s31, $0x4800;
	_ =	swait.ge [sflag:s19], $0x4000  }
0x118: {  	[sflag:s19] =	ssyncset.done $0x0  }
0x119: {  	s0 =	sadd.s32 $0x1400, s30;
	[sflag:s19] =	ssyncadd.s32 $0xFFFFC000  }
0x11a: {  	[spmem:s2] =	stream.indirect.scatter.add.f32 [tilespmem:s17], [sflag:$0x3], $0x80, s0, s16, $0xb8;
	[tilespmem:$0x1E800] =	vst v63  }
0x11b: {  	_ =	swait.ge [sflag:s12], $0x4000  }
0x11c: {  	[sflag:s12] =	ssyncset.done $0x0  }
0x11d: {  	s0 =	sadd.s32 $0x100, s30;
	[sflag:s12] =	ssyncadd.s32 $0xFFFFC000  }
0x11e: {  	[tilespmem:s17], [sflag:$0x1] =	stream.indirect.gather [hbm4b:s8+s16], $0x80, s0, s16, $0xb8;
	[tilespmem:$0x1E800] =	vst v63  }
0x11f: {  	_ =	swait.ge [sflag:s20], $0x4000  }
.Ltmp3:
0x120: {  	[sflag:s20] =	ssyncset.done $0x0;
	(pc) =	sbr.rel @p0 .LBB2_8-.Ltmp3, $4  }
0x121: {  	s0 =	sadd.s32 $0x1480, s30;
	[sflag:s20] =	ssyncadd.s32 $0xFFFFC000  }
0x122: {  	[spmem:s2] =	stream.indirect.scatter.add.f32 [tilespmem:s18], [sflag:$0x3], $0x80, s0, s16, $0xb8;
	[tilespmem:$0x1E800] =	vst v63  }
0x123: {  	_ =	swait.ge [sflag:s12], $0x4000  }
0x124: {  	s31 =	smov.u32 s13;
	s30 =	sshra.s32 s1, $0x2;
	[sflag:s12] =	ssyncset.done $0x0  }
0x125: {  	s0 =	sadd.s32 $0x80, s30;
	[sflag:s12] =	ssyncadd.s32 $0xFFFFC000  }
0x126: {  	[tilespmem:s18], [sflag:$0x2] =	stream.indirect.gather [hbm4b:s8+s16], $0x80, s0, s16, $0xb8;
	[tilespmem:$0x1E800] =	vst v63  }
0x127: {  	_ =	swait.ge [sflag:s19], $0x4000  }
0x128: {  	[sflag:s19] =	ssyncset.done $0x0  }
0x129: {  	s1 =	sadd.s32 $0x1400, s30;
	[sflag:s19] =	ssyncadd.s32 $0xFFFFC000  }
0x12a: {  	[spmem:s2] =	stream.indirect.scatter.add.f32 [tilespmem:s17], [sflag:$0x3], $0x80, s1, s16, $0xb8;
	[tilespmem:$0x1E800] =	vst v63  }
0x12b: {  	_ =	swait.ge [sflag:s12], $0x4000  }
0x12c: {  	[sflag:s12] =	ssyncset.done $0x0  }
0x12d: {  	s13 =	sadd.s32 $0x100, s30;
	[sflag:s12] =	ssyncadd.s32 $0xFFFFC000  }
0x12e: {  	[tilespmem:s17], [sflag:$0x1] =	stream.indirect.gather [hbm4b:s8+s16], $0x80, s13, s16, $0xb8;
	[tilespmem:$0x1E800] =	vst v63  }
0x12f: {  	_ =	swait.ge [sflag:s20], $0x4000  }
0x130: {  	[sflag:s20] =	ssyncset.done $0x0  }
0x131: {  	s31 =	sadd.s32 $0x1480, s30;
	[sflag:s20] =	ssyncadd.s32 $0xFFFFC000  }
0x132: {  	[spmem:s2] =	stream.indirect.scatter.add.f32 [tilespmem:s18], [sflag:$0x3], $0x80, s31, s16, $0xb8;
	[tilespmem:$0x1E800] =	vst v63  }
0x133: {  	_ =	swait.ge [sflag:s12], $0x4000  }
0x134: {  	[sflag:s12] =	ssyncset.done $0x0  }
0x135: {  	[sflag:s12] =	ssyncadd.s32 $0xFFFFC000  }
0x136: {  	[tilespmem:s18], [sflag:$0x2] =	stream.indirect.gather [hbm4b:s8+s16], $0x80, s25, s16, $0xb8;
	[tilespmem:$0x1E800] =	vst v63  }
0x137: {  	_ =	swait.ge [sflag:s19], $0x4000  }
0x138: {  	[sflag:s19] =	ssyncset.done $0x0  }
0x139: {  	[sflag:s19] =	ssyncadd.s32 $0xFFFFC000  }
0x13a: {  	[spmem:s2] =	stream.indirect.scatter.add.f32 [tilespmem:s17], [sflag:$0x3], $0x80, s26, s16, $0xb8;
	[tilespmem:$0x1E800] =	vst v63  }
0x13b: {  	_ =	swait.ge [sflag:s12], $0x4000  }
0x13c: {  	[sflag:s12] =	ssyncset.done $0x0  }
0x13d: {  	[sflag:s12] =	ssyncadd.s32 $0xFFFFC000  }
0x13e: {  	_ =	swait.ge [sflag:s20], $0x4000  }
0x13f: {  	[sflag:s20] =	ssyncset.done $0x0  }
0x140: {  	[sflag:s20] =	ssyncadd.s32 $0xFFFFC000  }
0x141: {  	[spmem:s2] =	stream.indirect.scatter.add.f32 [tilespmem:s18], [sflag:$0x3], $0x80, s28, s16, $0xb8;
	[tilespmem:$0x1E800] =	vst v63  }
0x142: {  	_ =	swait.ge [sflag:s12], $0x4000  }
0x143: {  	s29 =	sadd.s32 $0x1, s29;
	[sflag:s12] =	ssyncset.done $0x0  }
0x144: {  	p0 =	sne.s32 s29, s11;
	[sflag:s12] =	ssyncadd.s32 $0xFFFFC000  }
.Ltmp4:
0x145: {  	[bflag:$0x0] =	sbarrier.arrive $0xFFFF;
	(pc) =	sbr.rel @p0 .LBB2_1-.Ltmp4, $4  }
0x146: {  	[hbm:s24], [sflag:s14] =	dma.local [spmem:s15], $0x2800  }
0x147: {  	_ =	swait.ge [sflag:s12], $0x2800  }
0x148: {  	[sflag:s12] =	ssyncset.done $0x0  }
0x149: {  	[sflag:s12] =	ssyncadd.s32 $0xFFFFD800  }
0x14a: {  	_ =	sfence.sel $0x180000  }
0x14b: {  	[bflag:$0x0] =	sbarrier.arrive $0xFFFF  }
0x14c: {  	_ =	strace $0x90000047  }
0x14d: {  	s0 =	stileid.u32;
	[bflag:$0x2] =	sbarrier.arrive $0xFFFF  }
0x14e: {  	p0 =	sne.s32 s0, $0x0;
	s0 =	rddreg [dreg:$0x2]  }
0x14f: {  	s0 =	sadd.s32 @!p0 $0x100000, s0  }
0x150: {  	[sflag:s0] =	ssyncadd.tile.s32 @!p0 $0x1;
	_ =	shalt  }
.Lfunc_end2:
_tile_overlayer_lowered:
.L_overlay_start_2:
0x151: {  	(tag) =	ssettag $0x2  }
0x152: {  	s0 =	rddreg [dreg:$0x0];
	s2 =	stileid.u32  }
0x153: {  	s1 =	rddreg [dreg:$0x1];
	p0 =	sne.s32 s2, $0x0  }
0x154: {  	s3 =	rddreg [dreg:$0x2];
	[bflag:$0x3] =	sbarrier.arrive $0xFFFF;
	s2 =	simm.s32 @!p0 $0x1C03  }
0x155: {  	[timem:s3], [sflag:s2] =	dma.local @!p0 [hbm:s0], s1  }
0x156: {  	s0 =	simm.s32 @!p0 $0x3  }
0x157: {  	_ =	swait.ge @!p0 [sflag:s0], s1  }
0x158: {  	s1 =	ssub.s32 @!p0 $0x0, s1;
	[sflag:s0] =	ssyncset.done @!p0 $0x0  }
0x159: {  	[sflag:s0] =	ssyncadd.s32 @!p0 s1  }
0x15a: {  	[bflag:$0x3] =	sbarrier.arrive $0xFFFF  }
0x15b: {  	_ =	shalt  }

// kernel: kernel.20.cloned.1.call-start
scs
__scs_entry_jumppad:
0x0: {  	(pc) =	sbr.rel $0x88, $3  }
0x1: {  	(tag) =	ssettag $0x0;
	lr =	simm.s32 $0x1  }
0x2: {  	[smem:$0x3F8F] =	sst lr;
	_ =	strace $0xD0000000  }
0x3: {  	_ = 	snop  }
0x4: {  	_ = 	snop  }
0x5: {  	_ = 	snop  }
0x6: {  	_ = 	snop  }
0x7: {  	_ = 	snop  }
__scs_overlays_trampoline_lowered:
0x8: {  	[smem:$0x3F9E] =	sst s0  }
0x9: {  	[smem:$0x3F9F] =	sst s1  }
0xa: {  	[smem:$0x3FA0] =	sst s2  }
0xb: {  	[smem:$0x3FA1] =	sst s3  }
0xc: {  	[smem:$0x3FA2] =	sst s4  }
0xd: {  	[smem:$0x3FA3] =	sst s5  }
0xe: {  	[smem:$0x3FA4] =	sst s6  }
0xf: {  	[smem:$0x3FA5] =	sst s7  }
0x10: {  	[smem:$0x3FA6] =	sst s8  }
0x11: {  	[smem:$0x3FA7] =	sst s9;
	s0 =	simm.s32 @!p0 $0x0  }
0x12: {  	s1 =	sld [smem:$0x3F8D];
	s0 =	simm.s32 @p0 $0x1  }
0x13: {  	[smem:$0x3FA8] =	sst s0;
	s0 =	simm.s32 @!p1 $0x0  }
0x14: {  	s2 =	sld [smem:$0x3F8C];
	s0 =	simm.s32 @p1 $0x1  }
0x15: {  	[smem:$0x3FA9] =	sst s0;
	s0 =	simm.s32 @!p2 $0x0  }
0x16: {  	s3 =	sld [smem:$0x3FDB];
	s0 =	simm.s32 @p2 $0x1  }
0x17: {  	s4 =	simm.s32 $0x1BF5;
	[smem:$0x3FAB] =	sst s0  }
0x18: {  	s0 =	sld [smem:$0x3F8E];
	_ =	swait.ge [sflag:s4], $0x0  }
0x19: {  	s7 =	sld [smem:$0x3F8F]  }
0x1a: {  	s8 =	sadd.s32 $0xFFFFE003, lr  }
0x1b: {  	s9 =	sadd.s32 $0xFFFFFEF7, lr;
	s5 =	simm.s32 $0xFFFFFFFF;
	p2 =	slt.u32 s8, $0xFFFFF086  }
0x1c: {  	p1 =	slt.u32 s9, $0xF7A;
	s5 =	simm.s32 @!p2 $0x0  }
0x1d: {  	s5 =	simm.s32 @p1 $0x1;
	p0 =	seq.s32 s7, s2  }
0x1e: {  	s7 =	smul.u32 @!p0 $0xF7A, s2;
	p2 =	seq.s32 @!p0 s5, $0x0  }
0x1f: {  	s9 =	smul.u32 $0xF7A, s1;
	s8 =	simm.s32 @!p0 $0x1BF5;
	p2 =	por !p2, p0  }
0x20: {  	[sflag:s8] =	ssyncset.s32 @!p0 $0xFFFFF086;
	s6 =	sadd.s32 @!p0 s3, s7;
	s7 =	simm.s32 @!p0 $0x108  }
0x21: {  	s3 =	sadd.s32 s3, s9;
	s6 =	sadd.s32 @!p0 $0x88, s6;
	s7 =	simm.s32 @p2 $0x1082  }
0x22: {  	[simem:s7], [sflag:s8] =	dma.local @!p0 [hbm:s6], $0xF7A  }
0x23: {  	s9 =	sor.u32 $0xD0000000, s2;
	s6 =	simm.s32 $0x108;
	_ =	swait.ge @!p0 [sflag:s8], $0x0  }
0x24: {  	s3 =	sadd.s32 $0x88, s3;
	s6 =	simm.s32 @!p1 $0x1082;
	[sflag:s4] =	ssyncset.s32 $0xFFFFF086  }
0x25: {  	[simem:s6], [sflag:s4] =	dma.local [hbm:s3], $0xF7A  }
0x26: {  	[smem:$0x3F8F] =	sst s1;
	(tag) =	ssettag s2;
	_ =	strace s9  }
0x27: {  	s1 =	sld [smem:$0x3F9F]  }
0x28: {  	s2 =	sld [smem:$0x3FA0]  }
0x29: {  	s4 =	sld [smem:$0x3FA2]  }
0x2a: {  	p0 =	seq.s32 s5, $0x0;
	s5 =	sld [smem:$0x3FA3]  }
0x2b: {  	s6 =	sld [smem:$0x3FA4]  }
0x2c: {  	s7 =	sld [smem:$0x3FA5]  }
0x2d: {  	s3 =	simm.s32 $0x108;
	s8 =	sld [smem:$0x3FA6]  }
0x2e: {  	s3 =	simm.s32 @!p0 $0x1082;
	s9 =	sld [smem:$0x3FA7]  }
0x2f: {  	lr =	sadd.s32 s0, s3;
	s0 =	sld [smem:$0x3F9E]  }
0x30: {  	s3 =	sld [smem:$0x3FA1]  }
0x31: {  	[smem:$0x3FAA] =	sst s10  }
0x32: {  	s10 =	sld [smem:$0x3FA8];
	_ =	sdelay $0x3  }
0x33: {  	p0 =	seq.s32 s10, $0x1;
	s10 =	sld [smem:$0x3FAA];
	_ =	sdelay $0x3  }
0x34: {  	[smem:$0x3FAA] =	sst s10  }
0x35: {  	s10 =	sld [smem:$0x3FA9];
	_ =	sdelay $0x3  }
0x36: {  	p1 =	seq.s32 s10, $0x1;
	s10 =	sld [smem:$0x3FAA];
	_ =	sdelay $0x3  }
0x37: {  	[smem:$0x3FAA] =	sst s10  }
0x38: {  	s10 =	sld [smem:$0x3FAB]  }
0x39: {  	_ = 	snop;
	(pc) =	sbr.ind lr, $3  }
0x3a: {  	_ = 	snop  }
0x3b: {  	_ = 	snop  }
0x3c: {  	p2 =	seq.s32 s10, $0x1;
	s10 =	sld [smem:$0x3FAA]  }
0x3d: {  	_ =	shalt  }
0x3e: {  	_ =	shalt  }
0x3f: {  	_ =	shalt  }
0x40: {  	_ =	shalt  }
0x41: {  	_ =	shalt  }
0x42: {  	_ =	shalt  }
0x43: {  	_ =	shalt  }
0x44: {  	_ =	shalt  }
0x45: {  	_ =	shalt  }
0x46: {  	_ =	shalt  }
0x47: {  	_ =	shalt  }
0x48: {  	_ =	shalt  }
0x49: {  	_ =	shalt  }
0x4a: {  	_ =	shalt  }
0x4b: {  	_ =	shalt  }
0x4c: {  	_ =	shalt  }
0x4d: {  	_ =	shalt  }
0x4e: {  	_ =	shalt  }
0x4f: {  	_ =	shalt  }
0x50: {  	_ =	shalt  }
0x51: {  	_ =	shalt  }
0x52: {  	_ =	shalt  }
0x53: {  	_ =	shalt  }
0x54: {  	_ =	shalt  }
0x55: {  	_ =	shalt  }
0x56: {  	_ =	shalt  }
0x57: {  	_ =	shalt  }
0x58: {  	_ =	shalt  }
0x59: {  	_ =	shalt  }
0x5a: {  	_ =	shalt  }
0x5b: {  	_ =	shalt  }
0x5c: {  	_ =	shalt  }
0x5d: {  	_ =	shalt  }
0x5e: {  	_ =	shalt  }
0x5f: {  	_ =	shalt  }
0x60: {  	_ =	shalt  }
0x61: {  	_ =	shalt  }
0x62: {  	_ =	shalt  }
0x63: {  	_ =	shalt  }
0x64: {  	_ =	shalt  }
0x65: {  	_ =	shalt  }
0x66: {  	_ =	shalt  }
0x67: {  	_ =	shalt  }
0x68: {  	_ =	shalt  }
0x69: {  	_ =	shalt  }
0x6a: {  	_ =	shalt  }
0x6b: {  	_ =	shalt  }
0x6c: {  	_ =	shalt  }
0x6d: {  	_ =	shalt  }
0x6e: {  	_ =	shalt  }
0x6f: {  	_ =	shalt  }
0x70: {  	_ =	shalt  }
0x71: {  	_ =	shalt  }
0x72: {  	_ =	shalt  }
0x73: {  	_ =	shalt  }
0x74: {  	_ =	shalt  }
0x75: {  	_ =	shalt  }
0x76: {  	_ =	shalt  }
0x77: {  	_ =	shalt  }
0x78: {  	_ =	shalt  }
0x79: {  	_ =	shalt  }
0x7a: {  	_ =	shalt  }
0x7b: {  	_ =	shalt  }
0x7c: {  	_ =	shalt  }
0x7d: {  	_ =	shalt  }
0x7e: {  	_ =	shalt  }
0x7f: {  	_ =	shalt  }
0x80: {  	_ =	shalt  }
0x81: {  	_ =	shalt  }
0x82: {  	_ =	shalt  }
0x83: {  	_ =	shalt  }
0x84: {  	_ =	shalt  }
0x85: {  	_ =	shalt  }
0x86: {  	_ =	shalt  }
0x87: {  	_ =	shalt  }
.Lfunc_end0:
.L_simem_size_0:
called_computation.2_lowered:
.L_overlay_start_0:
0x88: {  	s2 =	sld [smem:$0x3FD9]  }
0x89: {  	s3 =	sld [smem:$0x3FFE];
	_ =	sdelay $0x1  }
0x8a: {  	s1 =	srdreg.scid  }
0x8b: {  	s0 =	sand.u32 $0x1, s1  }
0x8c: {  	s16 =	sshll.u32 s0, $0xA;
	s2 =	sadd.s32 s3, s2  }
0x8d: {  	s2 =	sadd.s32 s2, s16  }
0x8e: {  	[smem:$0x3FB6] =	sst s2  }
0x8f: {  	_ = 	snop  }
0x90: {  	(tm) =	ssettm $0x1  }
0x91: {  	s17 =	sld [smem:$0x3FFB];
	_ =	sdelay $0x3  }
0x92: {  	_ =	strace s17  }
0x93: {  	s2 =	sld [smem:$0x3FFC];
	_ =	sdelay $0x3  }
0x94: {  	_ =	strace s2  }
0x95: {  	s2 =	sld [smem:$0x3FFD];
	_ =	sdelay $0x3  }
0x96: {  	_ =	strace s2  }
0x97: {  	_ =	strace $0x8FFFFFFF  }
0x98: {  	s18 =	sld [smem:$0x3FDB];
	_ =	sdelay $0x1  }
0x99: {  	s19 =	simm.s32 $_scs_section_size  }
0x9a: {  	s4 =	simm.s32 $_size__tile_overlayer_lowered;
	s5 =	simm.s32 $_tile_overlayer_lowered  }
0x9b: {  	s22 =	simm.s32 $0x1BFF;
	s21 =	sshll.u32 s5, $0x1;
	s2 =	sadd.s32 s19, s18  }
0x9c: {  	s6 =	simm.s32 $0x0;
	s20 =	sshll.u32 s4, $0x1;
	s4 =	sadd.s32 s21, s2  }
0x9d: {  	[timem:s6], [sflag:s22] =	dma.local [hbm:s4], s20  }
0x9e: {  	_ =	swait.ge [sflag:s22], s20  }
0x9f: {  	s3 =	ssub.s32 $0x0, s20;
	[sflag:s22] =	ssyncset.done $0x0  }
0xa0: {  	[sflag:s22] =	ssyncadd.s32 s3;
	_ =	sdelay $0x1  }
0xa1: {  	s23 =	simm.s32 $0x1B8B  }
0xa2: {  	_ =	swait.ge [sflag:s23], $0x1  }
0xa3: {  	[sflag:s23] =	ssyncset.done $0x0  }
0xa4: {  	s25 =	simm.s32 $0x1B8E;
	s24 =	sld [smem:$0x3FFE];
	[sflag:s23] =	ssyncadd.s32 $0xFFFFFFFF  }
0xa5: {  	s26 =	simm.s32 $execute0_lowered;
	[smem:$0x3FD2] =	sst s25  }
0xa6: {  	s4 =	sshll.u32 s26, $0x1;
	_ =	strace $0x8000004C;
	[dreg:$0x1] =	wrdreg $0xFFFFFFFF  }
0xa7: {  	s28 =	simm.s32 $_size_execute0_lowered;
	s2 =	sadd.s32 s2, s4;
	[dreg:$0x0] =	wrdreg $0x0  }
0xa8: {  	s4 =	sshll.u32 s28, $0x1;
	[dreg:$0x2] =	wrdreg s2  }
0xa9: {  	[dreg:$0x3] =	wrdreg s4  }
0xaa: {  	[dreg:$0x4] =	wrdreg $0xC0  }
0xab: {  	_ =	task [dreg:s6], $0x5FFFF  }
0xac: {  	[dreg:$0x1] =	wrdreg $0xFFFFFFFF  }
0xad: {  	[dreg:$0x0] =	wrdreg $0x60  }
0xae: {  	[dreg:$0x2] =	wrdreg s24  }
0xaf: {  	[dreg:$0x3] =	wrdreg $0xA8000  }
0xb0: {  	[dreg:$0x4] =	wrdreg $0x9  }
0xb1: {  	_ =	task.clear_ibuf [dreg:s6], $0x5FFFF;
	_ =	strace $0x9000004C  }
0xb2: {  	s29 =	simm.s32 $0x9;
	_ =	strace $0x8000004E  }
0xb3: {  	_ =	swait.ge [sflag:s29], $0x1  }
0xb4: {  	[sflag:s29] =	ssyncadd.s32 $0xFFFFFFFF  }
0xb5: {  	_ =	strace $0x9000004E  }
0xb6: {  	_ =	sfence  }
0xb7: {  	s30 =	sld [smem:$0x0];
	_ =	sdelay $0x2  }
0xb8: {  	s31 =	sshll.u32 s1, $0xD;
	s1 =	sshrl.u32 s1, $0x2  }
0xb9: {  	s3 =	sand.u32 $0x4000, s31;
	s1 =	sadd.s32 s1, s30  }
0xba: {  	s0 =	sor.u32 s3, s0;
	s1 =	sshll.u32 s1, $0x11  }
0xbb: {  	s0 =	sor.u32 s1, s0  }
0xbc: {  	s0 =	sadd.s32 $0x8F2B, s0  }
0xbd: {  	[sflag:s0] =	ssyncadd.remote.s32 $0x1  }
0xbe: {  	_ =	sfence.sel $0xFFFF  }
0xbf: {  	[dreg:$0x0] =	wrdreg $0xFFFFFFFF;
	(pc) =	sbr.abs _section_cstart, $3  }
0xc0: {  	[dreg:$0x1] =	wrdreg $0xFFFFFFFF  }
0xc1: {  	_ =	task.clear_ibuf [dreg:s6], $0x2FFFF;
	_ =	strace $0x9FFFFFFF  }
0xc2: {  	(tm) =	ssettm $0x7FFFFFFF  }
0xc3: {  	_ =	shalt  }
tec
execute0_lowered:
.L_overlay_start_1:
0x0: {  	(tag) =	ssettag $0x1  }
0x1: {  	s1 =	srdreg.scid;
	s7 =	rddreg [dreg:$0x0]  }
0x2: {  	s0 =	stileid.u32;
	s2 =	rddreg [dreg:$0x1]  }
0x3: {  	s3 =	simm.s32 $0x0;
	s14 =	simm.s32 $0x80;
	s15 =	simm.s32 $0x2800  }
0x4: {  	s16 =	simm.s32 $0x6800;
	s17 =	simm.s32 $0x1;
	s18 =	simm.s32 $0x2  }
0x5: {  	s19 =	simm.s32 $0x1380;
	s20 =	simm.s32 $0x2700;
	s21 =	simm.s32 $0x2780  }
0x6: {  	s5 =	sand.u32 $0x1, s1;
	s29 =	sshll.u32 s0, $0x1;
	s1 =	rddreg [dreg:$0x2]  }
0x7: {  	[smem:$0x7FF] =	sst s3;
	s12 =	smul.u32 $0x50000, s0;
	s6 =	sadd.s32 $0xC9A00, s7  }
0x8: {  	s23 =	smul.u32 $0x2800, s0;
	s31 =	sshll.u32 s0, $0x6;
	s4 =	sor.u32 s5, s29  }
0x9: {  	_ =	strace $0x8000004D;
	s9 =	smul.u32 $0x28000, s5;
	s10 =	ssub.s32 $0x2, s5  }
0xa: {  	s5 =	sadd.s32 $0xA2800, s7;
	s4 =	smul.u32 $0x280, s4;
	s11 =	sshrl.u32 s10, $0x1  }
0xb: {  	s30 =	sshrl.u32 s12, $0x2;
	s12 =	sor.u32 $0x1C03, s31;
	s9 =	sadd.s32 s9, s7  }
0xc: {  	s10 =	ssub.s32 s10, s11;
	s13 =	sadd.s32 s30, s2;
	s11 =	simm.s32 $0x1400  }
0xd: {  	s8 =	sadd.s32 s4, s7;
	s4 =	sadd.s32 $0xFAE00, s7;
	s22 =	sadd.s32 $0xFD600, s9  }
0xe: {  	s24 =	sadd.s32 $0x14D600, s9;
	s9 =	smax.u32 s10, $0x1;
	s10 =	simm.s32 $0x3  }
0xf: {  	s13 =	sshrl.u32 s13, $0x3;
	s7 =	sadd.s32 $0xF0E00, s8;
	s8 =	sadd.s32 $0xF5E00, s8  }
0x10: {  	s22 =	sadd.s32 s23, s22;
	s23 =	sadd.s32 s23, s24;
	s24 =	simm.s32 $0x0  }
.LBB2_1:
0x11: {  	[tilespmem:s3], [sflag:$0x3] =	stream.linear.gather [hbm4b:s7+s3], $0x1400, $0x38;
	[tilespmem:$0x1E800] =	vst v63  }
0x12: {  	_ =	swait.ge [sflag:s10], $0x1400  }
0x13: {  	[sflag:s10] =	ssyncset.done $0x0  }
0x14: {  	[sflag:s10] =	ssyncadd.s32 $0xFFFFEC00  }
0x15: {  	[tilespmem:s11], [sflag:$0x3] =	stream.linear.gather [hbm4b:s8+s3], $0x1400, $0x38;
	[tilespmem:$0x1E800] =	vst v63  }
0x16: {  	_ =	swait.ge [sflag:s10], $0x1400  }
0x17: {  	[sflag:s10] =	ssyncset.done $0x0  }
0x18: {  	[sflag:s10] =	ssyncadd.s32 $0xFFFFEC00  }
0x19: {  	[spmem:s13], [sflag:s12] =	dma.local [hbm:s4], $0x2800  }
0x1a: {  	_ =	swait.ge [sflag:s10], $0x2800  }
0x1b: {  	[sflag:s10] =	ssyncset.done $0x0  }
0x1c: {  	[sflag:s10] =	ssyncadd.s32 $0xFFFFD800  }
0x1d: {  	[bflag:$0x0] =	sbarrier.arrive $0xFFFF  }
0x1e: {  	[tilespmem:s15], [sflag:$0x1] =	stream.indirect.gather [hbm4b:s5+s14], $0x80, s3, s14, $0xb8;
	[tilespmem:$0x1E800] =	vst v63  }
0x1f: {  	s25 =	simm.s32 $0x80  }
0x20: {  	[tilespmem:s16], [sflag:$0x2] =	stream.indirect.gather [hbm4b:s5+s14], $0x80, s25, s14, $0xb8;
	[tilespmem:$0x1E800] =	vst v63  }
0x21: {  	_ =	swait.ge [sflag:s17], $0x4000  }
0x22: {  	[sflag:s17] =	ssyncset.done $0x0  }
0x23: {  	s29 =	simm.s32 $0x1400;
	[sflag:s17] =	ssyncadd.s32 $0xFFFFC000  }
0x24: {  	[spmem:s2] =	stream.indirect.scatter.add.f32 [tilespmem:s15], [sflag:$0x3], $0x80, s29, s14, $0xb8;
	[tilespmem:$0x1E800] =	vst v63  }
0x25: {  	_ =	swait.ge [sflag:s10], $0x4000  }
0x26: {  	[sflag:s10] =	ssyncset.done $0x0  }
0x27: {  	s30 =	simm.s32 $0x100;
	[sflag:s10] =	ssyncadd.s32 $0xFFFFC000  }
0x28: {  	[tilespmem:s15], [sflag:$0x1] =	stream.indirect.gather [hbm4b:s5+s14], $0x80, s30, s14, $0xb8;
	[tilespmem:$0x1E800] =	vst v63  }
0x29: {  	_ =	swait.ge [sflag:s18], $0x4000  }
0x2a: {  	[sflag:s18] =	ssyncset.done $0x0  }
0x2b: {  	s31 =	simm.s32 $0x1480;
	[sflag:s18] =	ssyncadd.s32 $0xFFFFC000  }
0x2c: {  	[spmem:s2] =	stream.indirect.scatter.add.f32 [tilespmem:s16], [sflag:$0x3], $0x80, s31, s14, $0xb8;
	[tilespmem:$0x1E800] =	vst v63  }
0x2d: {  	_ =	swait.ge [sflag:s10], $0x4000  }
0x2e: {  	s26 =	simm.s32 $0x800;
	s25 =	simm.s32 $0x100;
	[sflag:s10] =	ssyncset.done $0x0  }
.LBB2_2:
0x2f: {  	s28 =	sadd.s32 $0x80, s25  }
0x30: {  	[sflag:s10] =	ssyncadd.s32 $0xFFFFC000;
	s29 =	smov.u32 s26;
	s30 =	sadd.s32 $0x400, s26  }
0x31: {  	[tilespmem:s16], [sflag:$0x2] =	stream.indirect.gather [hbm4b:s5+s14], $0x80, s28, s14, $0xb8;
	[tilespmem:$0x1E800] =	vst v63  }
0x32: {  	p0 =	sne.s32 s26, $0x4800;
	_ =	swait.ge [sflag:s17], $0x4000  }
0x33: {  	[sflag:s17] =	ssyncset.done $0x0  }
0x34: {  	s26 =	sadd.s32 $0x1400, s25;
	[sflag:s17] =	ssyncadd.s32 $0xFFFFC000  }
0x35: {  	[spmem:s2] =	stream.indirect.scatter.add.f32 [tilespmem:s15], [sflag:$0x3], $0x80, s26, s14, $0xb8;
	[tilespmem:$0x1E800] =	vst v63  }
0x36: {  	_ =	swait.ge [sflag:s10], $0x4000  }
0x37: {  	[sflag:s10] =	ssyncset.done $0x0  }
0x38: {  	s26 =	sadd.s32 $0x100, s25;
	[sflag:s10] =	ssyncadd.s32 $0xFFFFC000  }
0x39: {  	[tilespmem:s15], [sflag:$0x1] =	stream.indirect.gather [hbm4b:s5+s14], $0x80, s26, s14, $0xb8;
	[tilespmem:$0x1E800] =	vst v63  }
0x3a: {  	_ =	swait.ge [sflag:s18], $0x4000  }
.Ltmp0:
0x3b: {  	[sflag:s18] =	ssyncset.done $0x0;
	(pc) =	sbr.rel @p0 .LBB2_2-.Ltmp0, $4  }
0x3c: {  	s25 =	sadd.s32 $0x1480, s25;
	[sflag:s18] =	ssyncadd.s32 $0xFFFFC000  }
0x3d: {  	[spmem:s2] =	stream.indirect.scatter.add.f32 [tilespmem:s16], [sflag:$0x3], $0x80, s25, s14, $0xb8;
	[tilespmem:$0x1E800] =	vst v63  }
0x3e: {  	_ =	swait.ge [sflag:s10], $0x4000  }
0x3f: {  	s26 =	smov.u32 s30;
	s25 =	sshra.s32 s29, $0x2;
	[sflag:s10] =	ssyncset.done $0x0  }
0x40: {  	s26 =	sadd.s32 $0x80, s25;
	[sflag:s10] =	ssyncadd.s32 $0xFFFFC000  }
0x41: {  	[tilespmem:s16], [sflag:$0x2] =	stream.indirect.gather [hbm4b:s5+s14], $0x80, s26, s14, $0xb8;
	[tilespmem:$0x1E800] =	vst v63  }
0x42: {  	_ =	swait.ge [sflag:s17], $0x4000  }
0x43: {  	[sflag:s17] =	ssyncset.done $0x0  }
0x44: {  	s29 =	sadd.s32 $0x1400, s25;
	[sflag:s17] =	ssyncadd.s32 $0xFFFFC000  }
0x45: {  	[spmem:s2] =	stream.indirect.scatter.add.f32 [tilespmem:s15], [sflag:$0x3], $0x80, s29, s14, $0xb8;
	[tilespmem:$0x1E800] =	vst v63  }
0x46: {  	_ =	swait.ge [sflag:s10], $0x4000  }
0x47: {  	[sflag:s10] =	ssyncset.done $0x0  }
0x48: {  	s30 =	sadd.s32 $0x100, s25;
	[sflag:s10] =	ssyncadd.s32 $0xFFFFC000  }
0x49: {  	[tilespmem:s15], [sflag:$0x1] =	stream.indirect.gather [hbm4b:s5+s14], $0x80, s30, s14, $0xb8;
	[tilespmem:$0x1E800] =	vst v63  }
0x4a: {  	_ =	swait.ge [sflag:s18], $0x4000  }
0x4b: {  	[sflag:s18] =	ssyncset.done $0x0  }
0x4c: {  	s31 =	sadd.s32 $0x1480, s25;
	[sflag:s18] =	ssyncadd.s32 $0xFFFFC000  }
0x4d: {  	[spmem:s2] =	stream.indirect.scatter.add.f32 [tilespmem:s16], [sflag:$0x3], $0x80, s31, s14, $0xb8;
	[tilespmem:$0x1E800] =	vst v63  }
0x4e: {  	_ =	swait.ge [sflag:s10], $0x4000  }
0x4f: {  	[sflag:s10] =	ssyncset.done $0x0  }
0x50: {  	[sflag:s10] =	ssyncadd.s32 $0xFFFFC000  }
0x51: {  	[tilespmem:s16], [sflag:$0x2] =	stream.indirect.gather [hbm4b:s5+s14], $0x80, s19, s14, $0xb8;
	[tilespmem:$0x1E800] =	vst v63  }
0x52: {  	_ =	swait.ge [sflag:s17], $0x4000  }
0x53: {  	[sflag:s17] =	ssyncset.done $0x0  }
0x54: {  	[sflag:s17] =	ssyncadd.s32 $0xFFFFC000  }
0x55: {  	[spmem:s2] =	stream.indirect.scatter.add.f32 [tilespmem:s15], [sflag:$0x3], $0x80, s20, s14, $0xb8;
	[tilespmem:$0x1E800] =	vst v63  }
0x56: {  	_ =	swait.ge [sflag:s10], $0x4000  }
0x57: {  	[sflag:s10] =	ssyncset.done $0x0  }
0x58: {  	[sflag:s10] =	ssyncadd.s32 $0xFFFFC000  }
0x59: {  	_ =	swait.ge [sflag:s18], $0x4000  }
0x5a: {  	[sflag:s18] =	ssyncset.done $0x0  }
0x5b: {  	[sflag:s18] =	ssyncadd.s32 $0xFFFFC000  }
0x5c: {  	[spmem:s2] =	stream.indirect.scatter.add.f32 [tilespmem:s16], [sflag:$0x3], $0x80, s21, s14, $0xb8;
	[tilespmem:$0x1E800] =	vst v63  }
0x5d: {  	_ =	swait.ge [sflag:s10], $0x4000  }
0x5e: {  	[sflag:s10] =	ssyncset.done $0x0  }
0x5f: {  	[sflag:s10] =	ssyncadd.s32 $0xFFFFC000  }
0x60: {  	[bflag:$0x0] =	sbarrier.arrive $0xFFFF  }
0x61: {  	[hbm:s22], [sflag:s12] =	dma.local [spmem:s13], $0x2800  }
0x62: {  	_ =	swait.ge [sflag:s10], $0x2800  }
0x63: {  	[sflag:s10] =	ssyncset.done $0x0  }
0x64: {  	[sflag:s10] =	ssyncadd.s32 $0xFFFFD800  }
0x65: {  	[spmem:s13], [sflag:s12] =	dma.local [hbm:s4], $0x2800  }
0x66: {  	_ =	swait.ge [sflag:s10], $0x2800  }
0x67: {  	[sflag:s10] =	ssyncset.done $0x0  }
0x68: {  	[sflag:s10] =	ssyncadd.s32 $0xFFFFD800  }
0x69: {  	s26 =	simm.s32 $0x0;
	[bflag:$0x0] =	sbarrier.arrive $0xFFFF  }
0x6a: {  	[tilespmem:s15], [sflag:$0x1] =	stream.indirect.gather [hbm4b:s6+s14], $0x80, s26, s14, $0xb8;
	[tilespmem:$0x1E800] =	vst v63  }
0x6b: {  	s28 =	simm.s32 $0x80  }
0x6c: {  	[tilespmem:s16], [sflag:$0x2] =	stream.indirect.gather [hbm4b:s6+s14], $0x80, s28, s14, $0xb8;
	[tilespmem:$0x1E800] =	vst v63  }
0x6d: {  	_ =	swait.ge [sflag:s17], $0x4000  }
0x6e: {  	[sflag:s17] =	ssyncset.done $0x0  }
0x6f: {  	s29 =	simm.s32 $0x1400;
	[sflag:s17] =	ssyncadd.s32 $0xFFFFC000  }
0x70: {  	[spmem:s2] =	stream.indirect.scatter.add.f32 [tilespmem:s15], [sflag:$0x3], $0x80, s29, s14, $0xb8;
	[tilespmem:$0x1E800] =	vst v63  }
0x71: {  	_ =	swait.ge [sflag:s10], $0x4000  }
0x72: {  	[sflag:s10] =	ssyncset.done $0x0  }
0x73: {  	s30 =	simm.s32 $0x100;
	[sflag:s10] =	ssyncadd.s32 $0xFFFFC000  }
0x74: {  	[tilespmem:s15], [sflag:$0x1] =	stream.indirect.gather [hbm4b:s6+s14], $0x80, s30, s14, $0xb8;
	[tilespmem:$0x1E800] =	vst v63  }
0x75: {  	_ =	swait.ge [sflag:s18], $0x4000  }
0x76: {  	[sflag:s18] =	ssyncset.done $0x0  }
0x77: {  	s31 =	simm.s32 $0x1480;
	[sflag:s18] =	ssyncadd.s32 $0xFFFFC000  }
0x78: {  	[spmem:s2] =	stream.indirect.scatter.add.f32 [tilespmem:s16], [sflag:$0x3], $0x80, s31, s14, $0xb8;
	[tilespmem:$0x1E800] =	vst v63  }
0x79: {  	_ =	swait.ge [sflag:s10], $0x4000  }
0x7a: {  	s25 =	simm.s32 $0x100;
	s26 =	simm.s32 $0x800;
	[sflag:s10] =	ssyncset.done $0x0  }
.LBB2_4:
0x7b: {  	s28 =	sadd.s32 $0x80, s25  }
0x7c: {  	[sflag:s10] =	ssyncadd.s32 $0xFFFFC000;
	s29 =	smov.u32 s26;
	s30 =	sadd.s32 $0x400, s26  }
0x7d: {  	[tilespmem:s16], [sflag:$0x2] =	stream.indirect.gather [hbm4b:s6+s14], $0x80, s28, s14, $0xb8;
	[tilespmem:$0x1E800] =	vst v63  }
0x7e: {  	p0 =	sne.s32 s26, $0x4800;
	_ =	swait.ge [sflag:s17], $0x4000  }
0x7f: {  	[sflag:s17] =	ssyncset.done $0x0  }
0x80: {  	s26 =	sadd.s32 $0x1400, s25;
	[sflag:s17] =	ssyncadd.s32 $0xFFFFC000  }
0x81: {  	[spmem:s2] =	stream.indirect.scatter.add.f32 [tilespmem:s15], [sflag:$0x3], $0x80, s26, s14, $0xb8;
	[tilespmem:$0x1E800] =	vst v63  }
0x82: {  	_ =	swait.ge [sflag:s10], $0x4000  }
0x83: {  	[sflag:s10] =	ssyncset.done $0x0  }
0x84: {  	s26 =	sadd.s32 $0x100, s25;
	[sflag:s10] =	ssyncadd.s32 $0xFFFFC000  }
0x85: {  	[tilespmem:s15], [sflag:$0x1] =	stream.indirect.gather [hbm4b:s6+s14], $0x80, s26, s14, $0xb8;
	[tilespmem:$0x1E800] =	vst v63  }
0x86: {  	_ =	swait.ge [sflag:s18], $0x4000  }
.Ltmp1:
0x87: {  	[sflag:s18] =	ssyncset.done $0x0;
	(pc) =	sbr.rel @p0 .LBB2_4-.Ltmp1, $4  }
0x88: {  	s25 =	sadd.s32 $0x1480, s25;
	[sflag:s18] =	ssyncadd.s32 $0xFFFFC000  }
0x89: {  	[spmem:s2] =	stream.indirect.scatter.add.f32 [tilespmem:s16], [sflag:$0x3], $0x80, s25, s14, $0xb8;
	[tilespmem:$0x1E800] =	vst v63  }
0x8a: {  	_ =	swait.ge [sflag:s10], $0x4000  }
0x8b: {  	s26 =	smov.u32 s30;
	s25 =	sshra.s32 s29, $0x2;
	[sflag:s10] =	ssyncset.done $0x0  }
0x8c: {  	s26 =	sadd.s32 $0x80, s25;
	[sflag:s10] =	ssyncadd.s32 $0xFFFFC000  }
0x8d: {  	[tilespmem:s16], [sflag:$0x2] =	stream.indirect.gather [hbm4b:s6+s14], $0x80, s26, s14, $0xb8;
	[tilespmem:$0x1E800] =	vst v63  }
0x8e: {  	_ =	swait.ge [sflag:s17], $0x4000  }
0x8f: {  	[sflag:s17] =	ssyncset.done $0x0  }
0x90: {  	s29 =	sadd.s32 $0x1400, s25;
	[sflag:s17] =	ssyncadd.s32 $0xFFFFC000  }
0x91: {  	[spmem:s2] =	stream.indirect.scatter.add.f32 [tilespmem:s15], [sflag:$0x3], $0x80, s29, s14, $0xb8;
	[tilespmem:$0x1E800] =	vst v63  }
0x92: {  	_ =	swait.ge [sflag:s10], $0x4000  }
0x93: {  	[sflag:s10] =	ssyncset.done $0x0  }
0x94: {  	s30 =	sadd.s32 $0x100, s25;
	[sflag:s10] =	ssyncadd.s32 $0xFFFFC000  }
0x95: {  	[tilespmem:s15], [sflag:$0x1] =	stream.indirect.gather [hbm4b:s6+s14], $0x80, s30, s14, $0xb8;
	[tilespmem:$0x1E800] =	vst v63  }
0x96: {  	_ =	swait.ge [sflag:s18], $0x4000  }
0x97: {  	[sflag:s18] =	ssyncset.done $0x0  }
0x98: {  	s31 =	sadd.s32 $0x1480, s25;
	[sflag:s18] =	ssyncadd.s32 $0xFFFFC000  }
0x99: {  	[spmem:s2] =	stream.indirect.scatter.add.f32 [tilespmem:s16], [sflag:$0x3], $0x80, s31, s14, $0xb8;
	[tilespmem:$0x1E800] =	vst v63  }
0x9a: {  	_ =	swait.ge [sflag:s10], $0x4000  }
0x9b: {  	[sflag:s10] =	ssyncset.done $0x0  }
0x9c: {  	[sflag:s10] =	ssyncadd.s32 $0xFFFFC000  }
0x9d: {  	[tilespmem:s16], [sflag:$0x2] =	stream.indirect.gather [hbm4b:s6+s14], $0x80, s19, s14, $0xb8;
	[tilespmem:$0x1E800] =	vst v63  }
0x9e: {  	_ =	swait.ge [sflag:s17], $0x4000  }
0x9f: {  	[sflag:s17] =	ssyncset.done $0x0  }
0xa0: {  	[sflag:s17] =	ssyncadd.s32 $0xFFFFC000  }
0xa1: {  	[spmem:s2] =	stream.indirect.scatter.add.f32 [tilespmem:s15], [sflag:$0x3], $0x80, s20, s14, $0xb8;
	[tilespmem:$0x1E800] =	vst v63  }
0xa2: {  	_ =	swait.ge [sflag:s10], $0x4000  }
0xa3: {  	[sflag:s10] =	ssyncset.done $0x0  }
0xa4: {  	[sflag:s10] =	ssyncadd.s32 $0xFFFFC000  }
0xa5: {  	_ =	swait.ge [sflag:s18], $0x4000  }
0xa6: {  	[sflag:s18] =	ssyncset.done $0x0  }
0xa7: {  	[sflag:s18] =	ssyncadd.s32 $0xFFFFC000  }
0xa8: {  	[spmem:s2] =	stream.indirect.scatter.add.f32 [tilespmem:s16], [sflag:$0x3], $0x80, s21, s14, $0xb8;
	[tilespmem:$0x1E800] =	vst v63  }
0xa9: {  	_ =	swait.ge [sflag:s10], $0x4000  }
0xaa: {  	s24 =	sadd.s32 $0x1, s24;
	[sflag:s10] =	ssyncset.done $0x0  }
0xab: {  	p0 =	sne.s32 s24, s9;
	[sflag:s10] =	ssyncadd.s32 $0xFFFFC000  }
.Ltmp2:
0xac: {  	[bflag:$0x0] =	sbarrier.arrive $0xFFFF;
	(pc) =	sbr.rel @p0 .LBB2_1-.Ltmp2, $4  }
0xad: {  	[hbm:s23], [sflag:s12] =	dma.local [spmem:s13], $0x2800  }
0xae: {  	_ =	swait.ge [sflag:s10], $0x2800  }
0xaf: {  	[sflag:s10] =	ssyncset.done $0x0  }
0xb0: {  	[sflag:s10] =	ssyncadd.s32 $0xFFFFD800  }
0xb1: {  	_ =	sfence.sel $0x180000  }
0xb2: {  	[bflag:$0x0] =	sbarrier.arrive $0xFFFF  }
0xb3: {  	p0 =	sne.s32 s0, $0x0;
	_ =	strace $0x9000004D  }
0xb4: {  	s0 =	sadd.s32 @!p0 $0x100000, s1;
	[bflag:$0x2] =	sbarrier.arrive $0xFFFF  }
0xb5: {  	[sflag:s0] =	ssyncadd.tile.s32 @!p0 $0x1;
	_ =	shalt  }
.Lfunc_end2:
_tile_overlayer_lowered:
.L_overlay_start_2:
0xb6: {  	(tag) =	ssettag $0x2  }
0xb7: {  	s0 =	rddreg [dreg:$0x0];
	s2 =	stileid.u32  }
0xb8: {  	s1 =	rddreg [dreg:$0x1];
	p0 =	sne.s32 s2, $0x0  }
0xb9: {  	s3 =	rddreg [dreg:$0x2];
	[bflag:$0x3] =	sbarrier.arrive $0xFFFF;
	s2 =	simm.s32 @!p0 $0x1C03  }
0xba: {  	[timem:s3], [sflag:s2] =	dma.local @!p0 [hbm:s0], s1  }
0xbb: {  	s0 =	simm.s32 @!p0 $0x3  }
0xbc: {  	_ =	swait.ge @!p0 [sflag:s0], s1  }
0xbd: {  	s1 =	ssub.s32 @!p0 $0x0, s1;
	[sflag:s0] =	ssyncset.done @!p0 $0x0  }
0xbe: {  	[sflag:s0] =	ssyncadd.s32 @!p0 s1  }
0xbf: {  	[bflag:$0x3] =	sbarrier.arrive $0xFFFF  }
0xc0: {  	_ =	shalt  }

// kernel: kernel.23.cloned.1.call-start
scs
__scs_entry_jumppad:
0x0: {  	(pc) =	sbr.rel $0x88, $3  }
0x1: {  	(tag) =	ssettag $0x0;
	lr =	simm.s32 $0x1  }
0x2: {  	[smem:$0x3F8F] =	sst lr;
	_ =	strace $0xD0000000  }
0x3: {  	_ = 	snop  }
0x4: {  	_ = 	snop  }
0x5: {  	_ = 	snop  }
0x6: {  	_ = 	snop  }
0x7: {  	_ = 	snop  }
__scs_overlays_trampoline_lowered:
0x8: {  	[smem:$0x3F9E] =	sst s0  }
0x9: {  	[smem:$0x3F9F] =	sst s1  }
0xa: {  	[smem:$0x3FA0] =	sst s2  }
0xb: {  	[smem:$0x3FA1] =	sst s3  }
0xc: {  	[smem:$0x3FA2] =	sst s4  }
0xd: {  	[smem:$0x3FA3] =	sst s5  }
0xe: {  	[smem:$0x3FA4] =	sst s6  }
0xf: {  	[smem:$0x3FA5] =	sst s7  }
0x10: {  	[smem:$0x3FA6] =	sst s8  }
0x11: {  	[smem:$0x3FA7] =	sst s9;
	s0 =	simm.s32 @!p0 $0x0  }
0x12: {  	s1 =	sld [smem:$0x3F8D];
	s0 =	simm.s32 @p0 $0x1  }
0x13: {  	[smem:$0x3FA8] =	sst s0;
	s0 =	simm.s32 @!p1 $0x0  }
0x14: {  	s2 =	sld [smem:$0x3F8C];
	s0 =	simm.s32 @p1 $0x1  }
0x15: {  	[smem:$0x3FA9] =	sst s0;
	s0 =	simm.s32 @!p2 $0x0  }
0x16: {  	s3 =	sld [smem:$0x3FDB];
	s0 =	simm.s32 @p2 $0x1  }
0x17: {  	s4 =	simm.s32 $0x1BF5;
	[smem:$0x3FAB] =	sst s0  }
0x18: {  	s0 =	sld [smem:$0x3F8E];
	_ =	swait.ge [sflag:s4], $0x0  }
0x19: {  	s7 =	sld [smem:$0x3F8F]  }
0x1a: {  	s8 =	sadd.s32 $0xFFFFE003, lr  }
0x1b: {  	s9 =	sadd.s32 $0xFFFFFEF7, lr;
	s5 =	simm.s32 $0xFFFFFFFF;
	p2 =	slt.u32 s8, $0xFFFFF086  }
0x1c: {  	p1 =	slt.u32 s9, $0xF7A;
	s5 =	simm.s32 @!p2 $0x0  }
0x1d: {  	s5 =	simm.s32 @p1 $0x1;
	p0 =	seq.s32 s7, s2  }
0x1e: {  	s7 =	smul.u32 @!p0 $0xF7A, s2;
	p2 =	seq.s32 @!p0 s5, $0x0  }
0x1f: {  	s9 =	smul.u32 $0xF7A, s1;
	s8 =	simm.s32 @!p0 $0x1BF5;
	p2 =	por !p2, p0  }
0x20: {  	[sflag:s8] =	ssyncset.s32 @!p0 $0xFFFFF086;
	s6 =	sadd.s32 @!p0 s3, s7;
	s7 =	simm.s32 @!p0 $0x108  }
0x21: {  	s3 =	sadd.s32 s3, s9;
	s6 =	sadd.s32 @!p0 $0x88, s6;
	s7 =	simm.s32 @p2 $0x1082  }
0x22: {  	[simem:s7], [sflag:s8] =	dma.local @!p0 [hbm:s6], $0xF7A  }
0x23: {  	s9 =	sor.u32 $0xD0000000, s2;
	s6 =	simm.s32 $0x108;
	_ =	swait.ge @!p0 [sflag:s8], $0x0  }
0x24: {  	s3 =	sadd.s32 $0x88, s3;
	s6 =	simm.s32 @!p1 $0x1082;
	[sflag:s4] =	ssyncset.s32 $0xFFFFF086  }
0x25: {  	[simem:s6], [sflag:s4] =	dma.local [hbm:s3], $0xF7A  }
0x26: {  	[smem:$0x3F8F] =	sst s1;
	(tag) =	ssettag s2;
	_ =	strace s9  }
0x27: {  	s1 =	sld [smem:$0x3F9F]  }
0x28: {  	s2 =	sld [smem:$0x3FA0]  }
0x29: {  	s4 =	sld [smem:$0x3FA2]  }
0x2a: {  	p0 =	seq.s32 s5, $0x0;
	s5 =	sld [smem:$0x3FA3]  }
0x2b: {  	s6 =	sld [smem:$0x3FA4]  }
0x2c: {  	s7 =	sld [smem:$0x3FA5]  }
0x2d: {  	s3 =	simm.s32 $0x108;
	s8 =	sld [smem:$0x3FA6]  }
0x2e: {  	s3 =	simm.s32 @!p0 $0x1082;
	s9 =	sld [smem:$0x3FA7]  }
0x2f: {  	lr =	sadd.s32 s0, s3;
	s0 =	sld [smem:$0x3F9E]  }
0x30: {  	s3 =	sld [smem:$0x3FA1]  }
0x31: {  	[smem:$0x3FAA] =	sst s10  }
0x32: {  	s10 =	sld [smem:$0x3FA8];
	_ =	sdelay $0x3  }
0x33: {  	p0 =	seq.s32 s10, $0x1;
	s10 =	sld [smem:$0x3FAA];
	_ =	sdelay $0x3  }
0x34: {  	[smem:$0x3FAA] =	sst s10  }
0x35: {  	s10 =	sld [smem:$0x3FA9];
	_ =	sdelay $0x3  }
0x36: {  	p1 =	seq.s32 s10, $0x1;
	s10 =	sld [smem:$0x3FAA];
	_ =	sdelay $0x3  }
0x37: {  	[smem:$0x3FAA] =	sst s10  }
0x38: {  	s10 =	sld [smem:$0x3FAB]  }
0x39: {  	_ = 	snop;
	(pc) =	sbr.ind lr, $3  }
0x3a: {  	_ = 	snop  }
0x3b: {  	_ = 	snop  }
0x3c: {  	p2 =	seq.s32 s10, $0x1;
	s10 =	sld [smem:$0x3FAA]  }
0x3d: {  	_ =	shalt  }
0x3e: {  	_ =	shalt  }
0x3f: {  	_ =	shalt  }
0x40: {  	_ =	shalt  }
0x41: {  	_ =	shalt  }
0x42: {  	_ =	shalt  }
0x43: {  	_ =	shalt  }
0x44: {  	_ =	shalt  }
0x45: {  	_ =	shalt  }
0x46: {  	_ =	shalt  }
0x47: {  	_ =	shalt  }
0x48: {  	_ =	shalt  }
0x49: {  	_ =	shalt  }
0x4a: {  	_ =	shalt  }
0x4b: {  	_ =	shalt  }
0x4c: {  	_ =	shalt  }
0x4d: {  	_ =	shalt  }
0x4e: {  	_ =	shalt  }
0x4f: {  	_ =	shalt  }
0x50: {  	_ =	shalt  }
0x51: {  	_ =	shalt  }
0x52: {  	_ =	shalt  }
0x53: {  	_ =	shalt  }
0x54: {  	_ =	shalt  }
0x55: {  	_ =	shalt  }
0x56: {  	_ =	shalt  }
0x57: {  	_ =	shalt  }
0x58: {  	_ =	shalt  }
0x59: {  	_ =	shalt  }
0x5a: {  	_ =	shalt  }
0x5b: {  	_ =	shalt  }
0x5c: {  	_ =	shalt  }
0x5d: {  	_ =	shalt  }
0x5e: {  	_ =	shalt  }
0x5f: {  	_ =	shalt  }
0x60: {  	_ =	shalt  }
0x61: {  	_ =	shalt  }
0x62: {  	_ =	shalt  }
0x63: {  	_ =	shalt  }
0x64: {  	_ =	shalt  }
0x65: {  	_ =	shalt  }
0x66: {  	_ =	shalt  }
0x67: {  	_ =	shalt  }
0x68: {  	_ =	shalt  }
0x69: {  	_ =	shalt  }
0x6a: {  	_ =	shalt  }
0x6b: {  	_ =	shalt  }
0x6c: {  	_ =	shalt  }
0x6d: {  	_ =	shalt  }
0x6e: {  	_ =	shalt  }
0x6f: {  	_ =	shalt  }
0x70: {  	_ =	shalt  }
0x71: {  	_ =	shalt  }
0x72: {  	_ =	shalt  }
0x73: {  	_ =	shalt  }
0x74: {  	_ =	shalt  }
0x75: {  	_ =	shalt  }
0x76: {  	_ =	shalt  }
0x77: {  	_ =	shalt  }
0x78: {  	_ =	shalt  }
0x79: {  	_ =	shalt  }
0x7a: {  	_ =	shalt  }
0x7b: {  	_ =	shalt  }
0x7c: {  	_ =	shalt  }
0x7d: {  	_ =	shalt  }
0x7e: {  	_ =	shalt  }
0x7f: {  	_ =	shalt  }
0x80: {  	_ =	shalt  }
0x81: {  	_ =	shalt  }
0x82: {  	_ =	shalt  }
0x83: {  	_ =	shalt  }
0x84: {  	_ =	shalt  }
0x85: {  	_ =	shalt  }
0x86: {  	_ =	shalt  }
0x87: {  	_ =	shalt  }
.Lfunc_end0:
.L_simem_size_0:
called_computation.3_lowered:
.L_overlay_start_0:
0x88: {  	s2 =	sld [smem:$0x3FD9]  }
0x89: {  	s3 =	sld [smem:$0x3FFE];
	_ =	sdelay $0x1  }
0x8a: {  	s1 =	srdreg.scid  }
0x8b: {  	s0 =	sand.u32 $0x1, s1  }
0x8c: {  	s16 =	sshll.u32 s0, $0xA;
	s2 =	sadd.s32 s3, s2  }
0x8d: {  	s2 =	sadd.s32 s2, s16  }
0x8e: {  	[smem:$0x3FB6] =	sst s2  }
0x8f: {  	_ = 	snop  }
0x90: {  	(tm) =	ssettm $0x1  }
0x91: {  	s17 =	sld [smem:$0x3FFB];
	_ =	sdelay $0x3  }
0x92: {  	_ =	strace s17  }
0x93: {  	s2 =	sld [smem:$0x3FFC];
	_ =	sdelay $0x3  }
0x94: {  	_ =	strace s2  }
0x95: {  	s2 =	sld [smem:$0x3FFD];
	_ =	sdelay $0x3  }
0x96: {  	_ =	strace s2  }
0x97: {  	_ =	strace $0x8FFFFFFF  }
0x98: {  	s18 =	sld [smem:$0x3FDB];
	_ =	sdelay $0x1  }
0x99: {  	s19 =	simm.s32 $_scs_section_size  }
0x9a: {  	s4 =	simm.s32 $_size__tile_overlayer_lowered;
	s5 =	simm.s32 $_tile_overlayer_lowered  }
0x9b: {  	s22 =	simm.s32 $0x1BFF;
	s21 =	sshll.u32 s5, $0x1;
	s2 =	sadd.s32 s19, s18  }
0x9c: {  	s6 =	simm.s32 $0x0;
	s20 =	sshll.u32 s4, $0x1;
	s4 =	sadd.s32 s21, s2  }
0x9d: {  	[timem:s6], [sflag:s22] =	dma.local [hbm:s4], s20  }
0x9e: {  	_ =	swait.ge [sflag:s22], s20  }
0x9f: {  	s3 =	ssub.s32 $0x0, s20;
	[sflag:s22] =	ssyncset.done $0x0  }
0xa0: {  	[sflag:s22] =	ssyncadd.s32 s3;
	_ =	sdelay $0x1  }
0xa1: {  	s23 =	simm.s32 $0x1B8B  }
0xa2: {  	_ =	swait.ge [sflag:s23], $0x1  }
0xa3: {  	[sflag:s23] =	ssyncset.done $0x0  }
0xa4: {  	s25 =	simm.s32 $0x1B8E;
	s24 =	sld [smem:$0x3FFE];
	[sflag:s23] =	ssyncadd.s32 $0xFFFFFFFF  }
0xa5: {  	s26 =	simm.s32 $execute0_lowered;
	[smem:$0x3FD2] =	sst s25  }
0xa6: {  	s4 =	sshll.u32 s26, $0x1;
	_ =	strace $0x8000004F;
	[dreg:$0x1] =	wrdreg $0xFFFFFFFF  }
0xa7: {  	s28 =	simm.s32 $_size_execute0_lowered;
	s2 =	sadd.s32 s2, s4;
	[dreg:$0x0] =	wrdreg $0x0  }
0xa8: {  	s4 =	sshll.u32 s28, $0x1;
	[dreg:$0x2] =	wrdreg s2  }
0xa9: {  	[dreg:$0x3] =	wrdreg s4  }
0xaa: {  	[dreg:$0x4] =	wrdreg $0xC0  }
0xab: {  	_ =	task [dreg:s6], $0x5FFFF  }
0xac: {  	[dreg:$0x1] =	wrdreg $0xFFFFFFFF  }
0xad: {  	[dreg:$0x0] =	wrdreg $0x60  }
0xae: {  	[dreg:$0x2] =	wrdreg s24  }
0xaf: {  	[dreg:$0x3] =	wrdreg $0xA8000  }
0xb0: {  	[dreg:$0x4] =	wrdreg $0x9  }
0xb1: {  	_ =	task.clear_ibuf [dreg:s6], $0x5FFFF;
	_ =	strace $0x9000004F  }
0xb2: {  	s29 =	simm.s32 $0x9;
	_ =	strace $0x80000051  }
0xb3: {  	_ =	swait.ge [sflag:s29], $0x1  }
0xb4: {  	[sflag:s29] =	ssyncadd.s32 $0xFFFFFFFF  }
0xb5: {  	_ =	strace $0x90000051  }
0xb6: {  	_ =	sfence  }
0xb7: {  	s30 =	sld [smem:$0x0];
	_ =	sdelay $0x2  }
0xb8: {  	s31 =	sshll.u32 s1, $0xD;
	s1 =	sshrl.u32 s1, $0x2  }
0xb9: {  	s3 =	sand.u32 $0x4000, s31;
	s1 =	sadd.s32 s1, s30  }
0xba: {  	s0 =	sor.u32 s3, s0;
	s1 =	sshll.u32 s1, $0x11  }
0xbb: {  	s0 =	sor.u32 s1, s0  }
0xbc: {  	s0 =	sadd.s32 $0x8F2B, s0  }
0xbd: {  	[sflag:s0] =	ssyncadd.remote.s32 $0x1  }
0xbe: {  	_ =	sfence.sel $0xFFFF  }
0xbf: {  	[dreg:$0x0] =	wrdreg $0xFFFFFFFF;
	(pc) =	sbr.abs _section_cstart, $3  }
0xc0: {  	[dreg:$0x1] =	wrdreg $0xFFFFFFFF  }
0xc1: {  	_ =	task.clear_ibuf [dreg:s6], $0x2FFFF;
	_ =	strace $0x9FFFFFFF  }
0xc2: {  	(tm) =	ssettm $0x7FFFFFFF  }
0xc3: {  	_ =	shalt  }
tec
execute0_lowered:
.L_overlay_start_1:
0x0: {  	(tag) =	ssettag $0x1  }
0x1: {  	s1 =	srdreg.scid;
	s7 =	rddreg [dreg:$0x0]  }
0x2: {  	s0 =	stileid.u32;
	s2 =	rddreg [dreg:$0x1]  }
0x3: {  	s3 =	simm.s32 $0x0;
	s14 =	simm.s32 $0x80;
	s15 =	simm.s32 $0x2800  }
0x4: {  	s16 =	simm.s32 $0x6800;
	s17 =	simm.s32 $0x1;
	s18 =	simm.s32 $0x2  }
0x5: {  	s19 =	simm.s32 $0x1380;
	s20 =	simm.s32 $0x2700;
	s21 =	simm.s32 $0x2780  }
0x6: {  	s5 =	sand.u32 $0x1, s1;
	s29 =	sshll.u32 s0, $0x1;
	s1 =	rddreg [dreg:$0x2]  }
0x7: {  	[smem:$0x7FF] =	sst s3;
	s12 =	smul.u32 $0x50000, s0;
	s6 =	sadd.s32 $0x2D600, s7  }
0x8: {  	s23 =	smul.u32 $0x2800, s0;
	s31 =	sshll.u32 s0, $0x6;
	s4 =	sor.u32 s5, s29  }
0x9: {  	_ =	strace $0x80000050;
	s9 =	smul.u32 $0x28000, s5;
	s10 =	ssub.s32 $0x2, s5  }
0xa: {  	s5 =	sadd.s32 $0x6400, s7;
	s4 =	smul.u32 $0x280, s4;
	s11 =	sshrl.u32 s10, $0x1  }
0xb: {  	s30 =	sshrl.u32 s12, $0x2;
	s12 =	sor.u32 $0x1C03, s31;
	s9 =	sadd.s32 s9, s7  }
0xc: {  	s10 =	ssub.s32 s10, s11;
	s13 =	sadd.s32 s30, s2;
	s11 =	simm.s32 $0x1400  }
0xd: {  	s8 =	sadd.s32 s4, s7;
	s4 =	sadd.s32 $0xFAE00, s7;
	s22 =	sadd.s32 $0x54800, s9  }
0xe: {  	s24 =	sadd.s32 $0xFD600, s9;
	s9 =	smax.u32 s10, $0x1;
	s10 =	simm.s32 $0x3  }
0xf: {  	s13 =	sshrl.u32 s13, $0x3;
	s7 =	sadd.s32 $0xF0E00, s8;
	s8 =	sadd.s32 $0xF5E00, s8  }
0x10: {  	s22 =	sadd.s32 s23, s22;
	s23 =	sadd.s32 s23, s24;
	s24 =	simm.s32 $0x0  }
.LBB2_1:
0x11: {  	[tilespmem:s3], [sflag:$0x3] =	stream.linear.gather [hbm4b:s7+s3], $0x1400, $0x38;
	[tilespmem:$0x1E800] =	vst v63  }
0x12: {  	_ =	swait.ge [sflag:s10], $0x1400  }
0x13: {  	[sflag:s10] =	ssyncset.done $0x0  }
0x14: {  	[sflag:s10] =	ssyncadd.s32 $0xFFFFEC00  }
0x15: {  	[tilespmem:s11], [sflag:$0x3] =	stream.linear.gather [hbm4b:s8+s3], $0x1400, $0x38;
	[tilespmem:$0x1E800] =	vst v63  }
0x16: {  	_ =	swait.ge [sflag:s10], $0x1400  }
0x17: {  	[sflag:s10] =	ssyncset.done $0x0  }
0x18: {  	[sflag:s10] =	ssyncadd.s32 $0xFFFFEC00  }
0x19: {  	[spmem:s13], [sflag:s12] =	dma.local [hbm:s4], $0x2800  }
0x1a: {  	_ =	swait.ge [sflag:s10], $0x2800  }
0x1b: {  	[sflag:s10] =	ssyncset.done $0x0  }
0x1c: {  	[sflag:s10] =	ssyncadd.s32 $0xFFFFD800  }
0x1d: {  	[bflag:$0x0] =	sbarrier.arrive $0xFFFF  }
0x1e: {  	[tilespmem:s15], [sflag:$0x1] =	stream.indirect.gather [hbm4b:s5+s14], $0x80, s3, s14, $0xb8;
	[tilespmem:$0x1E800] =	vst v63  }
0x1f: {  	s25 =	simm.s32 $0x80  }
0x20: {  	[tilespmem:s16], [sflag:$0x2] =	stream.indirect.gather [hbm4b:s5+s14], $0x80, s25, s14, $0xb8;
	[tilespmem:$0x1E800] =	vst v63  }
0x21: {  	_ =	swait.ge [sflag:s17], $0x4000  }
0x22: {  	[sflag:s17] =	ssyncset.done $0x0  }
0x23: {  	s29 =	simm.s32 $0x1400;
	[sflag:s17] =	ssyncadd.s32 $0xFFFFC000  }
0x24: {  	[spmem:s2] =	stream.indirect.scatter.add.f32 [tilespmem:s15], [sflag:$0x3], $0x80, s29, s14, $0xb8;
	[tilespmem:$0x1E800] =	vst v63  }
0x25: {  	_ =	swait.ge [sflag:s10], $0x4000  }
0x26: {  	[sflag:s10] =	ssyncset.done $0x0  }
0x27: {  	s30 =	simm.s32 $0x100;
	[sflag:s10] =	ssyncadd.s32 $0xFFFFC000  }
0x28: {  	[tilespmem:s15], [sflag:$0x1] =	stream.indirect.gather [hbm4b:s5+s14], $0x80, s30, s14, $0xb8;
	[tilespmem:$0x1E800] =	vst v63  }
0x29: {  	_ =	swait.ge [sflag:s18], $0x4000  }
0x2a: {  	[sflag:s18] =	ssyncset.done $0x0  }
0x2b: {  	s31 =	simm.s32 $0x1480;
	[sflag:s18] =	ssyncadd.s32 $0xFFFFC000  }
0x2c: {  	[spmem:s2] =	stream.indirect.scatter.add.f32 [tilespmem:s16], [sflag:$0x3], $0x80, s31, s14, $0xb8;
	[tilespmem:$0x1E800] =	vst v63  }
0x2d: {  	_ =	swait.ge [sflag:s10], $0x4000  }
0x2e: {  	s26 =	simm.s32 $0x800;
	s25 =	simm.s32 $0x100;
	[sflag:s10] =	ssyncset.done $0x0  }
.LBB2_2:
0x2f: {  	s28 =	sadd.s32 $0x80, s25  }
0x30: {  	[sflag:s10] =	ssyncadd.s32 $0xFFFFC000;
	s29 =	smov.u32 s26;
	s30 =	sadd.s32 $0x400, s26  }
0x31: {  	[tilespmem:s16], [sflag:$0x2] =	stream.indirect.gather [hbm4b:s5+s14], $0x80, s28, s14, $0xb8;
	[tilespmem:$0x1E800] =	vst v63  }
0x32: {  	p0 =	sne.s32 s26, $0x4800;
	_ =	swait.ge [sflag:s17], $0x4000  }
0x33: {  	[sflag:s17] =	ssyncset.done $0x0  }
0x34: {  	s26 =	sadd.s32 $0x1400, s25;
	[sflag:s17] =	ssyncadd.s32 $0xFFFFC000  }
0x35: {  	[spmem:s2] =	stream.indirect.scatter.add.f32 [tilespmem:s15], [sflag:$0x3], $0x80, s26, s14, $0xb8;
	[tilespmem:$0x1E800] =	vst v63  }
0x36: {  	_ =	swait.ge [sflag:s10], $0x4000  }
0x37: {  	[sflag:s10] =	ssyncset.done $0x0  }
0x38: {  	s26 =	sadd.s32 $0x100, s25;
	[sflag:s10] =	ssyncadd.s32 $0xFFFFC000  }
0x39: {  	[tilespmem:s15], [sflag:$0x1] =	stream.indirect.gather [hbm4b:s5+s14], $0x80, s26, s14, $0xb8;
	[tilespmem:$0x1E800] =	vst v63  }
0x3a: {  	_ =	swait.ge [sflag:s18], $0x4000  }
.Ltmp0:
0x3b: {  	[sflag:s18] =	ssyncset.done $0x0;
	(pc) =	sbr.rel @p0 .LBB2_2-.Ltmp0, $4  }
0x3c: {  	s25 =	sadd.s32 $0x1480, s25;
	[sflag:s18] =	ssyncadd.s32 $0xFFFFC000  }
0x3d: {  	[spmem:s2] =	stream.indirect.scatter.add.f32 [tilespmem:s16], [sflag:$0x3], $0x80, s25, s14, $0xb8;
	[tilespmem:$0x1E800] =	vst v63  }
0x3e: {  	_ =	swait.ge [sflag:s10], $0x4000  }
0x3f: {  	s26 =	smov.u32 s30;
	s25 =	sshra.s32 s29, $0x2;
	[sflag:s10] =	ssyncset.done $0x0  }
0x40: {  	s26 =	sadd.s32 $0x80, s25;
	[sflag:s10] =	ssyncadd.s32 $0xFFFFC000  }
0x41: {  	[tilespmem:s16], [sflag:$0x2] =	stream.indirect.gather [hbm4b:s5+s14], $0x80, s26, s14, $0xb8;
	[tilespmem:$0x1E800] =	vst v63  }
0x42: {  	_ =	swait.ge [sflag:s17], $0x4000  }
0x43: {  	[sflag:s17] =	ssyncset.done $0x0  }
0x44: {  	s29 =	sadd.s32 $0x1400, s25;
	[sflag:s17] =	ssyncadd.s32 $0xFFFFC000  }
0x45: {  	[spmem:s2] =	stream.indirect.scatter.add.f32 [tilespmem:s15], [sflag:$0x3], $0x80, s29, s14, $0xb8;
	[tilespmem:$0x1E800] =	vst v63  }
0x46: {  	_ =	swait.ge [sflag:s10], $0x4000  }
0x47: {  	[sflag:s10] =	ssyncset.done $0x0  }
0x48: {  	s30 =	sadd.s32 $0x100, s25;
	[sflag:s10] =	ssyncadd.s32 $0xFFFFC000  }
0x49: {  	[tilespmem:s15], [sflag:$0x1] =	stream.indirect.gather [hbm4b:s5+s14], $0x80, s30, s14, $0xb8;
	[tilespmem:$0x1E800] =	vst v63  }
0x4a: {  	_ =	swait.ge [sflag:s18], $0x4000  }
0x4b: {  	[sflag:s18] =	ssyncset.done $0x0  }
0x4c: {  	s31 =	sadd.s32 $0x1480, s25;
	[sflag:s18] =	ssyncadd.s32 $0xFFFFC000  }
0x4d: {  	[spmem:s2] =	stream.indirect.scatter.add.f32 [tilespmem:s16], [sflag:$0x3], $0x80, s31, s14, $0xb8;
	[tilespmem:$0x1E800] =	vst v63  }
0x4e: {  	_ =	swait.ge [sflag:s10], $0x4000  }
0x4f: {  	[sflag:s10] =	ssyncset.done $0x0  }
0x50: {  	[sflag:s10] =	ssyncadd.s32 $0xFFFFC000  }
0x51: {  	[tilespmem:s16], [sflag:$0x2] =	stream.indirect.gather [hbm4b:s5+s14], $0x80, s19, s14, $0xb8;
	[tilespmem:$0x1E800] =	vst v63  }
0x52: {  	_ =	swait.ge [sflag:s17], $0x4000  }
0x53: {  	[sflag:s17] =	ssyncset.done $0x0  }
0x54: {  	[sflag:s17] =	ssyncadd.s32 $0xFFFFC000  }
0x55: {  	[spmem:s2] =	stream.indirect.scatter.add.f32 [tilespmem:s15], [sflag:$0x3], $0x80, s20, s14, $0xb8;
	[tilespmem:$0x1E800] =	vst v63  }
0x56: {  	_ =	swait.ge [sflag:s10], $0x4000  }
0x57: {  	[sflag:s10] =	ssyncset.done $0x0  }
0x58: {  	[sflag:s10] =	ssyncadd.s32 $0xFFFFC000  }
0x59: {  	_ =	swait.ge [sflag:s18], $0x4000  }
0x5a: {  	[sflag:s18] =	ssyncset.done $0x0  }
0x5b: {  	[sflag:s18] =	ssyncadd.s32 $0xFFFFC000  }
0x5c: {  	[spmem:s2] =	stream.indirect.scatter.add.f32 [tilespmem:s16], [sflag:$0x3], $0x80, s21, s14, $0xb8;
	[tilespmem:$0x1E800] =	vst v63  }
0x5d: {  	_ =	swait.ge [sflag:s10], $0x4000  }
0x5e: {  	[sflag:s10] =	ssyncset.done $0x0  }
0x5f: {  	[sflag:s10] =	ssyncadd.s32 $0xFFFFC000  }
0x60: {  	[bflag:$0x0] =	sbarrier.arrive $0xFFFF  }
0x61: {  	[hbm:s22], [sflag:s12] =	dma.local [spmem:s13], $0x2800  }
0x62: {  	_ =	swait.ge [sflag:s10], $0x2800  }
0x63: {  	[sflag:s10] =	ssyncset.done $0x0  }
0x64: {  	[sflag:s10] =	ssyncadd.s32 $0xFFFFD800  }
0x65: {  	[spmem:s13], [sflag:s12] =	dma.local [hbm:s4], $0x2800  }
0x66: {  	_ =	swait.ge [sflag:s10], $0x2800  }
0x67: {  	[sflag:s10] =	ssyncset.done $0x0  }
0x68: {  	[sflag:s10] =	ssyncadd.s32 $0xFFFFD800  }
0x69: {  	s26 =	simm.s32 $0x0;
	[bflag:$0x0] =	sbarrier.arrive $0xFFFF  }
0x6a: {  	[tilespmem:s15], [sflag:$0x1] =	stream.indirect.gather [hbm4b:s6+s14], $0x80, s26, s14, $0xb8;
	[tilespmem:$0x1E800] =	vst v63  }
0x6b: {  	s28 =	simm.s32 $0x80  }
0x6c: {  	[tilespmem:s16], [sflag:$0x2] =	stream.indirect.gather [hbm4b:s6+s14], $0x80, s28, s14, $0xb8;
	[tilespmem:$0x1E800] =	vst v63  }
0x6d: {  	_ =	swait.ge [sflag:s17], $0x4000  }
0x6e: {  	[sflag:s17] =	ssyncset.done $0x0  }
0x6f: {  	s29 =	simm.s32 $0x1400;
	[sflag:s17] =	ssyncadd.s32 $0xFFFFC000  }
0x70: {  	[spmem:s2] =	stream.indirect.scatter.add.f32 [tilespmem:s15], [sflag:$0x3], $0x80, s29, s14, $0xb8;
	[tilespmem:$0x1E800] =	vst v63  }
0x71: {  	_ =	swait.ge [sflag:s10], $0x4000  }
0x72: {  	[sflag:s10] =	ssyncset.done $0x0  }
0x73: {  	s30 =	simm.s32 $0x100;
	[sflag:s10] =	ssyncadd.s32 $0xFFFFC000  }
0x74: {  	[tilespmem:s15], [sflag:$0x1] =	stream.indirect.gather [hbm4b:s6+s14], $0x80, s30, s14, $0xb8;
	[tilespmem:$0x1E800] =	vst v63  }
0x75: {  	_ =	swait.ge [sflag:s18], $0x4000  }
0x76: {  	[sflag:s18] =	ssyncset.done $0x0  }
0x77: {  	s31 =	simm.s32 $0x1480;
	[sflag:s18] =	ssyncadd.s32 $0xFFFFC000  }
0x78: {  	[spmem:s2] =	stream.indirect.scatter.add.f32 [tilespmem:s16], [sflag:$0x3], $0x80, s31, s14, $0xb8;
	[tilespmem:$0x1E800] =	vst v63  }
0x79: {  	_ =	swait.ge [sflag:s10], $0x4000  }
0x7a: {  	s25 =	simm.s32 $0x100;
	s26 =	simm.s32 $0x800;
	[sflag:s10] =	ssyncset.done $0x0  }
.LBB2_4:
0x7b: {  	s28 =	sadd.s32 $0x80, s25  }
0x7c: {  	[sflag:s10] =	ssyncadd.s32 $0xFFFFC000;
	s29 =	smov.u32 s26;
	s30 =	sadd.s32 $0x400, s26  }
0x7d: {  	[tilespmem:s16], [sflag:$0x2] =	stream.indirect.gather [hbm4b:s6+s14], $0x80, s28, s14, $0xb8;
	[tilespmem:$0x1E800] =	vst v63  }
0x7e: {  	p0 =	sne.s32 s26, $0x4800;
	_ =	swait.ge [sflag:s17], $0x4000  }
0x7f: {  	[sflag:s17] =	ssyncset.done $0x0  }
0x80: {  	s26 =	sadd.s32 $0x1400, s25;
	[sflag:s17] =	ssyncadd.s32 $0xFFFFC000  }
0x81: {  	[spmem:s2] =	stream.indirect.scatter.add.f32 [tilespmem:s15], [sflag:$0x3], $0x80, s26, s14, $0xb8;
	[tilespmem:$0x1E800] =	vst v63  }
0x82: {  	_ =	swait.ge [sflag:s10], $0x4000  }
0x83: {  	[sflag:s10] =	ssyncset.done $0x0  }
0x84: {  	s26 =	sadd.s32 $0x100, s25;
	[sflag:s10] =	ssyncadd.s32 $0xFFFFC000  }
0x85: {  	[tilespmem:s15], [sflag:$0x1] =	stream.indirect.gather [hbm4b:s6+s14], $0x80, s26, s14, $0xb8;
	[tilespmem:$0x1E800] =	vst v63  }
0x86: {  	_ =	swait.ge [sflag:s18], $0x4000  }
.Ltmp1:
0x87: {  	[sflag:s18] =	ssyncset.done $0x0;
	(pc) =	sbr.rel @p0 .LBB2_4-.Ltmp1, $4  }
0x88: {  	s25 =	sadd.s32 $0x1480, s25;
	[sflag:s18] =	ssyncadd.s32 $0xFFFFC000  }
0x89: {  	[spmem:s2] =	stream.indirect.scatter.add.f32 [tilespmem:s16], [sflag:$0x3], $0x80, s25, s14, $0xb8;
	[tilespmem:$0x1E800] =	vst v63  }
0x8a: {  	_ =	swait.ge [sflag:s10], $0x4000  }
0x8b: {  	s26 =	smov.u32 s30;
	s25 =	sshra.s32 s29, $0x2;
	[sflag:s10] =	ssyncset.done $0x0  }
0x8c: {  	s26 =	sadd.s32 $0x80, s25;
	[sflag:s10] =	ssyncadd.s32 $0xFFFFC000  }
0x8d: {  	[tilespmem:s16], [sflag:$0x2] =	stream.indirect.gather [hbm4b:s6+s14], $0x80, s26, s14, $0xb8;
	[tilespmem:$0x1E800] =	vst v63  }
0x8e: {  	_ =	swait.ge [sflag:s17], $0x4000  }
0x8f: {  	[sflag:s17] =	ssyncset.done $0x0  }
0x90: {  	s29 =	sadd.s32 $0x1400, s25;
	[sflag:s17] =	ssyncadd.s32 $0xFFFFC000  }
0x91: {  	[spmem:s2] =	stream.indirect.scatter.add.f32 [tilespmem:s15], [sflag:$0x3], $0x80, s29, s14, $0xb8;
	[tilespmem:$0x1E800] =	vst v63  }
0x92: {  	_ =	swait.ge [sflag:s10], $0x4000  }
0x93: {  	[sflag:s10] =	ssyncset.done $0x0  }
0x94: {  	s30 =	sadd.s32 $0x100, s25;
	[sflag:s10] =	ssyncadd.s32 $0xFFFFC000  }
0x95: {  	[tilespmem:s15], [sflag:$0x1] =	stream.indirect.gather [hbm4b:s6+s14], $0x80, s30, s14, $0xb8;
	[tilespmem:$0x1E800] =	vst v63  }
0x96: {  	_ =	swait.ge [sflag:s18], $0x4000  }
0x97: {  	[sflag:s18] =	ssyncset.done $0x0  }
0x98: {  	s31 =	sadd.s32 $0x1480, s25;
	[sflag:s18] =	ssyncadd.s32 $0xFFFFC000  }
0x99: {  	[spmem:s2] =	stream.indirect.scatter.add.f32 [tilespmem:s16], [sflag:$0x3], $0x80, s31, s14, $0xb8;
	[tilespmem:$0x1E800] =	vst v63  }
0x9a: {  	_ =	swait.ge [sflag:s10], $0x4000  }
0x9b: {  	[sflag:s10] =	ssyncset.done $0x0  }
0x9c: {  	[sflag:s10] =	ssyncadd.s32 $0xFFFFC000  }
0x9d: {  	[tilespmem:s16], [sflag:$0x2] =	stream.indirect.gather [hbm4b:s6+s14], $0x80, s19, s14, $0xb8;
	[tilespmem:$0x1E800] =	vst v63  }
0x9e: {  	_ =	swait.ge [sflag:s17], $0x4000  }
0x9f: {  	[sflag:s17] =	ssyncset.done $0x0  }
0xa0: {  	[sflag:s17] =	ssyncadd.s32 $0xFFFFC000  }
0xa1: {  	[spmem:s2] =	stream.indirect.scatter.add.f32 [tilespmem:s15], [sflag:$0x3], $0x80, s20, s14, $0xb8;
	[tilespmem:$0x1E800] =	vst v63  }
0xa2: {  	_ =	swait.ge [sflag:s10], $0x4000  }
0xa3: {  	[sflag:s10] =	ssyncset.done $0x0  }
0xa4: {  	[sflag:s10] =	ssyncadd.s32 $0xFFFFC000  }
0xa5: {  	_ =	swait.ge [sflag:s18], $0x4000  }
0xa6: {  	[sflag:s18] =	ssyncset.done $0x0  }
0xa7: {  	[sflag:s18] =	ssyncadd.s32 $0xFFFFC000  }
0xa8: {  	[spmem:s2] =	stream.indirect.scatter.add.f32 [tilespmem:s16], [sflag:$0x3], $0x80, s21, s14, $0xb8;
	[tilespmem:$0x1E800] =	vst v63  }
0xa9: {  	_ =	swait.ge [sflag:s10], $0x4000  }
0xaa: {  	s24 =	sadd.s32 $0x1, s24;
	[sflag:s10] =	ssyncset.done $0x0  }
0xab: {  	p0 =	sne.s32 s24, s9;
	[sflag:s10] =	ssyncadd.s32 $0xFFFFC000  }
.Ltmp2:
0xac: {  	[bflag:$0x0] =	sbarrier.arrive $0xFFFF;
	(pc) =	sbr.rel @p0 .LBB2_1-.Ltmp2, $4  }
0xad: {  	[hbm:s23], [sflag:s12] =	dma.local [spmem:s13], $0x2800  }
0xae: {  	_ =	swait.ge [sflag:s10], $0x2800  }
0xaf: {  	[sflag:s10] =	ssyncset.done $0x0  }
0xb0: {  	[sflag:s10] =	ssyncadd.s32 $0xFFFFD800  }
0xb1: {  	_ =	sfence.sel $0x180000  }
0xb2: {  	[bflag:$0x0] =	sbarrier.arrive $0xFFFF  }
0xb3: {  	p0 =	sne.s32 s0, $0x0;
	_ =	strace $0x90000050  }
0xb4: {  	s0 =	sadd.s32 @!p0 $0x100000, s1;
	[bflag:$0x2] =	sbarrier.arrive $0xFFFF  }
0xb5: {  	[sflag:s0] =	ssyncadd.tile.s32 @!p0 $0x1;
	_ =	shalt  }
.Lfunc_end2:
_tile_overlayer_lowered:
.L_overlay_start_2:
0xb6: {  	(tag) =	ssettag $0x2  }
0xb7: {  	s0 =	rddreg [dreg:$0x0];
	s2 =	stileid.u32  }
0xb8: {  	s1 =	rddreg [dreg:$0x1];
	p0 =	sne.s32 s2, $0x0  }
0xb9: {  	s3 =	rddreg [dreg:$0x2];
	[bflag:$0x3] =	sbarrier.arrive $0xFFFF;
	s2 =	simm.s32 @!p0 $0x1C03  }
0xba: {  	[timem:s3], [sflag:s2] =	dma.local @!p0 [hbm:s0], s1  }
0xbb: {  	s0 =	simm.s32 @!p0 $0x3  }
0xbc: {  	_ =	swait.ge @!p0 [sflag:s0], s1  }
0xbd: {  	s1 =	ssub.s32 @!p0 $0x0, s1;
	[sflag:s0] =	ssyncset.done @!p0 $0x0  }
0xbe: {  	[sflag:s0] =	ssyncadd.s32 @!p0 s1  }
0xbf: {  	[bflag:$0x3] =	sbarrier.arrive $0xFFFF  }
0xc0: {  	_ =	shalt  }

// kernel: kernel.26.cloned.1.call-start
scs
__scs_entry_jumppad:
0x0: {  	(pc) =	sbr.rel $0x88, $3  }
0x1: {  	(tag) =	ssettag $0x0;
	lr =	simm.s32 $0x1  }
0x2: {  	[smem:$0x3F8F] =	sst lr;
	_ =	strace $0xD0000000  }
0x3: {  	_ = 	snop  }
0x4: {  	_ = 	snop  }
0x5: {  	_ = 	snop  }
0x6: {  	_ = 	snop  }
0x7: {  	_ = 	snop  }
__scs_overlays_trampoline_lowered:
0x8: {  	[smem:$0x3F9E] =	sst s0  }
0x9: {  	[smem:$0x3F9F] =	sst s1  }
0xa: {  	[smem:$0x3FA0] =	sst s2  }
0xb: {  	[smem:$0x3FA1] =	sst s3  }
0xc: {  	[smem:$0x3FA2] =	sst s4  }
0xd: {  	[smem:$0x3FA3] =	sst s5  }
0xe: {  	[smem:$0x3FA4] =	sst s6  }
0xf: {  	[smem:$0x3FA5] =	sst s7  }
0x10: {  	[smem:$0x3FA6] =	sst s8  }
0x11: {  	[smem:$0x3FA7] =	sst s9;
	s0 =	simm.s32 @!p0 $0x0  }
0x12: {  	s1 =	sld [smem:$0x3F8D];
	s0 =	simm.s32 @p0 $0x1  }
0x13: {  	[smem:$0x3FA8] =	sst s0;
	s0 =	simm.s32 @!p1 $0x0  }
0x14: {  	s2 =	sld [smem:$0x3F8C];
	s0 =	simm.s32 @p1 $0x1  }
0x15: {  	[smem:$0x3FA9] =	sst s0;
	s0 =	simm.s32 @!p2 $0x0  }
0x16: {  	s3 =	sld [smem:$0x3FDB];
	s0 =	simm.s32 @p2 $0x1  }
0x17: {  	s4 =	simm.s32 $0x1BF5;
	[smem:$0x3FAB] =	sst s0  }
0x18: {  	s0 =	sld [smem:$0x3F8E];
	_ =	swait.ge [sflag:s4], $0x0  }
0x19: {  	s7 =	sld [smem:$0x3F8F]  }
0x1a: {  	s8 =	sadd.s32 $0xFFFFE003, lr  }
0x1b: {  	s9 =	sadd.s32 $0xFFFFFEF7, lr;
	s5 =	simm.s32 $0xFFFFFFFF;
	p2 =	slt.u32 s8, $0xFFFFF086  }
0x1c: {  	p1 =	slt.u32 s9, $0xF7A;
	s5 =	simm.s32 @!p2 $0x0  }
0x1d: {  	s5 =	simm.s32 @p1 $0x1;
	p0 =	seq.s32 s7, s2  }
0x1e: {  	s7 =	smul.u32 @!p0 $0xF7A, s2;
	p2 =	seq.s32 @!p0 s5, $0x0  }
0x1f: {  	s9 =	smul.u32 $0xF7A, s1;
	s8 =	simm.s32 @!p0 $0x1BF5;
	p2 =	por !p2, p0  }
0x20: {  	[sflag:s8] =	ssyncset.s32 @!p0 $0xFFFFF086;
	s6 =	sadd.s32 @!p0 s3, s7;
	s7 =	simm.s32 @!p0 $0x108  }
0x21: {  	s3 =	sadd.s32 s3, s9;
	s6 =	sadd.s32 @!p0 $0x88, s6;
	s7 =	simm.s32 @p2 $0x1082  }
0x22: {  	[simem:s7], [sflag:s8] =	dma.local @!p0 [hbm:s6], $0xF7A  }
0x23: {  	s9 =	sor.u32 $0xD0000000, s2;
	s6 =	simm.s32 $0x108;
	_ =	swait.ge @!p0 [sflag:s8], $0x0  }
0x24: {  	s3 =	sadd.s32 $0x88, s3;
	s6 =	simm.s32 @!p1 $0x1082;
	[sflag:s4] =	ssyncset.s32 $0xFFFFF086  }
0x25: {  	[simem:s6], [sflag:s4] =	dma.local [hbm:s3], $0xF7A  }
0x26: {  	[smem:$0x3F8F] =	sst s1;
	(tag) =	ssettag s2;
	_ =	strace s9  }
0x27: {  	s1 =	sld [smem:$0x3F9F]  }
0x28: {  	s2 =	sld [smem:$0x3FA0]  }
0x29: {  	s4 =	sld [smem:$0x3FA2]  }
0x2a: {  	p0 =	seq.s32 s5, $0x0;
	s5 =	sld [smem:$0x3FA3]  }
0x2b: {  	s6 =	sld [smem:$0x3FA4]  }
0x2c: {  	s7 =	sld [smem:$0x3FA5]  }
0x2d: {  	s3 =	simm.s32 $0x108;
	s8 =	sld [smem:$0x3FA6]  }
0x2e: {  	s3 =	simm.s32 @!p0 $0x1082;
	s9 =	sld [smem:$0x3FA7]  }
0x2f: {  	lr =	sadd.s32 s0, s3;
	s0 =	sld [smem:$0x3F9E]  }
0x30: {  	s3 =	sld [smem:$0x3FA1]  }
0x31: {  	[smem:$0x3FAA] =	sst s10  }
0x32: {  	s10 =	sld [smem:$0x3FA8];
	_ =	sdelay $0x3  }
0x33: {  	p0 =	seq.s32 s10, $0x1;
	s10 =	sld [smem:$0x3FAA];
	_ =	sdelay $0x3  }
0x34: {  	[smem:$0x3FAA] =	sst s10  }
0x35: {  	s10 =	sld [smem:$0x3FA9];
	_ =	sdelay $0x3  }
0x36: {  	p1 =	seq.s32 s10, $0x1;
	s10 =	sld [smem:$0x3FAA];
	_ =	sdelay $0x3  }
0x37: {  	[smem:$0x3FAA] =	sst s10  }
0x38: {  	s10 =	sld [smem:$0x3FAB]  }
0x39: {  	_ = 	snop;
	(pc) =	sbr.ind lr, $3  }
0x3a: {  	_ = 	snop  }
0x3b: {  	_ = 	snop  }
0x3c: {  	p2 =	seq.s32 s10, $0x1;
	s10 =	sld [smem:$0x3FAA]  }
0x3d: {  	_ =	shalt  }
0x3e: {  	_ =	shalt  }
0x3f: {  	_ =	shalt  }
0x40: {  	_ =	shalt  }
0x41: {  	_ =	shalt  }
0x42: {  	_ =	shalt  }
0x43: {  	_ =	shalt  }
0x44: {  	_ =	shalt  }
0x45: {  	_ =	shalt  }
0x46: {  	_ =	shalt  }
0x47: {  	_ =	shalt  }
0x48: {  	_ =	shalt  }
0x49: {  	_ =	shalt  }
0x4a: {  	_ =	shalt  }
0x4b: {  	_ =	shalt  }
0x4c: {  	_ =	shalt  }
0x4d: {  	_ =	shalt  }
0x4e: {  	_ =	shalt  }
0x4f: {  	_ =	shalt  }
0x50: {  	_ =	shalt  }
0x51: {  	_ =	shalt  }
0x52: {  	_ =	shalt  }
0x53: {  	_ =	shalt  }
0x54: {  	_ =	shalt  }
0x55: {  	_ =	shalt  }
0x56: {  	_ =	shalt  }
0x57: {  	_ =	shalt  }
0x58: {  	_ =	shalt  }
0x59: {  	_ =	shalt  }
0x5a: {  	_ =	shalt  }
0x5b: {  	_ =	shalt  }
0x5c: {  	_ =	shalt  }
0x5d: {  	_ =	shalt  }
0x5e: {  	_ =	shalt  }
0x5f: {  	_ =	shalt  }
0x60: {  	_ =	shalt  }
0x61: {  	_ =	shalt  }
0x62: {  	_ =	shalt  }
0x63: {  	_ =	shalt  }
0x64: {  	_ =	shalt  }
0x65: {  	_ =	shalt  }
0x66: {  	_ =	shalt  }
0x67: {  	_ =	shalt  }
0x68: {  	_ =	shalt  }
0x69: {  	_ =	shalt  }
0x6a: {  	_ =	shalt  }
0x6b: {  	_ =	shalt  }
0x6c: {  	_ =	shalt  }
0x6d: {  	_ =	shalt  }
0x6e: {  	_ =	shalt  }
0x6f: {  	_ =	shalt  }
0x70: {  	_ =	shalt  }
0x71: {  	_ =	shalt  }
0x72: {  	_ =	shalt  }
0x73: {  	_ =	shalt  }
0x74: {  	_ =	shalt  }
0x75: {  	_ =	shalt  }
0x76: {  	_ =	shalt  }
0x77: {  	_ =	shalt  }
0x78: {  	_ =	shalt  }
0x79: {  	_ =	shalt  }
0x7a: {  	_ =	shalt  }
0x7b: {  	_ =	shalt  }
0x7c: {  	_ =	shalt  }
0x7d: {  	_ =	shalt  }
0x7e: {  	_ =	shalt  }
0x7f: {  	_ =	shalt  }
0x80: {  	_ =	shalt  }
0x81: {  	_ =	shalt  }
0x82: {  	_ =	shalt  }
0x83: {  	_ =	shalt  }
0x84: {  	_ =	shalt  }
0x85: {  	_ =	shalt  }
0x86: {  	_ =	shalt  }
0x87: {  	_ =	shalt  }
.Lfunc_end0:
.L_simem_size_0:
called_computation.4_lowered:
.L_overlay_start_0:
0x88: {  	s2 =	sld [smem:$0x3FD9]  }
0x89: {  	s3 =	sld [smem:$0x3FFE];
	_ =	sdelay $0x1  }
0x8a: {  	s1 =	srdreg.scid  }
0x8b: {  	s0 =	sand.u32 $0x1, s1  }
0x8c: {  	s17 =	sshll.u32 s0, $0xA;
	s2 =	sadd.s32 s3, s2  }
0x8d: {  	s2 =	sadd.s32 s2, s17  }
0x8e: {  	[smem:$0x3FB6] =	sst s2  }
0x8f: {  	_ = 	snop  }
0x90: {  	s2 =	sld [smem:$0x3FC9]  }
0x91: {  	s18 =	sld [smem:$0x3FD0];
	(tm) =	ssettm $0x1  }
0x92: {  	s4 =	sld [smem:$0x3FFB];
	_ =	sdelay $0x3  }
0x93: {  	_ =	strace s4  }
0x94: {  	s4 =	sld [smem:$0x3FFC];
	_ =	sdelay $0x3  }
0x95: {  	_ =	strace s4  }
0x96: {  	s4 =	sld [smem:$0x3FFD];
	_ =	sdelay $0x3  }
0x97: {  	_ =	strace s4  }
0x98: {  	_ =	strace $0x8FFFFFFF  }
0x99: {  	s19 =	sld [smem:$0x3FDB];
	_ =	sdelay $0x1  }
0x9a: {  	s5 =	simm.s32 $_scs_section_size  }
0x9b: {  	s6 =	simm.s32 $_size__tile_overlayer_lowered;
	s7 =	simm.s32 $_tile_overlayer_lowered  }
0x9c: {  	s22 =	simm.s32 $0x1BFF;
	s21 =	sshll.u32 s7, $0x1;
	s4 =	sadd.s32 s5, s19  }
0x9d: {  	s8 =	simm.s32 $0x0;
	s20 =	sshll.u32 s6, $0x1;
	s6 =	sadd.s32 s21, s4  }
0x9e: {  	[timem:s8], [sflag:s22] =	dma.local [hbm:s6], s20  }
0x9f: {  	_ =	swait.ge [sflag:s22], s20  }
0xa0: {  	s5 =	ssub.s32 $0x0, s20;
	[sflag:s22] =	ssyncset.done $0x0  }
0xa1: {  	[sflag:s22] =	ssyncadd.s32 s5;
	_ =	sdelay $0x1  }
0xa2: {  	s23 =	simm.s32 $0x1B8B  }
0xa3: {  	_ =	swait.ge [sflag:s23], $0x1  }
0xa4: {  	[sflag:s23] =	ssyncset.done $0x0  }
0xa5: {  	s25 =	simm.s32 $0x1B8E;
	s24 =	sld [smem:$0x3FFE];
	[sflag:s23] =	ssyncadd.s32 $0xFFFFFFFF  }
0xa6: {  	s26 =	simm.s32 $execute0_lowered;
	[smem:$0x3FD2] =	sst s25  }
0xa7: {  	s6 =	sshll.u32 s26, $0x1;
	_ =	strace $0x80000052;
	[dreg:$0x1] =	wrdreg $0xFFFFFFFF  }
0xa8: {  	s28 =	simm.s32 $_size_execute0_lowered;
	s4 =	sadd.s32 s4, s6;
	[dreg:$0x0] =	wrdreg $0x0  }
0xa9: {  	s6 =	sshll.u32 s28, $0x1;
	[dreg:$0x2] =	wrdreg s4  }
0xaa: {  	[dreg:$0x3] =	wrdreg s6  }
0xab: {  	[dreg:$0x4] =	wrdreg $0xC0  }
0xac: {  	_ =	task [dreg:s8], $0x5FFFF  }
0xad: {  	[dreg:$0x1] =	wrdreg $0xFFFFFFFF  }
0xae: {  	[dreg:$0x0] =	wrdreg $0x60  }
0xaf: {  	[dreg:$0x2] =	wrdreg s24  }
0xb0: {  	[dreg:$0x3] =	wrdreg s2  }
0xb1: {  	[dreg:$0x4] =	wrdreg s18  }
0xb2: {  	[dreg:$0x5] =	wrdreg $0x9  }
0xb3: {  	_ =	task.clear_ibuf [dreg:s8], $0x6FFFF;
	_ =	strace $0x90000052  }
0xb4: {  	s29 =	simm.s32 $0x9;
	_ =	strace $0x80000054  }
0xb5: {  	_ =	swait.ge [sflag:s29], $0x1  }
0xb6: {  	[sflag:s29] =	ssyncadd.s32 $0xFFFFFFFF  }
0xb7: {  	_ =	strace $0x90000054  }
0xb8: {  	_ =	sfence  }
0xb9: {  	s30 =	sld [smem:$0x0];
	_ =	sdelay $0x2  }
0xba: {  	s31 =	sshll.u32 s1, $0xD;
	s1 =	sshrl.u32 s1, $0x2  }
0xbb: {  	s3 =	sand.u32 $0x4000, s31;
	s1 =	sadd.s32 s1, s30  }
0xbc: {  	s0 =	sor.u32 s3, s0;
	s1 =	sshll.u32 s1, $0x11  }
0xbd: {  	s0 =	sor.u32 s1, s0  }
0xbe: {  	s0 =	sadd.s32 $0x8F2B, s0  }
0xbf: {  	[sflag:s0] =	ssyncadd.remote.s32 $0x1  }
0xc0: {  	_ =	sfence.sel $0xFFFF  }
0xc1: {  	[dreg:$0x0] =	wrdreg $0xFFFFFFFF;
	(pc) =	sbr.abs _section_cstart, $3  }
0xc2: {  	[dreg:$0x1] =	wrdreg $0xFFFFFFFF  }
0xc3: {  	_ =	task.clear_ibuf [dreg:s8], $0x2FFFF;
	_ =	strace $0x9FFFFFFF  }
0xc4: {  	(tm) =	ssettm $0x7FFFFFFF  }
0xc5: {  	_ =	shalt  }
tec
execute0_lowered:
.L_overlay_start_1:
0x0: {  	(tag) =	ssettag $0x1  }
0x1: {  	s4 =	rddreg [dreg:$0x0]  }
0x2: {  	s5 =	rddreg [dreg:$0x1]  }
0x3: {  	s6 =	rddreg [dreg:$0x2]  }
0x4: {  	s0 =	rddreg [dreg:$0x3]  }
0x5: {  	s3 =	srdreg.scid;
	s2 =	simm.s32 $0x0;
	s1 =	stileid.u32  }
0x6: {  	s11 =	simm.s32 $0x880;
	s12 =	simm.s32 $0x1080;
	s13 =	simm.s32 $0x1880  }
0x7: {  	s14 =	simm.s32 $0x2080;
	s15 =	simm.s32 $0x2880;
	s16 =	simm.s32 $0x3080  }
0x8: {  	s17 =	simm.s32 $0x3880;
	s18 =	simm.s32 $0x4080;
	s19 =	simm.s32 $0x4880  }
0x9: {  	s20 =	simm.s32 $0x5080;
	s21 =	simm.s32 $0x5880;
	s22 =	simm.s32 $0x6080  }
0xa: {  	s23 =	simm.s32 $0x6880;
	s24 =	simm.s32 $0x7080;
	s25 =	simm.s32 $0x7880  }
0xb: {  	s26 =	simm.s32 $0x1;
	s7 =	sand.u32 $0x1, s3;
	[smem:$0x7FF] =	sst s2  }
0xc: {  	s30 =	sshll.u32 s1, $0x8;
	s3 =	sadd.s32 $0x6400, s4;
	s8 =	sshll.u32 s7, $0x7  }
0xd: {  	_ =	strace $0x80000053;
	s7 =	ssub.s32 $0x2, s7;
	s8 =	sor.u32 s8, s30  }
0xe: {  	s31 =	sshrl.u32 s7, $0x1;
	s9 =	sshll.u32 s8, $0x5;
	s8 =	sshrl.u32 s8, $0x3  }
0xf: {  	v2 =	vlaneseq.u32;
	s10 =	ssub.s32 s7, s31;
	s9 =	sadd.s32 s9, s4;
	s4 =	sadd.s32 s5, s8  }
0x10: {  	vm0 =	vmmov $0xffff;
	v1 =	vshrl.u32 v2, $0x3;
	s6 =	sadd.s32 s6, s8;
	s8 =	smax.u32 s10, $0x1;
	s10 =	simm.s32 $0x80  }
0x11: {  	v0 =	vand.u32 $0x7, v2;
	v2 =	vor.u32 $0x8, v2;
	v1 =	vmul.u32 $0x8, v1;
	s5 =	sadd.s32 $0x54600, s9;
	s7 =	sadd.s32 $0x74600, s9;
	s9 =	simm.s32 $0x2  }
.LBB2_1:
0x12: {  	[tilespmem:s2], [sflag:$0x2] =	stream.linear.gather [hbm4b:s4+s2], $0x80, $0x38;
	[tilespmem:$0x8080] =	vst v63  }
0x13: {  	_ =	swait.ge [sflag:s9], $0x80  }
0x14: {  	[sflag:s9] =	ssyncset.done $0x0  }
0x15: {  	[sflag:s9] =	ssyncadd.s32 $0xFFFFFF80  }
0x16: {  	v3 =	vld [tilespmem:$0x0];
	_ =	sdelay $0x4  }
0x17: {  	v4 =	vshll.u32 v3, $0x1  }
0x18: {  	v3 =	vand.u32 $0x7, v3;
	v4 =	vand.u32 $0xFFFFFFF0, v4  }
0x19: {  	v3 =	vor.u32 v3, v4  }
0x1a: {  	v4 =	vperm.xlane v3, v0;
	_ =	sdelay $0x1  }
0x1b: {  	v3 =	vperm.xlane v3, v2;
	v4 =	vadd.s32 v1, v4;
	_ =	sdelay $0x1  }
0x1c: {  	v3 =	vadd.s32 v1, v3;
	_ =	sdelay $0x2  }
0x1d: {  	[tilespmem:s10], [sflag:$0x1] =	stream.indirect_vreg.gather [hbm4b:s3+s2], $0x80, v4, vm0, $0xb8;
	[tilespmem:$0x8080] =	vst v63  }
0x1e: {  	_ = 	snop  }
0x1f: {  	[tilespmem:s11], [sflag:$0x1] =	stream.indirect_vreg.gather [hbm4b:s3+s2], $0x80, v3, vm0, $0xb8;
	[tilespmem:$0x8080] =	vst v63  }
0x20: {  	v3 =	vld [tilespmem:$0x10];
	_ =	sdelay $0x4  }
0x21: {  	v49 =	vshll.u32 v3, $0x1  }
0x22: {  	v3 =	vand.u32 $0x7, v3;
	v4 =	vand.u32 $0xFFFFFFF0, v49  }
0x23: {  	v3 =	vor.u32 v3, v4  }
0x24: {  	v4 =	vperm.xlane v3, v0;
	_ =	sdelay $0x1  }
0x25: {  	v3 =	vperm.xlane v3, v2;
	v4 =	vadd.s32 v1, v4;
	_ =	sdelay $0x1  }
0x26: {  	v3 =	vadd.s32 v1, v3;
	_ =	sdelay $0x2  }
0x27: {  	[tilespmem:s12], [sflag:$0x1] =	stream.indirect_vreg.gather [hbm4b:s3+s2], $0x80, v4, vm0, $0xb8;
	[tilespmem:$0x8080] =	vst v63  }
0x28: {  	_ = 	snop  }
0x29: {  	[tilespmem:s13], [sflag:$0x1] =	stream.indirect_vreg.gather [hbm4b:s3+s2], $0x80, v3, vm0, $0xb8;
	[tilespmem:$0x8080] =	vst v63  }
0x2a: {  	v3 =	vld [tilespmem:$0x20];
	_ =	sdelay $0x4  }
0x2b: {  	v50 =	vshll.u32 v3, $0x1  }
0x2c: {  	v3 =	vand.u32 $0x7, v3;
	v4 =	vand.u32 $0xFFFFFFF0, v50  }
0x2d: {  	v3 =	vor.u32 v3, v4  }
0x2e: {  	v4 =	vperm.xlane v3, v0;
	_ =	sdelay $0x1  }
0x2f: {  	v3 =	vperm.xlane v3, v2;
	v4 =	vadd.s32 v1, v4;
	_ =	sdelay $0x1  }
0x30: {  	v3 =	vadd.s32 v1, v3;
	_ =	sdelay $0x2  }
0x31: {  	[tilespmem:s14], [sflag:$0x1] =	stream.indirect_vreg.gather [hbm4b:s3+s2], $0x80, v4, vm0, $0xb8;
	[tilespmem:$0x8080] =	vst v63  }
0x32: {  	_ = 	snop  }
0x33: {  	[tilespmem:s15], [sflag:$0x1] =	stream.indirect_vreg.gather [hbm4b:s3+s2], $0x80, v3, vm0, $0xb8;
	[tilespmem:$0x8080] =	vst v63  }
0x34: {  	v3 =	vld [tilespmem:$0x30];
	_ =	sdelay $0x4  }
0x35: {  	v51 =	vshll.u32 v3, $0x1  }
0x36: {  	v3 =	vand.u32 $0x7, v3;
	v4 =	vand.u32 $0xFFFFFFF0, v51  }
0x37: {  	v3 =	vor.u32 v3, v4  }
0x38: {  	v4 =	vperm.xlane v3, v0;
	_ =	sdelay $0x1  }
0x39: {  	v3 =	vperm.xlane v3, v2;
	v4 =	vadd.s32 v1, v4;
	_ =	sdelay $0x1  }
0x3a: {  	v3 =	vadd.s32 v1, v3;
	_ =	sdelay $0x2  }
0x3b: {  	[tilespmem:s16], [sflag:$0x1] =	stream.indirect_vreg.gather [hbm4b:s3+s2], $0x80, v4, vm0, $0xb8;
	[tilespmem:$0x8080] =	vst v63  }
0x3c: {  	_ = 	snop  }
0x3d: {  	[tilespmem:s17], [sflag:$0x1] =	stream.indirect_vreg.gather [hbm4b:s3+s2], $0x80, v3, vm0, $0xb8;
	[tilespmem:$0x8080] =	vst v63  }
0x3e: {  	v3 =	vld [tilespmem:$0x40];
	_ =	sdelay $0x4  }
0x3f: {  	v52 =	vshll.u32 v3, $0x1  }
0x40: {  	v3 =	vand.u32 $0x7, v3;
	v4 =	vand.u32 $0xFFFFFFF0, v52  }
0x41: {  	v3 =	vor.u32 v3, v4  }
0x42: {  	v4 =	vperm.xlane v3, v0;
	_ =	sdelay $0x1  }
0x43: {  	v3 =	vperm.xlane v3, v2;
	v4 =	vadd.s32 v1, v4;
	_ =	sdelay $0x1  }
0x44: {  	v3 =	vadd.s32 v1, v3;
	_ =	sdelay $0x2  }
0x45: {  	[tilespmem:s18], [sflag:$0x1] =	stream.indirect_vreg.gather [hbm4b:s3+s2], $0x80, v4, vm0, $0xb8;
	[tilespmem:$0x8080] =	vst v63  }
0x46: {  	_ = 	snop  }
0x47: {  	[tilespmem:s19], [sflag:$0x1] =	stream.indirect_vreg.gather [hbm4b:s3+s2], $0x80, v3, vm0, $0xb8;
	[tilespmem:$0x8080] =	vst v63  }
0x48: {  	v3 =	vld [tilespmem:$0x50];
	_ =	sdelay $0x4  }
0x49: {  	v53 =	vshll.u32 v3, $0x1  }
0x4a: {  	v3 =	vand.u32 $0x7, v3;
	v4 =	vand.u32 $0xFFFFFFF0, v53  }
0x4b: {  	v3 =	vor.u32 v3, v4  }
0x4c: {  	v4 =	vperm.xlane v3, v0;
	_ =	sdelay $0x1  }
0x4d: {  	v3 =	vperm.xlane v3, v2;
	v4 =	vadd.s32 v1, v4;
	_ =	sdelay $0x1  }
0x4e: {  	v3 =	vadd.s32 v1, v3;
	_ =	sdelay $0x2  }
0x4f: {  	[tilespmem:s20], [sflag:$0x1] =	stream.indirect_vreg.gather [hbm4b:s3+s2], $0x80, v4, vm0, $0xb8;
	[tilespmem:$0x8080] =	vst v63  }
0x50: {  	_ = 	snop  }
0x51: {  	[tilespmem:s21], [sflag:$0x1] =	stream.indirect_vreg.gather [hbm4b:s3+s2], $0x80, v3, vm0, $0xb8;
	[tilespmem:$0x8080] =	vst v63  }
0x52: {  	v3 =	vld [tilespmem:$0x60];
	_ =	sdelay $0x4  }
0x53: {  	v54 =	vshll.u32 v3, $0x1  }
0x54: {  	v3 =	vand.u32 $0x7, v3;
	v4 =	vand.u32 $0xFFFFFFF0, v54  }
0x55: {  	v3 =	vor.u32 v3, v4  }
0x56: {  	v4 =	vperm.xlane v3, v0;
	_ =	sdelay $0x1  }
0x57: {  	v3 =	vperm.xlane v3, v2;
	v4 =	vadd.s32 v1, v4;
	_ =	sdelay $0x1  }
0x58: {  	v3 =	vadd.s32 v1, v3;
	_ =	sdelay $0x2  }
0x59: {  	[tilespmem:s22], [sflag:$0x1] =	stream.indirect_vreg.gather [hbm4b:s3+s2], $0x80, v4, vm0, $0xb8;
	[tilespmem:$0x8080] =	vst v63  }
0x5a: {  	_ = 	snop  }
0x5b: {  	[tilespmem:s23], [sflag:$0x1] =	stream.indirect_vreg.gather [hbm4b:s3+s2], $0x80, v3, vm0, $0xb8;
	[tilespmem:$0x8080] =	vst v63  }
0x5c: {  	v3 =	vld [tilespmem:$0x70];
	_ =	sdelay $0x4  }
0x5d: {  	v55 =	vshll.u32 v3, $0x1  }
0x5e: {  	v3 =	vand.u32 $0x7, v3;
	v4 =	vand.u32 $0xFFFFFFF0, v55  }
0x5f: {  	v3 =	vor.u32 v3, v4  }
0x60: {  	v4 =	vperm.xlane v3, v0;
	_ =	sdelay $0x1  }
0x61: {  	v3 =	vperm.xlane v3, v2;
	v4 =	vadd.s32 v1, v4;
	_ =	sdelay $0x1  }
0x62: {  	v3 =	vadd.s32 v1, v3;
	_ =	sdelay $0x2  }
0x63: {  	[tilespmem:s24], [sflag:$0x1] =	stream.indirect_vreg.gather [hbm4b:s3+s2], $0x80, v4, vm0, $0xb8;
	[tilespmem:$0x8080] =	vst v63  }
0x64: {  	_ = 	snop  }
0x65: {  	[tilespmem:s25], [sflag:$0x1] =	stream.indirect_vreg.gather [hbm4b:s3+s2], $0x80, v3, vm0, $0xb8;
	[tilespmem:$0x8080] =	vst v63  }
0x66: {  	_ =	swait.ge [sflag:s26], $0x8000  }
0x67: {  	[sflag:s26] =	ssyncset.done $0x0  }
0x68: {  	[sflag:s26] =	ssyncadd.s32 $0xFFFF8000  }
0x69: {  	[hbm4b:s5+s2] =	stream.linear.scatter [tilespmem:s10], [sflag:$0x2], $0x8000, $0x38;
	[tilespmem:$0x8080] =	vst v63  }
0x6a: {  	_ =	swait.ge [sflag:s9], $0x8000  }
0x6b: {  	[sflag:s9] =	ssyncset.done $0x0  }
0x6c: {  	[sflag:s9] =	ssyncadd.s32 $0xFFFF8000  }
0x6d: {  	[tilespmem:s2], [sflag:$0x2] =	stream.linear.gather [hbm4b:s6+s2], $0x80, $0x38;
	[tilespmem:$0x8080] =	vst v63  }
0x6e: {  	_ =	swait.ge [sflag:s9], $0x80  }
0x6f: {  	[sflag:s9] =	ssyncset.done $0x0  }
0x70: {  	[sflag:s9] =	ssyncadd.s32 $0xFFFFFF80  }
0x71: {  	v3 =	vld [tilespmem:$0x0];
	_ =	sdelay $0x4  }
0x72: {  	v56 =	vshll.u32 v3, $0x1  }
0x73: {  	v3 =	vand.u32 $0x7, v3;
	v4 =	vand.u32 $0xFFFFFFF0, v56  }
0x74: {  	v3 =	vor.u32 v3, v4  }
0x75: {  	v4 =	vperm.xlane v3, v0;
	_ =	sdelay $0x1  }
0x76: {  	v3 =	vperm.xlane v3, v2;
	v4 =	vadd.s32 v1, v4;
	_ =	sdelay $0x1  }
0x77: {  	v3 =	vadd.s32 v1, v3;
	_ =	sdelay $0x2  }
0x78: {  	[tilespmem:s10], [sflag:$0x1] =	stream.indirect_vreg.gather [hbm4b:s3+s2], $0x80, v4, vm0, $0xb8;
	[tilespmem:$0x8080] =	vst v63  }
0x79: {  	_ = 	snop  }
0x7a: {  	[tilespmem:s11], [sflag:$0x1] =	stream.indirect_vreg.gather [hbm4b:s3+s2], $0x80, v3, vm0, $0xb8;
	[tilespmem:$0x8080] =	vst v63  }
0x7b: {  	v3 =	vld [tilespmem:$0x10];
	_ =	sdelay $0x4  }
0x7c: {  	v57 =	vshll.u32 v3, $0x1  }
0x7d: {  	v3 =	vand.u32 $0x7, v3;
	v4 =	vand.u32 $0xFFFFFFF0, v57  }
0x7e: {  	v3 =	vor.u32 v3, v4  }
0x7f: {  	v4 =	vperm.xlane v3, v0;
	_ =	sdelay $0x1  }
0x80: {  	v3 =	vperm.xlane v3, v2;
	v4 =	vadd.s32 v1, v4;
	_ =	sdelay $0x1  }
0x81: {  	v3 =	vadd.s32 v1, v3;
	_ =	sdelay $0x2  }
0x82: {  	[tilespmem:s12], [sflag:$0x1] =	stream.indirect_vreg.gather [hbm4b:s3+s2], $0x80, v4, vm0, $0xb8;
	[tilespmem:$0x8080] =	vst v63  }
0x83: {  	_ = 	snop  }
0x84: {  	[tilespmem:s13], [sflag:$0x1] =	stream.indirect_vreg.gather [hbm4b:s3+s2], $0x80, v3, vm0, $0xb8;
	[tilespmem:$0x8080] =	vst v63  }
0x85: {  	v3 =	vld [tilespmem:$0x20];
	_ =	sdelay $0x4  }
0x86: {  	v58 =	vshll.u32 v3, $0x1  }
0x87: {  	v3 =	vand.u32 $0x7, v3;
	v4 =	vand.u32 $0xFFFFFFF0, v58  }
0x88: {  	v3 =	vor.u32 v3, v4  }
0x89: {  	v4 =	vperm.xlane v3, v0;
	_ =	sdelay $0x1  }
0x8a: {  	v3 =	vperm.xlane v3, v2;
	v4 =	vadd.s32 v1, v4;
	_ =	sdelay $0x1  }
0x8b: {  	v3 =	vadd.s32 v1, v3;
	_ =	sdelay $0x2  }
0x8c: {  	[tilespmem:s14], [sflag:$0x1] =	stream.indirect_vreg.gather [hbm4b:s3+s2], $0x80, v4, vm0, $0xb8;
	[tilespmem:$0x8080] =	vst v63  }
0x8d: {  	_ = 	snop  }
0x8e: {  	[tilespmem:s15], [sflag:$0x1] =	stream.indirect_vreg.gather [hbm4b:s3+s2], $0x80, v3, vm0, $0xb8;
	[tilespmem:$0x8080] =	vst v63  }
0x8f: {  	v3 =	vld [tilespmem:$0x30];
	_ =	sdelay $0x4  }
0x90: {  	v59 =	vshll.u32 v3, $0x1  }
0x91: {  	v3 =	vand.u32 $0x7, v3;
	v4 =	vand.u32 $0xFFFFFFF0, v59  }
0x92: {  	v3 =	vor.u32 v3, v4  }
0x93: {  	v4 =	vperm.xlane v3, v0;
	_ =	sdelay $0x1  }
0x94: {  	v3 =	vperm.xlane v3, v2;
	v4 =	vadd.s32 v1, v4;
	_ =	sdelay $0x1  }
0x95: {  	v3 =	vadd.s32 v1, v3;
	_ =	sdelay $0x2  }
0x96: {  	[tilespmem:s16], [sflag:$0x1] =	stream.indirect_vreg.gather [hbm4b:s3+s2], $0x80, v4, vm0, $0xb8;
	[tilespmem:$0x8080] =	vst v63  }
0x97: {  	_ = 	snop  }
0x98: {  	[tilespmem:s17], [sflag:$0x1] =	stream.indirect_vreg.gather [hbm4b:s3+s2], $0x80, v3, vm0, $0xb8;
	[tilespmem:$0x8080] =	vst v63  }
0x99: {  	v3 =	vld [tilespmem:$0x40];
	_ =	sdelay $0x4  }
0x9a: {  	v60 =	vshll.u32 v3, $0x1  }
0x9b: {  	v3 =	vand.u32 $0x7, v3;
	v4 =	vand.u32 $0xFFFFFFF0, v60  }
0x9c: {  	v3 =	vor.u32 v3, v4  }
0x9d: {  	v4 =	vperm.xlane v3, v0;
	_ =	sdelay $0x1  }
0x9e: {  	v3 =	vperm.xlane v3, v2;
	v4 =	vadd.s32 v1, v4;
	_ =	sdelay $0x1  }
0x9f: {  	v3 =	vadd.s32 v1, v3;
	_ =	sdelay $0x2  }
0xa0: {  	[tilespmem:s18], [sflag:$0x1] =	stream.indirect_vreg.gather [hbm4b:s3+s2], $0x80, v4, vm0, $0xb8;
	[tilespmem:$0x8080] =	vst v63  }
0xa1: {  	_ = 	snop  }
0xa2: {  	[tilespmem:s19], [sflag:$0x1] =	stream.indirect_vreg.gather [hbm4b:s3+s2], $0x80, v3, vm0, $0xb8;
	[tilespmem:$0x8080] =	vst v63  }
0xa3: {  	v3 =	vld [tilespmem:$0x50];
	_ =	sdelay $0x4  }
0xa4: {  	v61 =	vshll.u32 v3, $0x1  }
0xa5: {  	v3 =	vand.u32 $0x7, v3;
	v4 =	vand.u32 $0xFFFFFFF0, v61  }
0xa6: {  	v3 =	vor.u32 v3, v4  }
0xa7: {  	v4 =	vperm.xlane v3, v0;
	_ =	sdelay $0x1  }
0xa8: {  	v3 =	vperm.xlane v3, v2;
	v4 =	vadd.s32 v1, v4;
	_ =	sdelay $0x1  }
0xa9: {  	v3 =	vadd.s32 v1, v3;
	_ =	sdelay $0x2  }
0xaa: {  	[tilespmem:s20], [sflag:$0x1] =	stream.indirect_vreg.gather [hbm4b:s3+s2], $0x80, v4, vm0, $0xb8;
	[tilespmem:$0x8080] =	vst v63  }
0xab: {  	_ = 	snop  }
0xac: {  	[tilespmem:s21], [sflag:$0x1] =	stream.indirect_vreg.gather [hbm4b:s3+s2], $0x80, v3, vm0, $0xb8;
	[tilespmem:$0x8080] =	vst v63  }
0xad: {  	v3 =	vld [tilespmem:$0x60];
	_ =	sdelay $0x4  }
0xae: {  	v62 =	vshll.u32 v3, $0x1  }
0xaf: {  	v3 =	vand.u32 $0x7, v3;
	v4 =	vand.u32 $0xFFFFFFF0, v62  }
0xb0: {  	v3 =	vor.u32 v3, v4  }
0xb1: {  	v4 =	vperm.xlane v3, v0;
	_ =	sdelay $0x1  }
0xb2: {  	v3 =	vperm.xlane v3, v2;
	v4 =	vadd.s32 v1, v4;
	_ =	sdelay $0x1  }
0xb3: {  	v3 =	vadd.s32 v1, v3;
	_ =	sdelay $0x2  }
0xb4: {  	[tilespmem:s22], [sflag:$0x1] =	stream.indirect_vreg.gather [hbm4b:s3+s2], $0x80, v4, vm0, $0xb8;
	[tilespmem:$0x8080] =	vst v63  }
0xb5: {  	_ = 	snop  }
0xb6: {  	[tilespmem:s23], [sflag:$0x1] =	stream.indirect_vreg.gather [hbm4b:s3+s2], $0x80, v3, vm0, $0xb8;
	[tilespmem:$0x8080] =	vst v63  }
0xb7: {  	v3 =	vld [tilespmem:$0x70];
	_ =	sdelay $0x4  }
0xb8: {  	v63 =	vshll.u32 v3, $0x1  }
0xb9: {  	v3 =	vand.u32 $0x7, v3;
	v4 =	vand.u32 $0xFFFFFFF0, v63  }
0xba: {  	v3 =	vor.u32 v3, v4  }
0xbb: {  	v4 =	vperm.xlane v3, v0;
	_ =	sdelay $0x1  }
0xbc: {  	v3 =	vperm.xlane v3, v2;
	v4 =	vadd.s32 v1, v4;
	_ =	sdelay $0x1  }
0xbd: {  	v3 =	vadd.s32 v1, v3;
	_ =	sdelay $0x2  }
0xbe: {  	[tilespmem:s24], [sflag:$0x1] =	stream.indirect_vreg.gather [hbm4b:s3+s2], $0x80, v4, vm0, $0xb8;
	[tilespmem:$0x8080] =	vst v63  }
0xbf: {  	_ = 	snop  }
0xc0: {  	[tilespmem:s25], [sflag:$0x1] =	stream.indirect_vreg.gather [hbm4b:s3+s2], $0x80, v3, vm0, $0xb8;
	[tilespmem:$0x8080] =	vst v63  }
0xc1: {  	_ =	swait.ge [sflag:s26], $0x8000  }
0xc2: {  	p0 =	sne.s32 s8, $0x1;
	[sflag:s26] =	ssyncset.done $0x0  }
.Ltmp0:
0xc3: {  	[sflag:s26] =	ssyncadd.s32 $0xFFFF8000;
	(pc) =	sbr.rel @p0 .LBB2_1-.Ltmp0, $4  }
0xc4: {  	[hbm4b:s7+s2] =	stream.linear.scatter [tilespmem:s10], [sflag:$0x2], $0x8000, $0x38;
	[tilespmem:$0x8080] =	vst v63  }
0xc5: {  	_ =	swait.ge [sflag:s9], $0x8000  }
0xc6: {  	[sflag:s9] =	ssyncset.done $0x0  }
0xc7: {  	s8 =	sadd.s32 $0xFFFFFFFF, s8;
	[sflag:s9] =	ssyncadd.s32 $0xFFFF8000  }
0xc8: {  	_ =	sfence.sel $0x180000  }
0xc9: {  	[bflag:$0x0] =	sbarrier.arrive $0xFFFF  }
0xca: {  	p0 =	sne.s32 s1, $0x0;
	_ =	strace $0x90000053  }
0xcb: {  	s0 =	sadd.s32 @!p0 $0x100000, s0;
	[bflag:$0x2] =	sbarrier.arrive $0xFFFF  }
0xcc: {  	[sflag:s0] =	ssyncadd.tile.s32 @!p0 $0x1;
	_ =	shalt  }
.Lfunc_end2:
_tile_overlayer_lowered:
.L_overlay_start_2:
0xcd: {  	(tag) =	ssettag $0x2  }
0xce: {  	s0 =	rddreg [dreg:$0x0];
	s2 =	stileid.u32  }
0xcf: {  	s1 =	rddreg [dreg:$0x1];
	p0 =	sne.s32 s2, $0x0  }
0xd0: {  	s3 =	rddreg [dreg:$0x2];
	[bflag:$0x3] =	sbarrier.arrive $0xFFFF;
	s2 =	simm.s32 @!p0 $0x1C02  }
0xd1: {  	[timem:s3], [sflag:s2] =	dma.local @!p0 [hbm:s0], s1  }
0xd2: {  	s0 =	simm.s32 @!p0 $0x2  }
0xd3: {  	_ =	swait.ge @!p0 [sflag:s0], s1  }
0xd4: {  	s1 =	ssub.s32 @!p0 $0x0, s1;
	[sflag:s0] =	ssyncset.done @!p0 $0x0  }
0xd5: {  	[sflag:s0] =	ssyncadd.s32 @!p0 s1  }
0xd6: {  	[bflag:$0x3] =	sbarrier.arrive $0xFFFF  }
0xd7: {  	_ =	shalt  }

</sc_bundles>
